<compile_context>
chip_gen: v7x
topology: tpu7x:2x2x1
jax: 0.10.2.dev20260603
libtpu: 0.0.44.dev20260713+nightly
codegen_flags: <defaults>
</compile_context>

<pallas_src>
import functools

import jax
import jax.numpy as jnp
from jax import lax
from jax.experimental import pallas as pl
from jax.experimental.pallas import tpu as pltpu
from jax.experimental.pallas import tpu_sc as plsc

N = 10000
E = 320000
IN = 128
DIM = 256
OUT = 128
G = 64

NP = 10240
EPAD = 327680
ER = EPAD // 128
BR = 2048
NRB = NP // BR
HALF = DIM // 2
NT = 16
RPT = NP // NT
EPT = EPAD // NT
NBT = EPT // 128
NBD = EPAD // 32 // 128
CHB = 16

_mesh = plsc.VectorSubcoreMesh(
    core_axis_name="c", subcore_axis_name="s", num_cores=2, num_subcores=NT)

_f32 = jnp.float32
_i32 = jnp.int32


def _zero_vmem2d(ref, nrows):
  z16 = jnp.zeros((16,), _f32)
  @pl.loop(0, nrows)
  def _(i):
    for j in range(8):
      ref[i, pl.ds(j * 16, 16)] = z16


def _sc_degree(dst2d):
  @functools.partial(
      pl.kernel,
      out_type=jax.ShapeDtypeStruct((2, NP), _f32),
      mesh=_mesh,
      scratch_types=[
          pltpu.VMEM((NBD, 128), _i32),
          pltpu.VMEM((128,), _f32),
          pltpu.VMEM((RPT,), _f32),
          pltpu.VMEM_SHARED((NP,), _f32),
      ],
  )
  def deg_kernel(dst_hbm, out_hbm, didx, ones_v, zb, deg_sh):
    c = lax.axis_index("c")
    s = lax.axis_index("s")
    z16 = jnp.zeros((16,), _f32)
    @pl.loop(0, RPT // 16)
    def _(j):
      zb[pl.ds(j * 16, 16)] = z16
    o16 = jnp.ones((16,), _f32)
    @pl.loop(0, 8)
    def _(j):
      ones_v[pl.ds(j * 16, 16)] = o16
    sync = pltpu.sync_copy
    sync(zb, deg_sh.at[pl.ds(s * RPT, RPT)])
    sync(dst_hbm.at[pl.ds((c * NT + s) * NBD, NBD)], didx)
    plsc.subcore_barrier()
    @pl.loop(0, NBD)
    def _(b):
      sync(ones_v, deg_sh.at[didx.at[b]], add=True)
    plsc.subcore_barrier()
    sync(deg_sh.at[pl.ds(s * RPT, RPT)], zb)
    sync(zb, out_hbm.at[c, pl.ds(s * RPT, RPT)])

  return deg_kernel(dst2d)


def _sc_edge_pass(gcat, src2d, dst2d):
  @functools.partial(
      pl.kernel,
      out_type=jax.ShapeDtypeStruct((2 * NP, HALF), _f32),
      mesh=_mesh,
      scratch_types=[
          pltpu.VMEM((CHB, 128), _i32),
          pltpu.VMEM((CHB, 128), _i32),
          pltpu.VMEM((128, HALF), _f32),
          pltpu.VMEM((128, HALF), _f32),
          pltpu.VMEM_SHARED((NP, HALF), _f32),
          pltpu.SemaphoreType.DMA,
          pltpu.SemaphoreType.DMA,
          pltpu.SemaphoreType.DMA,
          pltpu.SemaphoreType.DMA,
      ],
  )
  def edge_kernel(g_hbm, src_hbm, dst_hbm, out_hbm, sidx, didx, rows_a,
                  rows_b, acc_sh, gsem_a, gsem_b, ssem_a, ssem_b):
    c = lax.axis_index("c")
    s = lax.axis_index("s")
    sync = pltpu.sync_copy
    _zero_vmem2d(rows_a, 128)
    @pl.loop(0, 5)
    def _(k):
      sync(rows_a, acc_sh.at[pl.ds(s * RPT + k * 128, 128)])
    plsc.subcore_barrier()
    bufs = (rows_a, rows_b)
    gsems = (gsem_a, gsem_b)
    ssems = (ssem_a, ssem_b)
    @pl.loop(0, NBT // CHB)
    def _(ch):
      sync(src_hbm.at[pl.ds(c * ER + s * NBT + ch * CHB, CHB)], sidx)
      sync(dst_hbm.at[pl.ds(s * NBT + ch * CHB, CHB)], didx)
      pltpu.async_copy(g_hbm.at[sidx.at[0]], bufs[0], gsems[0])
      for b in range(CHB):
        k = b % 2
        if b + 1 < CHB:
          if b >= 1:
            pltpu.make_async_copy(
                bufs[1 - k], acc_sh.at[didx.at[b - 1]], ssems[1 - k]).wait()
          pltpu.async_copy(g_hbm.at[sidx.at[b + 1]], bufs[1 - k], gsems[1 - k])
        pltpu.make_async_copy(g_hbm.at[sidx.at[b]], bufs[k], gsems[k]).wait()
        pltpu.async_copy(bufs[k], acc_sh.at[didx.at[b]], ssems[k], add=True)
      pltpu.make_async_copy(
          bufs[0], acc_sh.at[didx.at[CHB - 2]], ssems[0]).wait()
      pltpu.make_async_copy(
          bufs[1], acc_sh.at[didx.at[CHB - 1]], ssems[1]).wait()
    plsc.subcore_barrier()
    sync(acc_sh.at[pl.ds(s * RPT, RPT)],
         out_hbm.at[pl.ds(c * NP + s * RPT, RPT)])

  return edge_kernel(gcat, src2d, dst2d)


_DN11 = (((1,), (1,)), ((), ()))
_DN00 = (((0,), (0,)), ((), ()))
_PREC = lax.Precision.DEFAULT


def _dinv_of(deg_blk):
  d = deg_blk[0, :] + deg_blk[1, :] + 1.0
  return lax.rsqrt(d).reshape(BR, 1)


def _tc_g1(x_p, deg2, W1):
  def body(x_ref, deg_ref, w_ref, out_ref):
    dinv = _dinv_of(deg_ref[...])
    hw = lax.dot_general(x_ref[...], w_ref[...], _DN11,
                         preferred_element_type=_f32, precision=_PREC)
    out_ref[...] = dinv * hw

  return pl.pallas_call(
      body,
      grid=(2, NRB),
      in_specs=[
          pl.BlockSpec((BR, IN), lambda h, r: (r, 0)),
          pl.BlockSpec((2, BR), lambda h, r: (0, r)),
          pl.BlockSpec((HALF, IN), lambda h, r: (h, 0)),
      ],
      out_specs=pl.BlockSpec((BR, HALF), lambda h, r: (h * NRB + r, 0)),
      out_shape=jax.ShapeDtypeStruct((2 * NP, HALF), _f32),
  )(x_p, deg2, W1)


def _tc_mid(acc, g_prev, deg2, b_prev, W):
  def body(al_ref, ah_ref, gl_ref, gh_ref, deg_ref, b_ref, w_ref, out_ref):
    dinv = _dinv_of(deg_ref[...])
    b = b_ref[...]
    h_lo = jnp.maximum(dinv * (al_ref[...] + gl_ref[...]) + b[:HALF], 0.0)
    h_hi = jnp.maximum(dinv * (ah_ref[...] + gh_ref[...]) + b[HALF:], 0.0)
    w = w_ref[...]
    hw = (lax.dot_general(h_lo, w[:, :HALF], _DN11,
                          preferred_element_type=_f32, precision=_PREC) +
          lax.dot_general(h_hi, w[:, HALF:], _DN11,
                          preferred_element_type=_f32, precision=_PREC))
    out_ref[...] = dinv * hw

  return pl.pallas_call(
      body,
      grid=(2, NRB),
      in_specs=[
          pl.BlockSpec((BR, HALF), lambda h, r: (r, 0)),
          pl.BlockSpec((BR, HALF), lambda h, r: (NRB + r, 0)),
          pl.BlockSpec((BR, HALF), lambda h, r: (r, 0)),
          pl.BlockSpec((BR, HALF), lambda h, r: (NRB + r, 0)),
          pl.BlockSpec((2, BR), lambda h, r: (0, r)),
          pl.BlockSpec((DIM,), lambda h, r: (0,)),
          pl.BlockSpec((HALF, DIM), lambda h, r: (h, 0)),
      ],
      out_specs=pl.BlockSpec((BR, HALF), lambda h, r: (h * NRB + r, 0)),
      out_shape=jax.ShapeDtypeStruct((2 * NP, HALF), _f32),
  )(acc, acc, g_prev, g_prev, deg2, b_prev, W)


def _tc_final(acc, g3, deg2, b3, batch_p, lW1, lb1, lW2, lb2):
  def body(al_ref, ah_ref, gl_ref, gh_ref, deg_ref, b_ref, bat_ref,
           lw1_ref, lb1_ref, lw2_ref, lb2_ref, out_ref, s_acc, c_acc):
    r = pl.program_id(0)
    dinv = _dinv_of(deg_ref[...])
    b = b_ref[...]
    h_lo = dinv * (al_ref[...] + gl_ref[...]) + b[:HALF]
    h_hi = dinv * (ah_ref[...] + gh_ref[...]) + b[HALF:]
    bat = bat_ref[...]
    gids = lax.broadcasted_iota(_i32, (BR, G), 1)
    onehot = (bat.reshape(BR, 1) == gids).astype(_f32)
    s_lo = lax.dot_general(onehot, h_lo, _DN00,
                           preferred_element_type=_f32, precision=_PREC)
    s_hi = lax.dot_general(onehot, h_hi, _DN00,
                           preferred_element_type=_f32, precision=_PREC)
    cnt = jnp.broadcast_to(jnp.sum(onehot, axis=0).reshape(G, 1), (G, HALF))

    @pl.when(r == 0)
    def _():
      s_acc[:, :HALF] = s_lo
      s_acc[:, HALF:] = s_hi
      c_acc[...] = cnt

    @pl.when(r > 0)
    def _():
      s_acc[:, :HALF] += s_lo
      s_acc[:, HALF:] += s_hi
      c_acc[...] += cnt

    @pl.when(r == NRB - 1)
    def _():
      pooled = s_acc[...] / jnp.maximum(c_acc[:, :1], 1.0)
      z = jnp.maximum(
          lax.dot_general(pooled, lw1_ref[...], _DN11,
                          preferred_element_type=_f32, precision=_PREC)
          + lb1_ref[...], 0.0)
      out_ref[...] = lax.dot_general(
          z, lw2_ref[...], _DN11,
          preferred_element_type=_f32, precision=_PREC) + lb2_ref[...]

  return pl.pallas_call(
      body,
      grid=(NRB,),
      in_specs=[
          pl.BlockSpec((BR, HALF), lambda r: (r, 0)),
          pl.BlockSpec((BR, HALF), lambda r: (NRB + r, 0)),
          pl.BlockSpec((BR, HALF), lambda r: (r, 0)),
          pl.BlockSpec((BR, HALF), lambda r: (NRB + r, 0)),
          pl.BlockSpec((2, BR), lambda r: (0, r)),
          pl.BlockSpec((DIM,), lambda r: (0,)),
          pl.BlockSpec((BR,), lambda r: (r,)),
          pl.BlockSpec((DIM, DIM), lambda r: (0, 0)),
          pl.BlockSpec((DIM,), lambda r: (0,)),
          pl.BlockSpec((OUT, DIM), lambda r: (0, 0)),
          pl.BlockSpec((OUT,), lambda r: (0,)),
      ],
      out_specs=pl.BlockSpec((G, OUT), lambda r: (0, 0)),
      out_shape=jax.ShapeDtypeStruct((G, OUT), _f32),
      scratch_shapes=[
          pltpu.VMEM((G, DIM), _f32),
          pltpu.VMEM((G, HALF), _f32),
      ],
  )(acc, acc, g3, g3, deg2, b3, batch_p, lW1, lb1, lW2, lb2)


def kernel(x, edge_index, batch, W1, b1, W2, b2, W3, b3, lW1, lb1, lW2, lb2):
  src = edge_index[0]
  dst = edge_index[1]
  npad = EPAD - E
  pad_idx = jnp.full((npad,), N, _i32)
  src_p = jnp.concatenate([src.astype(_i32), pad_idx])
  dst_p = jnp.concatenate([dst.astype(_i32), pad_idx])
  src2d = jnp.concatenate([src_p, src_p + NP]).reshape(2 * ER, 128)
  dst2d = dst_p.reshape(ER, 128)
  x_p = jnp.pad(x, ((0, NP - N), (0, 0)))
  batch_p = jnp.concatenate([batch.astype(_i32), jnp.full((NP - N,), G, _i32)])

  deg2 = _sc_degree(dst2d)
  g1 = _tc_g1(x_p, deg2, W1)
  acc1 = _sc_edge_pass(g1, src2d, dst2d)
  g2 = _tc_mid(acc1, g1, deg2, b1, W2)
  acc2 = _sc_edge_pass(g2, src2d, dst2d)
  g3 = _tc_mid(acc2, g2, deg2, b2, W3)
  acc3 = _sc_edge_pass(g3, src2d, dst2d)
  return _tc_final(acc3, g3, deg2, b3, batch_p, lW1, lb1, lW2, lb2)

# --- scband reference (transcript-rebuilt; emitter-appended) ---
"""Pipeline reference for scband-net-ltl-38113539784717 (READ-ONLY COPY).

The authoritative reference and input builder live on the scoring server;
editing this copy changes nothing except your own understanding.
"""

import jax, jax.numpy as jnp
import numpy as np

N = 10000
E = 320000
IN = 128
DIM = 256
OUT = 128
G = 64


def setup_inputs(seed: int = 0) -> dict:
    key = jax.random.key(seed)
    ks = jax.random.split(key, 16)
    x = jax.random.normal(ks[0], (N, IN), dtype=jnp.float32)
    edge_index = jax.random.randint(ks[1], (2, E), 0, N)
    batch = jnp.sort(jax.random.randint(ks[2], (N,), 0, G))
    W1 = jax.random.normal(ks[3], (DIM, IN), dtype=jnp.float32) * (1.0 / np.sqrt(IN))
    b1 = jnp.zeros((DIM,), dtype=jnp.float32)
    W2 = jax.random.normal(ks[4], (DIM, DIM), dtype=jnp.float32) * (1.0 / np.sqrt(DIM))
    b2 = jnp.zeros((DIM,), dtype=jnp.float32)
    W3 = jax.random.normal(ks[5], (DIM, DIM), dtype=jnp.float32) * (1.0 / np.sqrt(DIM))
    b3 = jnp.zeros((DIM,), dtype=jnp.float32)
    lW1 = jax.random.normal(ks[6], (DIM, DIM), dtype=jnp.float32) * (1.0 / np.sqrt(DIM))
    lb1 = jnp.zeros((DIM,), dtype=jnp.float32)
    lW2 = jax.random.normal(ks[7], (OUT, DIM), dtype=jnp.float32) * (1.0 / np.sqrt(DIM))
    lb2 = jnp.zeros((OUT,), dtype=jnp.float32)
    return {"x": x, "edge_index": edge_index, "batch": batch,
            "W1": W1, "b1": b1, "W2": W2, "b2": b2, "W3": W3, "b3": b3,
            "lW1": lW1, "lb1": lb1, "lW2": lW2, "lb2": lb2}


def _gcn_conv(h, W, b, src, dst):
    # PyG GCNConv: linear transform, add self-loops, symmetric normalization, scatter-add
    hw = h @ W.T
    loops = jnp.arange(N, dtype=src.dtype)
    s = jnp.concatenate([src, loops])
    d = jnp.concatenate([dst, loops])
    deg = jax.ops.segment_sum(jnp.ones(s.shape[0], dtype=hw.dtype), d, num_segments=N)
    dinv = jnp.where(deg > 0, 1.0 / jnp.sqrt(deg), 0.0)
    norm = dinv[s] * dinv[d]
    msg = hw[s] * norm[:, None]
    out = jax.ops.segment_sum(msg, d, num_segments=N)
    return out + b


def reference(x, edge_index, batch, W1, b1, W2, b2, W3, b3, lW1, lb1, lW2, lb2):
    src = edge_index[0]
    dst = edge_index[1]
    h = jax.nn.relu(_gcn_conv(x, W1, b1, src, dst))
    h = jax.nn.relu(_gcn_conv(h, W2, b2, src, dst))
    h = _gcn_conv(h, W3, b3, src, dst)
    # global mean pool over graphs
    sums = jax.ops.segment_sum(h, batch, num_segments=G)
    counts = jax.ops.segment_sum(jnp.ones((N,), dtype=h.dtype), batch, num_segments=G)
    pooled = sums / jnp.maximum(counts, 1.0)[:, None]
    z = jax.nn.relu(pooled @ lW1.T + lb1)
    # dropout inactive in eval mode
    out = z @ lW2.T + lb2
    return out

if __name__ == "__main__":
    import jax
    _d = setup_inputs()
    print(jax.jit(kernel)(*tuple(_d.values())))

</pallas_src>

<mosaic_0001>
#map = affine_map<(d0, d1) -> (0, 0)>
module attributes {stable_mosaic.version = 14 : i64} {
  func.func @edge_kernel(%arg0: i32, %arg1: i32, %arg2: memref<20480x128xf32, #tpu.memory_space<hbm>>, %arg3: memref<5120x128xi32, #tpu.memory_space<hbm>>, %arg4: memref<2560x128xi32, #tpu.memory_space<hbm>>, %arg5: memref<20480x128xf32, #tpu.memory_space<hbm>>, %arg6: memref<16x128xi32, #tpu.memory_space<vmem>>, %arg7: memref<16x128xi32, #tpu.memory_space<vmem>>, %arg8: memref<128x128xf32, #tpu.memory_space<vmem>>, %arg9: memref<128x128xf32, #tpu.memory_space<vmem>>, %arg10: memref<10240x128xf32, #tpu.memory_space<vmem_shared>>, %arg11: memref<!tpu.dma_semaphore, #tpu.memory_space<semaphore_mem>>, %arg12: memref<!tpu.dma_semaphore, #tpu.memory_space<semaphore_mem>>, %arg13: memref<!tpu.dma_semaphore, #tpu.memory_space<semaphore_mem>>, %arg14: memref<!tpu.dma_semaphore, #tpu.memory_space<semaphore_mem>>) attributes {dimension_semantics = [#tpu.dimension_semantics<core_parallel>, #tpu.dimension_semantics<subcore_parallel>], iteration_bounds = array<i64: 2, 16>, scalar_prefetch = 0 : i64, scratch_operands = 9 : i64, tpu.core_type = #tpu.core_type<sc_vector_subcore>, window_params = [{transform_indices = #map}, {transform_indices = #map}, {transform_indices = #map}, {transform_indices = #map}]} {
    %broadcast_in_dim3A = arith.constant 0.000000e+00 : f32
    %broadcast_in_dim3A_0 = vector.broadcast %broadcast_in_dim3A : f32 to vector<16xf32>
    %scan3A = arith.constant 0 : i32
    %scan3A_1 = arith.constant 128 : i32
    %scan3A_2 = arith.addi %scan3A, %scan3A_1 : i32
    %scan3A_3 = arith.constant 1 : i32
    scf.for %scan3A_21 = %scan3A to %scan3A_2 step %scan3A_3  : i32 {
      %mul3A_22 = arith.constant 1 : i32
      %mul3A_23 = arith.muli %scan3A_21, %mul3A_22 : i32
      %add3A_24 = arith.constant 0 : i32
      %add3A_25 = arith.addi %add3A_24, %mul3A_23 : i32
      %swap3A = arith.index_cast %add3A_25 : i32 to index
      %swap3A_26 = arith.constant 0 : index
      %swap3A_27 = tpu.vector_load %arg8[%swap3A, %swap3A_26] {strides = array<i32>} : memref<128x128xf32, #tpu.memory_space<vmem>>, vector<1x16xf32>,
      %swap3A_28 = vector.shape_cast %swap3A_27 : vector<1x16xf32> to vector<16xf32>
      %swap3A_29 = vector.shape_cast %broadcast_in_dim3A_0 : vector<16xf32> to vector<1x16xf32>
      tpu.vector_store %arg8[%swap3A, %swap3A_26], %swap3A_29 {strides = array<i32>} : memref<128x128xf32, #tpu.memory_space<vmem>>, vector<1x16xf32>,
      %swap3A_30 = arith.index_cast %add3A_25 : i32 to index
      %swap3A_31 = arith.constant 16 : index
      %swap3A_32 = tpu.vector_load %arg8[%swap3A_30, %swap3A_31] {strides = array<i32>} : memref<128x128xf32, #tpu.memory_space<vmem>>, vector<1x16xf32>,
      %swap3A_33 = vector.shape_cast %swap3A_32 : vector<1x16xf32> to vector<16xf32>
      %swap3A_34 = vector.shape_cast %broadcast_in_dim3A_0 : vector<16xf32> to vector<1x16xf32>
      tpu.vector_store %arg8[%swap3A_30, %swap3A_31], %swap3A_34 {strides = array<i32>} : memref<128x128xf32, #tpu.memory_space<vmem>>, vector<1x16xf32>,
      %swap3A_35 = arith.index_cast %add3A_25 : i32 to index
      %swap3A_36 = arith.constant 32 : index
      %swap3A_37 = tpu.vector_load %arg8[%swap3A_35, %swap3A_36] {strides = array<i32>} : memref<128x128xf32, #tpu.memory_space<vmem>>, vector<1x16xf32>,
      %swap3A_38 = vector.shape_cast %swap3A_37 : vector<1x16xf32> to vector<16xf32>
      %swap3A_39 = vector.shape_cast %broadcast_in_dim3A_0 : vector<16xf32> to vector<1x16xf32>
      tpu.vector_store %arg8[%swap3A_35, %swap3A_36], %swap3A_39 {strides = array<i32>} : memref<128x128xf32, #tpu.memory_space<vmem>>, vector<1x16xf32>,
      %swap3A_40 = arith.index_cast %add3A_25 : i32 to index
      %swap3A_41 = arith.constant 48 : index
      %swap3A_42 = tpu.vector_load %arg8[%swap3A_40, %swap3A_41] {strides = array<i32>} : memref<128x128xf32, #tpu.memory_space<vmem>>, vector<1x16xf32>,
      %swap3A_43 = vector.shape_cast %swap3A_42 : vector<1x16xf32> to vector<16xf32>
      %swap3A_44 = vector.shape_cast %broadcast_in_dim3A_0 : vector<16xf32> to vector<1x16xf32>
      tpu.vector_store %arg8[%swap3A_40, %swap3A_41], %swap3A_44 {strides = array<i32>} : memref<128x128xf32, #tpu.memory_space<vmem>>, vector<1x16xf32>,
      %swap3A_45 = arith.index_cast %add3A_25 : i32 to index
      %swap3A_46 = arith.constant 64 : index
      %swap3A_47 = tpu.vector_load %arg8[%swap3A_45, %swap3A_46] {strides = array<i32>} : memref<128x128xf32, #tpu.memory_space<vmem>>, vector<1x16xf32>,
      %swap3A_48 = vector.shape_cast %swap3A_47 : vector<1x16xf32> to vector<16xf32>
      %swap3A_49 = vector.shape_cast %broadcast_in_dim3A_0 : vector<16xf32> to vector<1x16xf32>
      tpu.vector_store %arg8[%swap3A_45, %swap3A_46], %swap3A_49 {strides = array<i32>} : memref<128x128xf32, #tpu.memory_space<vmem>>, vector<1x16xf32>,
      %swap3A_50 = arith.index_cast %add3A_25 : i32 to index
      %swap3A_51 = arith.constant 80 : index
      %swap3A_52 = tpu.vector_load %arg8[%swap3A_50, %swap3A_51] {strides = array<i32>} : memref<128x128xf32, #tpu.memory_space<vmem>>, vector<1x16xf32>,
      %swap3A_53 = vector.shape_cast %swap3A_52 : vector<1x16xf32> to vector<16xf32>
      %swap3A_54 = vector.shape_cast %broadcast_in_dim3A_0 : vector<16xf32> to vector<1x16xf32>
      tpu.vector_store %arg8[%swap3A_50, %swap3A_51], %swap3A_54 {strides = array<i32>} : memref<128x128xf32, #tpu.memory_space<vmem>>, vector<1x16xf32>,
      %swap3A_55 = arith.index_cast %add3A_25 : i32 to index
      %swap3A_56 = arith.constant 96 : index
      %swap3A_57 = tpu.vector_load %arg8[%swap3A_55, %swap3A_56] {strides = array<i32>} : memref<128x128xf32, #tpu.memory_space<vmem>>, vector<1x16xf32>,
      %swap3A_58 = vector.shape_cast %swap3A_57 : vector<1x16xf32> to vector<16xf32>
      %swap3A_59 = vector.shape_cast %broadcast_in_dim3A_0 : vector<16xf32> to vector<1x16xf32>
      tpu.vector_store %arg8[%swap3A_55, %swap3A_56], %swap3A_59 {strides = array<i32>} : memref<128x128xf32, #tpu.memory_space<vmem>>, vector<1x16xf32>,
      %swap3A_60 = arith.index_cast %add3A_25 : i32 to index
      %swap3A_61 = arith.constant 112 : index
      %swap3A_62 = tpu.vector_load %arg8[%swap3A_60, %swap3A_61] {strides = array<i32>} : memref<128x128xf32, #tpu.memory_space<vmem>>, vector<1x16xf32>,
      %swap3A_63 = vector.shape_cast %swap3A_62 : vector<1x16xf32> to vector<16xf32>
      %swap3A_64 = vector.shape_cast %broadcast_in_dim3A_0 : vector<16xf32> to vector<1x16xf32>
      tpu.vector_store %arg8[%swap3A_60, %swap3A_61], %swap3A_64 {strides = array<i32>} : memref<128x128xf32, #tpu.memory_space<vmem>>, vector<1x16xf32>,
    }
    %scan3A_4 = arith.constant 128 : i32
    %scan3A_5 = arith.constant 0 : i32
    %scan3A_6 = arith.constant 5 : i32
    %scan3A_7 = arith.addi %scan3A_5, %scan3A_6 : i32
    %scan3A_8 = arith.constant 1 : i32
    scf.for %scan3A_21 = %scan3A_5 to %scan3A_7 step %scan3A_8  : i32 {
      %mul3A_22 = arith.constant 1 : i32
      %mul3A_23 = arith.muli %scan3A_21, %mul3A_22 : i32
      %add3A_24 = arith.constant 0 : i32
      %add3A_25 = arith.addi %add3A_24, %mul3A_23 : i32
      %mul3A_26 = arith.constant 640 : i32
      %mul3A_27 = arith.muli %arg1, %mul3A_26 : i32
      %mul3A_28 = arith.constant 128 : i32
      %mul3A_29 = arith.muli %add3A_25, %mul3A_28 : i32
      %add3A_30 = arith.addi %mul3A_27, %mul3A_29 : i32
      "tpu.region"() ({
        %run_scoped3A = tpu.sem_alloc : memref<!tpu.dma_semaphore, #tpu.memory_space<semaphore_mem>>
        %dma_start3A = arith.constant 0 : i32
        %dma_start3A_31 = tpu.memref_slice %arg10[%add3A_30, %dma_start3A] : memref<10240x128xf32, #tpu.memory_space<vmem_shared>> -> memref<128x128xf32, #tpu.memory_space<vmem_shared>>
        %dma_start3A_32 = arith.constant 0 : i32
        %dma_start3A_33 = tpu.memref_slice %arg10[%add3A_30, %dma_start3A_32] : memref<10240x128xf32, #tpu.memory_space<vmem_shared>> -> memref<128x128xf32, #tpu.memory_space<vmem_shared>>
        tpu.enqueue_dma source(%arg8 : memref<128x128xf32, #tpu.memory_space<vmem>>) target(%dma_start3A_33 : memref<128x128xf32, #tpu.memory_space<vmem_shared>>) target_semaphore(%run_scoped3A : memref<!tpu.dma_semaphore, #tpu.memory_space<semaphore_mem>>)
        %dma_wait3A = arith.constant 0 : i32
        %dma_wait3A_34 = tpu.memref_slice %arg10[%add3A_30, %dma_wait3A] : memref<10240x128xf32, #tpu.memory_space<vmem_shared>> -> memref<128x128xf32, #tpu.memory_space<vmem_shared>>
        %dma_wait3A_35 = arith.constant 0 : i32
        %dma_wait3A_36 = tpu.memref_slice %arg10[%add3A_30, %dma_wait3A_35] : memref<10240x128xf32, #tpu.memory_space<vmem_shared>> -> memref<128x128xf32, #tpu.memory_space<vmem_shared>>
        tpu.wait_dma2 semaphore(%run_scoped3A : memref<!tpu.dma_semaphore, #tpu.memory_space<semaphore_mem>>) src(%arg8 : memref<128x128xf32, #tpu.memory_space<vmem>>) dst(%dma_wait3A_36 : memref<128x128xf32, #tpu.memory_space<vmem_shared>>)
        tpu.yield
      }) : () -> ()
    }
    %scan3A_9 = arith.constant 5 : i32
    %barrier3A = arith.constant 0 : index
    tpu.barrier barrier_id(%barrier3A)
    %scan3A_10 = arith.constant 0 : i32
    %scan3A_11 = arith.constant 10 : i32
    %scan3A_12 = arith.addi %scan3A_10, %scan3A_11 : i32
    %scan3A_13 = arith.constant 1 : i32
    scf.for %scan3A_21 = %scan3A_10 to %scan3A_12 step %scan3A_13  : i32 {
      %mul3A_22 = arith.constant 1 : i32
      %mul3A_23 = arith.muli %scan3A_21, %mul3A_22 : i32
      %add3A_24 = arith.constant 0 : i32
      %add3A_25 = arith.addi %add3A_24, %mul3A_23 : i32
      %mul3A_26 = arith.constant 2560 : i32
      %mul3A_27 = arith.muli %arg0, %mul3A_26 : i32
      %mul3A_28 = arith.constant 160 : i32
      %mul3A_29 = arith.muli %arg1, %mul3A_28 : i32
      %add3A_30 = arith.addi %mul3A_27, %mul3A_29 : i32
      %mul3A_31 = arith.constant 16 : i32
      %mul3A_32 = arith.muli %add3A_25, %mul3A_31 : i32
      %add3A_33 = arith.addi %add3A_30, %mul3A_32 : i32
      "tpu.region"() ({
        %run_scoped3A = tpu.sem_alloc : memref<!tpu.dma_semaphore, #tpu.memory_space<semaphore_mem>>
        %dma_start3A_485 = arith.constant 0 : i32
        %dma_start3A_486 = tpu.memref_slice %arg3[%add3A_33, %dma_start3A_485] : memref<5120x128xi32, #tpu.memory_space<hbm>> -> memref<16x128xi32, #tpu.memory_space<hbm>>
        %dma_start3A_487 = arith.constant 0 : i32
        %dma_start3A_488 = tpu.memref_slice %arg3[%add3A_33, %dma_start3A_487] : memref<5120x128xi32, #tpu.memory_space<hbm>> -> memref<16x128xi32, #tpu.memory_space<hbm>>
        tpu.enqueue_dma source(%dma_start3A_488 : memref<16x128xi32, #tpu.memory_space<hbm>>) target(%arg6 : memref<16x128xi32, #tpu.memory_space<vmem>>) target_semaphore(%run_scoped3A : memref<!tpu.dma_semaphore, #tpu.memory_space<semaphore_mem>>)
        %dma_wait3A_489 = arith.constant 0 : i32
        %dma_wait3A_490 = tpu.memref_slice %arg3[%add3A_33, %dma_wait3A_489] : memref<5120x128xi32, #tpu.memory_space<hbm>> -> memref<16x128xi32, #tpu.memory_space<hbm>>
        %dma_wait3A_491 = arith.constant 0 : i32
        %dma_wait3A_492 = tpu.memref_slice %arg3[%add3A_33, %dma_wait3A_491] : memref<5120x128xi32, #tpu.memory_space<hbm>> -> memref<16x128xi32, #tpu.memory_space<hbm>>
        tpu.wait_dma2 semaphore(%run_scoped3A : memref<!tpu.dma_semaphore, #tpu.memory_space<semaphore_mem>>) src(%dma_wait3A_492 : memref<16x128xi32, #tpu.memory_space<hbm>>) dst(%arg6 : memref<16x128xi32, #tpu.memory_space<vmem>>)
        tpu.yield
      }) : () -> ()
      %mul3A_34 = arith.constant 160 : i32
      %mul3A_35 = arith.muli %arg1, %mul3A_34 : i32
      %mul3A_36 = arith.constant 16 : i32
      %mul3A_37 = arith.muli %add3A_25, %mul3A_36 : i32
      %add3A_38 = arith.addi %mul3A_35, %mul3A_37 : i32
      "tpu.region"() ({
        %run_scoped3A = tpu.sem_alloc : memref<!tpu.dma_semaphore, #tpu.memory_space<semaphore_mem>>
        %dma_start3A_485 = arith.constant 0 : i32
        %dma_start3A_486 = tpu.memref_slice %arg4[%add3A_38, %dma_start3A_485] : memref<2560x128xi32, #tpu.memory_space<hbm>> -> memref<16x128xi32, #tpu.memory_space<hbm>>
        %dma_start3A_487 = arith.constant 0 : i32
        %dma_start3A_488 = tpu.memref_slice %arg4[%add3A_38, %dma_start3A_487] : memref<2560x128xi32, #tpu.memory_space<hbm>> -> memref<16x128xi32, #tpu.memory_space<hbm>>
        tpu.enqueue_dma source(%dma_start3A_488 : memref<16x128xi32, #tpu.memory_space<hbm>>) target(%arg7 : memref<16x128xi32, #tpu.memory_space<vmem>>) target_semaphore(%run_scoped3A : memref<!tpu.dma_semaphore, #tpu.memory_space<semaphore_mem>>)
        %dma_wait3A_489 = arith.constant 0 : i32
        %dma_wait3A_490 = tpu.memref_slice %arg4[%add3A_38, %dma_wait3A_489] : memref<2560x128xi32, #tpu.memory_space<hbm>> -> memref<16x128xi32, #tpu.memory_space<hbm>>
        %dma_wait3A_491 = arith.constant 0 : i32
        %dma_wait3A_492 = tpu.memref_slice %arg4[%add3A_38, %dma_wait3A_491] : memref<2560x128xi32, #tpu.memory_space<hbm>> -> memref<16x128xi32, #tpu.memory_space<hbm>>
        tpu.wait_dma2 semaphore(%run_scoped3A : memref<!tpu.dma_semaphore, #tpu.memory_space<semaphore_mem>>) src(%dma_wait3A_492 : memref<16x128xi32, #tpu.memory_space<hbm>>) dst(%arg7 : memref<16x128xi32, #tpu.memory_space<vmem>>)
        tpu.yield
      }) : () -> ()
      %dma_start3A = arith.constant 0 : i32
      %dma_start3A_39 = arith.constant 0 : i32
      %dma_start3A_40 = tpu.memref_slice %arg6[%dma_start3A, %dma_start3A_39] : memref<16x128xi32, #tpu.memory_space<vmem>> -> memref<1x128xi32, #tpu.memory_space<vmem>>
      %dma_start3A_41 = tpu.memref_squeeze %dma_start3A_40 : memref<1x128xi32, #tpu.memory_space<vmem>> -> memref<128xi32, #tpu.memory_space<vmem>>
      %dma_start3A_42 = arith.constant 0 : i32
      %dma_start3A_43 = arith.constant 0 : i32
      %dma_start3A_44 = tpu.memref_slice %arg2[%dma_start3A_42, %dma_start3A_43] : memref<20480x128xf32, #tpu.memory_space<hbm>> -> memref<20480x128xf32, #tpu.memory_space<hbm>>
      tpu.enqueue_indirect_dma source(%dma_start3A_44 : memref<20480x128xf32, #tpu.memory_space<hbm>>) target(%arg8 : memref<128x128xf32, #tpu.memory_space<vmem>>) offsets(%dma_start3A_41 : memref<128xi32, #tpu.memory_space<vmem>>) semaphore(%arg11 : memref<!tpu.dma_semaphore, #tpu.memory_space<semaphore_mem>>)
      %dma_start3A_45 = arith.constant 1 : i32
      %dma_start3A_46 = arith.constant 0 : i32
      %dma_start3A_47 = tpu.memref_slice %arg6[%dma_start3A_45, %dma_start3A_46] : memref<16x128xi32, #tpu.memory_space<vmem>> -> memref<1x128xi32, #tpu.memory_space<vmem>>
      %dma_start3A_48 = tpu.memref_squeeze %dma_start3A_47 : memref<1x128xi32, #tpu.memory_space<vmem>> -> memref<128xi32, #tpu.memory_space<vmem>>
      %dma_start3A_49 = arith.constant 0 : i32
      %dma_start3A_50 = arith.constant 0 : i32
      %dma_start3A_51 = tpu.memref_slice %arg2[%dma_start3A_49, %dma_start3A_50] : memref<20480x128xf32, #tpu.memory_space<hbm>> -> memref<20480x128xf32, #tpu.memory_space<hbm>>
      tpu.enqueue_indirect_dma source(%dma_start3A_51 : memref<20480x128xf32, #tpu.memory_space<hbm>>) target(%arg9 : memref<128x128xf32, #tpu.memory_space<vmem>>) offsets(%dma_start3A_48 : memref<128xi32, #tpu.memory_space<vmem>>) semaphore(%arg12 : memref<!tpu.dma_semaphore, #tpu.memory_space<semaphore_mem>>)
      %dma_wait3A = arith.constant 0 : i32
      %dma_wait3A_52 = arith.constant 0 : i32
      %dma_wait3A_53 = tpu.memref_slice %arg6[%dma_wait3A, %dma_wait3A_52] : memref<16x128xi32, #tpu.memory_space<vmem>> -> memref<1x128xi32, #tpu.memory_space<vmem>>
      %dma_wait3A_54 = tpu.memref_squeeze %dma_wait3A_53 : memref<1x128xi32, #tpu.memory_space<vmem>> -> memref<128xi32, #tpu.memory_space<vmem>>
      %dma_wait3A_55 = arith.constant 0 : i32
      %dma_wait3A_56 = arith.constant 0 : i32
      %dma_wait3A_57 = tpu.memref_slice %arg2[%dma_wait3A_55, %dma_wait3A_56] : memref<20480x128xf32, #tpu.memory_space<hbm>> -> memref<20480x128xf32, #tpu.memory_space<hbm>>
      tpu.wait_indirect_dma semaphore(%arg11 : memref<!tpu.dma_semaphore, #tpu.memory_space<semaphore_mem>>) src(%dma_wait3A_57 : memref<20480x128xf32, #tpu.memory_space<hbm>>) dst(%arg8 : memref<128x128xf32, #tpu.memory_space<vmem>>)
      %dma_start3A_58 = arith.constant 0 : i32
      %dma_start3A_59 = arith.constant 0 : i32
      %dma_start3A_60 = tpu.memref_slice %arg7[%dma_start3A_58, %dma_start3A_59] : memref<16x128xi32, #tpu.memory_space<vmem>> -> memref<1x128xi32, #tpu.memory_space<vmem>>
      %dma_start3A_61 = tpu.memref_squeeze %dma_start3A_60 : memref<1x128xi32, #tpu.memory_space<vmem>> -> memref<128xi32, #tpu.memory_space<vmem>>
      %dma_start3A_62 = arith.constant 0 : i32
      %dma_start3A_63 = arith.constant 0 : i32
      %dma_start3A_64 = tpu.memref_slice %arg10[%dma_start3A_62, %dma_start3A_63] : memref<10240x128xf32, #tpu.memory_space<vmem_shared>> -> memref<10240x128xf32, #tpu.memory_space<vmem_shared>>
      tpu.enqueue_indirect_dma source(%arg8 : memref<128x128xf32, #tpu.memory_space<vmem>>) target(%dma_start3A_64 : memref<10240x128xf32, #tpu.memory_space<vmem_shared>>) offsets(%dma_start3A_61 : memref<128xi32, #tpu.memory_space<vmem>>) semaphore(%arg13 : memref<!tpu.dma_semaphore, #tpu.memory_space<semaphore_mem>>) {add = true}
      %dma_wait3A_65 = arith.constant 0 : i32
      %dma_wait3A_66 = arith.constant 0 : i32
      %dma_wait3A_67 = tpu.memref_slice %arg7[%dma_wait3A_65, %dma_wait3A_66] : memref<16x128xi32, #tpu.memory_space<vmem>> -> memref<1x128xi32, #tpu.memory_space<vmem>>
      %dma_wait3A_68 = tpu.memref_squeeze %dma_wait3A_67 : memref<1x128xi32, #tpu.memory_space<vmem>> -> memref<128xi32, #tpu.memory_space<vmem>>
      %dma_wait3A_69 = arith.constant 0 : i32
      %dma_wait3A_70 = arith.constant 0 : i32
      %dma_wait3A_71 = tpu.memref_slice %arg10[%dma_wait3A_69, %dma_wait3A_70] : memref<10240x128xf32, #tpu.memory_space<vmem_shared>> -> memref<10240x128xf32, #tpu.memory_space<vmem_shared>>
      tpu.wait_indirect_dma semaphore(%arg13 : memref<!tpu.dma_semaphore, #tpu.memory_space<semaphore_mem>>) src(%arg8 : memref<128x128xf32, #tpu.memory_space<vmem>>) dst(%dma_wait3A_71 : memref<10240x128xf32, #tpu.memory_space<vmem_shared>>)
      %dma_start3A_72 = arith.constant 2 : i32
      %dma_start3A_73 = arith.constant 0 : i32
      %dma_start3A_74 = tpu.memref_slice %arg6[%dma_start3A_72, %dma_start3A_73] : memref<16x128xi32, #tpu.memory_space<vmem>> -> memref<1x128xi32, #tpu.memory_space<vmem>>
      %dma_start3A_75 = tpu.memref_squeeze %dma_start3A_74 : memref<1x128xi32, #tpu.memory_space<vmem>> -> memref<128xi32, #tpu.memory_space<vmem>>
      %dma_start3A_76 = arith.constant 0 : i32
      %dma_start3A_77 = arith.constant 0 : i32
      %dma_start3A_78 = tpu.memref_slice %arg2[%dma_start3A_76, %dma_start3A_77] : memref<20480x128xf32, #tpu.memory_space<hbm>> -> memref<20480x128xf32, #tpu.memory_space<hbm>>
      tpu.enqueue_indirect_dma source(%dma_start3A_78 : memref<20480x128xf32, #tpu.memory_space<hbm>>) target(%arg8 : memref<128x128xf32, #tpu.memory_space<vmem>>) offsets(%dma_start3A_75 : memref<128xi32, #tpu.memory_space<vmem>>) semaphore(%arg11 : memref<!tpu.dma_semaphore, #tpu.memory_space<semaphore_mem>>)
      %dma_wait3A_79 = arith.constant 1 : i32
      %dma_wait3A_80 = arith.constant 0 : i32
      %dma_wait3A_81 = tpu.memref_slice %arg6[%dma_wait3A_79, %dma_wait3A_80] : memref<16x128xi32, #tpu.memory_space<vmem>> -> memref<1x128xi32, #tpu.memory_space<vmem>>
      %dma_wait3A_82 = tpu.memref_squeeze %dma_wait3A_81 : memref<1x128xi32, #tpu.memory_space<vmem>> -> memref<128xi32, #tpu.memory_space<vmem>>
      %dma_wait3A_83 = arith.constant 0 : i32
      %dma_wait3A_84 = arith.constant 0 : i32
      %dma_wait3A_85 = tpu.memref_slice %arg2[%dma_wait3A_83, %dma_wait3A_84] : memref<20480x128xf32, #tpu.memory_space<hbm>> -> memref<20480x128xf32, #tpu.memory_space<hbm>>
      tpu.wait_indirect_dma semaphore(%arg12 : memref<!tpu.dma_semaphore, #tpu.memory_space<semaphore_mem>>) src(%dma_wait3A_85 : memref<20480x128xf32, #tpu.memory_space<hbm>>) dst(%arg9 : memref<128x128xf32, #tpu.memory_space<vmem>>)
      %dma_start3A_86 = arith.constant 1 : i32
      %dma_start3A_87 = arith.constant 0 : i32
      %dma_start3A_88 = tpu.memref_slice %arg7[%dma_start3A_86, %dma_start3A_87] : memref<16x128xi32, #tpu.memory_space<vmem>> -> memref<1x128xi32, #tpu.memory_space<vmem>>
      %dma_start3A_89 = tpu.memref_squeeze %dma_start3A_88 : memref<1x128xi32, #tpu.memory_space<vmem>> -> memref<128xi32, #tpu.memory_space<vmem>>
      %dma_start3A_90 = arith.constant 0 : i32
      %dma_start3A_91 = arith.constant 0 : i32
      %dma_start3A_92 = tpu.memref_slice %arg10[%dma_start3A_90, %dma_start3A_91] : memref<10240x128xf32, #tpu.memory_space<vmem_shared>> -> memref<10240x128xf32, #tpu.memory_space<vmem_shared>>
      tpu.enqueue_indirect_dma source(%arg9 : memref<128x128xf32, #tpu.memory_space<vmem>>) target(%dma_start3A_92 : memref<10240x128xf32, #tpu.memory_space<vmem_shared>>) offsets(%dma_start3A_89 : memref<128xi32, #tpu.memory_space<vmem>>) semaphore(%arg14 : memref<!tpu.dma_semaphore, #tpu.memory_space<semaphore_mem>>) {add = true}
      %dma_wait3A_93 = arith.constant 1 : i32
      %dma_wait3A_94 = arith.constant 0 : i32
      %dma_wait3A_95 = tpu.memref_slice %arg7[%dma_wait3A_93, %dma_wait3A_94] : memref<16x128xi32, #tpu.memory_space<vmem>> -> memref<1x128xi32, #tpu.memory_space<vmem>>
      %dma_wait3A_96 = tpu.memref_squeeze %dma_wait3A_95 : memref<1x128xi32, #tpu.memory_space<vmem>> -> memref<128xi32, #tpu.memory_space<vmem>>
      %dma_wait3A_97 = arith.constant 0 : i32
      %dma_wait3A_98 = arith.constant 0 : i32
      %dma_wait3A_99 = tpu.memref_slice %arg10[%dma_wait3A_97, %dma_wait3A_98] : memref<10240x128xf32, #tpu.memory_space<vmem_shared>> -> memref<10240x128xf32, #tpu.memory_space<vmem_shared>>
      tpu.wait_indirect_dma semaphore(%arg14 : memref<!tpu.dma_semaphore, #tpu.memory_space<semaphore_mem>>) src(%arg9 : memref<128x128xf32, #tpu.memory_space<vmem>>) dst(%dma_wait3A_99 : memref<10240x128xf32, #tpu.memory_space<vmem_shared>>)
      %dma_start3A_100 = arith.constant 3 : i32
      %dma_start3A_101 = arith.constant 0 : i32
      %dma_start3A_102 = tpu.memref_slice %arg6[%dma_start3A_100, %dma_start3A_101] : memref<16x128xi32, #tpu.memory_space<vmem>> -> memref<1x128xi32, #tpu.memory_space<vmem>>
      %dma_start3A_103 = tpu.memref_squeeze %dma_start3A_102 : memref<1x128xi32, #tpu.memory_space<vmem>> -> memref<128xi32, #tpu.memory_space<vmem>>
      %dma_start3A_104 = arith.constant 0 : i32
      %dma_start3A_105 = arith.constant 0 : i32
      %dma_start3A_106 = tpu.memref_slice %arg2[%dma_start3A_104, %dma_start3A_105] : memref<20480x128xf32, #tpu.memory_space<hbm>> -> memref<20480x128xf32, #tpu.memory_space<hbm>>
      tpu.enqueue_indirect_dma source(%dma_start3A_106 : memref<20480x128xf32, #tpu.memory_space<hbm>>) target(%arg9 : memref<128x128xf32, #tpu.memory_space<vmem>>) offsets(%dma_start3A_103 : memref<128xi32, #tpu.memory_space<vmem>>) semaphore(%arg12 : memref<!tpu.dma_semaphore, #tpu.memory_space<semaphore_mem>>)
      %dma_wait3A_107 = arith.constant 2 : i32
      %dma_wait3A_108 = arith.constant 0 : i32
      %dma_wait3A_109 = tpu.memref_slice %arg6[%dma_wait3A_107, %dma_wait3A_108] : memref<16x128xi32, #tpu.memory_space<vmem>> -> memref<1x128xi32, #tpu.memory_space<vmem>>
      %dma_wait3A_110 = tpu.memref_squeeze %dma_wait3A_109 : memref<1x128xi32, #tpu.memory_space<vmem>> -> memref<128xi32, #tpu.memory_space<vmem>>
      %dma_wait3A_111 = arith.constant 0 : i32
      %dma_wait3A_112 = arith.constant 0 : i32
      %dma_wait3A_113 = tpu.memref_slice %arg2[%dma_wait3A_111, %dma_wait3A_112] : memref<20480x128xf32, #tpu.memory_space<hbm>> -> memref<20480x128xf32, #tpu.memory_space<hbm>>
      tpu.wait_indirect_dma semaphore(%arg11 : memref<!tpu.dma_semaphore, #tpu.memory_space<semaphore_mem>>) src(%dma_wait3A_113 : memref<20480x128xf32, #tpu.memory_space<hbm>>) dst(%arg8 : memref<128x128xf32, #tpu.memory_space<vmem>>)
      %dma_start3A_114 = arith.constant 2 : i32
      %dma_start3A_115 = arith.constant 0 : i32
      %dma_start3A_116 = tpu.memref_slice %arg7[%dma_start3A_114, %dma_start3A_115] : memref<16x128xi32, #tpu.memory_space<vmem>> -> memref<1x128xi32, #tpu.memory_space<vmem>>
      %dma_start3A_117 = tpu.memref_squeeze %dma_start3A_116 : memref<1x128xi32, #tpu.memory_space<vmem>> -> memref<128xi32, #tpu.memory_space<vmem>>
      %dma_start3A_118 = arith.constant 0 : i32
      %dma_start3A_119 = arith.constant 0 : i32
      %dma_start3A_120 = tpu.memref_slice %arg10[%dma_start3A_118, %dma_start3A_119] : memref<10240x128xf32, #tpu.memory_space<vmem_shared>> -> memref<10240x128xf32, #tpu.memory_space<vmem_shared>>
      tpu.enqueue_indirect_dma source(%arg8 : memref<128x128xf32, #tpu.memory_space<vmem>>) target(%dma_start3A_120 : memref<10240x128xf32, #tpu.memory_space<vmem_shared>>) offsets(%dma_start3A_117 : memref<128xi32, #tpu.memory_space<vmem>>) semaphore(%arg13 : memref<!tpu.dma_semaphore, #tpu.memory_space<semaphore_mem>>) {add = true}
      %dma_wait3A_121 = arith.constant 2 : i32
      %dma_wait3A_122 = arith.constant 0 : i32
      %dma_wait3A_123 = tpu.memref_slice %arg7[%dma_wait3A_121, %dma_wait3A_122] : memref<16x128xi32, #tpu.memory_space<vmem>> -> memref<1x128xi32, #tpu.memory_space<vmem>>
      %dma_wait3A_124 = tpu.memref_squeeze %dma_wait3A_123 : memref<1x128xi32, #tpu.memory_space<vmem>> -> memref<128xi32, #tpu.memory_space<vmem>>
      %dma_wait3A_125 = arith.constant 0 : i32
      %dma_wait3A_126 = arith.constant 0 : i32
      %dma_wait3A_127 = tpu.memref_slice %arg10[%dma_wait3A_125, %dma_wait3A_126] : memref<10240x128xf32, #tpu.memory_space<vmem_shared>> -> memref<10240x128xf32, #tpu.memory_space<vmem_shared>>
      tpu.wait_indirect_dma semaphore(%arg13 : memref<!tpu.dma_semaphore, #tpu.memory_space<semaphore_mem>>) src(%arg8 : memref<128x128xf32, #tpu.memory_space<vmem>>) dst(%dma_wait3A_127 : memref<10240x128xf32, #tpu.memory_space<vmem_shared>>)
      %dma_start3A_128 = arith.constant 4 : i32
      %dma_start3A_129 = arith.constant 0 : i32
      %dma_start3A_130 = tpu.memref_slice %arg6[%dma_start3A_128, %dma_start3A_129] : memref<16x128xi32, #tpu.memory_space<vmem>> -> memref<1x128xi32, #tpu.memory_space<vmem>>
      %dma_start3A_131 = tpu.memref_squeeze %dma_start3A_130 : memref<1x128xi32, #tpu.memory_space<vmem>> -> memref<128xi32, #tpu.memory_space<vmem>>
      %dma_start3A_132 = arith.constant 0 : i32
      %dma_start3A_133 = arith.constant 0 : i32
      %dma_start3A_134 = tpu.memref_slice %arg2[%dma_start3A_132, %dma_start3A_133] : memref<20480x128xf32, #tpu.memory_space<hbm>> -> memref<20480x128xf32, #tpu.memory_space<hbm>>
      tpu.enqueue_indirect_dma source(%dma_start3A_134 : memref<20480x128xf32, #tpu.memory_space<hbm>>) target(%arg8 : memref<128x128xf32, #tpu.memory_space<vmem>>) offsets(%dma_start3A_131 : memref<128xi32, #tpu.memory_space<vmem>>) semaphore(%arg11 : memref<!tpu.dma_semaphore, #tpu.memory_space<semaphore_mem>>)
      %dma_wait3A_135 = arith.constant 3 : i32
      %dma_wait3A_136 = arith.constant 0 : i32
      %dma_wait3A_137 = tpu.memref_slice %arg6[%dma_wait3A_135, %dma_wait3A_136] : memref<16x128xi32, #tpu.memory_space<vmem>> -> memref<1x128xi32, #tpu.memory_space<vmem>>
      %dma_wait3A_138 = tpu.memref_squeeze %dma_wait3A_137 : memref<1x128xi32, #tpu.memory_space<vmem>> -> memref<128xi32, #tpu.memory_space<vmem>>
      %dma_wait3A_139 = arith.constant 0 : i32
      %dma_wait3A_140 = arith.constant 0 : i32
      %dma_wait3A_141 = tpu.memref_slice %arg2[%dma_wait3A_139, %dma_wait3A_140] : memref<20480x128xf32, #tpu.memory_space<hbm>> -> memref<20480x128xf32, #tpu.memory_space<hbm>>
      tpu.wait_indirect_dma semaphore(%arg12 : memref<!tpu.dma_semaphore, #tpu.memory_space<semaphore_mem>>) src(%dma_wait3A_141 : memref<20480x128xf32, #tpu.memory_space<hbm>>) dst(%arg9 : memref<128x128xf32, #tpu.memory_space<vmem>>)
      %dma_start3A_142 = arith.constant 3 : i32
      %dma_start3A_143 = arith.constant 0 : i32
      %dma_start3A_144 = tpu.memref_slice %arg7[%dma_start3A_142, %dma_start3A_143] : memref<16x128xi32, #tpu.memory_space<vmem>> -> memref<1x128xi32, #tpu.memory_space<vmem>>
      %dma_start3A_145 = tpu.memref_squeeze %dma_start3A_144 : memref<1x128xi32, #tpu.memory_space<vmem>> -> memref<128xi32, #tpu.memory_space<vmem>>
      %dma_start3A_146 = arith.constant 0 : i32
      %dma_start3A_147 = arith.constant 0 : i32
      %dma_start3A_148 = tpu.memref_slice %arg10[%dma_start3A_146, %dma_start3A_147] : memref<10240x128xf32, #tpu.memory_space<vmem_shared>> -> memref<10240x128xf32, #tpu.memory_space<vmem_shared>>
      tpu.enqueue_indirect_dma source(%arg9 : memref<128x128xf32, #tpu.memory_space<vmem>>) target(%dma_start3A_148 : memref<10240x128xf32, #tpu.memory_space<vmem_shared>>) offsets(%dma_start3A_145 : memref<128xi32, #tpu.memory_space<vmem>>) semaphore(%arg14 : memref<!tpu.dma_semaphore, #tpu.memory_space<semaphore_mem>>) {add = true}
      %dma_wait3A_149 = arith.constant 3 : i32
      %dma_wait3A_150 = arith.constant 0 : i32
      %dma_wait3A_151 = tpu.memref_slice %arg7[%dma_wait3A_149, %dma_wait3A_150] : memref<16x128xi32, #tpu.memory_space<vmem>> -> memref<1x128xi32, #tpu.memory_space<vmem>>
      %dma_wait3A_152 = tpu.memref_squeeze %dma_wait3A_151 : memref<1x128xi32, #tpu.memory_space<vmem>> -> memref<128xi32, #tpu.memory_space<vmem>>
      %dma_wait3A_153 = arith.constant 0 : i32
      %dma_wait3A_154 = arith.constant 0 : i32
      %dma_wait3A_155 = tpu.memref_slice %arg10[%dma_wait3A_153, %dma_wait3A_154] : memref<10240x128xf32, #tpu.memory_space<vmem_shared>> -> memref<10240x128xf32, #tpu.memory_space<vmem_shared>>
      tpu.wait_indirect_dma semaphore(%arg14 : memref<!tpu.dma_semaphore, #tpu.memory_space<semaphore_mem>>) src(%arg9 : memref<128x128xf32, #tpu.memory_space<vmem>>) dst(%dma_wait3A_155 : memref<10240x128xf32, #tpu.memory_space<vmem_shared>>)
      %dma_start3A_156 = arith.constant 5 : i32
      %dma_start3A_157 = arith.constant 0 : i32
      %dma_start3A_158 = tpu.memref_slice %arg6[%dma_start3A_156, %dma_start3A_157] : memref<16x128xi32, #tpu.memory_space<vmem>> -> memref<1x128xi32, #tpu.memory_space<vmem>>
      %dma_start3A_159 = tpu.memref_squeeze %dma_start3A_158 : memref<1x128xi32, #tpu.memory_space<vmem>> -> memref<128xi32, #tpu.memory_space<vmem>>
      %dma_start3A_160 = arith.constant 0 : i32
      %dma_start3A_161 = arith.constant 0 : i32
      %dma_start3A_162 = tpu.memref_slice %arg2[%dma_start3A_160, %dma_start3A_161] : memref<20480x128xf32, #tpu.memory_space<hbm>> -> memref<20480x128xf32, #tpu.memory_space<hbm>>
      tpu.enqueue_indirect_dma source(%dma_start3A_162 : memref<20480x128xf32, #tpu.memory_space<hbm>>) target(%arg9 : memref<128x128xf32, #tpu.memory_space<vmem>>) offsets(%dma_start3A_159 : memref<128xi32, #tpu.memory_space<vmem>>) semaphore(%arg12 : memref<!tpu.dma_semaphore, #tpu.memory_space<semaphore_mem>>)
      %dma_wait3A_163 = arith.constant 4 : i32
      %dma_wait3A_164 = arith.constant 0 : i32
      %dma_wait3A_165 = tpu.memref_slice %arg6[%dma_wait3A_163, %dma_wait3A_164] : memref<16x128xi32, #tpu.memory_space<vmem>> -> memref<1x128xi32, #tpu.memory_space<vmem>>
      %dma_wait3A_166 = tpu.memref_squeeze %dma_wait3A_165 : memref<1x128xi32, #tpu.memory_space<vmem>> -> memref<128xi32, #tpu.memory_space<vmem>>
      %dma_wait3A_167 = arith.constant 0 : i32
      %dma_wait3A_168 = arith.constant 0 : i32
      %dma_wait3A_169 = tpu.memref_slice %arg2[%dma_wait3A_167, %dma_wait3A_168] : memref<20480x128xf32, #tpu.memory_space<hbm>> -> memref<20480x128xf32, #tpu.memory_space<hbm>>
      tpu.wait_indirect_dma semaphore(%arg11 : memref<!tpu.dma_semaphore, #tpu.memory_space<semaphore_mem>>) src(%dma_wait3A_169 : memref<20480x128xf32, #tpu.memory_space<hbm>>) dst(%arg8 : memref<128x128xf32, #tpu.memory_space<vmem>>)
      %dma_start3A_170 = arith.constant 4 : i32
      %dma_start3A_171 = arith.constant 0 : i32
      %dma_start3A_172 = tpu.memref_slice %arg7[%dma_start3A_170, %dma_start3A_171] : memref<16x128xi32, #tpu.memory_space<vmem>> -> memref<1x128xi32, #tpu.memory_space<vmem>>
      %dma_start3A_173 = tpu.memref_squeeze %dma_start3A_172 : memref<1x128xi32, #tpu.memory_space<vmem>> -> memref<128xi32, #tpu.memory_space<vmem>>
      %dma_start3A_174 = arith.constant 0 : i32
      %dma_start3A_175 = arith.constant 0 : i32
      %dma_start3A_176 = tpu.memref_slice %arg10[%dma_start3A_174, %dma_start3A_175] : memref<10240x128xf32, #tpu.memory_space<vmem_shared>> -> memref<10240x128xf32, #tpu.memory_space<vmem_shared>>
      tpu.enqueue_indirect_dma source(%arg8 : memref<128x128xf32, #tpu.memory_space<vmem>>) target(%dma_start3A_176 : memref<10240x128xf32, #tpu.memory_space<vmem_shared>>) offsets(%dma_start3A_173 : memref<128xi32, #tpu.memory_space<vmem>>) semaphore(%arg13 : memref<!tpu.dma_semaphore, #tpu.memory_space<semaphore_mem>>) {add = true}
      %dma_wait3A_177 = arith.constant 4 : i32
      %dma_wait3A_178 = arith.constant 0 : i32
      %dma_wait3A_179 = tpu.memref_slice %arg7[%dma_wait3A_177, %dma_wait3A_178] : memref<16x128xi32, #tpu.memory_space<vmem>> -> memref<1x128xi32, #tpu.memory_space<vmem>>
      %dma_wait3A_180 = tpu.memref_squeeze %dma_wait3A_179 : memref<1x128xi32, #tpu.memory_space<vmem>> -> memref<128xi32, #tpu.memory_space<vmem>>
      %dma_wait3A_181 = arith.constant 0 : i32
      %dma_wait3A_182 = arith.constant 0 : i32
      %dma_wait3A_183 = tpu.memref_slice %arg10[%dma_wait3A_181, %dma_wait3A_182] : memref<10240x128xf32, #tpu.memory_space<vmem_shared>> -> memref<10240x128xf32, #tpu.memory_space<vmem_shared>>
      tpu.wait_indirect_dma semaphore(%arg13 : memref<!tpu.dma_semaphore, #tpu.memory_space<semaphore_mem>>) src(%arg8 : memref<128x128xf32, #tpu.memory_space<vmem>>) dst(%dma_wait3A_183 : memref<10240x128xf32, #tpu.memory_space<vmem_shared>>)
      %dma_start3A_184 = arith.constant 6 : i32
      %dma_start3A_185 = arith.constant 0 : i32
      %dma_start3A_186 = tpu.memref_slice %arg6[%dma_start3A_184, %dma_start3A_185] : memref<16x128xi32, #tpu.memory_space<vmem>> -> memref<1x128xi32, #tpu.memory_space<vmem>>
      %dma_start3A_187 = tpu.memref_squeeze %dma_start3A_186 : memref<1x128xi32, #tpu.memory_space<vmem>> -> memref<128xi32, #tpu.memory_space<vmem>>
      %dma_start3A_188 = arith.constant 0 : i32
      %dma_start3A_189 = arith.constant 0 : i32
      %dma_start3A_190 = tpu.memref_slice %arg2[%dma_start3A_188, %dma_start3A_189] : memref<20480x128xf32, #tpu.memory_space<hbm>> -> memref<20480x128xf32, #tpu.memory_space<hbm>>
      tpu.enqueue_indirect_dma source(%dma_start3A_190 : memref<20480x128xf32, #tpu.memory_space<hbm>>) target(%arg8 : memref<128x128xf32, #tpu.memory_space<vmem>>) offsets(%dma_start3A_187 : memref<128xi32, #tpu.memory_space<vmem>>) semaphore(%arg11 : memref<!tpu.dma_semaphore, #tpu.memory_space<semaphore_mem>>)
      %dma_wait3A_191 = arith.constant 5 : i32
      %dma_wait3A_192 = arith.constant 0 : i32
      %dma_wait3A_193 = tpu.memref_slice %arg6[%dma_wait3A_191, %dma_wait3A_192] : memref<16x128xi32, #tpu.memory_space<vmem>> -> memref<1x128xi32, #tpu.memory_space<vmem>>
      %dma_wait3A_194 = tpu.memref_squeeze %dma_wait3A_193 : memref<1x128xi32, #tpu.memory_space<vmem>> -> memref<128xi32, #tpu.memory_space<vmem>>
      %dma_wait3A_195 = arith.constant 0 : i32
      %dma_wait3A_196 = arith.constant 0 : i32
      %dma_wait3A_197 = tpu.memref_slice %arg2[%dma_wait3A_195, %dma_wait3A_196] : memref<20480x128xf32, #tpu.memory_space<hbm>> -> memref<20480x128xf32, #tpu.memory_space<hbm>>
      tpu.wait_indirect_dma semaphore(%arg12 : memref<!tpu.dma_semaphore, #tpu.memory_space<semaphore_mem>>) src(%dma_wait3A_197 : memref<20480x128xf32, #tpu.memory_space<hbm>>) dst(%arg9 : memref<128x128xf32, #tpu.memory_space<vmem>>)
      %dma_start3A_198 = arith.constant 5 : i32
      %dma_start3A_199 = arith.constant 0 : i32
      %dma_start3A_200 = tpu.memref_slice %arg7[%dma_start3A_198, %dma_start3A_199] : memref<16x128xi32, #tpu.memory_space<vmem>> -> memref<1x128xi32, #tpu.memory_space<vmem>>
      %dma_start3A_201 = tpu.memref_squeeze %dma_start3A_200 : memref<1x128xi32, #tpu.memory_space<vmem>> -> memref<128xi32, #tpu.memory_space<vmem>>
      %dma_start3A_202 = arith.constant 0 : i32
      %dma_start3A_203 = arith.constant 0 : i32
      %dma_start3A_204 = tpu.memref_slice %arg10[%dma_start3A_202, %dma_start3A_203] : memref<10240x128xf32, #tpu.memory_space<vmem_shared>> -> memref<10240x128xf32, #tpu.memory_space<vmem_shared>>
      tpu.enqueue_indirect_dma source(%arg9 : memref<128x128xf32, #tpu.memory_space<vmem>>) target(%dma_start3A_204 : memref<10240x128xf32, #tpu.memory_space<vmem_shared>>) offsets(%dma_start3A_201 : memref<128xi32, #tpu.memory_space<vmem>>) semaphore(%arg14 : memref<!tpu.dma_semaphore, #tpu.memory_space<semaphore_mem>>) {add = true}
      %dma_wait3A_205 = arith.constant 5 : i32
      %dma_wait3A_206 = arith.constant 0 : i32
      %dma_wait3A_207 = tpu.memref_slice %arg7[%dma_wait3A_205, %dma_wait3A_206] : memref<16x128xi32, #tpu.memory_space<vmem>> -> memref<1x128xi32, #tpu.memory_space<vmem>>
      %dma_wait3A_208 = tpu.memref_squeeze %dma_wait3A_207 : memref<1x128xi32, #tpu.memory_space<vmem>> -> memref<128xi32, #tpu.memory_space<vmem>>
      %dma_wait3A_209 = arith.constant 0 : i32
      %dma_wait3A_210 = arith.constant 0 : i32
      %dma_wait3A_211 = tpu.memref_slice %arg10[%dma_wait3A_209, %dma_wait3A_210] : memref<10240x128xf32, #tpu.memory_space<vmem_shared>> -> memref<10240x128xf32, #tpu.memory_space<vmem_shared>>
      tpu.wait_indirect_dma semaphore(%arg14 : memref<!tpu.dma_semaphore, #tpu.memory_space<semaphore_mem>>) src(%arg9 : memref<128x128xf32, #tpu.memory_space<vmem>>) dst(%dma_wait3A_211 : memref<10240x128xf32, #tpu.memory_space<vmem_shared>>)
      %dma_start3A_212 = arith.constant 7 : i32
      %dma_start3A_213 = arith.constant 0 : i32
      %dma_start3A_214 = tpu.memref_slice %arg6[%dma_start3A_212, %dma_start3A_213] : memref<16x128xi32, #tpu.memory_space<vmem>> -> memref<1x128xi32, #tpu.memory_space<vmem>>
      %dma_start3A_215 = tpu.memref_squeeze %dma_start3A_214 : memref<1x128xi32, #tpu.memory_space<vmem>> -> memref<128xi32, #tpu.memory_space<vmem>>
      %dma_start3A_216 = arith.constant 0 : i32
      %dma_start3A_217 = arith.constant 0 : i32
      %dma_start3A_218 = tpu.memref_slice %arg2[%dma_start3A_216, %dma_start3A_217] : memref<20480x128xf32, #tpu.memory_space<hbm>> -> memref<20480x128xf32, #tpu.memory_space<hbm>>
      tpu.enqueue_indirect_dma source(%dma_start3A_218 : memref<20480x128xf32, #tpu.memory_space<hbm>>) target(%arg9 : memref<128x128xf32, #tpu.memory_space<vmem>>) offsets(%dma_start3A_215 : memref<128xi32, #tpu.memory_space<vmem>>) semaphore(%arg12 : memref<!tpu.dma_semaphore, #tpu.memory_space<semaphore_mem>>)
      %dma_wait3A_219 = arith.constant 6 : i32
      %dma_wait3A_220 = arith.constant 0 : i32
      %dma_wait3A_221 = tpu.memref_slice %arg6[%dma_wait3A_219, %dma_wait3A_220] : memref<16x128xi32, #tpu.memory_space<vmem>> -> memref<1x128xi32, #tpu.memory_space<vmem>>
      %dma_wait3A_222 = tpu.memref_squeeze %dma_wait3A_221 : memref<1x128xi32, #tpu.memory_space<vmem>> -> memref<128xi32, #tpu.memory_space<vmem>>
      %dma_wait3A_223 = arith.constant 0 : i32
      %dma_wait3A_224 = arith.constant 0 : i32
      %dma_wait3A_225 = tpu.memref_slice %arg2[%dma_wait3A_223, %dma_wait3A_224] : memref<20480x128xf32, #tpu.memory_space<hbm>> -> memref<20480x128xf32, #tpu.memory_space<hbm>>
      tpu.wait_indirect_dma semaphore(%arg11 : memref<!tpu.dma_semaphore, #tpu.memory_space<semaphore_mem>>) src(%dma_wait3A_225 : memref<20480x128xf32, #tpu.memory_space<hbm>>) dst(%arg8 : memref<128x128xf32, #tpu.memory_space<vmem>>)
      %dma_start3A_226 = arith.constant 6 : i32
      %dma_start3A_227 = arith.constant 0 : i32
      %dma_start3A_228 = tpu.memref_slice %arg7[%dma_start3A_226, %dma_start3A_227] : memref<16x128xi32, #tpu.memory_space<vmem>> -> memref<1x128xi32, #tpu.memory_space<vmem>>
      %dma_start3A_229 = tpu.memref_squeeze %dma_start3A_228 : memref<1x128xi32, #tpu.memory_space<vmem>> -> memref<128xi32, #tpu.memory_space<vmem>>
      %dma_start3A_230 = arith.constant 0 : i32
      %dma_start3A_231 = arith.constant 0 : i32
      %dma_start3A_232 = tpu.memref_slice %arg10[%dma_start3A_230, %dma_start3A_231] : memref<10240x128xf32, #tpu.memory_space<vmem_shared>> -> memref<10240x128xf32, #tpu.memory_space<vmem_shared>>
      tpu.enqueue_indirect_dma source(%arg8 : memref<128x128xf32, #tpu.memory_space<vmem>>) target(%dma_start3A_232 : memref<10240x128xf32, #tpu.memory_space<vmem_shared>>) offsets(%dma_start3A_229 : memref<128xi32, #tpu.memory_space<vmem>>) semaphore(%arg13 : memref<!tpu.dma_semaphore, #tpu.memory_space<semaphore_mem>>) {add = true}
      %dma_wait3A_233 = arith.constant 6 : i32
      %dma_wait3A_234 = arith.constant 0 : i32
      %dma_wait3A_235 = tpu.memref_slice %arg7[%dma_wait3A_233, %dma_wait3A_234] : memref<16x128xi32, #tpu.memory_space<vmem>> -> memref<1x128xi32, #tpu.memory_space<vmem>>
      %dma_wait3A_236 = tpu.memref_squeeze %dma_wait3A_235 : memref<1x128xi32, #tpu.memory_space<vmem>> -> memref<128xi32, #tpu.memory_space<vmem>>
      %dma_wait3A_237 = arith.constant 0 : i32
      %dma_wait3A_238 = arith.constant 0 : i32
      %dma_wait3A_239 = tpu.memref_slice %arg10[%dma_wait3A_237, %dma_wait3A_238] : memref<10240x128xf32, #tpu.memory_space<vmem_shared>> -> memref<10240x128xf32, #tpu.memory_space<vmem_shared>>
      tpu.wait_indirect_dma semaphore(%arg13 : memref<!tpu.dma_semaphore, #tpu.memory_space<semaphore_mem>>) src(%arg8 : memref<128x128xf32, #tpu.memory_space<vmem>>) dst(%dma_wait3A_239 : memref<10240x128xf32, #tpu.memory_space<vmem_shared>>)
      %dma_start3A_240 = arith.constant 8 : i32
      %dma_start3A_241 = arith.constant 0 : i32
      %dma_start3A_242 = tpu.memref_slice %arg6[%dma_start3A_240, %dma_start3A_241] : memref<16x128xi32, #tpu.memory_space<vmem>> -> memref<1x128xi32, #tpu.memory_space<vmem>>
      %dma_start3A_243 = tpu.memref_squeeze %dma_start3A_242 : memref<1x128xi32, #tpu.memory_space<vmem>> -> memref<128xi32, #tpu.memory_space<vmem>>
      %dma_start3A_244 = arith.constant 0 : i32
      %dma_start3A_245 = arith.constant 0 : i32
      %dma_start3A_246 = tpu.memref_slice %arg2[%dma_start3A_244, %dma_start3A_245] : memref<20480x128xf32, #tpu.memory_space<hbm>> -> memref<20480x128xf32, #tpu.memory_space<hbm>>
      tpu.enqueue_indirect_dma source(%dma_start3A_246 : memref<20480x128xf32, #tpu.memory_space<hbm>>) target(%arg8 : memref<128x128xf32, #tpu.memory_space<vmem>>) offsets(%dma_start3A_243 : memref<128xi32, #tpu.memory_space<vmem>>) semaphore(%arg11 : memref<!tpu.dma_semaphore, #tpu.memory_space<semaphore_mem>>)
      %dma_wait3A_247 = arith.constant 7 : i32
      %dma_wait3A_248 = arith.constant 0 : i32
      %dma_wait3A_249 = tpu.memref_slice %arg6[%dma_wait3A_247, %dma_wait3A_248] : memref<16x128xi32, #tpu.memory_space<vmem>> -> memref<1x128xi32, #tpu.memory_space<vmem>>
      %dma_wait3A_250 = tpu.memref_squeeze %dma_wait3A_249 : memref<1x128xi32, #tpu.memory_space<vmem>> -> memref<128xi32, #tpu.memory_space<vmem>>
      %dma_wait3A_251 = arith.constant 0 : i32
      %dma_wait3A_252 = arith.constant 0 : i32
      %dma_wait3A_253 = tpu.memref_slice %arg2[%dma_wait3A_251, %dma_wait3A_252] : memref<20480x128xf32, #tpu.memory_space<hbm>> -> memref<20480x128xf32, #tpu.memory_space<hbm>>
      tpu.wait_indirect_dma semaphore(%arg12 : memref<!tpu.dma_semaphore, #tpu.memory_space<semaphore_mem>>) src(%dma_wait3A_253 : memref<20480x128xf32, #tpu.memory_space<hbm>>) dst(%arg9 : memref<128x128xf32, #tpu.memory_space<vmem>>)
      %dma_start3A_254 = arith.constant 7 : i32
      %dma_start3A_255 = arith.constant 0 : i32
      %dma_start3A_256 = tpu.memref_slice %arg7[%dma_start3A_254, %dma_start3A_255] : memref<16x128xi32, #tpu.memory_space<vmem>> -> memref<1x128xi32, #tpu.memory_space<vmem>>
      %dma_start3A_257 = tpu.memref_squeeze %dma_start3A_256 : memref<1x128xi32, #tpu.memory_space<vmem>> -> memref<128xi32, #tpu.memory_space<vmem>>
      %dma_start3A_258 = arith.constant 0 : i32
      %dma_start3A_259 = arith.constant 0 : i32
      %dma_start3A_260 = tpu.memref_slice %arg10[%dma_start3A_258, %dma_start3A_259] : memref<10240x128xf32, #tpu.memory_space<vmem_shared>> -> memref<10240x128xf32, #tpu.memory_space<vmem_shared>>
      tpu.enqueue_indirect_dma source(%arg9 : memref<128x128xf32, #tpu.memory_space<vmem>>) target(%dma_start3A_260 : memref<10240x128xf32, #tpu.memory_space<vmem_shared>>) offsets(%dma_start3A_257 : memref<128xi32, #tpu.memory_space<vmem>>) semaphore(%arg14 : memref<!tpu.dma_semaphore, #tpu.memory_space<semaphore_mem>>) {add = true}
      %dma_wait3A_261 = arith.constant 7 : i32
      %dma_wait3A_262 = arith.constant 0 : i32
      %dma_wait3A_263 = tpu.memref_slice %arg7[%dma_wait3A_261, %dma_wait3A_262] : memref<16x128xi32, #tpu.memory_space<vmem>> -> memref<1x128xi32, #tpu.memory_space<vmem>>
      %dma_wait3A_264 = tpu.memref_squeeze %dma_wait3A_263 : memref<1x128xi32, #tpu.memory_space<vmem>> -> memref<128xi32, #tpu.memory_space<vmem>>
      %dma_wait3A_265 = arith.constant 0 : i32
      %dma_wait3A_266 = arith.constant 0 : i32
      %dma_wait3A_267 = tpu.memref_slice %arg10[%dma_wait3A_265, %dma_wait3A_266] : memref<10240x128xf32, #tpu.memory_space<vmem_shared>> -> memref<10240x128xf32, #tpu.memory_space<vmem_shared>>
      tpu.wait_indirect_dma semaphore(%arg14 : memref<!tpu.dma_semaphore, #tpu.memory_space<semaphore_mem>>) src(%arg9 : memref<128x128xf32, #tpu.memory_space<vmem>>) dst(%dma_wait3A_267 : memref<10240x128xf32, #tpu.memory_space<vmem_shared>>)
      %dma_start3A_268 = arith.constant 9 : i32
      %dma_start3A_269 = arith.constant 0 : i32
      %dma_start3A_270 = tpu.memref_slice %arg6[%dma_start3A_268, %dma_start3A_269] : memref<16x128xi32, #tpu.memory_space<vmem>> -> memref<1x128xi32, #tpu.memory_space<vmem>>
      %dma_start3A_271 = tpu.memref_squeeze %dma_start3A_270 : memref<1x128xi32, #tpu.memory_space<vmem>> -> memref<128xi32, #tpu.memory_space<vmem>>
      %dma_start3A_272 = arith.constant 0 : i32
      %dma_start3A_273 = arith.constant 0 : i32
      %dma_start3A_274 = tpu.memref_slice %arg2[%dma_start3A_272, %dma_start3A_273] : memref<20480x128xf32, #tpu.memory_space<hbm>> -> memref<20480x128xf32, #tpu.memory_space<hbm>>
      tpu.enqueue_indirect_dma source(%dma_start3A_274 : memref<20480x128xf32, #tpu.memory_space<hbm>>) target(%arg9 : memref<128x128xf32, #tpu.memory_space<vmem>>) offsets(%dma_start3A_271 : memref<128xi32, #tpu.memory_space<vmem>>) semaphore(%arg12 : memref<!tpu.dma_semaphore, #tpu.memory_space<semaphore_mem>>)
      %dma_wait3A_275 = arith.constant 8 : i32
      %dma_wait3A_276 = arith.constant 0 : i32
      %dma_wait3A_277 = tpu.memref_slice %arg6[%dma_wait3A_275, %dma_wait3A_276] : memref<16x128xi32, #tpu.memory_space<vmem>> -> memref<1x128xi32, #tpu.memory_space<vmem>>
      %dma_wait3A_278 = tpu.memref_squeeze %dma_wait3A_277 : memref<1x128xi32, #tpu.memory_space<vmem>> -> memref<128xi32, #tpu.memory_space<vmem>>
      %dma_wait3A_279 = arith.constant 0 : i32
      %dma_wait3A_280 = arith.constant 0 : i32
      %dma_wait3A_281 = tpu.memref_slice %arg2[%dma_wait3A_279, %dma_wait3A_280] : memref<20480x128xf32, #tpu.memory_space<hbm>> -> memref<20480x128xf32, #tpu.memory_space<hbm>>
      tpu.wait_indirect_dma semaphore(%arg11 : memref<!tpu.dma_semaphore, #tpu.memory_space<semaphore_mem>>) src(%dma_wait3A_281 : memref<20480x128xf32, #tpu.memory_space<hbm>>) dst(%arg8 : memref<128x128xf32, #tpu.memory_space<vmem>>)
      %dma_start3A_282 = arith.constant 8 : i32
      %dma_start3A_283 = arith.constant 0 : i32
      %dma_start3A_284 = tpu.memref_slice %arg7[%dma_start3A_282, %dma_start3A_283] : memref<16x128xi32, #tpu.memory_space<vmem>> -> memref<1x128xi32, #tpu.memory_space<vmem>>
      %dma_start3A_285 = tpu.memref_squeeze %dma_start3A_284 : memref<1x128xi32, #tpu.memory_space<vmem>> -> memref<128xi32, #tpu.memory_space<vmem>>
      %dma_start3A_286 = arith.constant 0 : i32
      %dma_start3A_287 = arith.constant 0 : i32
      %dma_start3A_288 = tpu.memref_slice %arg10[%dma_start3A_286, %dma_start3A_287] : memref<10240x128xf32, #tpu.memory_space<vmem_shared>> -> memref<10240x128xf32, #tpu.memory_space<vmem_shared>>
      tpu.enqueue_indirect_dma source(%arg8 : memref<128x128xf32, #tpu.memory_space<vmem>>) target(%dma_start3A_288 : memref<10240x128xf32, #tpu.memory_space<vmem_shared>>) offsets(%dma_start3A_285 : memref<128xi32, #tpu.memory_space<vmem>>) semaphore(%arg13 : memref<!tpu.dma_semaphore, #tpu.memory_space<semaphore_mem>>) {add = true}
      %dma_wait3A_289 = arith.constant 8 : i32
      %dma_wait3A_290 = arith.constant 0 : i32
      %dma_wait3A_291 = tpu.memref_slice %arg7[%dma_wait3A_289, %dma_wait3A_290] : memref<16x128xi32, #tpu.memory_space<vmem>> -> memref<1x128xi32, #tpu.memory_space<vmem>>
      %dma_wait3A_292 = tpu.memref_squeeze %dma_wait3A_291 : memref<1x128xi32, #tpu.memory_space<vmem>> -> memref<128xi32, #tpu.memory_space<vmem>>
      %dma_wait3A_293 = arith.constant 0 : i32
      %dma_wait3A_294 = arith.constant 0 : i32
      %dma_wait3A_295 = tpu.memref_slice %arg10[%dma_wait3A_293, %dma_wait3A_294] : memref<10240x128xf32, #tpu.memory_space<vmem_shared>> -> memref<10240x128xf32, #tpu.memory_space<vmem_shared>>
      tpu.wait_indirect_dma semaphore(%arg13 : memref<!tpu.dma_semaphore, #tpu.memory_space<semaphore_mem>>) src(%arg8 : memref<128x128xf32, #tpu.memory_space<vmem>>) dst(%dma_wait3A_295 : memref<10240x128xf32, #tpu.memory_space<vmem_shared>>)
      %dma_start3A_296 = arith.constant 10 : i32
      %dma_start3A_297 = arith.constant 0 : i32
      %dma_start3A_298 = tpu.memref_slice %arg6[%dma_start3A_296, %dma_start3A_297] : memref<16x128xi32, #tpu.memory_space<vmem>> -> memref<1x128xi32, #tpu.memory_space<vmem>>
      %dma_start3A_299 = tpu.memref_squeeze %dma_start3A_298 : memref<1x128xi32, #tpu.memory_space<vmem>> -> memref<128xi32, #tpu.memory_space<vmem>>
      %dma_start3A_300 = arith.constant 0 : i32
      %dma_start3A_301 = arith.constant 0 : i32
      %dma_start3A_302 = tpu.memref_slice %arg2[%dma_start3A_300, %dma_start3A_301] : memref<20480x128xf32, #tpu.memory_space<hbm>> -> memref<20480x128xf32, #tpu.memory_space<hbm>>
      tpu.enqueue_indirect_dma source(%dma_start3A_302 : memref<20480x128xf32, #tpu.memory_space<hbm>>) target(%arg8 : memref<128x128xf32, #tpu.memory_space<vmem>>) offsets(%dma_start3A_299 : memref<128xi32, #tpu.memory_space<vmem>>) semaphore(%arg11 : memref<!tpu.dma_semaphore, #tpu.memory_space<semaphore_mem>>)
      %dma_wait3A_303 = arith.constant 9 : i32
      %dma_wait3A_304 = arith.constant 0 : i32
      %dma_wait3A_305 = tpu.memref_slice %arg6[%dma_wait3A_303, %dma_wait3A_304] : memref<16x128xi32, #tpu.memory_space<vmem>> -> memref<1x128xi32, #tpu.memory_space<vmem>>
      %dma_wait3A_306 = tpu.memref_squeeze %dma_wait3A_305 : memref<1x128xi32, #tpu.memory_space<vmem>> -> memref<128xi32, #tpu.memory_space<vmem>>
      %dma_wait3A_307 = arith.constant 0 : i32
      %dma_wait3A_308 = arith.constant 0 : i32
      %dma_wait3A_309 = tpu.memref_slice %arg2[%dma_wait3A_307, %dma_wait3A_308] : memref<20480x128xf32, #tpu.memory_space<hbm>> -> memref<20480x128xf32, #tpu.memory_space<hbm>>
      tpu.wait_indirect_dma semaphore(%arg12 : memref<!tpu.dma_semaphore, #tpu.memory_space<semaphore_mem>>) src(%dma_wait3A_309 : memref<20480x128xf32, #tpu.memory_space<hbm>>) dst(%arg9 : memref<128x128xf32, #tpu.memory_space<vmem>>)
      %dma_start3A_310 = arith.constant 9 : i32
      %dma_start3A_311 = arith.constant 0 : i32
      %dma_start3A_312 = tpu.memref_slice %arg7[%dma_start3A_310, %dma_start3A_311] : memref<16x128xi32, #tpu.memory_space<vmem>> -> memref<1x128xi32, #tpu.memory_space<vmem>>
      %dma_start3A_313 = tpu.memref_squeeze %dma_start3A_312 : memref<1x128xi32, #tpu.memory_space<vmem>> -> memref<128xi32, #tpu.memory_space<vmem>>
      %dma_start3A_314 = arith.constant 0 : i32
      %dma_start3A_315 = arith.constant 0 : i32
      %dma_start3A_316 = tpu.memref_slice %arg10[%dma_start3A_314, %dma_start3A_315] : memref<10240x128xf32, #tpu.memory_space<vmem_shared>> -> memref<10240x128xf32, #tpu.memory_space<vmem_shared>>
      tpu.enqueue_indirect_dma source(%arg9 : memref<128x128xf32, #tpu.memory_space<vmem>>) target(%dma_start3A_316 : memref<10240x128xf32, #tpu.memory_space<vmem_shared>>) offsets(%dma_start3A_313 : memref<128xi32, #tpu.memory_space<vmem>>) semaphore(%arg14 : memref<!tpu.dma_semaphore, #tpu.memory_space<semaphore_mem>>) {add = true}
      %dma_wait3A_317 = arith.constant 9 : i32
      %dma_wait3A_318 = arith.constant 0 : i32
      %dma_wait3A_319 = tpu.memref_slice %arg7[%dma_wait3A_317, %dma_wait3A_318] : memref<16x128xi32, #tpu.memory_space<vmem>> -> memref<1x128xi32, #tpu.memory_space<vmem>>
      %dma_wait3A_320 = tpu.memref_squeeze %dma_wait3A_319 : memref<1x128xi32, #tpu.memory_space<vmem>> -> memref<128xi32, #tpu.memory_space<vmem>>
      %dma_wait3A_321 = arith.constant 0 : i32
      %dma_wait3A_322 = arith.constant 0 : i32
      %dma_wait3A_323 = tpu.memref_slice %arg10[%dma_wait3A_321, %dma_wait3A_322] : memref<10240x128xf32, #tpu.memory_space<vmem_shared>> -> memref<10240x128xf32, #tpu.memory_space<vmem_shared>>
      tpu.wait_indirect_dma semaphore(%arg14 : memref<!tpu.dma_semaphore, #tpu.memory_space<semaphore_mem>>) src(%arg9 : memref<128x128xf32, #tpu.memory_space<vmem>>) dst(%dma_wait3A_323 : memref<10240x128xf32, #tpu.memory_space<vmem_shared>>)
      %dma_start3A_324 = arith.constant 11 : i32
      %dma_start3A_325 = arith.constant 0 : i32
      %dma_start3A_326 = tpu.memref_slice %arg6[%dma_start3A_324, %dma_start3A_325] : memref<16x128xi32, #tpu.memory_space<vmem>> -> memref<1x128xi32, #tpu.memory_space<vmem>>
      %dma_start3A_327 = tpu.memref_squeeze %dma_start3A_326 : memref<1x128xi32, #tpu.memory_space<vmem>> -> memref<128xi32, #tpu.memory_space<vmem>>
      %dma_start3A_328 = arith.constant 0 : i32
      %dma_start3A_329 = arith.constant 0 : i32
      %dma_start3A_330 = tpu.memref_slice %arg2[%dma_start3A_328, %dma_start3A_329] : memref<20480x128xf32, #tpu.memory_space<hbm>> -> memref<20480x128xf32, #tpu.memory_space<hbm>>
      tpu.enqueue_indirect_dma source(%dma_start3A_330 : memref<20480x128xf32, #tpu.memory_space<hbm>>) target(%arg9 : memref<128x128xf32, #tpu.memory_space<vmem>>) offsets(%dma_start3A_327 : memref<128xi32, #tpu.memory_space<vmem>>) semaphore(%arg12 : memref<!tpu.dma_semaphore, #tpu.memory_space<semaphore_mem>>)
      %dma_wait3A_331 = arith.constant 10 : i32
      %dma_wait3A_332 = arith.constant 0 : i32
      %dma_wait3A_333 = tpu.memref_slice %arg6[%dma_wait3A_331, %dma_wait3A_332] : memref<16x128xi32, #tpu.memory_space<vmem>> -> memref<1x128xi32, #tpu.memory_space<vmem>>
      %dma_wait3A_334 = tpu.memref_squeeze %dma_wait3A_333 : memref<1x128xi32, #tpu.memory_space<vmem>> -> memref<128xi32, #tpu.memory_space<vmem>>
      %dma_wait3A_335 = arith.constant 0 : i32
      %dma_wait3A_336 = arith.constant 0 : i32
      %dma_wait3A_337 = tpu.memref_slice %arg2[%dma_wait3A_335, %dma_wait3A_336] : memref<20480x128xf32, #tpu.memory_space<hbm>> -> memref<20480x128xf32, #tpu.memory_space<hbm>>
      tpu.wait_indirect_dma semaphore(%arg11 : memref<!tpu.dma_semaphore, #tpu.memory_space<semaphore_mem>>) src(%dma_wait3A_337 : memref<20480x128xf32, #tpu.memory_space<hbm>>) dst(%arg8 : memref<128x128xf32, #tpu.memory_space<vmem>>)
      %dma_start3A_338 = arith.constant 10 : i32
      %dma_start3A_339 = arith.constant 0 : i32
      %dma_start3A_340 = tpu.memref_slice %arg7[%dma_start3A_338, %dma_start3A_339] : memref<16x128xi32, #tpu.memory_space<vmem>> -> memref<1x128xi32, #tpu.memory_space<vmem>>
      %dma_start3A_341 = tpu.memref_squeeze %dma_start3A_340 : memref<1x128xi32, #tpu.memory_space<vmem>> -> memref<128xi32, #tpu.memory_space<vmem>>
      %dma_start3A_342 = arith.constant 0 : i32
      %dma_start3A_343 = arith.constant 0 : i32
      %dma_start3A_344 = tpu.memref_slice %arg10[%dma_start3A_342, %dma_start3A_343] : memref<10240x128xf32, #tpu.memory_space<vmem_shared>> -> memref<10240x128xf32, #tpu.memory_space<vmem_shared>>
      tpu.enqueue_indirect_dma source(%arg8 : memref<128x128xf32, #tpu.memory_space<vmem>>) target(%dma_start3A_344 : memref<10240x128xf32, #tpu.memory_space<vmem_shared>>) offsets(%dma_start3A_341 : memref<128xi32, #tpu.memory_space<vmem>>) semaphore(%arg13 : memref<!tpu.dma_semaphore, #tpu.memory_space<semaphore_mem>>) {add = true}
      %dma_wait3A_345 = arith.constant 10 : i32
      %dma_wait3A_346 = arith.constant 0 : i32
      %dma_wait3A_347 = tpu.memref_slice %arg7[%dma_wait3A_345, %dma_wait3A_346] : memref<16x128xi32, #tpu.memory_space<vmem>> -> memref<1x128xi32, #tpu.memory_space<vmem>>
      %dma_wait3A_348 = tpu.memref_squeeze %dma_wait3A_347 : memref<1x128xi32, #tpu.memory_space<vmem>> -> memref<128xi32, #tpu.memory_space<vmem>>
      %dma_wait3A_349 = arith.constant 0 : i32
      %dma_wait3A_350 = arith.constant 0 : i32
      %dma_wait3A_351 = tpu.memref_slice %arg10[%dma_wait3A_349, %dma_wait3A_350] : memref<10240x128xf32, #tpu.memory_space<vmem_shared>> -> memref<10240x128xf32, #tpu.memory_space<vmem_shared>>
      tpu.wait_indirect_dma semaphore(%arg13 : memref<!tpu.dma_semaphore, #tpu.memory_space<semaphore_mem>>) src(%arg8 : memref<128x128xf32, #tpu.memory_space<vmem>>) dst(%dma_wait3A_351 : memref<10240x128xf32, #tpu.memory_space<vmem_shared>>)
      %dma_start3A_352 = arith.constant 12 : i32
      %dma_start3A_353 = arith.constant 0 : i32
      %dma_start3A_354 = tpu.memref_slice %arg6[%dma_start3A_352, %dma_start3A_353] : memref<16x128xi32, #tpu.memory_space<vmem>> -> memref<1x128xi32, #tpu.memory_space<vmem>>
      %dma_start3A_355 = tpu.memref_squeeze %dma_start3A_354 : memref<1x128xi32, #tpu.memory_space<vmem>> -> memref<128xi32, #tpu.memory_space<vmem>>
      %dma_start3A_356 = arith.constant 0 : i32
      %dma_start3A_357 = arith.constant 0 : i32
      %dma_start3A_358 = tpu.memref_slice %arg2[%dma_start3A_356, %dma_start3A_357] : memref<20480x128xf32, #tpu.memory_space<hbm>> -> memref<20480x128xf32, #tpu.memory_space<hbm>>
      tpu.enqueue_indirect_dma source(%dma_start3A_358 : memref<20480x128xf32, #tpu.memory_space<hbm>>) target(%arg8 : memref<128x128xf32, #tpu.memory_space<vmem>>) offsets(%dma_start3A_355 : memref<128xi32, #tpu.memory_space<vmem>>) semaphore(%arg11 : memref<!tpu.dma_semaphore, #tpu.memory_space<semaphore_mem>>)
      %dma_wait3A_359 = arith.constant 11 : i32
      %dma_wait3A_360 = arith.constant 0 : i32
      %dma_wait3A_361 = tpu.memref_slice %arg6[%dma_wait3A_359, %dma_wait3A_360] : memref<16x128xi32, #tpu.memory_space<vmem>> -> memref<1x128xi32, #tpu.memory_space<vmem>>
      %dma_wait3A_362 = tpu.memref_squeeze %dma_wait3A_361 : memref<1x128xi32, #tpu.memory_space<vmem>> -> memref<128xi32, #tpu.memory_space<vmem>>
      %dma_wait3A_363 = arith.constant 0 : i32
      %dma_wait3A_364 = arith.constant 0 : i32
      %dma_wait3A_365 = tpu.memref_slice %arg2[%dma_wait3A_363, %dma_wait3A_364] : memref<20480x128xf32, #tpu.memory_space<hbm>> -> memref<20480x128xf32, #tpu.memory_space<hbm>>
      tpu.wait_indirect_dma semaphore(%arg12 : memref<!tpu.dma_semaphore, #tpu.memory_space<semaphore_mem>>) src(%dma_wait3A_365 : memref<20480x128xf32, #tpu.memory_space<hbm>>) dst(%arg9 : memref<128x128xf32, #tpu.memory_space<vmem>>)
      %dma_start3A_366 = arith.constant 11 : i32
      %dma_start3A_367 = arith.constant 0 : i32
      %dma_start3A_368 = tpu.memref_slice %arg7[%dma_start3A_366, %dma_start3A_367] : memref<16x128xi32, #tpu.memory_space<vmem>> -> memref<1x128xi32, #tpu.memory_space<vmem>>
      %dma_start3A_369 = tpu.memref_squeeze %dma_start3A_368 : memref<1x128xi32, #tpu.memory_space<vmem>> -> memref<128xi32, #tpu.memory_space<vmem>>
      %dma_start3A_370 = arith.constant 0 : i32
      %dma_start3A_371 = arith.constant 0 : i32
      %dma_start3A_372 = tpu.memref_slice %arg10[%dma_start3A_370, %dma_start3A_371] : memref<10240x128xf32, #tpu.memory_space<vmem_shared>> -> memref<10240x128xf32, #tpu.memory_space<vmem_shared>>
      tpu.enqueue_indirect_dma source(%arg9 : memref<128x128xf32, #tpu.memory_space<vmem>>) target(%dma_start3A_372 : memref<10240x128xf32, #tpu.memory_space<vmem_shared>>) offsets(%dma_start3A_369 : memref<128xi32, #tpu.memory_space<vmem>>) semaphore(%arg14 : memref<!tpu.dma_semaphore, #tpu.memory_space<semaphore_mem>>) {add = true}
      %dma_wait3A_373 = arith.constant 11 : i32
      %dma_wait3A_374 = arith.constant 0 : i32
      %dma_wait3A_375 = tpu.memref_slice %arg7[%dma_wait3A_373, %dma_wait3A_374] : memref<16x128xi32, #tpu.memory_space<vmem>> -> memref<1x128xi32, #tpu.memory_space<vmem>>
      %dma_wait3A_376 = tpu.memref_squeeze %dma_wait3A_375 : memref<1x128xi32, #tpu.memory_space<vmem>> -> memref<128xi32, #tpu.memory_space<vmem>>
      %dma_wait3A_377 = arith.constant 0 : i32
      %dma_wait3A_378 = arith.constant 0 : i32
      %dma_wait3A_379 = tpu.memref_slice %arg10[%dma_wait3A_377, %dma_wait3A_378] : memref<10240x128xf32, #tpu.memory_space<vmem_shared>> -> memref<10240x128xf32, #tpu.memory_space<vmem_shared>>
      tpu.wait_indirect_dma semaphore(%arg14 : memref<!tpu.dma_semaphore, #tpu.memory_space<semaphore_mem>>) src(%arg9 : memref<128x128xf32, #tpu.memory_space<vmem>>) dst(%dma_wait3A_379 : memref<10240x128xf32, #tpu.memory_space<vmem_shared>>)
      %dma_start3A_380 = arith.constant 13 : i32
      %dma_start3A_381 = arith.constant 0 : i32
      %dma_start3A_382 = tpu.memref_slice %arg6[%dma_start3A_380, %dma_start3A_381] : memref<16x128xi32, #tpu.memory_space<vmem>> -> memref<1x128xi32, #tpu.memory_space<vmem>>
      %dma_start3A_383 = tpu.memref_squeeze %dma_start3A_382 : memref<1x128xi32, #tpu.memory_space<vmem>> -> memref<128xi32, #tpu.memory_space<vmem>>
      %dma_start3A_384 = arith.constant 0 : i32
      %dma_start3A_385 = arith.constant 0 : i32
      %dma_start3A_386 = tpu.memref_slice %arg2[%dma_start3A_384, %dma_start3A_385] : memref<20480x128xf32, #tpu.memory_space<hbm>> -> memref<20480x128xf32, #tpu.memory_space<hbm>>
      tpu.enqueue_indirect_dma source(%dma_start3A_386 : memref<20480x128xf32, #tpu.memory_space<hbm>>) target(%arg9 : memref<128x128xf32, #tpu.memory_space<vmem>>) offsets(%dma_start3A_383 : memref<128xi32, #tpu.memory_space<vmem>>) semaphore(%arg12 : memref<!tpu.dma_semaphore, #tpu.memory_space<semaphore_mem>>)
      %dma_wait3A_387 = arith.constant 12 : i32
      %dma_wait3A_388 = arith.constant 0 : i32
      %dma_wait3A_389 = tpu.memref_slice %arg6[%dma_wait3A_387, %dma_wait3A_388] : memref<16x128xi32, #tpu.memory_space<vmem>> -> memref<1x128xi32, #tpu.memory_space<vmem>>
      %dma_wait3A_390 = tpu.memref_squeeze %dma_wait3A_389 : memref<1x128xi32, #tpu.memory_space<vmem>> -> memref<128xi32, #tpu.memory_space<vmem>>
      %dma_wait3A_391 = arith.constant 0 : i32
      %dma_wait3A_392 = arith.constant 0 : i32
      %dma_wait3A_393 = tpu.memref_slice %arg2[%dma_wait3A_391, %dma_wait3A_392] : memref<20480x128xf32, #tpu.memory_space<hbm>> -> memref<20480x128xf32, #tpu.memory_space<hbm>>
      tpu.wait_indirect_dma semaphore(%arg11 : memref<!tpu.dma_semaphore, #tpu.memory_space<semaphore_mem>>) src(%dma_wait3A_393 : memref<20480x128xf32, #tpu.memory_space<hbm>>) dst(%arg8 : memref<128x128xf32, #tpu.memory_space<vmem>>)
      %dma_start3A_394 = arith.constant 12 : i32
      %dma_start3A_395 = arith.constant 0 : i32
      %dma_start3A_396 = tpu.memref_slice %arg7[%dma_start3A_394, %dma_start3A_395] : memref<16x128xi32, #tpu.memory_space<vmem>> -> memref<1x128xi32, #tpu.memory_space<vmem>>
      %dma_start3A_397 = tpu.memref_squeeze %dma_start3A_396 : memref<1x128xi32, #tpu.memory_space<vmem>> -> memref<128xi32, #tpu.memory_space<vmem>>
      %dma_start3A_398 = arith.constant 0 : i32
      %dma_start3A_399 = arith.constant 0 : i32
      %dma_start3A_400 = tpu.memref_slice %arg10[%dma_start3A_398, %dma_start3A_399] : memref<10240x128xf32, #tpu.memory_space<vmem_shared>> -> memref<10240x128xf32, #tpu.memory_space<vmem_shared>>
      tpu.enqueue_indirect_dma source(%arg8 : memref<128x128xf32, #tpu.memory_space<vmem>>) target(%dma_start3A_400 : memref<10240x128xf32, #tpu.memory_space<vmem_shared>>) offsets(%dma_start3A_397 : memref<128xi32, #tpu.memory_space<vmem>>) semaphore(%arg13 : memref<!tpu.dma_semaphore, #tpu.memory_space<semaphore_mem>>) {add = true}
      %dma_wait3A_401 = arith.constant 12 : i32
      %dma_wait3A_402 = arith.constant 0 : i32
      %dma_wait3A_403 = tpu.memref_slice %arg7[%dma_wait3A_401, %dma_wait3A_402] : memref<16x128xi32, #tpu.memory_space<vmem>> -> memref<1x128xi32, #tpu.memory_space<vmem>>
      %dma_wait3A_404 = tpu.memref_squeeze %dma_wait3A_403 : memref<1x128xi32, #tpu.memory_space<vmem>> -> memref<128xi32, #tpu.memory_space<vmem>>
      %dma_wait3A_405 = arith.constant 0 : i32
      %dma_wait3A_406 = arith.constant 0 : i32
      %dma_wait3A_407 = tpu.memref_slice %arg10[%dma_wait3A_405, %dma_wait3A_406] : memref<10240x128xf32, #tpu.memory_space<vmem_shared>> -> memref<10240x128xf32, #tpu.memory_space<vmem_shared>>
      tpu.wait_indirect_dma semaphore(%arg13 : memref<!tpu.dma_semaphore, #tpu.memory_space<semaphore_mem>>) src(%arg8 : memref<128x128xf32, #tpu.memory_space<vmem>>) dst(%dma_wait3A_407 : memref<10240x128xf32, #tpu.memory_space<vmem_shared>>)
      %dma_start3A_408 = arith.constant 14 : i32
      %dma_start3A_409 = arith.constant 0 : i32
      %dma_start3A_410 = tpu.memref_slice %arg6[%dma_start3A_408, %dma_start3A_409] : memref<16x128xi32, #tpu.memory_space<vmem>> -> memref<1x128xi32, #tpu.memory_space<vmem>>
      %dma_start3A_411 = tpu.memref_squeeze %dma_start3A_410 : memref<1x128xi32, #tpu.memory_space<vmem>> -> memref<128xi32, #tpu.memory_space<vmem>>
      %dma_start3A_412 = arith.constant 0 : i32
      %dma_start3A_413 = arith.constant 0 : i32
      %dma_start3A_414 = tpu.memref_slice %arg2[%dma_start3A_412, %dma_start3A_413] : memref<20480x128xf32, #tpu.memory_space<hbm>> -> memref<20480x128xf32, #tpu.memory_space<hbm>>
      tpu.enqueue_indirect_dma source(%dma_start3A_414 : memref<20480x128xf32, #tpu.memory_space<hbm>>) target(%arg8 : memref<128x128xf32, #tpu.memory_space<vmem>>) offsets(%dma_start3A_411 : memref<128xi32, #tpu.memory_space<vmem>>) semaphore(%arg11 : memref<!tpu.dma_semaphore, #tpu.memory_space<semaphore_mem>>)
      %dma_wait3A_415 = arith.constant 13 : i32
      %dma_wait3A_416 = arith.constant 0 : i32
      %dma_wait3A_417 = tpu.memref_slice %arg6[%dma_wait3A_415, %dma_wait3A_416] : memref<16x128xi32, #tpu.memory_space<vmem>> -> memref<1x128xi32, #tpu.memory_space<vmem>>
      %dma_wait3A_418 = tpu.memref_squeeze %dma_wait3A_417 : memref<1x128xi32, #tpu.memory_space<vmem>> -> memref<128xi32, #tpu.memory_space<vmem>>
      %dma_wait3A_419 = arith.constant 0 : i32
      %dma_wait3A_420 = arith.constant 0 : i32
      %dma_wait3A_421 = tpu.memref_slice %arg2[%dma_wait3A_419, %dma_wait3A_420] : memref<20480x128xf32, #tpu.memory_space<hbm>> -> memref<20480x128xf32, #tpu.memory_space<hbm>>
      tpu.wait_indirect_dma semaphore(%arg12 : memref<!tpu.dma_semaphore, #tpu.memory_space<semaphore_mem>>) src(%dma_wait3A_421 : memref<20480x128xf32, #tpu.memory_space<hbm>>) dst(%arg9 : memref<128x128xf32, #tpu.memory_space<vmem>>)
      %dma_start3A_422 = arith.constant 13 : i32
      %dma_start3A_423 = arith.constant 0 : i32
      %dma_start3A_424 = tpu.memref_slice %arg7[%dma_start3A_422, %dma_start3A_423] : memref<16x128xi32, #tpu.memory_space<vmem>> -> memref<1x128xi32, #tpu.memory_space<vmem>>
      %dma_start3A_425 = tpu.memref_squeeze %dma_start3A_424 : memref<1x128xi32, #tpu.memory_space<vmem>> -> memref<128xi32, #tpu.memory_space<vmem>>
      %dma_start3A_426 = arith.constant 0 : i32
      %dma_start3A_427 = arith.constant 0 : i32
      %dma_start3A_428 = tpu.memref_slice %arg10[%dma_start3A_426, %dma_start3A_427] : memref<10240x128xf32, #tpu.memory_space<vmem_shared>> -> memref<10240x128xf32, #tpu.memory_space<vmem_shared>>
      tpu.enqueue_indirect_dma source(%arg9 : memref<128x128xf32, #tpu.memory_space<vmem>>) target(%dma_start3A_428 : memref<10240x128xf32, #tpu.memory_space<vmem_shared>>) offsets(%dma_start3A_425 : memref<128xi32, #tpu.memory_space<vmem>>) semaphore(%arg14 : memref<!tpu.dma_semaphore, #tpu.memory_space<semaphore_mem>>) {add = true}
      %dma_wait3A_429 = arith.constant 13 : i32
      %dma_wait3A_430 = arith.constant 0 : i32
      %dma_wait3A_431 = tpu.memref_slice %arg7[%dma_wait3A_429, %dma_wait3A_430] : memref<16x128xi32, #tpu.memory_space<vmem>> -> memref<1x128xi32, #tpu.memory_space<vmem>>
      %dma_wait3A_432 = tpu.memref_squeeze %dma_wait3A_431 : memref<1x128xi32, #tpu.memory_space<vmem>> -> memref<128xi32, #tpu.memory_space<vmem>>
      %dma_wait3A_433 = arith.constant 0 : i32
      %dma_wait3A_434 = arith.constant 0 : i32
      %dma_wait3A_435 = tpu.memref_slice %arg10[%dma_wait3A_433, %dma_wait3A_434] : memref<10240x128xf32, #tpu.memory_space<vmem_shared>> -> memref<10240x128xf32, #tpu.memory_space<vmem_shared>>
      tpu.wait_indirect_dma semaphore(%arg14 : memref<!tpu.dma_semaphore, #tpu.memory_space<semaphore_mem>>) src(%arg9 : memref<128x128xf32, #tpu.memory_space<vmem>>) dst(%dma_wait3A_435 : memref<10240x128xf32, #tpu.memory_space<vmem_shared>>)
      %dma_start3A_436 = arith.constant 15 : i32
      %dma_start3A_437 = arith.constant 0 : i32
      %dma_start3A_438 = tpu.memref_slice %arg6[%dma_start3A_436, %dma_start3A_437] : memref<16x128xi32, #tpu.memory_space<vmem>> -> memref<1x128xi32, #tpu.memory_space<vmem>>
      %dma_start3A_439 = tpu.memref_squeeze %dma_start3A_438 : memref<1x128xi32, #tpu.memory_space<vmem>> -> memref<128xi32, #tpu.memory_space<vmem>>
      %dma_start3A_440 = arith.constant 0 : i32
      %dma_start3A_441 = arith.constant 0 : i32
      %dma_start3A_442 = tpu.memref_slice %arg2[%dma_start3A_440, %dma_start3A_441] : memref<20480x128xf32, #tpu.memory_space<hbm>> -> memref<20480x128xf32, #tpu.memory_space<hbm>>
      tpu.enqueue_indirect_dma source(%dma_start3A_442 : memref<20480x128xf32, #tpu.memory_space<hbm>>) target(%arg9 : memref<128x128xf32, #tpu.memory_space<vmem>>) offsets(%dma_start3A_439 : memref<128xi32, #tpu.memory_space<vmem>>) semaphore(%arg12 : memref<!tpu.dma_semaphore, #tpu.memory_space<semaphore_mem>>)
      %dma_wait3A_443 = arith.constant 14 : i32
      %dma_wait3A_444 = arith.constant 0 : i32
      %dma_wait3A_445 = tpu.memref_slice %arg6[%dma_wait3A_443, %dma_wait3A_444] : memref<16x128xi32, #tpu.memory_space<vmem>> -> memref<1x128xi32, #tpu.memory_space<vmem>>
      %dma_wait3A_446 = tpu.memref_squeeze %dma_wait3A_445 : memref<1x128xi32, #tpu.memory_space<vmem>> -> memref<128xi32, #tpu.memory_space<vmem>>
      %dma_wait3A_447 = arith.constant 0 : i32
      %dma_wait3A_448 = arith.constant 0 : i32
      %dma_wait3A_449 = tpu.memref_slice %arg2[%dma_wait3A_447, %dma_wait3A_448] : memref<20480x128xf32, #tpu.memory_space<hbm>> -> memref<20480x128xf32, #tpu.memory_space<hbm>>
      tpu.wait_indirect_dma semaphore(%arg11 : memref<!tpu.dma_semaphore, #tpu.memory_space<semaphore_mem>>) src(%dma_wait3A_449 : memref<20480x128xf32, #tpu.memory_space<hbm>>) dst(%arg8 : memref<128x128xf32, #tpu.memory_space<vmem>>)
      %dma_start3A_450 = arith.constant 14 : i32
      %dma_start3A_451 = arith.constant 0 : i32
      %dma_start3A_452 = tpu.memref_slice %arg7[%dma_start3A_450, %dma_start3A_451] : memref<16x128xi32, #tpu.memory_space<vmem>> -> memref<1x128xi32, #tpu.memory_space<vmem>>
      %dma_start3A_453 = tpu.memref_squeeze %dma_start3A_452 : memref<1x128xi32, #tpu.memory_space<vmem>> -> memref<128xi32, #tpu.memory_space<vmem>>
      %dma_start3A_454 = arith.constant 0 : i32
      %dma_start3A_455 = arith.constant 0 : i32
      %dma_start3A_456 = tpu.memref_slice %arg10[%dma_start3A_454, %dma_start3A_455] : memref<10240x128xf32, #tpu.memory_space<vmem_shared>> -> memref<10240x128xf32, #tpu.memory_space<vmem_shared>>
      tpu.enqueue_indirect_dma source(%arg8 : memref<128x128xf32, #tpu.memory_space<vmem>>) target(%dma_start3A_456 : memref<10240x128xf32, #tpu.memory_space<vmem_shared>>) offsets(%dma_start3A_453 : memref<128xi32, #tpu.memory_space<vmem>>) semaphore(%arg13 : memref<!tpu.dma_semaphore, #tpu.memory_space<semaphore_mem>>) {add = true}
      %dma_wait3A_457 = arith.constant 15 : i32
      %dma_wait3A_458 = arith.constant 0 : i32
      %dma_wait3A_459 = tpu.memref_slice %arg6[%dma_wait3A_457, %dma_wait3A_458] : memref<16x128xi32, #tpu.memory_space<vmem>> -> memref<1x128xi32, #tpu.memory_space<vmem>>
      %dma_wait3A_460 = tpu.memref_squeeze %dma_wait3A_459 : memref<1x128xi32, #tpu.memory_space<vmem>> -> memref<128xi32, #tpu.memory_space<vmem>>
      %dma_wait3A_461 = arith.constant 0 : i32
      %dma_wait3A_462 = arith.constant 0 : i32
      %dma_wait3A_463 = tpu.memref_slice %arg2[%dma_wait3A_461, %dma_wait3A_462] : memref<20480x128xf32, #tpu.memory_space<hbm>> -> memref<20480x128xf32, #tpu.memory_space<hbm>>
      tpu.wait_indirect_dma semaphore(%arg12 : memref<!tpu.dma_semaphore, #tpu.memory_space<semaphore_mem>>) src(%dma_wait3A_463 : memref<20480x128xf32, #tpu.memory_space<hbm>>) dst(%arg9 : memref<128x128xf32, #tpu.memory_space<vmem>>)
      %dma_start3A_464 = arith.constant 15 : i32
      %dma_start3A_465 = arith.constant 0 : i32
      %dma_start3A_466 = tpu.memref_slice %arg7[%dma_start3A_464, %dma_start3A_465] : memref<16x128xi32, #tpu.memory_space<vmem>> -> memref<1x128xi32, #tpu.memory_space<vmem>>
      %dma_start3A_467 = tpu.memref_squeeze %dma_start3A_466 : memref<1x128xi32, #tpu.memory_space<vmem>> -> memref<128xi32, #tpu.memory_space<vmem>>
      %dma_start3A_468 = arith.constant 0 : i32
      %dma_start3A_469 = arith.constant 0 : i32
      %dma_start3A_470 = tpu.memref_slice %arg10[%dma_start3A_468, %dma_start3A_469] : memref<10240x128xf32, #tpu.memory_space<vmem_shared>> -> memref<10240x128xf32, #tpu.memory_space<vmem_shared>>
      tpu.enqueue_indirect_dma source(%arg9 : memref<128x128xf32, #tpu.memory_space<vmem>>) target(%dma_start3A_470 : memref<10240x128xf32, #tpu.memory_space<vmem_shared>>) offsets(%dma_start3A_467 : memref<128xi32, #tpu.memory_space<vmem>>) semaphore(%arg14 : memref<!tpu.dma_semaphore, #tpu.memory_space<semaphore_mem>>) {add = true}
      %dma_wait3A_471 = arith.constant 14 : i32
      %dma_wait3A_472 = arith.constant 0 : i32
      %dma_wait3A_473 = tpu.memref_slice %arg7[%dma_wait3A_471, %dma_wait3A_472] : memref<16x128xi32, #tpu.memory_space<vmem>> -> memref<1x128xi32, #tpu.memory_space<vmem>>
      %dma_wait3A_474 = tpu.memref_squeeze %dma_wait3A_473 : memref<1x128xi32, #tpu.memory_space<vmem>> -> memref<128xi32, #tpu.memory_space<vmem>>
      %dma_wait3A_475 = arith.constant 0 : i32
      %dma_wait3A_476 = arith.constant 0 : i32
      %dma_wait3A_477 = tpu.memref_slice %arg10[%dma_wait3A_475, %dma_wait3A_476] : memref<10240x128xf32, #tpu.memory_space<vmem_shared>> -> memref<10240x128xf32, #tpu.memory_space<vmem_shared>>
      tpu.wait_indirect_dma semaphore(%arg13 : memref<!tpu.dma_semaphore, #tpu.memory_space<semaphore_mem>>) src(%arg8 : memref<128x128xf32, #tpu.memory_space<vmem>>) dst(%dma_wait3A_477 : memref<10240x128xf32, #tpu.memory_space<vmem_shared>>)
      %dma_wait3A_478 = arith.constant 15 : i32
      %dma_wait3A_479 = arith.constant 0 : i32
      %dma_wait3A_480 = tpu.memref_slice %arg7[%dma_wait3A_478, %dma_wait3A_479] : memref<16x128xi32, #tpu.memory_space<vmem>> -> memref<1x128xi32, #tpu.memory_space<vmem>>
      %dma_wait3A_481 = tpu.memref_squeeze %dma_wait3A_480 : memref<1x128xi32, #tpu.memory_space<vmem>> -> memref<128xi32, #tpu.memory_space<vmem>>
      %dma_wait3A_482 = arith.constant 0 : i32
      %dma_wait3A_483 = arith.constant 0 : i32
      %dma_wait3A_484 = tpu.memref_slice %arg10[%dma_wait3A_482, %dma_wait3A_483] : memref<10240x128xf32, #tpu.memory_space<vmem_shared>> -> memref<10240x128xf32, #tpu.memory_space<vmem_shared>>
      tpu.wait_indirect_dma semaphore(%arg14 : memref<!tpu.dma_semaphore, #tpu.memory_space<semaphore_mem>>) src(%arg9 : memref<128x128xf32, #tpu.memory_space<vmem>>) dst(%dma_wait3A_484 : memref<10240x128xf32, #tpu.memory_space<vmem_shared>>)
    }
    %scan3A_14 = arith.constant 10 : i32
    %barrier3A_15 = arith.constant 0 : index
    tpu.barrier barrier_id(%barrier3A_15)
    %mul3A = arith.constant 640 : i32
    %mul3A_16 = arith.muli %arg1, %mul3A : i32
    %mul3A_17 = arith.constant 10240 : i32
    %mul3A_18 = arith.muli %arg0, %mul3A_17 : i32
    %mul3A_19 = arith.constant 640 : i32
    %mul3A_20 = arith.muli %arg1, %mul3A_19 : i32
    %add3A = arith.addi %mul3A_18, %mul3A_20 : i32
    "tpu.region"() ({
      %run_scoped3A = tpu.sem_alloc : memref<!tpu.dma_semaphore, #tpu.memory_space<semaphore_mem>>
      %dma_start3A = arith.constant 0 : i32
      %dma_start3A_21 = tpu.memref_slice %arg5[%add3A, %dma_start3A] : memref<20480x128xf32, #tpu.memory_space<hbm>> -> memref<640x128xf32, #tpu.memory_space<hbm>>
      %dma_start3A_22 = arith.constant 0 : i32
      %dma_start3A_23 = tpu.memref_slice %arg10[%mul3A_16, %dma_start3A_22] : memref<10240x128xf32, #tpu.memory_space<vmem_shared>> -> memref<640x128xf32, #tpu.memory_space<vmem_shared>>
      tpu.enqueue_dma source(%dma_start3A_23 : memref<640x128xf32, #tpu.memory_space<vmem_shared>>) target(%dma_start3A_21 : memref<640x128xf32, #tpu.memory_space<hbm>>) target_semaphore(%run_scoped3A : memref<!tpu.dma_semaphore, #tpu.memory_space<semaphore_mem>>)
      %dma_wait3A = arith.constant 0 : i32
      %dma_wait3A_24 = tpu.memref_slice %arg5[%add3A, %dma_wait3A] : memref<20480x128xf32, #tpu.memory_space<hbm>> -> memref<640x128xf32, #tpu.memory_space<hbm>>
      %dma_wait3A_25 = arith.constant 0 : i32
      %dma_wait3A_26 = tpu.memref_slice %arg10[%mul3A_16, %dma_wait3A_25] : memref<10240x128xf32, #tpu.memory_space<vmem_shared>> -> memref<640x128xf32, #tpu.memory_space<vmem_shared>>
      tpu.wait_dma2 semaphore(%run_scoped3A : memref<!tpu.dma_semaphore, #tpu.memory_space<semaphore_mem>>) src(%dma_wait3A_26 : memref<640x128xf32, #tpu.memory_space<vmem_shared>>) dst(%dma_wait3A_24 : memref<640x128xf32, #tpu.memory_space<hbm>>)
      tpu.yield
    }) : () -> ()
    return
  }
}

#map = affine_map<(d0, d1) -> (0, 0)>
module attributes {stable_mosaic.version = 14 : i64} {
  func.func @deg_kernel(%arg0: i32, %arg1: i32, %arg2: memref<2560x128xi32, #tpu.memory_space<hbm>>, %arg3: memref<2x10240xf32, #tpu.memory_space<hbm>>, %arg4: memref<80x128xi32, #tpu.memory_space<vmem>>, %arg5: memref<128xf32, #tpu.memory_space<vmem>>, %arg6: memref<640xf32, #tpu.memory_space<vmem>>, %arg7: memref<10240xf32, #tpu.memory_space<vmem_shared>>) attributes {dimension_semantics = [#tpu.dimension_semantics<core_parallel>, #tpu.dimension_semantics<subcore_parallel>], iteration_bounds = array<i64: 2, 16>, scalar_prefetch = 0 : i64, scratch_operands = 4 : i64, tpu.core_type = #tpu.core_type<sc_vector_subcore>, window_params = [{transform_indices = #map}, {transform_indices = #map}]} {
    %broadcast_in_dim3A = arith.constant 0.000000e+00 : f32
    %broadcast_in_dim3A_0 = vector.broadcast %broadcast_in_dim3A : f32 to vector<16xf32>
    %scan3A = arith.constant 0 : i32
    %scan3A_1 = arith.constant 40 : i32
    %scan3A_2 = arith.addi %scan3A, %scan3A_1 : i32
    %scan3A_3 = arith.constant 1 : i32
    scf.for %scan3A_27 = %scan3A to %scan3A_2 step %scan3A_3  : i32 {
      %mul3A_28 = arith.constant 1 : i32
      %mul3A_29 = arith.muli %scan3A_27, %mul3A_28 : i32
      %add3A_30 = arith.constant 0 : i32
      %add3A_31 = arith.addi %add3A_30, %mul3A_29 : i32
      %mul3A_32 = arith.constant 16 : i32
      %mul3A_33 = arith.muli %add3A_31, %mul3A_32 : i32
      %swap3A = arith.index_cast %mul3A_33 : i32 to index
      %swap3A_34 = tpu.vector_load %arg6[%swap3A] {strides = array<i32>} : memref<640xf32, #tpu.memory_space<vmem>>, vector<16xf32>,
      %swap3A_35 = vector.shape_cast %swap3A_34 : vector<16xf32> to vector<16xf32>
      %swap3A_36 = vector.shape_cast %broadcast_in_dim3A_0 : vector<16xf32> to vector<16xf32>
      tpu.vector_store %arg6[%swap3A], %swap3A_36 {strides = array<i32>} : memref<640xf32, #tpu.memory_space<vmem>>, vector<16xf32>,
    }
    %scan3A_4 = arith.constant 40 : i32
    %broadcast_in_dim3A_5 = arith.constant 1.000000e+00 : f32
    %broadcast_in_dim3A_6 = vector.broadcast %broadcast_in_dim3A_5 : f32 to vector<16xf32>
    %scan3A_7 = arith.constant 0 : i32
    %scan3A_8 = arith.constant 8 : i32
    %scan3A_9 = arith.addi %scan3A_7, %scan3A_8 : i32
    %scan3A_10 = arith.constant 1 : i32
    scf.for %scan3A_27 = %scan3A_7 to %scan3A_9 step %scan3A_10  : i32 {
      %mul3A_28 = arith.constant 1 : i32
      %mul3A_29 = arith.muli %scan3A_27, %mul3A_28 : i32
      %add3A_30 = arith.constant 0 : i32
      %add3A_31 = arith.addi %add3A_30, %mul3A_29 : i32
      %mul3A_32 = arith.constant 16 : i32
      %mul3A_33 = arith.muli %add3A_31, %mul3A_32 : i32
      %swap3A = arith.index_cast %mul3A_33 : i32 to index
      %swap3A_34 = tpu.vector_load %arg5[%swap3A] {strides = array<i32>} : memref<128xf32, #tpu.memory_space<vmem>>, vector<16xf32>,
      %swap3A_35 = vector.shape_cast %swap3A_34 : vector<16xf32> to vector<16xf32>
      %swap3A_36 = vector.shape_cast %broadcast_in_dim3A_6 : vector<16xf32> to vector<16xf32>
      tpu.vector_store %arg5[%swap3A], %swap3A_36 {strides = array<i32>} : memref<128xf32, #tpu.memory_space<vmem>>, vector<16xf32>,
    }
    %scan3A_11 = arith.constant 8 : i32
    %mul3A = arith.constant 640 : i32
    %mul3A_12 = arith.muli %arg1, %mul3A : i32
    "tpu.region"() ({
      %run_scoped3A = tpu.sem_alloc : memref<!tpu.dma_semaphore, #tpu.memory_space<semaphore_mem>>
      %dma_start3A = tpu.memref_slice %arg7[%mul3A_12] : memref<10240xf32, #tpu.memory_space<vmem_shared>> -> memref<640xf32, #tpu.memory_space<vmem_shared>>
      %dma_start3A_27 = tpu.memref_slice %arg7[%mul3A_12] : memref<10240xf32, #tpu.memory_space<vmem_shared>> -> memref<640xf32, #tpu.memory_space<vmem_shared>>
      tpu.enqueue_dma source(%arg6 : memref<640xf32, #tpu.memory_space<vmem>>) target(%dma_start3A_27 : memref<640xf32, #tpu.memory_space<vmem_shared>>) target_semaphore(%run_scoped3A : memref<!tpu.dma_semaphore, #tpu.memory_space<semaphore_mem>>)
      %dma_wait3A = tpu.memref_slice %arg7[%mul3A_12] : memref<10240xf32, #tpu.memory_space<vmem_shared>> -> memref<640xf32, #tpu.memory_space<vmem_shared>>
      %dma_wait3A_28 = tpu.memref_slice %arg7[%mul3A_12] : memref<10240xf32, #tpu.memory_space<vmem_shared>> -> memref<640xf32, #tpu.memory_space<vmem_shared>>
      tpu.wait_dma2 semaphore(%run_scoped3A : memref<!tpu.dma_semaphore, #tpu.memory_space<semaphore_mem>>) src(%arg6 : memref<640xf32, #tpu.memory_space<vmem>>) dst(%dma_wait3A_28 : memref<640xf32, #tpu.memory_space<vmem_shared>>)
      tpu.yield
    }) : () -> ()
    %mul3A_13 = arith.constant 16 : i32
    %mul3A_14 = arith.muli %arg0, %mul3A_13 : i32
    %add3A = arith.addi %mul3A_14, %arg1 : i32
    %mul3A_15 = arith.constant 80 : i32
    %mul3A_16 = arith.muli %add3A, %mul3A_15 : i32
    "tpu.region"() ({
      %run_scoped3A = tpu.sem_alloc : memref<!tpu.dma_semaphore, #tpu.memory_space<semaphore_mem>>
      %dma_start3A = arith.constant 0 : i32
      %dma_start3A_27 = tpu.memref_slice %arg2[%mul3A_16, %dma_start3A] : memref<2560x128xi32, #tpu.memory_space<hbm>> -> memref<80x128xi32, #tpu.memory_space<hbm>>
      %dma_start3A_28 = arith.constant 0 : i32
      %dma_start3A_29 = tpu.memref_slice %arg2[%mul3A_16, %dma_start3A_28] : memref<2560x128xi32, #tpu.memory_space<hbm>> -> memref<80x128xi32, #tpu.memory_space<hbm>>
      tpu.enqueue_dma source(%dma_start3A_29 : memref<80x128xi32, #tpu.memory_space<hbm>>) target(%arg4 : memref<80x128xi32, #tpu.memory_space<vmem>>) target_semaphore(%run_scoped3A : memref<!tpu.dma_semaphore, #tpu.memory_space<semaphore_mem>>)
      %dma_wait3A = arith.constant 0 : i32
      %dma_wait3A_30 = tpu.memref_slice %arg2[%mul3A_16, %dma_wait3A] : memref<2560x128xi32, #tpu.memory_space<hbm>> -> memref<80x128xi32, #tpu.memory_space<hbm>>
      %dma_wait3A_31 = arith.constant 0 : i32
      %dma_wait3A_32 = tpu.memref_slice %arg2[%mul3A_16, %dma_wait3A_31] : memref<2560x128xi32, #tpu.memory_space<hbm>> -> memref<80x128xi32, #tpu.memory_space<hbm>>
      tpu.wait_dma2 semaphore(%run_scoped3A : memref<!tpu.dma_semaphore, #tpu.memory_space<semaphore_mem>>) src(%dma_wait3A_32 : memref<80x128xi32, #tpu.memory_space<hbm>>) dst(%arg4 : memref<80x128xi32, #tpu.memory_space<vmem>>)
      tpu.yield
    }) : () -> ()
    %barrier3A = arith.constant 0 : index
    tpu.barrier barrier_id(%barrier3A)
    %scan3A_17 = arith.constant 0 : i32
    %scan3A_18 = arith.constant 80 : i32
    %scan3A_19 = arith.addi %scan3A_17, %scan3A_18 : i32
    %scan3A_20 = arith.constant 1 : i32
    scf.for %scan3A_27 = %scan3A_17 to %scan3A_19 step %scan3A_20  : i32 {
      %mul3A_28 = arith.constant 1 : i32
      %mul3A_29 = arith.muli %scan3A_27, %mul3A_28 : i32
      %add3A_30 = arith.constant 0 : i32
      %add3A_31 = arith.addi %add3A_30, %mul3A_29 : i32
      "tpu.region"() ({
        %run_scoped3A = tpu.sem_alloc : memref<!tpu.dma_semaphore, #tpu.memory_space<semaphore_mem>>
        %dma_start3A = arith.constant 0 : i32
        %dma_start3A_32 = tpu.memref_slice %arg4[%add3A_31, %dma_start3A] : memref<80x128xi32, #tpu.memory_space<vmem>> -> memref<1x128xi32, #tpu.memory_space<vmem>>
        %dma_start3A_33 = tpu.memref_squeeze %dma_start3A_32 : memref<1x128xi32, #tpu.memory_space<vmem>> -> memref<128xi32, #tpu.memory_space<vmem>>
        %dma_start3A_34 = arith.constant 0 : i32
        %dma_start3A_35 = tpu.memref_slice %arg7[%dma_start3A_34] : memref<10240xf32, #tpu.memory_space<vmem_shared>> -> memref<10240xf32, #tpu.memory_space<vmem_shared>>
        tpu.enqueue_indirect_dma source(%arg5 : memref<128xf32, #tpu.memory_space<vmem>>) target(%dma_start3A_35 : memref<10240xf32, #tpu.memory_space<vmem_shared>>) offsets(%dma_start3A_33 : memref<128xi32, #tpu.memory_space<vmem>>) semaphore(%run_scoped3A : memref<!tpu.dma_semaphore, #tpu.memory_space<semaphore_mem>>) {add = true}
        %dma_wait3A = arith.constant 0 : i32
        %dma_wait3A_36 = tpu.memref_slice %arg4[%add3A_31, %dma_wait3A] : memref<80x128xi32, #tpu.memory_space<vmem>> -> memref<1x128xi32, #tpu.memory_space<vmem>>
        %dma_wait3A_37 = tpu.memref_squeeze %dma_wait3A_36 : memref<1x128xi32, #tpu.memory_space<vmem>> -> memref<128xi32, #tpu.memory_space<vmem>>
        %dma_wait3A_38 = arith.constant 0 : i32
        %dma_wait3A_39 = tpu.memref_slice %arg7[%dma_wait3A_38] : memref<10240xf32, #tpu.memory_space<vmem_shared>> -> memref<10240xf32, #tpu.memory_space<vmem_shared>>
        tpu.wait_indirect_dma semaphore(%run_scoped3A : memref<!tpu.dma_semaphore, #tpu.memory_space<semaphore_mem>>) src(%arg5 : memref<128xf32, #tpu.memory_space<vmem>>) dst(%dma_wait3A_39 : memref<10240xf32, #tpu.memory_space<vmem_shared>>)
        tpu.yield
      }) : () -> ()
    }
    %scan3A_21 = arith.constant 80 : i32
    %barrier3A_22 = arith.constant 0 : index
    tpu.barrier barrier_id(%barrier3A_22)
    %mul3A_23 = arith.constant 640 : i32
    %mul3A_24 = arith.muli %arg1, %mul3A_23 : i32
    "tpu.region"() ({
      %run_scoped3A = tpu.sem_alloc : memref<!tpu.dma_semaphore, #tpu.memory_space<semaphore_mem>>
      %dma_start3A = tpu.memref_slice %arg7[%mul3A_24] : memref<10240xf32, #tpu.memory_space<vmem_shared>> -> memref<640xf32, #tpu.memory_space<vmem_shared>>
      %dma_start3A_27 = tpu.memref_slice %arg7[%mul3A_24] : memref<10240xf32, #tpu.memory_space<vmem_shared>> -> memref<640xf32, #tpu.memory_space<vmem_shared>>
      tpu.enqueue_dma source(%dma_start3A_27 : memref<640xf32, #tpu.memory_space<vmem_shared>>) target(%arg6 : memref<640xf32, #tpu.memory_space<vmem>>) target_semaphore(%run_scoped3A : memref<!tpu.dma_semaphore, #tpu.memory_space<semaphore_mem>>)
      %dma_wait3A = tpu.memref_slice %arg7[%mul3A_24] : memref<10240xf32, #tpu.memory_space<vmem_shared>> -> memref<640xf32, #tpu.memory_space<vmem_shared>>
      %dma_wait3A_28 = tpu.memref_slice %arg7[%mul3A_24] : memref<10240xf32, #tpu.memory_space<vmem_shared>> -> memref<640xf32, #tpu.memory_space<vmem_shared>>
      tpu.wait_dma2 semaphore(%run_scoped3A : memref<!tpu.dma_semaphore, #tpu.memory_space<semaphore_mem>>) src(%dma_wait3A_28 : memref<640xf32, #tpu.memory_space<vmem_shared>>) dst(%arg6 : memref<640xf32, #tpu.memory_space<vmem>>)
      tpu.yield
    }) : () -> ()
    %mul3A_25 = arith.constant 640 : i32
    %mul3A_26 = arith.muli %arg1, %mul3A_25 : i32
    "tpu.region"() ({
      %run_scoped3A = tpu.sem_alloc : memref<!tpu.dma_semaphore, #tpu.memory_space<semaphore_mem>>
      %dma_start3A = tpu.memref_slice %arg3[%arg0, %mul3A_26] : memref<2x10240xf32, #tpu.memory_space<hbm>> -> memref<1x640xf32, #tpu.memory_space<hbm>>
      %dma_start3A_27 = tpu.memref_squeeze %dma_start3A : memref<1x640xf32, #tpu.memory_space<hbm>> -> memref<640xf32, #tpu.memory_space<hbm>>
      %dma_start3A_28 = tpu.memref_slice %arg3[%arg0, %mul3A_26] : memref<2x10240xf32, #tpu.memory_space<hbm>> -> memref<1x640xf32, #tpu.memory_space<hbm>>
      %dma_start3A_29 = tpu.memref_squeeze %dma_start3A_28 : memref<1x640xf32, #tpu.memory_space<hbm>> -> memref<640xf32, #tpu.memory_space<hbm>>
      tpu.enqueue_dma source(%arg6 : memref<640xf32, #tpu.memory_space<vmem>>) target(%dma_start3A_29 : memref<640xf32, #tpu.memory_space<hbm>>) target_semaphore(%run_scoped3A : memref<!tpu.dma_semaphore, #tpu.memory_space<semaphore_mem>>)
      %dma_wait3A = tpu.memref_slice %arg3[%arg0, %mul3A_26] : memref<2x10240xf32, #tpu.memory_space<hbm>> -> memref<1x640xf32, #tpu.memory_space<hbm>>
      %dma_wait3A_30 = tpu.memref_squeeze %dma_wait3A : memref<1x640xf32, #tpu.memory_space<hbm>> -> memref<640xf32, #tpu.memory_space<hbm>>
      %dma_wait3A_31 = tpu.memref_slice %arg3[%arg0, %mul3A_26] : memref<2x10240xf32, #tpu.memory_space<hbm>> -> memref<1x640xf32, #tpu.memory_space<hbm>>
      %dma_wait3A_32 = tpu.memref_squeeze %dma_wait3A_31 : memref<1x640xf32, #tpu.memory_space<hbm>> -> memref<640xf32, #tpu.memory_space<hbm>>
      tpu.wait_dma2 semaphore(%run_scoped3A : memref<!tpu.dma_semaphore, #tpu.memory_space<semaphore_mem>>) src(%arg6 : memref<640xf32, #tpu.memory_space<vmem>>) dst(%dma_wait3A_32 : memref<640xf32, #tpu.memory_space<hbm>>)
      tpu.yield
    }) : () -> ()
    return
  }
}

#map = affine_map<(d0, d1) -> (0, 0)>
module attributes {stable_mosaic.version = 14 : i64} {
  func.func @edge_kernel(%arg0: i32, %arg1: i32, %arg2: memref<20480x128xf32, #tpu.memory_space<hbm>>, %arg3: memref<5120x128xi32, #tpu.memory_space<hbm>>, %arg4: memref<2560x128xi32, #tpu.memory_space<hbm>>, %arg5: memref<20480x128xf32, #tpu.memory_space<hbm>>, %arg6: memref<16x128xi32, #tpu.memory_space<vmem>>, %arg7: memref<16x128xi32, #tpu.memory_space<vmem>>, %arg8: memref<128x128xf32, #tpu.memory_space<vmem>>, %arg9: memref<128x128xf32, #tpu.memory_space<vmem>>, %arg10: memref<10240x128xf32, #tpu.memory_space<vmem_shared>>, %arg11: memref<!tpu.dma_semaphore, #tpu.memory_space<semaphore_mem>>, %arg12: memref<!tpu.dma_semaphore, #tpu.memory_space<semaphore_mem>>, %arg13: memref<!tpu.dma_semaphore, #tpu.memory_space<semaphore_mem>>, %arg14: memref<!tpu.dma_semaphore, #tpu.memory_space<semaphore_mem>>) attributes {dimension_semantics = [#tpu.dimension_semantics<core_parallel>, #tpu.dimension_semantics<subcore_parallel>], iteration_bounds = array<i64: 2, 16>, scalar_prefetch = 0 : i64, scratch_operands = 9 : i64, tpu.core_type = #tpu.core_type<sc_vector_subcore>, window_params = [{transform_indices = #map}, {transform_indices = #map}, {transform_indices = #map}, {transform_indices = #map}]} {
    %broadcast_in_dim3A = arith.constant 0.000000e+00 : f32
    %broadcast_in_dim3A_0 = vector.broadcast %broadcast_in_dim3A : f32 to vector<16xf32>
    %scan3A = arith.constant 0 : i32
    %scan3A_1 = arith.constant 128 : i32
    %scan3A_2 = arith.addi %scan3A, %scan3A_1 : i32
    %scan3A_3 = arith.constant 1 : i32
    scf.for %scan3A_21 = %scan3A to %scan3A_2 step %scan3A_3  : i32 {
      %mul3A_22 = arith.constant 1 : i32
      %mul3A_23 = arith.muli %scan3A_21, %mul3A_22 : i32
      %add3A_24 = arith.constant 0 : i32
      %add3A_25 = arith.addi %add3A_24, %mul3A_23 : i32
      %swap3A = arith.index_cast %add3A_25 : i32 to index
      %swap3A_26 = arith.constant 0 : index
      %swap3A_27 = tpu.vector_load %arg8[%swap3A, %swap3A_26] {strides = array<i32>} : memref<128x128xf32, #tpu.memory_space<vmem>>, vector<1x16xf32>,
      %swap3A_28 = vector.shape_cast %swap3A_27 : vector<1x16xf32> to vector<16xf32>
      %swap3A_29 = vector.shape_cast %broadcast_in_dim3A_0 : vector<16xf32> to vector<1x16xf32>
      tpu.vector_store %arg8[%swap3A, %swap3A_26], %swap3A_29 {strides = array<i32>} : memref<128x128xf32, #tpu.memory_space<vmem>>, vector<1x16xf32>,
      %swap3A_30 = arith.index_cast %add3A_25 : i32 to index
      %swap3A_31 = arith.constant 16 : index
      %swap3A_32 = tpu.vector_load %arg8[%swap3A_30, %swap3A_31] {strides = array<i32>} : memref<128x128xf32, #tpu.memory_space<vmem>>, vector<1x16xf32>,
      %swap3A_33 = vector.shape_cast %swap3A_32 : vector<1x16xf32> to vector<16xf32>
      %swap3A_34 = vector.shape_cast %broadcast_in_dim3A_0 : vector<16xf32> to vector<1x16xf32>
      tpu.vector_store %arg8[%swap3A_30, %swap3A_31], %swap3A_34 {strides = array<i32>} : memref<128x128xf32, #tpu.memory_space<vmem>>, vector<1x16xf32>,
      %swap3A_35 = arith.index_cast %add3A_25 : i32 to index
      %swap3A_36 = arith.constant 32 : index
      %swap3A_37 = tpu.vector_load %arg8[%swap3A_35, %swap3A_36] {strides = array<i32>} : memref<128x128xf32, #tpu.memory_space<vmem>>, vector<1x16xf32>,
      %swap3A_38 = vector.shape_cast %swap3A_37 : vector<1x16xf32> to vector<16xf32>
      %swap3A_39 = vector.shape_cast %broadcast_in_dim3A_0 : vector<16xf32> to vector<1x16xf32>
      tpu.vector_store %arg8[%swap3A_35, %swap3A_36], %swap3A_39 {strides = array<i32>} : memref<128x128xf32, #tpu.memory_space<vmem>>, vector<1x16xf32>,
      %swap3A_40 = arith.index_cast %add3A_25 : i32 to index
      %swap3A_41 = arith.constant 48 : index
      %swap3A_42 = tpu.vector_load %arg8[%swap3A_40, %swap3A_41] {strides = array<i32>} : memref<128x128xf32, #tpu.memory_space<vmem>>, vector<1x16xf32>,
      %swap3A_43 = vector.shape_cast %swap3A_42 : vector<1x16xf32> to vector<16xf32>
      %swap3A_44 = vector.shape_cast %broadcast_in_dim3A_0 : vector<16xf32> to vector<1x16xf32>
      tpu.vector_store %arg8[%swap3A_40, %swap3A_41], %swap3A_44 {strides = array<i32>} : memref<128x128xf32, #tpu.memory_space<vmem>>, vector<1x16xf32>,
      %swap3A_45 = arith.index_cast %add3A_25 : i32 to index
      %swap3A_46 = arith.constant 64 : index
      %swap3A_47 = tpu.vector_load %arg8[%swap3A_45, %swap3A_46] {strides = array<i32>} : memref<128x128xf32, #tpu.memory_space<vmem>>, vector<1x16xf32>,
      %swap3A_48 = vector.shape_cast %swap3A_47 : vector<1x16xf32> to vector<16xf32>
      %swap3A_49 = vector.shape_cast %broadcast_in_dim3A_0 : vector<16xf32> to vector<1x16xf32>
      tpu.vector_store %arg8[%swap3A_45, %swap3A_46], %swap3A_49 {strides = array<i32>} : memref<128x128xf32, #tpu.memory_space<vmem>>, vector<1x16xf32>,
      %swap3A_50 = arith.index_cast %add3A_25 : i32 to index
      %swap3A_51 = arith.constant 80 : index
      %swap3A_52 = tpu.vector_load %arg8[%swap3A_50, %swap3A_51] {strides = array<i32>} : memref<128x128xf32, #tpu.memory_space<vmem>>, vector<1x16xf32>,
      %swap3A_53 = vector.shape_cast %swap3A_52 : vector<1x16xf32> to vector<16xf32>
      %swap3A_54 = vector.shape_cast %broadcast_in_dim3A_0 : vector<16xf32> to vector<1x16xf32>
      tpu.vector_store %arg8[%swap3A_50, %swap3A_51], %swap3A_54 {strides = array<i32>} : memref<128x128xf32, #tpu.memory_space<vmem>>, vector<1x16xf32>,
      %swap3A_55 = arith.index_cast %add3A_25 : i32 to index
      %swap3A_56 = arith.constant 96 : index
      %swap3A_57 = tpu.vector_load %arg8[%swap3A_55, %swap3A_56] {strides = array<i32>} : memref<128x128xf32, #tpu.memory_space<vmem>>, vector<1x16xf32>,
      %swap3A_58 = vector.shape_cast %swap3A_57 : vector<1x16xf32> to vector<16xf32>
      %swap3A_59 = vector.shape_cast %broadcast_in_dim3A_0 : vector<16xf32> to vector<1x16xf32>
      tpu.vector_store %arg8[%swap3A_55, %swap3A_56], %swap3A_59 {strides = array<i32>} : memref<128x128xf32, #tpu.memory_space<vmem>>, vector<1x16xf32>,
      %swap3A_60 = arith.index_cast %add3A_25 : i32 to index
      %swap3A_61 = arith.constant 112 : index
      %swap3A_62 = tpu.vector_load %arg8[%swap3A_60, %swap3A_61] {strides = array<i32>} : memref<128x128xf32, #tpu.memory_space<vmem>>, vector<1x16xf32>,
      %swap3A_63 = vector.shape_cast %swap3A_62 : vector<1x16xf32> to vector<16xf32>
      %swap3A_64 = vector.shape_cast %broadcast_in_dim3A_0 : vector<16xf32> to vector<1x16xf32>
      tpu.vector_store %arg8[%swap3A_60, %swap3A_61], %swap3A_64 {strides = array<i32>} : memref<128x128xf32, #tpu.memory_space<vmem>>, vector<1x16xf32>,
    }
    %scan3A_4 = arith.constant 128 : i32
    %scan3A_5 = arith.constant 0 : i32
    %scan3A_6 = arith.constant 5 : i32
    %scan3A_7 = arith.addi %scan3A_5, %scan3A_6 : i32
    %scan3A_8 = arith.constant 1 : i32
    scf.for %scan3A_21 = %scan3A_5 to %scan3A_7 step %scan3A_8  : i32 {
      %mul3A_22 = arith.constant 1 : i32
      %mul3A_23 = arith.muli %scan3A_21, %mul3A_22 : i32
      %add3A_24 = arith.constant 0 : i32
      %add3A_25 = arith.addi %add3A_24, %mul3A_23 : i32
      %mul3A_26 = arith.constant 640 : i32
      %mul3A_27 = arith.muli %arg1, %mul3A_26 : i32
      %mul3A_28 = arith.constant 128 : i32
      %mul3A_29 = arith.muli %add3A_25, %mul3A_28 : i32
      %add3A_30 = arith.addi %mul3A_27, %mul3A_29 : i32
      "tpu.region"() ({
        %run_scoped3A = tpu.sem_alloc : memref<!tpu.dma_semaphore, #tpu.memory_space<semaphore_mem>>
        %dma_start3A = arith.constant 0 : i32
        %dma_start3A_31 = tpu.memref_slice %arg10[%add3A_30, %dma_start3A] : memref<10240x128xf32, #tpu.memory_space<vmem_shared>> -> memref<128x128xf32, #tpu.memory_space<vmem_shared>>
        %dma_start3A_32 = arith.constant 0 : i32
        %dma_start3A_33 = tpu.memref_slice %arg10[%add3A_30, %dma_start3A_32] : memref<10240x128xf32, #tpu.memory_space<vmem_shared>> -> memref<128x128xf32, #tpu.memory_space<vmem_shared>>
        tpu.enqueue_dma source(%arg8 : memref<128x128xf32, #tpu.memory_space<vmem>>) target(%dma_start3A_33 : memref<128x128xf32, #tpu.memory_space<vmem_shared>>) target_semaphore(%run_scoped3A : memref<!tpu.dma_semaphore, #tpu.memory_space<semaphore_mem>>)
        %dma_wait3A = arith.constant 0 : i32
        %dma_wait3A_34 = tpu.memref_slice %arg10[%add3A_30, %dma_wait3A] : memref<10240x128xf32, #tpu.memory_space<vmem_shared>> -> memref<128x128xf32, #tpu.memory_space<vmem_shared>>
        %dma_wait3A_35 = arith.constant 0 : i32
        %dma_wait3A_36 = tpu.memref_slice %arg10[%add3A_30, %dma_wait3A_35] : memref<10240x128xf32, #tpu.memory_space<vmem_shared>> -> memref<128x128xf32, #tpu.memory_space<vmem_shared>>
        tpu.wait_dma2 semaphore(%run_scoped3A : memref<!tpu.dma_semaphore, #tpu.memory_space<semaphore_mem>>) src(%arg8 : memref<128x128xf32, #tpu.memory_space<vmem>>) dst(%dma_wait3A_36 : memref<128x128xf32, #tpu.memory_space<vmem_shared>>)
        tpu.yield
      }) : () -> ()
    }
    %scan3A_9 = arith.constant 5 : i32
    %barrier3A = arith.constant 0 : index
    tpu.barrier barrier_id(%barrier3A)
    %scan3A_10 = arith.constant 0 : i32
    %scan3A_11 = arith.constant 10 : i32
    %scan3A_12 = arith.addi %scan3A_10, %scan3A_11 : i32
    %scan3A_13 = arith.constant 1 : i32
    scf.for %scan3A_21 = %scan3A_10 to %scan3A_12 step %scan3A_13  : i32 {
      %mul3A_22 = arith.constant 1 : i32
      %mul3A_23 = arith.muli %scan3A_21, %mul3A_22 : i32
      %add3A_24 = arith.constant 0 : i32
      %add3A_25 = arith.addi %add3A_24, %mul3A_23 : i32
      %mul3A_26 = arith.constant 2560 : i32
      %mul3A_27 = arith.muli %arg0, %mul3A_26 : i32
      %mul3A_28 = arith.constant 160 : i32
      %mul3A_29 = arith.muli %arg1, %mul3A_28 : i32
      %add3A_30 = arith.addi %mul3A_27, %mul3A_29 : i32
      %mul3A_31 = arith.constant 16 : i32
      %mul3A_32 = arith.muli %add3A_25, %mul3A_31 : i32
      %add3A_33 = arith.addi %add3A_30, %mul3A_32 : i32
      "tpu.region"() ({
        %run_scoped3A = tpu.sem_alloc : memref<!tpu.dma_semaphore, #tpu.memory_space<semaphore_mem>>
        %dma_start3A_485 = arith.constant 0 : i32
        %dma_start3A_486 = tpu.memref_slice %arg3[%add3A_33, %dma_start3A_485] : memref<5120x128xi32, #tpu.memory_space<hbm>> -> memref<16x128xi32, #tpu.memory_space<hbm>>
        %dma_start3A_487 = arith.constant 0 : i32
        %dma_start3A_488 = tpu.memref_slice %arg3[%add3A_33, %dma_start3A_487] : memref<5120x128xi32, #tpu.memory_space<hbm>> -> memref<16x128xi32, #tpu.memory_space<hbm>>
        tpu.enqueue_dma source(%dma_start3A_488 : memref<16x128xi32, #tpu.memory_space<hbm>>) target(%arg6 : memref<16x128xi32, #tpu.memory_space<vmem>>) target_semaphore(%run_scoped3A : memref<!tpu.dma_semaphore, #tpu.memory_space<semaphore_mem>>)
        %dma_wait3A_489 = arith.constant 0 : i32
        %dma_wait3A_490 = tpu.memref_slice %arg3[%add3A_33, %dma_wait3A_489] : memref<5120x128xi32, #tpu.memory_space<hbm>> -> memref<16x128xi32, #tpu.memory_space<hbm>>
        %dma_wait3A_491 = arith.constant 0 : i32
        %dma_wait3A_492 = tpu.memref_slice %arg3[%add3A_33, %dma_wait3A_491] : memref<5120x128xi32, #tpu.memory_space<hbm>> -> memref<16x128xi32, #tpu.memory_space<hbm>>
        tpu.wait_dma2 semaphore(%run_scoped3A : memref<!tpu.dma_semaphore, #tpu.memory_space<semaphore_mem>>) src(%dma_wait3A_492 : memref<16x128xi32, #tpu.memory_space<hbm>>) dst(%arg6 : memref<16x128xi32, #tpu.memory_space<vmem>>)
        tpu.yield
      }) : () -> ()
      %mul3A_34 = arith.constant 160 : i32
      %mul3A_35 = arith.muli %arg1, %mul3A_34 : i32
      %mul3A_36 = arith.constant 16 : i32
      %mul3A_37 = arith.muli %add3A_25, %mul3A_36 : i32
      %add3A_38 = arith.addi %mul3A_35, %mul3A_37 : i32
      "tpu.region"() ({
        %run_scoped3A = tpu.sem_alloc : memref<!tpu.dma_semaphore, #tpu.memory_space<semaphore_mem>>
        %dma_start3A_485 = arith.constant 0 : i32
        %dma_start3A_486 = tpu.memref_slice %arg4[%add3A_38, %dma_start3A_485] : memref<2560x128xi32, #tpu.memory_space<hbm>> -> memref<16x128xi32, #tpu.memory_space<hbm>>
        %dma_start3A_487 = arith.constant 0 : i32
        %dma_start3A_488 = tpu.memref_slice %arg4[%add3A_38, %dma_start3A_487] : memref<2560x128xi32, #tpu.memory_space<hbm>> -> memref<16x128xi32, #tpu.memory_space<hbm>>
        tpu.enqueue_dma source(%dma_start3A_488 : memref<16x128xi32, #tpu.memory_space<hbm>>) target(%arg7 : memref<16x128xi32, #tpu.memory_space<vmem>>) target_semaphore(%run_scoped3A : memref<!tpu.dma_semaphore, #tpu.memory_space<semaphore_mem>>)
        %dma_wait3A_489 = arith.constant 0 : i32
        %dma_wait3A_490 = tpu.memref_slice %arg4[%add3A_38, %dma_wait3A_489] : memref<2560x128xi32, #tpu.memory_space<hbm>> -> memref<16x128xi32, #tpu.memory_space<hbm>>
        %dma_wait3A_491 = arith.constant 0 : i32
        %dma_wait3A_492 = tpu.memref_slice %arg4[%add3A_38, %dma_wait3A_491] : memref<2560x128xi32, #tpu.memory_space<hbm>> -> memref<16x128xi32, #tpu.memory_space<hbm>>
        tpu.wait_dma2 semaphore(%run_scoped3A : memref<!tpu.dma_semaphore, #tpu.memory_space<semaphore_mem>>) src(%dma_wait3A_492 : memref<16x128xi32, #tpu.memory_space<hbm>>) dst(%arg7 : memref<16x128xi32, #tpu.memory_space<vmem>>)
        tpu.yield
      }) : () -> ()
      %dma_start3A = arith.constant 0 : i32
      %dma_start3A_39 = arith.constant 0 : i32
      %dma_start3A_40 = tpu.memref_slice %arg6[%dma_start3A, %dma_start3A_39] : memref<16x128xi32, #tpu.memory_space<vmem>> -> memref<1x128xi32, #tpu.memory_space<vmem>>
      %dma_start3A_41 = tpu.memref_squeeze %dma_start3A_40 : memref<1x128xi32, #tpu.memory_space<vmem>> -> memref<128xi32, #tpu.memory_space<vmem>>
      %dma_start3A_42 = arith.constant 0 : i32
      %dma_start3A_43 = arith.constant 0 : i32
      %dma_start3A_44 = tpu.memref_slice %arg2[%dma_start3A_42, %dma_start3A_43] : memref<20480x128xf32, #tpu.memory_space<hbm>> -> memref<20480x128xf32, #tpu.memory_space<hbm>>
      tpu.enqueue_indirect_dma source(%dma_start3A_44 : memref<20480x128xf32, #tpu.memory_space<hbm>>) target(%arg8 : memref<128x128xf32, #tpu.memory_space<vmem>>) offsets(%dma_start3A_41 : memref<128xi32, #tpu.memory_space<vmem>>) semaphore(%arg11 : memref<!tpu.dma_semaphore, #tpu.memory_space<semaphore_mem>>)
      %dma_start3A_45 = arith.constant 1 : i32
      %dma_start3A_46 = arith.constant 0 : i32
      %dma_start3A_47 = tpu.memref_slice %arg6[%dma_start3A_45, %dma_start3A_46] : memref<16x128xi32, #tpu.memory_space<vmem>> -> memref<1x128xi32, #tpu.memory_space<vmem>>
      %dma_start3A_48 = tpu.memref_squeeze %dma_start3A_47 : memref<1x128xi32, #tpu.memory_space<vmem>> -> memref<128xi32, #tpu.memory_space<vmem>>
      %dma_start3A_49 = arith.constant 0 : i32
      %dma_start3A_50 = arith.constant 0 : i32
      %dma_start3A_51 = tpu.memref_slice %arg2[%dma_start3A_49, %dma_start3A_50] : memref<20480x128xf32, #tpu.memory_space<hbm>> -> memref<20480x128xf32, #tpu.memory_space<hbm>>
      tpu.enqueue_indirect_dma source(%dma_start3A_51 : memref<20480x128xf32, #tpu.memory_space<hbm>>) target(%arg9 : memref<128x128xf32, #tpu.memory_space<vmem>>) offsets(%dma_start3A_48 : memref<128xi32, #tpu.memory_space<vmem>>) semaphore(%arg12 : memref<!tpu.dma_semaphore, #tpu.memory_space<semaphore_mem>>)
      %dma_wait3A = arith.constant 0 : i32
      %dma_wait3A_52 = arith.constant 0 : i32
      %dma_wait3A_53 = tpu.memref_slice %arg6[%dma_wait3A, %dma_wait3A_52] : memref<16x128xi32, #tpu.memory_space<vmem>> -> memref<1x128xi32, #tpu.memory_space<vmem>>
      %dma_wait3A_54 = tpu.memref_squeeze %dma_wait3A_53 : memref<1x128xi32, #tpu.memory_space<vmem>> -> memref<128xi32, #tpu.memory_space<vmem>>
      %dma_wait3A_55 = arith.constant 0 : i32
      %dma_wait3A_56 = arith.constant 0 : i32
      %dma_wait3A_57 = tpu.memref_slice %arg2[%dma_wait3A_55, %dma_wait3A_56] : memref<20480x128xf32, #tpu.memory_space<hbm>> -> memref<20480x128xf32, #tpu.memory_space<hbm>>
      tpu.wait_indirect_dma semaphore(%arg11 : memref<!tpu.dma_semaphore, #tpu.memory_space<semaphore_mem>>) src(%dma_wait3A_57 : memref<20480x128xf32, #tpu.memory_space<hbm>>) dst(%arg8 : memref<128x128xf32, #tpu.memory_space<vmem>>)
      %dma_start3A_58 = arith.constant 0 : i32
      %dma_start3A_59 = arith.constant 0 : i32
      %dma_start3A_60 = tpu.memref_slice %arg7[%dma_start3A_58, %dma_start3A_59] : memref<16x128xi32, #tpu.memory_space<vmem>> -> memref<1x128xi32, #tpu.memory_space<vmem>>
      %dma_start3A_61 = tpu.memref_squeeze %dma_start3A_60 : memref<1x128xi32, #tpu.memory_space<vmem>> -> memref<128xi32, #tpu.memory_space<vmem>>
      %dma_start3A_62 = arith.constant 0 : i32
      %dma_start3A_63 = arith.constant 0 : i32
      %dma_start3A_64 = tpu.memref_slice %arg10[%dma_start3A_62, %dma_start3A_63] : memref<10240x128xf32, #tpu.memory_space<vmem_shared>> -> memref<10240x128xf32, #tpu.memory_space<vmem_shared>>
      tpu.enqueue_indirect_dma source(%arg8 : memref<128x128xf32, #tpu.memory_space<vmem>>) target(%dma_start3A_64 : memref<10240x128xf32, #tpu.memory_space<vmem_shared>>) offsets(%dma_start3A_61 : memref<128xi32, #tpu.memory_space<vmem>>) semaphore(%arg13 : memref<!tpu.dma_semaphore, #tpu.memory_space<semaphore_mem>>) {add = true}
      %dma_wait3A_65 = arith.constant 0 : i32
      %dma_wait3A_66 = arith.constant 0 : i32
      %dma_wait3A_67 = tpu.memref_slice %arg7[%dma_wait3A_65, %dma_wait3A_66] : memref<16x128xi32, #tpu.memory_space<vmem>> -> memref<1x128xi32, #tpu.memory_space<vmem>>
      %dma_wait3A_68 = tpu.memref_squeeze %dma_wait3A_67 : memref<1x128xi32, #tpu.memory_space<vmem>> -> memref<128xi32, #tpu.memory_space<vmem>>
      %dma_wait3A_69 = arith.constant 0 : i32
      %dma_wait3A_70 = arith.constant 0 : i32
      %dma_wait3A_71 = tpu.memref_slice %arg10[%dma_wait3A_69, %dma_wait3A_70] : memref<10240x128xf32, #tpu.memory_space<vmem_shared>> -> memref<10240x128xf32, #tpu.memory_space<vmem_shared>>
      tpu.wait_indirect_dma semaphore(%arg13 : memref<!tpu.dma_semaphore, #tpu.memory_space<semaphore_mem>>) src(%arg8 : memref<128x128xf32, #tpu.memory_space<vmem>>) dst(%dma_wait3A_71 : memref<10240x128xf32, #tpu.memory_space<vmem_shared>>)
      %dma_start3A_72 = arith.constant 2 : i32
      %dma_start3A_73 = arith.constant 0 : i32
      %dma_start3A_74 = tpu.memref_slice %arg6[%dma_start3A_72, %dma_start3A_73] : memref<16x128xi32, #tpu.memory_space<vmem>> -> memref<1x128xi32, #tpu.memory_space<vmem>>
      %dma_start3A_75 = tpu.memref_squeeze %dma_start3A_74 : memref<1x128xi32, #tpu.memory_space<vmem>> -> memref<128xi32, #tpu.memory_space<vmem>>
      %dma_start3A_76 = arith.constant 0 : i32
      %dma_start3A_77 = arith.constant 0 : i32
      %dma_start3A_78 = tpu.memref_slice %arg2[%dma_start3A_76, %dma_start3A_77] : memref<20480x128xf32, #tpu.memory_space<hbm>> -> memref<20480x128xf32, #tpu.memory_space<hbm>>
      tpu.enqueue_indirect_dma source(%dma_start3A_78 : memref<20480x128xf32, #tpu.memory_space<hbm>>) target(%arg8 : memref<128x128xf32, #tpu.memory_space<vmem>>) offsets(%dma_start3A_75 : memref<128xi32, #tpu.memory_space<vmem>>) semaphore(%arg11 : memref<!tpu.dma_semaphore, #tpu.memory_space<semaphore_mem>>)
      %dma_wait3A_79 = arith.constant 1 : i32
      %dma_wait3A_80 = arith.constant 0 : i32
      %dma_wait3A_81 = tpu.memref_slice %arg6[%dma_wait3A_79, %dma_wait3A_80] : memref<16x128xi32, #tpu.memory_space<vmem>> -> memref<1x128xi32, #tpu.memory_space<vmem>>
      %dma_wait3A_82 = tpu.memref_squeeze %dma_wait3A_81 : memref<1x128xi32, #tpu.memory_space<vmem>> -> memref<128xi32, #tpu.memory_space<vmem>>
      %dma_wait3A_83 = arith.constant 0 : i32
      %dma_wait3A_84 = arith.constant 0 : i32
      %dma_wait3A_85 = tpu.memref_slice %arg2[%dma_wait3A_83, %dma_wait3A_84] : memref<20480x128xf32, #tpu.memory_space<hbm>> -> memref<20480x128xf32, #tpu.memory_space<hbm>>
      tpu.wait_indirect_dma semaphore(%arg12 : memref<!tpu.dma_semaphore, #tpu.memory_space<semaphore_mem>>) src(%dma_wait3A_85 : memref<20480x128xf32, #tpu.memory_space<hbm>>) dst(%arg9 : memref<128x128xf32, #tpu.memory_space<vmem>>)
      %dma_start3A_86 = arith.constant 1 : i32
      %dma_start3A_87 = arith.constant 0 : i32
      %dma_start3A_88 = tpu.memref_slice %arg7[%dma_start3A_86, %dma_start3A_87] : memref<16x128xi32, #tpu.memory_space<vmem>> -> memref<1x128xi32, #tpu.memory_space<vmem>>
      %dma_start3A_89 = tpu.memref_squeeze %dma_start3A_88 : memref<1x128xi32, #tpu.memory_space<vmem>> -> memref<128xi32, #tpu.memory_space<vmem>>
      %dma_start3A_90 = arith.constant 0 : i32
      %dma_start3A_91 = arith.constant 0 : i32
      %dma_start3A_92 = tpu.memref_slice %arg10[%dma_start3A_90, %dma_start3A_91] : memref<10240x128xf32, #tpu.memory_space<vmem_shared>> -> memref<10240x128xf32, #tpu.memory_space<vmem_shared>>
      tpu.enqueue_indirect_dma source(%arg9 : memref<128x128xf32, #tpu.memory_space<vmem>>) target(%dma_start3A_92 : memref<10240x128xf32, #tpu.memory_space<vmem_shared>>) offsets(%dma_start3A_89 : memref<128xi32, #tpu.memory_space<vmem>>) semaphore(%arg14 : memref<!tpu.dma_semaphore, #tpu.memory_space<semaphore_mem>>) {add = true}
      %dma_wait3A_93 = arith.constant 1 : i32
      %dma_wait3A_94 = arith.constant 0 : i32
      %dma_wait3A_95 = tpu.memref_slice %arg7[%dma_wait3A_93, %dma_wait3A_94] : memref<16x128xi32, #tpu.memory_space<vmem>> -> memref<1x128xi32, #tpu.memory_space<vmem>>
      %dma_wait3A_96 = tpu.memref_squeeze %dma_wait3A_95 : memref<1x128xi32, #tpu.memory_space<vmem>> -> memref<128xi32, #tpu.memory_space<vmem>>
      %dma_wait3A_97 = arith.constant 0 : i32
      %dma_wait3A_98 = arith.constant 0 : i32
      %dma_wait3A_99 = tpu.memref_slice %arg10[%dma_wait3A_97, %dma_wait3A_98] : memref<10240x128xf32, #tpu.memory_space<vmem_shared>> -> memref<10240x128xf32, #tpu.memory_space<vmem_shared>>
      tpu.wait_indirect_dma semaphore(%arg14 : memref<!tpu.dma_semaphore, #tpu.memory_space<semaphore_mem>>) src(%arg9 : memref<128x128xf32, #tpu.memory_space<vmem>>) dst(%dma_wait3A_99 : memref<10240x128xf32, #tpu.memory_space<vmem_shared>>)
      %dma_start3A_100 = arith.constant 3 : i32
      %dma_start3A_101 = arith.constant 0 : i32
      %dma_start3A_102 = tpu.memref_slice %arg6[%dma_start3A_100, %dma_start3A_101] : memref<16x128xi32, #tpu.memory_space<vmem>> -> memref<1x128xi32, #tpu.memory_space<vmem>>
      %dma_start3A_103 = tpu.memref_squeeze %dma_start3A_102 : memref<1x128xi32, #tpu.memory_space<vmem>> -> memref<128xi32, #tpu.memory_space<vmem>>
      %dma_start3A_104 = arith.constant 0 : i32
      %dma_start3A_105 = arith.constant 0 : i32
      %dma_start3A_106 = tpu.memref_slice %arg2[%dma_start3A_104, %dma_start3A_105] : memref<20480x128xf32, #tpu.memory_space<hbm>> -> memref<20480x128xf32, #tpu.memory_space<hbm>>
      tpu.enqueue_indirect_dma source(%dma_start3A_106 : memref<20480x128xf32, #tpu.memory_space<hbm>>) target(%arg9 : memref<128x128xf32, #tpu.memory_space<vmem>>) offsets(%dma_start3A_103 : memref<128xi32, #tpu.memory_space<vmem>>) semaphore(%arg12 : memref<!tpu.dma_semaphore, #tpu.memory_space<semaphore_mem>>)
      %dma_wait3A_107 = arith.constant 2 : i32
      %dma_wait3A_108 = arith.constant 0 : i32
      %dma_wait3A_109 = tpu.memref_slice %arg6[%dma_wait3A_107, %dma_wait3A_108] : memref<16x128xi32, #tpu.memory_space<vmem>> -> memref<1x128xi32, #tpu.memory_space<vmem>>
      %dma_wait3A_110 = tpu.memref_squeeze %dma_wait3A_109 : memref<1x128xi32, #tpu.memory_space<vmem>> -> memref<128xi32, #tpu.memory_space<vmem>>
      %dma_wait3A_111 = arith.constant 0 : i32
      %dma_wait3A_112 = arith.constant 0 : i32
      %dma_wait3A_113 = tpu.memref_slice %arg2[%dma_wait3A_111, %dma_wait3A_112] : memref<20480x128xf32, #tpu.memory_space<hbm>> -> memref<20480x128xf32, #tpu.memory_space<hbm>>
      tpu.wait_indirect_dma semaphore(%arg11 : memref<!tpu.dma_semaphore, #tpu.memory_space<semaphore_mem>>) src(%dma_wait3A_113 : memref<20480x128xf32, #tpu.memory_space<hbm>>) dst(%arg8 : memref<128x128xf32, #tpu.memory_space<vmem>>)
      %dma_start3A_114 = arith.constant 2 : i32
      %dma_start3A_115 = arith.constant 0 : i32
      %dma_start3A_116 = tpu.memref_slice %arg7[%dma_start3A_114, %dma_start3A_115] : memref<16x128xi32, #tpu.memory_space<vmem>> -> memref<1x128xi32, #tpu.memory_space<vmem>>
      %dma_start3A_117 = tpu.memref_squeeze %dma_start3A_116 : memref<1x128xi32, #tpu.memory_space<vmem>> -> memref<128xi32, #tpu.memory_space<vmem>>
      %dma_start3A_118 = arith.constant 0 : i32
      %dma_start3A_119 = arith.constant 0 : i32
      %dma_start3A_120 = tpu.memref_slice %arg10[%dma_start3A_118, %dma_start3A_119] : memref<10240x128xf32, #tpu.memory_space<vmem_shared>> -> memref<10240x128xf32, #tpu.memory_space<vmem_shared>>
      tpu.enqueue_indirect_dma source(%arg8 : memref<128x128xf32, #tpu.memory_space<vmem>>) target(%dma_start3A_120 : memref<10240x128xf32, #tpu.memory_space<vmem_shared>>) offsets(%dma_start3A_117 : memref<128xi32, #tpu.memory_space<vmem>>) semaphore(%arg13 : memref<!tpu.dma_semaphore, #tpu.memory_space<semaphore_mem>>) {add = true}
      %dma_wait3A_121 = arith.constant 2 : i32
      %dma_wait3A_122 = arith.constant 0 : i32
      %dma_wait3A_123 = tpu.memref_slice %arg7[%dma_wait3A_121, %dma_wait3A_122] : memref<16x128xi32, #tpu.memory_space<vmem>> -> memref<1x128xi32, #tpu.memory_space<vmem>>
      %dma_wait3A_124 = tpu.memref_squeeze %dma_wait3A_123 : memref<1x128xi32, #tpu.memory_space<vmem>> -> memref<128xi32, #tpu.memory_space<vmem>>
      %dma_wait3A_125 = arith.constant 0 : i32
      %dma_wait3A_126 = arith.constant 0 : i32
      %dma_wait3A_127 = tpu.memref_slice %arg10[%dma_wait3A_125, %dma_wait3A_126] : memref<10240x128xf32, #tpu.memory_space<vmem_shared>> -> memref<10240x128xf32, #tpu.memory_space<vmem_shared>>
      tpu.wait_indirect_dma semaphore(%arg13 : memref<!tpu.dma_semaphore, #tpu.memory_space<semaphore_mem>>) src(%arg8 : memref<128x128xf32, #tpu.memory_space<vmem>>) dst(%dma_wait3A_127 : memref<10240x128xf32, #tpu.memory_space<vmem_shared>>)
      %dma_start3A_128 = arith.constant 4 : i32
      %dma_start3A_129 = arith.constant 0 : i32
      %dma_start3A_130 = tpu.memref_slice %arg6[%dma_start3A_128, %dma_start3A_129] : memref<16x128xi32, #tpu.memory_space<vmem>> -> memref<1x128xi32, #tpu.memory_space<vmem>>
      %dma_start3A_131 = tpu.memref_squeeze %dma_start3A_130 : memref<1x128xi32, #tpu.memory_space<vmem>> -> memref<128xi32, #tpu.memory_space<vmem>>
      %dma_start3A_132 = arith.constant 0 : i32
      %dma_start3A_133 = arith.constant 0 : i32
      %dma_start3A_134 = tpu.memref_slice %arg2[%dma_start3A_132, %dma_start3A_133] : memref<20480x128xf32, #tpu.memory_space<hbm>> -> memref<20480x128xf32, #tpu.memory_space<hbm>>
      tpu.enqueue_indirect_dma source(%dma_start3A_134 : memref<20480x128xf32, #tpu.memory_space<hbm>>) target(%arg8 : memref<128x128xf32, #tpu.memory_space<vmem>>) offsets(%dma_start3A_131 : memref<128xi32, #tpu.memory_space<vmem>>) semaphore(%arg11 : memref<!tpu.dma_semaphore, #tpu.memory_space<semaphore_mem>>)
      %dma_wait3A_135 = arith.constant 3 : i32
      %dma_wait3A_136 = arith.constant 0 : i32
      %dma_wait3A_137 = tpu.memref_slice %arg6[%dma_wait3A_135, %dma_wait3A_136] : memref<16x128xi32, #tpu.memory_space<vmem>> -> memref<1x128xi32, #tpu.memory_space<vmem>>
      %dma_wait3A_138 = tpu.memref_squeeze %dma_wait3A_137 : memref<1x128xi32, #tpu.memory_space<vmem>> -> memref<128xi32, #tpu.memory_space<vmem>>
      %dma_wait3A_139 = arith.constant 0 : i32
      %dma_wait3A_140 = arith.constant 0 : i32
      %dma_wait3A_141 = tpu.memref_slice %arg2[%dma_wait3A_139, %dma_wait3A_140] : memref<20480x128xf32, #tpu.memory_space<hbm>> -> memref<20480x128xf32, #tpu.memory_space<hbm>>
      tpu.wait_indirect_dma semaphore(%arg12 : memref<!tpu.dma_semaphore, #tpu.memory_space<semaphore_mem>>) src(%dma_wait3A_141 : memref<20480x128xf32, #tpu.memory_space<hbm>>) dst(%arg9 : memref<128x128xf32, #tpu.memory_space<vmem>>)
      %dma_start3A_142 = arith.constant 3 : i32
      %dma_start3A_143 = arith.constant 0 : i32
      %dma_start3A_144 = tpu.memref_slice %arg7[%dma_start3A_142, %dma_start3A_143] : memref<16x128xi32, #tpu.memory_space<vmem>> -> memref<1x128xi32, #tpu.memory_space<vmem>>
      %dma_start3A_145 = tpu.memref_squeeze %dma_start3A_144 : memref<1x128xi32, #tpu.memory_space<vmem>> -> memref<128xi32, #tpu.memory_space<vmem>>
      %dma_start3A_146 = arith.constant 0 : i32
      %dma_start3A_147 = arith.constant 0 : i32
      %dma_start3A_148 = tpu.memref_slice %arg10[%dma_start3A_146, %dma_start3A_147] : memref<10240x128xf32, #tpu.memory_space<vmem_shared>> -> memref<10240x128xf32, #tpu.memory_space<vmem_shared>>
      tpu.enqueue_indirect_dma source(%arg9 : memref<128x128xf32, #tpu.memory_space<vmem>>) target(%dma_start3A_148 : memref<10240x128xf32, #tpu.memory_space<vmem_shared>>) offsets(%dma_start3A_145 : memref<128xi32, #tpu.memory_space<vmem>>) semaphore(%arg14 : memref<!tpu.dma_semaphore, #tpu.memory_space<semaphore_mem>>) {add = true}
      %dma_wait3A_149 = arith.constant 3 : i32
      %dma_wait3A_150 = arith.constant 0 : i32
      %dma_wait3A_151 = tpu.memref_slice %arg7[%dma_wait3A_149, %dma_wait3A_150] : memref<16x128xi32, #tpu.memory_space<vmem>> -> memref<1x128xi32, #tpu.memory_space<vmem>>
      %dma_wait3A_152 = tpu.memref_squeeze %dma_wait3A_151 : memref<1x128xi32, #tpu.memory_space<vmem>> -> memref<128xi32, #tpu.memory_space<vmem>>
      %dma_wait3A_153 = arith.constant 0 : i32
      %dma_wait3A_154 = arith.constant 0 : i32
      %dma_wait3A_155 = tpu.memref_slice %arg10[%dma_wait3A_153, %dma_wait3A_154] : memref<10240x128xf32, #tpu.memory_space<vmem_shared>> -> memref<10240x128xf32, #tpu.memory_space<vmem_shared>>
      tpu.wait_indirect_dma semaphore(%arg14 : memref<!tpu.dma_semaphore, #tpu.memory_space<semaphore_mem>>) src(%arg9 : memref<128x128xf32, #tpu.memory_space<vmem>>) dst(%dma_wait3A_155 : memref<10240x128xf32, #tpu.memory_space<vmem_shared>>)
      %dma_start3A_156 = arith.constant 5 : i32
      %dma_start3A_157 = arith.constant 0 : i32
      %dma_start3A_158 = tpu.memref_slice %arg6[%dma_start3A_156, %dma_start3A_157] : memref<16x128xi32, #tpu.memory_space<vmem>> -> memref<1x128xi32, #tpu.memory_space<vmem>>
      %dma_start3A_159 = tpu.memref_squeeze %dma_start3A_158 : memref<1x128xi32, #tpu.memory_space<vmem>> -> memref<128xi32, #tpu.memory_space<vmem>>
      %dma_start3A_160 = arith.constant 0 : i32
      %dma_start3A_161 = arith.constant 0 : i32
      %dma_start3A_162 = tpu.memref_slice %arg2[%dma_start3A_160, %dma_start3A_161] : memref<20480x128xf32, #tpu.memory_space<hbm>> -> memref<20480x128xf32, #tpu.memory_space<hbm>>
      tpu.enqueue_indirect_dma source(%dma_start3A_162 : memref<20480x128xf32, #tpu.memory_space<hbm>>) target(%arg9 : memref<128x128xf32, #tpu.memory_space<vmem>>) offsets(%dma_start3A_159 : memref<128xi32, #tpu.memory_space<vmem>>) semaphore(%arg12 : memref<!tpu.dma_semaphore, #tpu.memory_space<semaphore_mem>>)
      %dma_wait3A_163 = arith.constant 4 : i32
      %dma_wait3A_164 = arith.constant 0 : i32
      %dma_wait3A_165 = tpu.memref_slice %arg6[%dma_wait3A_163, %dma_wait3A_164] : memref<16x128xi32, #tpu.memory_space<vmem>> -> memref<1x128xi32, #tpu.memory_space<vmem>>
      %dma_wait3A_166 = tpu.memref_squeeze %dma_wait3A_165 : memref<1x128xi32, #tpu.memory_space<vmem>> -> memref<128xi32, #tpu.memory_space<vmem>>
      %dma_wait3A_167 = arith.constant 0 : i32
      %dma_wait3A_168 = arith.constant 0 : i32
      %dma_wait3A_169 = tpu.memref_slice %arg2[%dma_wait3A_167, %dma_wait3A_168] : memref<20480x128xf32, #tpu.memory_space<hbm>> -> memref<20480x128xf32, #tpu.memory_space<hbm>>
      tpu.wait_indirect_dma semaphore(%arg11 : memref<!tpu.dma_semaphore, #tpu.memory_space<semaphore_mem>>) src(%dma_wait3A_169 : memref<20480x128xf32, #tpu.memory_space<hbm>>) dst(%arg8 : memref<128x128xf32, #tpu.memory_space<vmem>>)
      %dma_start3A_170 = arith.constant 4 : i32
      %dma_start3A_171 = arith.constant 0 : i32
      %dma_start3A_172 = tpu.memref_slice %arg7[%dma_start3A_170, %dma_start3A_171] : memref<16x128xi32, #tpu.memory_space<vmem>> -> memref<1x128xi32, #tpu.memory_space<vmem>>
      %dma_start3A_173 = tpu.memref_squeeze %dma_start3A_172 : memref<1x128xi32, #tpu.memory_space<vmem>> -> memref<128xi32, #tpu.memory_space<vmem>>
      %dma_start3A_174 = arith.constant 0 : i32
      %dma_start3A_175 = arith.constant 0 : i32
      %dma_start3A_176 = tpu.memref_slice %arg10[%dma_start3A_174, %dma_start3A_175] : memref<10240x128xf32, #tpu.memory_space<vmem_shared>> -> memref<10240x128xf32, #tpu.memory_space<vmem_shared>>
      tpu.enqueue_indirect_dma source(%arg8 : memref<128x128xf32, #tpu.memory_space<vmem>>) target(%dma_start3A_176 : memref<10240x128xf32, #tpu.memory_space<vmem_shared>>) offsets(%dma_start3A_173 : memref<128xi32, #tpu.memory_space<vmem>>) semaphore(%arg13 : memref<!tpu.dma_semaphore, #tpu.memory_space<semaphore_mem>>) {add = true}
      %dma_wait3A_177 = arith.constant 4 : i32
      %dma_wait3A_178 = arith.constant 0 : i32
      %dma_wait3A_179 = tpu.memref_slice %arg7[%dma_wait3A_177, %dma_wait3A_178] : memref<16x128xi32, #tpu.memory_space<vmem>> -> memref<1x128xi32, #tpu.memory_space<vmem>>
      %dma_wait3A_180 = tpu.memref_squeeze %dma_wait3A_179 : memref<1x128xi32, #tpu.memory_space<vmem>> -> memref<128xi32, #tpu.memory_space<vmem>>
      %dma_wait3A_181 = arith.constant 0 : i32
      %dma_wait3A_182 = arith.constant 0 : i32
      %dma_wait3A_183 = tpu.memref_slice %arg10[%dma_wait3A_181, %dma_wait3A_182] : memref<10240x128xf32, #tpu.memory_space<vmem_shared>> -> memref<10240x128xf32, #tpu.memory_space<vmem_shared>>
      tpu.wait_indirect_dma semaphore(%arg13 : memref<!tpu.dma_semaphore, #tpu.memory_space<semaphore_mem>>) src(%arg8 : memref<128x128xf32, #tpu.memory_space<vmem>>) dst(%dma_wait3A_183 : memref<10240x128xf32, #tpu.memory_space<vmem_shared>>)
      %dma_start3A_184 = arith.constant 6 : i32
      %dma_start3A_185 = arith.constant 0 : i32
      %dma_start3A_186 = tpu.memref_slice %arg6[%dma_start3A_184, %dma_start3A_185] : memref<16x128xi32, #tpu.memory_space<vmem>> -> memref<1x128xi32, #tpu.memory_space<vmem>>
      %dma_start3A_187 = tpu.memref_squeeze %dma_start3A_186 : memref<1x128xi32, #tpu.memory_space<vmem>> -> memref<128xi32, #tpu.memory_space<vmem>>
      %dma_start3A_188 = arith.constant 0 : i32
      %dma_start3A_189 = arith.constant 0 : i32
      %dma_start3A_190 = tpu.memref_slice %arg2[%dma_start3A_188, %dma_start3A_189] : memref<20480x128xf32, #tpu.memory_space<hbm>> -> memref<20480x128xf32, #tpu.memory_space<hbm>>
      tpu.enqueue_indirect_dma source(%dma_start3A_190 : memref<20480x128xf32, #tpu.memory_space<hbm>>) target(%arg8 : memref<128x128xf32, #tpu.memory_space<vmem>>) offsets(%dma_start3A_187 : memref<128xi32, #tpu.memory_space<vmem>>) semaphore(%arg11 : memref<!tpu.dma_semaphore, #tpu.memory_space<semaphore_mem>>)
      %dma_wait3A_191 = arith.constant 5 : i32
      %dma_wait3A_192 = arith.constant 0 : i32
      %dma_wait3A_193 = tpu.memref_slice %arg6[%dma_wait3A_191, %dma_wait3A_192] : memref<16x128xi32, #tpu.memory_space<vmem>> -> memref<1x128xi32, #tpu.memory_space<vmem>>
      %dma_wait3A_194 = tpu.memref_squeeze %dma_wait3A_193 : memref<1x128xi32, #tpu.memory_space<vmem>> -> memref<128xi32, #tpu.memory_space<vmem>>
      %dma_wait3A_195 = arith.constant 0 : i32
      %dma_wait3A_196 = arith.constant 0 : i32
      %dma_wait3A_197 = tpu.memref_slice %arg2[%dma_wait3A_195, %dma_wait3A_196] : memref<20480x128xf32, #tpu.memory_space<hbm>> -> memref<20480x128xf32, #tpu.memory_space<hbm>>
      tpu.wait_indirect_dma semaphore(%arg12 : memref<!tpu.dma_semaphore, #tpu.memory_space<semaphore_mem>>) src(%dma_wait3A_197 : memref<20480x128xf32, #tpu.memory_space<hbm>>) dst(%arg9 : memref<128x128xf32, #tpu.memory_space<vmem>>)
      %dma_start3A_198 = arith.constant 5 : i32
      %dma_start3A_199 = arith.constant 0 : i32
      %dma_start3A_200 = tpu.memref_slice %arg7[%dma_start3A_198, %dma_start3A_199] : memref<16x128xi32, #tpu.memory_space<vmem>> -> memref<1x128xi32, #tpu.memory_space<vmem>>
      %dma_start3A_201 = tpu.memref_squeeze %dma_start3A_200 : memref<1x128xi32, #tpu.memory_space<vmem>> -> memref<128xi32, #tpu.memory_space<vmem>>
      %dma_start3A_202 = arith.constant 0 : i32
      %dma_start3A_203 = arith.constant 0 : i32
      %dma_start3A_204 = tpu.memref_slice %arg10[%dma_start3A_202, %dma_start3A_203] : memref<10240x128xf32, #tpu.memory_space<vmem_shared>> -> memref<10240x128xf32, #tpu.memory_space<vmem_shared>>
      tpu.enqueue_indirect_dma source(%arg9 : memref<128x128xf32, #tpu.memory_space<vmem>>) target(%dma_start3A_204 : memref<10240x128xf32, #tpu.memory_space<vmem_shared>>) offsets(%dma_start3A_201 : memref<128xi32, #tpu.memory_space<vmem>>) semaphore(%arg14 : memref<!tpu.dma_semaphore, #tpu.memory_space<semaphore_mem>>) {add = true}
      %dma_wait3A_205 = arith.constant 5 : i32
      %dma_wait3A_206 = arith.constant 0 : i32
      %dma_wait3A_207 = tpu.memref_slice %arg7[%dma_wait3A_205, %dma_wait3A_206] : memref<16x128xi32, #tpu.memory_space<vmem>> -> memref<1x128xi32, #tpu.memory_space<vmem>>
      %dma_wait3A_208 = tpu.memref_squeeze %dma_wait3A_207 : memref<1x128xi32, #tpu.memory_space<vmem>> -> memref<128xi32, #tpu.memory_space<vmem>>
      %dma_wait3A_209 = arith.constant 0 : i32
      %dma_wait3A_210 = arith.constant 0 : i32
      %dma_wait3A_211 = tpu.memref_slice %arg10[%dma_wait3A_209, %dma_wait3A_210] : memref<10240x128xf32, #tpu.memory_space<vmem_shared>> -> memref<10240x128xf32, #tpu.memory_space<vmem_shared>>
      tpu.wait_indirect_dma semaphore(%arg14 : memref<!tpu.dma_semaphore, #tpu.memory_space<semaphore_mem>>) src(%arg9 : memref<128x128xf32, #tpu.memory_space<vmem>>) dst(%dma_wait3A_211 : memref<10240x128xf32, #tpu.memory_space<vmem_shared>>)
      %dma_start3A_212 = arith.constant 7 : i32
      %dma_start3A_213 = arith.constant 0 : i32
      %dma_start3A_214 = tpu.memref_slice %arg6[%dma_start3A_212, %dma_start3A_213] : memref<16x128xi32, #tpu.memory_space<vmem>> -> memref<1x128xi32, #tpu.memory_space<vmem>>
      %dma_start3A_215 = tpu.memref_squeeze %dma_start3A_214 : memref<1x128xi32, #tpu.memory_space<vmem>> -> memref<128xi32, #tpu.memory_space<vmem>>
      %dma_start3A_216 = arith.constant 0 : i32
      %dma_start3A_217 = arith.constant 0 : i32
      %dma_start3A_218 = tpu.memref_slice %arg2[%dma_start3A_216, %dma_start3A_217] : memref<20480x128xf32, #tpu.memory_space<hbm>> -> memref<20480x128xf32, #tpu.memory_space<hbm>>
      tpu.enqueue_indirect_dma source(%dma_start3A_218 : memref<20480x128xf32, #tpu.memory_space<hbm>>) target(%arg9 : memref<128x128xf32, #tpu.memory_space<vmem>>) offsets(%dma_start3A_215 : memref<128xi32, #tpu.memory_space<vmem>>) semaphore(%arg12 : memref<!tpu.dma_semaphore, #tpu.memory_space<semaphore_mem>>)
      %dma_wait3A_219 = arith.constant 6 : i32
      %dma_wait3A_220 = arith.constant 0 : i32
      %dma_wait3A_221 = tpu.memref_slice %arg6[%dma_wait3A_219, %dma_wait3A_220] : memref<16x128xi32, #tpu.memory_space<vmem>> -> memref<1x128xi32, #tpu.memory_space<vmem>>
      %dma_wait3A_222 = tpu.memref_squeeze %dma_wait3A_221 : memref<1x128xi32, #tpu.memory_space<vmem>> -> memref<128xi32, #tpu.memory_space<vmem>>
      %dma_wait3A_223 = arith.constant 0 : i32
      %dma_wait3A_224 = arith.constant 0 : i32
      %dma_wait3A_225 = tpu.memref_slice %arg2[%dma_wait3A_223, %dma_wait3A_224] : memref<20480x128xf32, #tpu.memory_space<hbm>> -> memref<20480x128xf32, #tpu.memory_space<hbm>>
      tpu.wait_indirect_dma semaphore(%arg11 : memref<!tpu.dma_semaphore, #tpu.memory_space<semaphore_mem>>) src(%dma_wait3A_225 : memref<20480x128xf32, #tpu.memory_space<hbm>>) dst(%arg8 : memref<128x128xf32, #tpu.memory_space<vmem>>)
      %dma_start3A_226 = arith.constant 6 : i32
      %dma_start3A_227 = arith.constant 0 : i32
      %dma_start3A_228 = tpu.memref_slice %arg7[%dma_start3A_226, %dma_start3A_227] : memref<16x128xi32, #tpu.memory_space<vmem>> -> memref<1x128xi32, #tpu.memory_space<vmem>>
      %dma_start3A_229 = tpu.memref_squeeze %dma_start3A_228 : memref<1x128xi32, #tpu.memory_space<vmem>> -> memref<128xi32, #tpu.memory_space<vmem>>
      %dma_start3A_230 = arith.constant 0 : i32
      %dma_start3A_231 = arith.constant 0 : i32
      %dma_start3A_232 = tpu.memref_slice %arg10[%dma_start3A_230, %dma_start3A_231] : memref<10240x128xf32, #tpu.memory_space<vmem_shared>> -> memref<10240x128xf32, #tpu.memory_space<vmem_shared>>
      tpu.enqueue_indirect_dma source(%arg8 : memref<128x128xf32, #tpu.memory_space<vmem>>) target(%dma_start3A_232 : memref<10240x128xf32, #tpu.memory_space<vmem_shared>>) offsets(%dma_start3A_229 : memref<128xi32, #tpu.memory_space<vmem>>) semaphore(%arg13 : memref<!tpu.dma_semaphore, #tpu.memory_space<semaphore_mem>>) {add = true}
      %dma_wait3A_233 = arith.constant 6 : i32
      %dma_wait3A_234 = arith.constant 0 : i32
      %dma_wait3A_235 = tpu.memref_slice %arg7[%dma_wait3A_233, %dma_wait3A_234] : memref<16x128xi32, #tpu.memory_space<vmem>> -> memref<1x128xi32, #tpu.memory_space<vmem>>
      %dma_wait3A_236 = tpu.memref_squeeze %dma_wait3A_235 : memref<1x128xi32, #tpu.memory_space<vmem>> -> memref<128xi32, #tpu.memory_space<vmem>>
      %dma_wait3A_237 = arith.constant 0 : i32
      %dma_wait3A_238 = arith.constant 0 : i32
      %dma_wait3A_239 = tpu.memref_slice %arg10[%dma_wait3A_237, %dma_wait3A_238] : memref<10240x128xf32, #tpu.memory_space<vmem_shared>> -> memref<10240x128xf32, #tpu.memory_space<vmem_shared>>
      tpu.wait_indirect_dma semaphore(%arg13 : memref<!tpu.dma_semaphore, #tpu.memory_space<semaphore_mem>>) src(%arg8 : memref<128x128xf32, #tpu.memory_space<vmem>>) dst(%dma_wait3A_239 : memref<10240x128xf32, #tpu.memory_space<vmem_shared>>)
      %dma_start3A_240 = arith.constant 8 : i32
      %dma_start3A_241 = arith.constant 0 : i32
      %dma_start3A_242 = tpu.memref_slice %arg6[%dma_start3A_240, %dma_start3A_241] : memref<16x128xi32, #tpu.memory_space<vmem>> -> memref<1x128xi32, #tpu.memory_space<vmem>>
      %dma_start3A_243 = tpu.memref_squeeze %dma_start3A_242 : memref<1x128xi32, #tpu.memory_space<vmem>> -> memref<128xi32, #tpu.memory_space<vmem>>
      %dma_start3A_244 = arith.constant 0 : i32
      %dma_start3A_245 = arith.constant 0 : i32
      %dma_start3A_246 = tpu.memref_slice %arg2[%dma_start3A_244, %dma_start3A_245] : memref<20480x128xf32, #tpu.memory_space<hbm>> -> memref<20480x128xf32, #tpu.memory_space<hbm>>
      tpu.enqueue_indirect_dma source(%dma_start3A_246 : memref<20480x128xf32, #tpu.memory_space<hbm>>) target(%arg8 : memref<128x128xf32, #tpu.memory_space<vmem>>) offsets(%dma_start3A_243 : memref<128xi32, #tpu.memory_space<vmem>>) semaphore(%arg11 : memref<!tpu.dma_semaphore, #tpu.memory_space<semaphore_mem>>)
      %dma_wait3A_247 = arith.constant 7 : i32
      %dma_wait3A_248 = arith.constant 0 : i32
      %dma_wait3A_249 = tpu.memref_slice %arg6[%dma_wait3A_247, %dma_wait3A_248] : memref<16x128xi32, #tpu.memory_space<vmem>> -> memref<1x128xi32, #tpu.memory_space<vmem>>
      %dma_wait3A_250 = tpu.memref_squeeze %dma_wait3A_249 : memref<1x128xi32, #tpu.memory_space<vmem>> -> memref<128xi32, #tpu.memory_space<vmem>>
      %dma_wait3A_251 = arith.constant 0 : i32
      %dma_wait3A_252 = arith.constant 0 : i32
      %dma_wait3A_253 = tpu.memref_slice %arg2[%dma_wait3A_251, %dma_wait3A_252] : memref<20480x128xf32, #tpu.memory_space<hbm>> -> memref<20480x128xf32, #tpu.memory_space<hbm>>
      tpu.wait_indirect_dma semaphore(%arg12 : memref<!tpu.dma_semaphore, #tpu.memory_space<semaphore_mem>>) src(%dma_wait3A_253 : memref<20480x128xf32, #tpu.memory_space<hbm>>) dst(%arg9 : memref<128x128xf32, #tpu.memory_space<vmem>>)
      %dma_start3A_254 = arith.constant 7 : i32
      %dma_start3A_255 = arith.constant 0 : i32
      %dma_start3A_256 = tpu.memref_slice %arg7[%dma_start3A_254, %dma_start3A_255] : memref<16x128xi32, #tpu.memory_space<vmem>> -> memref<1x128xi32, #tpu.memory_space<vmem>>
      %dma_start3A_257 = tpu.memref_squeeze %dma_start3A_256 : memref<1x128xi32, #tpu.memory_space<vmem>> -> memref<128xi32, #tpu.memory_space<vmem>>
      %dma_start3A_258 = arith.constant 0 : i32
      %dma_start3A_259 = arith.constant 0 : i32
      %dma_start3A_260 = tpu.memref_slice %arg10[%dma_start3A_258, %dma_start3A_259] : memref<10240x128xf32, #tpu.memory_space<vmem_shared>> -> memref<10240x128xf32, #tpu.memory_space<vmem_shared>>
      tpu.enqueue_indirect_dma source(%arg9 : memref<128x128xf32, #tpu.memory_space<vmem>>) target(%dma_start3A_260 : memref<10240x128xf32, #tpu.memory_space<vmem_shared>>) offsets(%dma_start3A_257 : memref<128xi32, #tpu.memory_space<vmem>>) semaphore(%arg14 : memref<!tpu.dma_semaphore, #tpu.memory_space<semaphore_mem>>) {add = true}
      %dma_wait3A_261 = arith.constant 7 : i32
      %dma_wait3A_262 = arith.constant 0 : i32
      %dma_wait3A_263 = tpu.memref_slice %arg7[%dma_wait3A_261, %dma_wait3A_262] : memref<16x128xi32, #tpu.memory_space<vmem>> -> memref<1x128xi32, #tpu.memory_space<vmem>>
      %dma_wait3A_264 = tpu.memref_squeeze %dma_wait3A_263 : memref<1x128xi32, #tpu.memory_space<vmem>> -> memref<128xi32, #tpu.memory_space<vmem>>
      %dma_wait3A_265 = arith.constant 0 : i32
      %dma_wait3A_266 = arith.constant 0 : i32
      %dma_wait3A_267 = tpu.memref_slice %arg10[%dma_wait3A_265, %dma_wait3A_266] : memref<10240x128xf32, #tpu.memory_space<vmem_shared>> -> memref<10240x128xf32, #tpu.memory_space<vmem_shared>>
      tpu.wait_indirect_dma semaphore(%arg14 : memref<!tpu.dma_semaphore, #tpu.memory_space<semaphore_mem>>) src(%arg9 : memref<128x128xf32, #tpu.memory_space<vmem>>) dst(%dma_wait3A_267 : memref<10240x128xf32, #tpu.memory_space<vmem_shared>>)
      %dma_start3A_268 = arith.constant 9 : i32
      %dma_start3A_269 = arith.constant 0 : i32
      %dma_start3A_270 = tpu.memref_slice %arg6[%dma_start3A_268, %dma_start3A_269] : memref<16x128xi32, #tpu.memory_space<vmem>> -> memref<1x128xi32, #tpu.memory_space<vmem>>
      %dma_start3A_271 = tpu.memref_squeeze %dma_start3A_270 : memref<1x128xi32, #tpu.memory_space<vmem>> -> memref<128xi32, #tpu.memory_space<vmem>>
      %dma_start3A_272 = arith.constant 0 : i32
      %dma_start3A_273 = arith.constant 0 : i32
      %dma_start3A_274 = tpu.memref_slice %arg2[%dma_start3A_272, %dma_start3A_273] : memref<20480x128xf32, #tpu.memory_space<hbm>> -> memref<20480x128xf32, #tpu.memory_space<hbm>>
      tpu.enqueue_indirect_dma source(%dma_start3A_274 : memref<20480x128xf32, #tpu.memory_space<hbm>>) target(%arg9 : memref<128x128xf32, #tpu.memory_space<vmem>>) offsets(%dma_start3A_271 : memref<128xi32, #tpu.memory_space<vmem>>) semaphore(%arg12 : memref<!tpu.dma_semaphore, #tpu.memory_space<semaphore_mem>>)
      %dma_wait3A_275 = arith.constant 8 : i32
      %dma_wait3A_276 = arith.constant 0 : i32
      %dma_wait3A_277 = tpu.memref_slice %arg6[%dma_wait3A_275, %dma_wait3A_276] : memref<16x128xi32, #tpu.memory_space<vmem>> -> memref<1x128xi32, #tpu.memory_space<vmem>>
      %dma_wait3A_278 = tpu.memref_squeeze %dma_wait3A_277 : memref<1x128xi32, #tpu.memory_space<vmem>> -> memref<128xi32, #tpu.memory_space<vmem>>
      %dma_wait3A_279 = arith.constant 0 : i32
      %dma_wait3A_280 = arith.constant 0 : i32
      %dma_wait3A_281 = tpu.memref_slice %arg2[%dma_wait3A_279, %dma_wait3A_280] : memref<20480x128xf32, #tpu.memory_space<hbm>> -> memref<20480x128xf32, #tpu.memory_space<hbm>>
      tpu.wait_indirect_dma semaphore(%arg11 : memref<!tpu.dma_semaphore, #tpu.memory_space<semaphore_mem>>) src(%dma_wait3A_281 : memref<20480x128xf32, #tpu.memory_space<hbm>>) dst(%arg8 : memref<128x128xf32, #tpu.memory_space<vmem>>)
      %dma_start3A_282 = arith.constant 8 : i32
      %dma_start3A_283 = arith.constant 0 : i32
      %dma_start3A_284 = tpu.memref_slice %arg7[%dma_start3A_282, %dma_start3A_283] : memref<16x128xi32, #tpu.memory_space<vmem>> -> memref<1x128xi32, #tpu.memory_space<vmem>>
      %dma_start3A_285 = tpu.memref_squeeze %dma_start3A_284 : memref<1x128xi32, #tpu.memory_space<vmem>> -> memref<128xi32, #tpu.memory_space<vmem>>
      %dma_start3A_286 = arith.constant 0 : i32
      %dma_start3A_287 = arith.constant 0 : i32
      %dma_start3A_288 = tpu.memref_slice %arg10[%dma_start3A_286, %dma_start3A_287] : memref<10240x128xf32, #tpu.memory_space<vmem_shared>> -> memref<10240x128xf32, #tpu.memory_space<vmem_shared>>
      tpu.enqueue_indirect_dma source(%arg8 : memref<128x128xf32, #tpu.memory_space<vmem>>) target(%dma_start3A_288 : memref<10240x128xf32, #tpu.memory_space<vmem_shared>>) offsets(%dma_start3A_285 : memref<128xi32, #tpu.memory_space<vmem>>) semaphore(%arg13 : memref<!tpu.dma_semaphore, #tpu.memory_space<semaphore_mem>>) {add = true}
      %dma_wait3A_289 = arith.constant 8 : i32
      %dma_wait3A_290 = arith.constant 0 : i32
      %dma_wait3A_291 = tpu.memref_slice %arg7[%dma_wait3A_289, %dma_wait3A_290] : memref<16x128xi32, #tpu.memory_space<vmem>> -> memref<1x128xi32, #tpu.memory_space<vmem>>
      %dma_wait3A_292 = tpu.memref_squeeze %dma_wait3A_291 : memref<1x128xi32, #tpu.memory_space<vmem>> -> memref<128xi32, #tpu.memory_space<vmem>>
      %dma_wait3A_293 = arith.constant 0 : i32
      %dma_wait3A_294 = arith.constant 0 : i32
      %dma_wait3A_295 = tpu.memref_slice %arg10[%dma_wait3A_293, %dma_wait3A_294] : memref<10240x128xf32, #tpu.memory_space<vmem_shared>> -> memref<10240x128xf32, #tpu.memory_space<vmem_shared>>
      tpu.wait_indirect_dma semaphore(%arg13 : memref<!tpu.dma_semaphore, #tpu.memory_space<semaphore_mem>>) src(%arg8 : memref<128x128xf32, #tpu.memory_space<vmem>>) dst(%dma_wait3A_295 : memref<10240x128xf32, #tpu.memory_space<vmem_shared>>)
      %dma_start3A_296 = arith.constant 10 : i32
      %dma_start3A_297 = arith.constant 0 : i32
      %dma_start3A_298 = tpu.memref_slice %arg6[%dma_start3A_296, %dma_start3A_297] : memref<16x128xi32, #tpu.memory_space<vmem>> -> memref<1x128xi32, #tpu.memory_space<vmem>>
      %dma_start3A_299 = tpu.memref_squeeze %dma_start3A_298 : memref<1x128xi32, #tpu.memory_space<vmem>> -> memref<128xi32, #tpu.memory_space<vmem>>
      %dma_start3A_300 = arith.constant 0 : i32
      %dma_start3A_301 = arith.constant 0 : i32
      %dma_start3A_302 = tpu.memref_slice %arg2[%dma_start3A_300, %dma_start3A_301] : memref<20480x128xf32, #tpu.memory_space<hbm>> -> memref<20480x128xf32, #tpu.memory_space<hbm>>
      tpu.enqueue_indirect_dma source(%dma_start3A_302 : memref<20480x128xf32, #tpu.memory_space<hbm>>) target(%arg8 : memref<128x128xf32, #tpu.memory_space<vmem>>) offsets(%dma_start3A_299 : memref<128xi32, #tpu.memory_space<vmem>>) semaphore(%arg11 : memref<!tpu.dma_semaphore, #tpu.memory_space<semaphore_mem>>)
      %dma_wait3A_303 = arith.constant 9 : i32
      %dma_wait3A_304 = arith.constant 0 : i32
      %dma_wait3A_305 = tpu.memref_slice %arg6[%dma_wait3A_303, %dma_wait3A_304] : memref<16x128xi32, #tpu.memory_space<vmem>> -> memref<1x128xi32, #tpu.memory_space<vmem>>
      %dma_wait3A_306 = tpu.memref_squeeze %dma_wait3A_305 : memref<1x128xi32, #tpu.memory_space<vmem>> -> memref<128xi32, #tpu.memory_space<vmem>>
      %dma_wait3A_307 = arith.constant 0 : i32
      %dma_wait3A_308 = arith.constant 0 : i32
      %dma_wait3A_309 = tpu.memref_slice %arg2[%dma_wait3A_307, %dma_wait3A_308] : memref<20480x128xf32, #tpu.memory_space<hbm>> -> memref<20480x128xf32, #tpu.memory_space<hbm>>
      tpu.wait_indirect_dma semaphore(%arg12 : memref<!tpu.dma_semaphore, #tpu.memory_space<semaphore_mem>>) src(%dma_wait3A_309 : memref<20480x128xf32, #tpu.memory_space<hbm>>) dst(%arg9 : memref<128x128xf32, #tpu.memory_space<vmem>>)
      %dma_start3A_310 = arith.constant 9 : i32
      %dma_start3A_311 = arith.constant 0 : i32
      %dma_start3A_312 = tpu.memref_slice %arg7[%dma_start3A_310, %dma_start3A_311] : memref<16x128xi32, #tpu.memory_space<vmem>> -> memref<1x128xi32, #tpu.memory_space<vmem>>
      %dma_start3A_313 = tpu.memref_squeeze %dma_start3A_312 : memref<1x128xi32, #tpu.memory_space<vmem>> -> memref<128xi32, #tpu.memory_space<vmem>>
      %dma_start3A_314 = arith.constant 0 : i32
      %dma_start3A_315 = arith.constant 0 : i32
      %dma_start3A_316 = tpu.memref_slice %arg10[%dma_start3A_314, %dma_start3A_315] : memref<10240x128xf32, #tpu.memory_space<vmem_shared>> -> memref<10240x128xf32, #tpu.memory_space<vmem_shared>>
      tpu.enqueue_indirect_dma source(%arg9 : memref<128x128xf32, #tpu.memory_space<vmem>>) target(%dma_start3A_316 : memref<10240x128xf32, #tpu.memory_space<vmem_shared>>) offsets(%dma_start3A_313 : memref<128xi32, #tpu.memory_space<vmem>>) semaphore(%arg14 : memref<!tpu.dma_semaphore, #tpu.memory_space<semaphore_mem>>) {add = true}
      %dma_wait3A_317 = arith.constant 9 : i32
      %dma_wait3A_318 = arith.constant 0 : i32
      %dma_wait3A_319 = tpu.memref_slice %arg7[%dma_wait3A_317, %dma_wait3A_318] : memref<16x128xi32, #tpu.memory_space<vmem>> -> memref<1x128xi32, #tpu.memory_space<vmem>>
      %dma_wait3A_320 = tpu.memref_squeeze %dma_wait3A_319 : memref<1x128xi32, #tpu.memory_space<vmem>> -> memref<128xi32, #tpu.memory_space<vmem>>
      %dma_wait3A_321 = arith.constant 0 : i32
      %dma_wait3A_322 = arith.constant 0 : i32
      %dma_wait3A_323 = tpu.memref_slice %arg10[%dma_wait3A_321, %dma_wait3A_322] : memref<10240x128xf32, #tpu.memory_space<vmem_shared>> -> memref<10240x128xf32, #tpu.memory_space<vmem_shared>>
      tpu.wait_indirect_dma semaphore(%arg14 : memref<!tpu.dma_semaphore, #tpu.memory_space<semaphore_mem>>) src(%arg9 : memref<128x128xf32, #tpu.memory_space<vmem>>) dst(%dma_wait3A_323 : memref<10240x128xf32, #tpu.memory_space<vmem_shared>>)
      %dma_start3A_324 = arith.constant 11 : i32
      %dma_start3A_325 = arith.constant 0 : i32
      %dma_start3A_326 = tpu.memref_slice %arg6[%dma_start3A_324, %dma_start3A_325] : memref<16x128xi32, #tpu.memory_space<vmem>> -> memref<1x128xi32, #tpu.memory_space<vmem>>
      %dma_start3A_327 = tpu.memref_squeeze %dma_start3A_326 : memref<1x128xi32, #tpu.memory_space<vmem>> -> memref<128xi32, #tpu.memory_space<vmem>>
      %dma_start3A_328 = arith.constant 0 : i32
      %dma_start3A_329 = arith.constant 0 : i32
      %dma_start3A_330 = tpu.memref_slice %arg2[%dma_start3A_328, %dma_start3A_329] : memref<20480x128xf32, #tpu.memory_space<hbm>> -> memref<20480x128xf32, #tpu.memory_space<hbm>>
      tpu.enqueue_indirect_dma source(%dma_start3A_330 : memref<20480x128xf32, #tpu.memory_space<hbm>>) target(%arg9 : memref<128x128xf32, #tpu.memory_space<vmem>>) offsets(%dma_start3A_327 : memref<128xi32, #tpu.memory_space<vmem>>) semaphore(%arg12 : memref<!tpu.dma_semaphore, #tpu.memory_space<semaphore_mem>>)
      %dma_wait3A_331 = arith.constant 10 : i32
      %dma_wait3A_332 = arith.constant 0 : i32
      %dma_wait3A_333 = tpu.memref_slice %arg6[%dma_wait3A_331, %dma_wait3A_332] : memref<16x128xi32, #tpu.memory_space<vmem>> -> memref<1x128xi32, #tpu.memory_space<vmem>>
      %dma_wait3A_334 = tpu.memref_squeeze %dma_wait3A_333 : memref<1x128xi32, #tpu.memory_space<vmem>> -> memref<128xi32, #tpu.memory_space<vmem>>
      %dma_wait3A_335 = arith.constant 0 : i32
      %dma_wait3A_336 = arith.constant 0 : i32
      %dma_wait3A_337 = tpu.memref_slice %arg2[%dma_wait3A_335, %dma_wait3A_336] : memref<20480x128xf32, #tpu.memory_space<hbm>> -> memref<20480x128xf32, #tpu.memory_space<hbm>>
      tpu.wait_indirect_dma semaphore(%arg11 : memref<!tpu.dma_semaphore, #tpu.memory_space<semaphore_mem>>) src(%dma_wait3A_337 : memref<20480x128xf32, #tpu.memory_space<hbm>>) dst(%arg8 : memref<128x128xf32, #tpu.memory_space<vmem>>)
      %dma_start3A_338 = arith.constant 10 : i32
      %dma_start3A_339 = arith.constant 0 : i32
      %dma_start3A_340 = tpu.memref_slice %arg7[%dma_start3A_338, %dma_start3A_339] : memref<16x128xi32, #tpu.memory_space<vmem>> -> memref<1x128xi32, #tpu.memory_space<vmem>>
      %dma_start3A_341 = tpu.memref_squeeze %dma_start3A_340 : memref<1x128xi32, #tpu.memory_space<vmem>> -> memref<128xi32, #tpu.memory_space<vmem>>
      %dma_start3A_342 = arith.constant 0 : i32
      %dma_start3A_343 = arith.constant 0 : i32
      %dma_start3A_344 = tpu.memref_slice %arg10[%dma_start3A_342, %dma_start3A_343] : memref<10240x128xf32, #tpu.memory_space<vmem_shared>> -> memref<10240x128xf32, #tpu.memory_space<vmem_shared>>
      tpu.enqueue_indirect_dma source(%arg8 : memref<128x128xf32, #tpu.memory_space<vmem>>) target(%dma_start3A_344 : memref<10240x128xf32, #tpu.memory_space<vmem_shared>>) offsets(%dma_start3A_341 : memref<128xi32, #tpu.memory_space<vmem>>) semaphore(%arg13 : memref<!tpu.dma_semaphore, #tpu.memory_space<semaphore_mem>>) {add = true}
      %dma_wait3A_345 = arith.constant 10 : i32
      %dma_wait3A_346 = arith.constant 0 : i32
      %dma_wait3A_347 = tpu.memref_slice %arg7[%dma_wait3A_345, %dma_wait3A_346] : memref<16x128xi32, #tpu.memory_space<vmem>> -> memref<1x128xi32, #tpu.memory_space<vmem>>
      %dma_wait3A_348 = tpu.memref_squeeze %dma_wait3A_347 : memref<1x128xi32, #tpu.memory_space<vmem>> -> memref<128xi32, #tpu.memory_space<vmem>>
      %dma_wait3A_349 = arith.constant 0 : i32
      %dma_wait3A_350 = arith.constant 0 : i32
      %dma_wait3A_351 = tpu.memref_slice %arg10[%dma_wait3A_349, %dma_wait3A_350] : memref<10240x128xf32, #tpu.memory_space<vmem_shared>> -> memref<10240x128xf32, #tpu.memory_space<vmem_shared>>
      tpu.wait_indirect_dma semaphore(%arg13 : memref<!tpu.dma_semaphore, #tpu.memory_space<semaphore_mem>>) src(%arg8 : memref<128x128xf32, #tpu.memory_space<vmem>>) dst(%dma_wait3A_351 : memref<10240x128xf32, #tpu.memory_space<vmem_shared>>)
      %dma_start3A_352 = arith.constant 12 : i32
      %dma_start3A_353 = arith.constant 0 : i32
      %dma_start3A_354 = tpu.memref_slice %arg6[%dma_start3A_352, %dma_start3A_353] : memref<16x128xi32, #tpu.memory_space<vmem>> -> memref<1x128xi32, #tpu.memory_space<vmem>>
      %dma_start3A_355 = tpu.memref_squeeze %dma_start3A_354 : memref<1x128xi32, #tpu.memory_space<vmem>> -> memref<128xi32, #tpu.memory_space<vmem>>
      %dma_start3A_356 = arith.constant 0 : i32
      %dma_start3A_357 = arith.constant 0 : i32
      %dma_start3A_358 = tpu.memref_slice %arg2[%dma_start3A_356, %dma_start3A_357] : memref<20480x128xf32, #tpu.memory_space<hbm>> -> memref<20480x128xf32, #tpu.memory_space<hbm>>
      tpu.enqueue_indirect_dma source(%dma_start3A_358 : memref<20480x128xf32, #tpu.memory_space<hbm>>) target(%arg8 : memref<128x128xf32, #tpu.memory_space<vmem>>) offsets(%dma_start3A_355 : memref<128xi32, #tpu.memory_space<vmem>>) semaphore(%arg11 : memref<!tpu.dma_semaphore, #tpu.memory_space<semaphore_mem>>)
      %dma_wait3A_359 = arith.constant 11 : i32
      %dma_wait3A_360 = arith.constant 0 : i32
      %dma_wait3A_361 = tpu.memref_slice %arg6[%dma_wait3A_359, %dma_wait3A_360] : memref<16x128xi32, #tpu.memory_space<vmem>> -> memref<1x128xi32, #tpu.memory_space<vmem>>
      %dma_wait3A_362 = tpu.memref_squeeze %dma_wait3A_361 : memref<1x128xi32, #tpu.memory_space<vmem>> -> memref<128xi32, #tpu.memory_space<vmem>>
      %dma_wait3A_363 = arith.constant 0 : i32
      %dma_wait3A_364 = arith.constant 0 : i32
      %dma_wait3A_365 = tpu.memref_slice %arg2[%dma_wait3A_363, %dma_wait3A_364] : memref<20480x128xf32, #tpu.memory_space<hbm>> -> memref<20480x128xf32, #tpu.memory_space<hbm>>
      tpu.wait_indirect_dma semaphore(%arg12 : memref<!tpu.dma_semaphore, #tpu.memory_space<semaphore_mem>>) src(%dma_wait3A_365 : memref<20480x128xf32, #tpu.memory_space<hbm>>) dst(%arg9 : memref<128x128xf32, #tpu.memory_space<vmem>>)
      %dma_start3A_366 = arith.constant 11 : i32
      %dma_start3A_367 = arith.constant 0 : i32
      %dma_start3A_368 = tpu.memref_slice %arg7[%dma_start3A_366, %dma_start3A_367] : memref<16x128xi32, #tpu.memory_space<vmem>> -> memref<1x128xi32, #tpu.memory_space<vmem>>
      %dma_start3A_369 = tpu.memref_squeeze %dma_start3A_368 : memref<1x128xi32, #tpu.memory_space<vmem>> -> memref<128xi32, #tpu.memory_space<vmem>>
      %dma_start3A_370 = arith.constant 0 : i32
      %dma_start3A_371 = arith.constant 0 : i32
      %dma_start3A_372 = tpu.memref_slice %arg10[%dma_start3A_370, %dma_start3A_371] : memref<10240x128xf32, #tpu.memory_space<vmem_shared>> -> memref<10240x128xf32, #tpu.memory_space<vmem_shared>>
      tpu.enqueue_indirect_dma source(%arg9 : memref<128x128xf32, #tpu.memory_space<vmem>>) target(%dma_start3A_372 : memref<10240x128xf32, #tpu.memory_space<vmem_shared>>) offsets(%dma_start3A_369 : memref<128xi32, #tpu.memory_space<vmem>>) semaphore(%arg14 : memref<!tpu.dma_semaphore, #tpu.memory_space<semaphore_mem>>) {add = true}
      %dma_wait3A_373 = arith.constant 11 : i32
      %dma_wait3A_374 = arith.constant 0 : i32
      %dma_wait3A_375 = tpu.memref_slice %arg7[%dma_wait3A_373, %dma_wait3A_374] : memref<16x128xi32, #tpu.memory_space<vmem>> -> memref<1x128xi32, #tpu.memory_space<vmem>>
      %dma_wait3A_376 = tpu.memref_squeeze %dma_wait3A_375 : memref<1x128xi32, #tpu.memory_space<vmem>> -> memref<128xi32, #tpu.memory_space<vmem>>
      %dma_wait3A_377 = arith.constant 0 : i32
      %dma_wait3A_378 = arith.constant 0 : i32
      %dma_wait3A_379 = tpu.memref_slice %arg10[%dma_wait3A_377, %dma_wait3A_378] : memref<10240x128xf32, #tpu.memory_space<vmem_shared>> -> memref<10240x128xf32, #tpu.memory_space<vmem_shared>>
      tpu.wait_indirect_dma semaphore(%arg14 : memref<!tpu.dma_semaphore, #tpu.memory_space<semaphore_mem>>) src(%arg9 : memref<128x128xf32, #tpu.memory_space<vmem>>) dst(%dma_wait3A_379 : memref<10240x128xf32, #tpu.memory_space<vmem_shared>>)
      %dma_start3A_380 = arith.constant 13 : i32
      %dma_start3A_381 = arith.constant 0 : i32
      %dma_start3A_382 = tpu.memref_slice %arg6[%dma_start3A_380, %dma_start3A_381] : memref<16x128xi32, #tpu.memory_space<vmem>> -> memref<1x128xi32, #tpu.memory_space<vmem>>
      %dma_start3A_383 = tpu.memref_squeeze %dma_start3A_382 : memref<1x128xi32, #tpu.memory_space<vmem>> -> memref<128xi32, #tpu.memory_space<vmem>>
      %dma_start3A_384 = arith.constant 0 : i32
      %dma_start3A_385 = arith.constant 0 : i32
      %dma_start3A_386 = tpu.memref_slice %arg2[%dma_start3A_384, %dma_start3A_385] : memref<20480x128xf32, #tpu.memory_space<hbm>> -> memref<20480x128xf32, #tpu.memory_space<hbm>>
      tpu.enqueue_indirect_dma source(%dma_start3A_386 : memref<20480x128xf32, #tpu.memory_space<hbm>>) target(%arg9 : memref<128x128xf32, #tpu.memory_space<vmem>>) offsets(%dma_start3A_383 : memref<128xi32, #tpu.memory_space<vmem>>) semaphore(%arg12 : memref<!tpu.dma_semaphore, #tpu.memory_space<semaphore_mem>>)
      %dma_wait3A_387 = arith.constant 12 : i32
      %dma_wait3A_388 = arith.constant 0 : i32
      %dma_wait3A_389 = tpu.memref_slice %arg6[%dma_wait3A_387, %dma_wait3A_388] : memref<16x128xi32, #tpu.memory_space<vmem>> -> memref<1x128xi32, #tpu.memory_space<vmem>>
      %dma_wait3A_390 = tpu.memref_squeeze %dma_wait3A_389 : memref<1x128xi32, #tpu.memory_space<vmem>> -> memref<128xi32, #tpu.memory_space<vmem>>
      %dma_wait3A_391 = arith.constant 0 : i32
      %dma_wait3A_392 = arith.constant 0 : i32
      %dma_wait3A_393 = tpu.memref_slice %arg2[%dma_wait3A_391, %dma_wait3A_392] : memref<20480x128xf32, #tpu.memory_space<hbm>> -> memref<20480x128xf32, #tpu.memory_space<hbm>>
      tpu.wait_indirect_dma semaphore(%arg11 : memref<!tpu.dma_semaphore, #tpu.memory_space<semaphore_mem>>) src(%dma_wait3A_393 : memref<20480x128xf32, #tpu.memory_space<hbm>>) dst(%arg8 : memref<128x128xf32, #tpu.memory_space<vmem>>)
      %dma_start3A_394 = arith.constant 12 : i32
      %dma_start3A_395 = arith.constant 0 : i32
      %dma_start3A_396 = tpu.memref_slice %arg7[%dma_start3A_394, %dma_start3A_395] : memref<16x128xi32, #tpu.memory_space<vmem>> -> memref<1x128xi32, #tpu.memory_space<vmem>>
      %dma_start3A_397 = tpu.memref_squeeze %dma_start3A_396 : memref<1x128xi32, #tpu.memory_space<vmem>> -> memref<128xi32, #tpu.memory_space<vmem>>
      %dma_start3A_398 = arith.constant 0 : i32
      %dma_start3A_399 = arith.constant 0 : i32
      %dma_start3A_400 = tpu.memref_slice %arg10[%dma_start3A_398, %dma_start3A_399] : memref<10240x128xf32, #tpu.memory_space<vmem_shared>> -> memref<10240x128xf32, #tpu.memory_space<vmem_shared>>
      tpu.enqueue_indirect_dma source(%arg8 : memref<128x128xf32, #tpu.memory_space<vmem>>) target(%dma_start3A_400 : memref<10240x128xf32, #tpu.memory_space<vmem_shared>>) offsets(%dma_start3A_397 : memref<128xi32, #tpu.memory_space<vmem>>) semaphore(%arg13 : memref<!tpu.dma_semaphore, #tpu.memory_space<semaphore_mem>>) {add = true}
      %dma_wait3A_401 = arith.constant 12 : i32
      %dma_wait3A_402 = arith.constant 0 : i32
      %dma_wait3A_403 = tpu.memref_slice %arg7[%dma_wait3A_401, %dma_wait3A_402] : memref<16x128xi32, #tpu.memory_space<vmem>> -> memref<1x128xi32, #tpu.memory_space<vmem>>
      %dma_wait3A_404 = tpu.memref_squeeze %dma_wait3A_403 : memref<1x128xi32, #tpu.memory_space<vmem>> -> memref<128xi32, #tpu.memory_space<vmem>>
      %dma_wait3A_405 = arith.constant 0 : i32
      %dma_wait3A_406 = arith.constant 0 : i32
      %dma_wait3A_407 = tpu.memref_slice %arg10[%dma_wait3A_405, %dma_wait3A_406] : memref<10240x128xf32, #tpu.memory_space<vmem_shared>> -> memref<10240x128xf32, #tpu.memory_space<vmem_shared>>
      tpu.wait_indirect_dma semaphore(%arg13 : memref<!tpu.dma_semaphore, #tpu.memory_space<semaphore_mem>>) src(%arg8 : memref<128x128xf32, #tpu.memory_space<vmem>>) dst(%dma_wait3A_407 : memref<10240x128xf32, #tpu.memory_space<vmem_shared>>)
      %dma_start3A_408 = arith.constant 14 : i32
      %dma_start3A_409 = arith.constant 0 : i32
      %dma_start3A_410 = tpu.memref_slice %arg6[%dma_start3A_408, %dma_start3A_409] : memref<16x128xi32, #tpu.memory_space<vmem>> -> memref<1x128xi32, #tpu.memory_space<vmem>>
      %dma_start3A_411 = tpu.memref_squeeze %dma_start3A_410 : memref<1x128xi32, #tpu.memory_space<vmem>> -> memref<128xi32, #tpu.memory_space<vmem>>
      %dma_start3A_412 = arith.constant 0 : i32
      %dma_start3A_413 = arith.constant 0 : i32
      %dma_start3A_414 = tpu.memref_slice %arg2[%dma_start3A_412, %dma_start3A_413] : memref<20480x128xf32, #tpu.memory_space<hbm>> -> memref<20480x128xf32, #tpu.memory_space<hbm>>
      tpu.enqueue_indirect_dma source(%dma_start3A_414 : memref<20480x128xf32, #tpu.memory_space<hbm>>) target(%arg8 : memref<128x128xf32, #tpu.memory_space<vmem>>) offsets(%dma_start3A_411 : memref<128xi32, #tpu.memory_space<vmem>>) semaphore(%arg11 : memref<!tpu.dma_semaphore, #tpu.memory_space<semaphore_mem>>)
      %dma_wait3A_415 = arith.constant 13 : i32
      %dma_wait3A_416 = arith.constant 0 : i32
      %dma_wait3A_417 = tpu.memref_slice %arg6[%dma_wait3A_415, %dma_wait3A_416] : memref<16x128xi32, #tpu.memory_space<vmem>> -> memref<1x128xi32, #tpu.memory_space<vmem>>
      %dma_wait3A_418 = tpu.memref_squeeze %dma_wait3A_417 : memref<1x128xi32, #tpu.memory_space<vmem>> -> memref<128xi32, #tpu.memory_space<vmem>>
      %dma_wait3A_419 = arith.constant 0 : i32
      %dma_wait3A_420 = arith.constant 0 : i32
      %dma_wait3A_421 = tpu.memref_slice %arg2[%dma_wait3A_419, %dma_wait3A_420] : memref<20480x128xf32, #tpu.memory_space<hbm>> -> memref<20480x128xf32, #tpu.memory_space<hbm>>
      tpu.wait_indirect_dma semaphore(%arg12 : memref<!tpu.dma_semaphore, #tpu.memory_space<semaphore_mem>>) src(%dma_wait3A_421 : memref<20480x128xf32, #tpu.memory_space<hbm>>) dst(%arg9 : memref<128x128xf32, #tpu.memory_space<vmem>>)
      %dma_start3A_422 = arith.constant 13 : i32
      %dma_start3A_423 = arith.constant 0 : i32
      %dma_start3A_424 = tpu.memref_slice %arg7[%dma_start3A_422, %dma_start3A_423] : memref<16x128xi32, #tpu.memory_space<vmem>> -> memref<1x128xi32, #tpu.memory_space<vmem>>
      %dma_start3A_425 = tpu.memref_squeeze %dma_start3A_424 : memref<1x128xi32, #tpu.memory_space<vmem>> -> memref<128xi32, #tpu.memory_space<vmem>>
      %dma_start3A_426 = arith.constant 0 : i32
      %dma_start3A_427 = arith.constant 0 : i32
      %dma_start3A_428 = tpu.memref_slice %arg10[%dma_start3A_426, %dma_start3A_427] : memref<10240x128xf32, #tpu.memory_space<vmem_shared>> -> memref<10240x128xf32, #tpu.memory_space<vmem_shared>>
      tpu.enqueue_indirect_dma source(%arg9 : memref<128x128xf32, #tpu.memory_space<vmem>>) target(%dma_start3A_428 : memref<10240x128xf32, #tpu.memory_space<vmem_shared>>) offsets(%dma_start3A_425 : memref<128xi32, #tpu.memory_space<vmem>>) semaphore(%arg14 : memref<!tpu.dma_semaphore, #tpu.memory_space<semaphore_mem>>) {add = true}
      %dma_wait3A_429 = arith.constant 13 : i32
      %dma_wait3A_430 = arith.constant 0 : i32
      %dma_wait3A_431 = tpu.memref_slice %arg7[%dma_wait3A_429, %dma_wait3A_430] : memref<16x128xi32, #tpu.memory_space<vmem>> -> memref<1x128xi32, #tpu.memory_space<vmem>>
      %dma_wait3A_432 = tpu.memref_squeeze %dma_wait3A_431 : memref<1x128xi32, #tpu.memory_space<vmem>> -> memref<128xi32, #tpu.memory_space<vmem>>
      %dma_wait3A_433 = arith.constant 0 : i32
      %dma_wait3A_434 = arith.constant 0 : i32
      %dma_wait3A_435 = tpu.memref_slice %arg10[%dma_wait3A_433, %dma_wait3A_434] : memref<10240x128xf32, #tpu.memory_space<vmem_shared>> -> memref<10240x128xf32, #tpu.memory_space<vmem_shared>>
      tpu.wait_indirect_dma semaphore(%arg14 : memref<!tpu.dma_semaphore, #tpu.memory_space<semaphore_mem>>) src(%arg9 : memref<128x128xf32, #tpu.memory_space<vmem>>) dst(%dma_wait3A_435 : memref<10240x128xf32, #tpu.memory_space<vmem_shared>>)
      %dma_start3A_436 = arith.constant 15 : i32
      %dma_start3A_437 = arith.constant 0 : i32
      %dma_start3A_438 = tpu.memref_slice %arg6[%dma_start3A_436, %dma_start3A_437] : memref<16x128xi32, #tpu.memory_space<vmem>> -> memref<1x128xi32, #tpu.memory_space<vmem>>
      %dma_start3A_439 = tpu.memref_squeeze %dma_start3A_438 : memref<1x128xi32, #tpu.memory_space<vmem>> -> memref<128xi32, #tpu.memory_space<vmem>>
      %dma_start3A_440 = arith.constant 0 : i32
      %dma_start3A_441 = arith.constant 0 : i32
      %dma_start3A_442 = tpu.memref_slice %arg2[%dma_start3A_440, %dma_start3A_441] : memref<20480x128xf32, #tpu.memory_space<hbm>> -> memref<20480x128xf32, #tpu.memory_space<hbm>>
      tpu.enqueue_indirect_dma source(%dma_start3A_442 : memref<20480x128xf32, #tpu.memory_space<hbm>>) target(%arg9 : memref<128x128xf32, #tpu.memory_space<vmem>>) offsets(%dma_start3A_439 : memref<128xi32, #tpu.memory_space<vmem>>) semaphore(%arg12 : memref<!tpu.dma_semaphore, #tpu.memory_space<semaphore_mem>>)
      %dma_wait3A_443 = arith.constant 14 : i32
      %dma_wait3A_444 = arith.constant 0 : i32
      %dma_wait3A_445 = tpu.memref_slice %arg6[%dma_wait3A_443, %dma_wait3A_444] : memref<16x128xi32, #tpu.memory_space<vmem>> -> memref<1x128xi32, #tpu.memory_space<vmem>>
      %dma_wait3A_446 = tpu.memref_squeeze %dma_wait3A_445 : memref<1x128xi32, #tpu.memory_space<vmem>> -> memref<128xi32, #tpu.memory_space<vmem>>
      %dma_wait3A_447 = arith.constant 0 : i32
      %dma_wait3A_448 = arith.constant 0 : i32
      %dma_wait3A_449 = tpu.memref_slice %arg2[%dma_wait3A_447, %dma_wait3A_448] : memref<20480x128xf32, #tpu.memory_space<hbm>> -> memref<20480x128xf32, #tpu.memory_space<hbm>>
      tpu.wait_indirect_dma semaphore(%arg11 : memref<!tpu.dma_semaphore, #tpu.memory_space<semaphore_mem>>) src(%dma_wait3A_449 : memref<20480x128xf32, #tpu.memory_space<hbm>>) dst(%arg8 : memref<128x128xf32, #tpu.memory_space<vmem>>)
      %dma_start3A_450 = arith.constant 14 : i32
      %dma_start3A_451 = arith.constant 0 : i32
      %dma_start3A_452 = tpu.memref_slice %arg7[%dma_start3A_450, %dma_start3A_451] : memref<16x128xi32, #tpu.memory_space<vmem>> -> memref<1x128xi32, #tpu.memory_space<vmem>>
      %dma_start3A_453 = tpu.memref_squeeze %dma_start3A_452 : memref<1x128xi32, #tpu.memory_space<vmem>> -> memref<128xi32, #tpu.memory_space<vmem>>
      %dma_start3A_454 = arith.constant 0 : i32
      %dma_start3A_455 = arith.constant 0 : i32
      %dma_start3A_456 = tpu.memref_slice %arg10[%dma_start3A_454, %dma_start3A_455] : memref<10240x128xf32, #tpu.memory_space<vmem_shared>> -> memref<10240x128xf32, #tpu.memory_space<vmem_shared>>
      tpu.enqueue_indirect_dma source(%arg8 : memref<128x128xf32, #tpu.memory_space<vmem>>) target(%dma_start3A_456 : memref<10240x128xf32, #tpu.memory_space<vmem_shared>>) offsets(%dma_start3A_453 : memref<128xi32, #tpu.memory_space<vmem>>) semaphore(%arg13 : memref<!tpu.dma_semaphore, #tpu.memory_space<semaphore_mem>>) {add = true}
      %dma_wait3A_457 = arith.constant 15 : i32
      %dma_wait3A_458 = arith.constant 0 : i32
      %dma_wait3A_459 = tpu.memref_slice %arg6[%dma_wait3A_457, %dma_wait3A_458] : memref<16x128xi32, #tpu.memory_space<vmem>> -> memref<1x128xi32, #tpu.memory_space<vmem>>
      %dma_wait3A_460 = tpu.memref_squeeze %dma_wait3A_459 : memref<1x128xi32, #tpu.memory_space<vmem>> -> memref<128xi32, #tpu.memory_space<vmem>>
      %dma_wait3A_461 = arith.constant 0 : i32
      %dma_wait3A_462 = arith.constant 0 : i32
      %dma_wait3A_463 = tpu.memref_slice %arg2[%dma_wait3A_461, %dma_wait3A_462] : memref<20480x128xf32, #tpu.memory_space<hbm>> -> memref<20480x128xf32, #tpu.memory_space<hbm>>
      tpu.wait_indirect_dma semaphore(%arg12 : memref<!tpu.dma_semaphore, #tpu.memory_space<semaphore_mem>>) src(%dma_wait3A_463 : memref<20480x128xf32, #tpu.memory_space<hbm>>) dst(%arg9 : memref<128x128xf32, #tpu.memory_space<vmem>>)
      %dma_start3A_464 = arith.constant 15 : i32
      %dma_start3A_465 = arith.constant 0 : i32
      %dma_start3A_466 = tpu.memref_slice %arg7[%dma_start3A_464, %dma_start3A_465] : memref<16x128xi32, #tpu.memory_space<vmem>> -> memref<1x128xi32, #tpu.memory_space<vmem>>
      %dma_start3A_467 = tpu.memref_squeeze %dma_start3A_466 : memref<1x128xi32, #tpu.memory_space<vmem>> -> memref<128xi32, #tpu.memory_space<vmem>>
      %dma_start3A_468 = arith.constant 0 : i32
      %dma_start3A_469 = arith.constant 0 : i32
      %dma_start3A_470 = tpu.memref_slice %arg10[%dma_start3A_468, %dma_start3A_469] : memref<10240x128xf32, #tpu.memory_space<vmem_shared>> -> memref<10240x128xf32, #tpu.memory_space<vmem_shared>>
      tpu.enqueue_indirect_dma source(%arg9 : memref<128x128xf32, #tpu.memory_space<vmem>>) target(%dma_start3A_470 : memref<10240x128xf32, #tpu.memory_space<vmem_shared>>) offsets(%dma_start3A_467 : memref<128xi32, #tpu.memory_space<vmem>>) semaphore(%arg14 : memref<!tpu.dma_semaphore, #tpu.memory_space<semaphore_mem>>) {add = true}
      %dma_wait3A_471 = arith.constant 14 : i32
      %dma_wait3A_472 = arith.constant 0 : i32
      %dma_wait3A_473 = tpu.memref_slice %arg7[%dma_wait3A_471, %dma_wait3A_472] : memref<16x128xi32, #tpu.memory_space<vmem>> -> memref<1x128xi32, #tpu.memory_space<vmem>>
      %dma_wait3A_474 = tpu.memref_squeeze %dma_wait3A_473 : memref<1x128xi32, #tpu.memory_space<vmem>> -> memref<128xi32, #tpu.memory_space<vmem>>
      %dma_wait3A_475 = arith.constant 0 : i32
      %dma_wait3A_476 = arith.constant 0 : i32
      %dma_wait3A_477 = tpu.memref_slice %arg10[%dma_wait3A_475, %dma_wait3A_476] : memref<10240x128xf32, #tpu.memory_space<vmem_shared>> -> memref<10240x128xf32, #tpu.memory_space<vmem_shared>>
      tpu.wait_indirect_dma semaphore(%arg13 : memref<!tpu.dma_semaphore, #tpu.memory_space<semaphore_mem>>) src(%arg8 : memref<128x128xf32, #tpu.memory_space<vmem>>) dst(%dma_wait3A_477 : memref<10240x128xf32, #tpu.memory_space<vmem_shared>>)
      %dma_wait3A_478 = arith.constant 15 : i32
      %dma_wait3A_479 = arith.constant 0 : i32
      %dma_wait3A_480 = tpu.memref_slice %arg7[%dma_wait3A_478, %dma_wait3A_479] : memref<16x128xi32, #tpu.memory_space<vmem>> -> memref<1x128xi32, #tpu.memory_space<vmem>>
      %dma_wait3A_481 = tpu.memref_squeeze %dma_wait3A_480 : memref<1x128xi32, #tpu.memory_space<vmem>> -> memref<128xi32, #tpu.memory_space<vmem>>
      %dma_wait3A_482 = arith.constant 0 : i32
      %dma_wait3A_483 = arith.constant 0 : i32
      %dma_wait3A_484 = tpu.memref_slice %arg10[%dma_wait3A_482, %dma_wait3A_483] : memref<10240x128xf32, #tpu.memory_space<vmem_shared>> -> memref<10240x128xf32, #tpu.memory_space<vmem_shared>>
      tpu.wait_indirect_dma semaphore(%arg14 : memref<!tpu.dma_semaphore, #tpu.memory_space<semaphore_mem>>) src(%arg9 : memref<128x128xf32, #tpu.memory_space<vmem>>) dst(%dma_wait3A_484 : memref<10240x128xf32, #tpu.memory_space<vmem_shared>>)
    }
    %scan3A_14 = arith.constant 10 : i32
    %barrier3A_15 = arith.constant 0 : index
    tpu.barrier barrier_id(%barrier3A_15)
    %mul3A = arith.constant 640 : i32
    %mul3A_16 = arith.muli %arg1, %mul3A : i32
    %mul3A_17 = arith.constant 10240 : i32
    %mul3A_18 = arith.muli %arg0, %mul3A_17 : i32
    %mul3A_19 = arith.constant 640 : i32
    %mul3A_20 = arith.muli %arg1, %mul3A_19 : i32
    %add3A = arith.addi %mul3A_18, %mul3A_20 : i32
    "tpu.region"() ({
      %run_scoped3A = tpu.sem_alloc : memref<!tpu.dma_semaphore, #tpu.memory_space<semaphore_mem>>
      %dma_start3A = arith.constant 0 : i32
      %dma_start3A_21 = tpu.memref_slice %arg5[%add3A, %dma_start3A] : memref<20480x128xf32, #tpu.memory_space<hbm>> -> memref<640x128xf32, #tpu.memory_space<hbm>>
      %dma_start3A_22 = arith.constant 0 : i32
      %dma_start3A_23 = tpu.memref_slice %arg10[%mul3A_16, %dma_start3A_22] : memref<10240x128xf32, #tpu.memory_space<vmem_shared>> -> memref<640x128xf32, #tpu.memory_space<vmem_shared>>
      tpu.enqueue_dma source(%dma_start3A_23 : memref<640x128xf32, #tpu.memory_space<vmem_shared>>) target(%dma_start3A_21 : memref<640x128xf32, #tpu.memory_space<hbm>>) target_semaphore(%run_scoped3A : memref<!tpu.dma_semaphore, #tpu.memory_space<semaphore_mem>>)
      %dma_wait3A = arith.constant 0 : i32
      %dma_wait3A_24 = tpu.memref_slice %arg5[%add3A, %dma_wait3A] : memref<20480x128xf32, #tpu.memory_space<hbm>> -> memref<640x128xf32, #tpu.memory_space<hbm>>
      %dma_wait3A_25 = arith.constant 0 : i32
      %dma_wait3A_26 = tpu.memref_slice %arg10[%mul3A_16, %dma_wait3A_25] : memref<10240x128xf32, #tpu.memory_space<vmem_shared>> -> memref<640x128xf32, #tpu.memory_space<vmem_shared>>
      tpu.wait_dma2 semaphore(%run_scoped3A : memref<!tpu.dma_semaphore, #tpu.memory_space<semaphore_mem>>) src(%dma_wait3A_26 : memref<640x128xf32, #tpu.memory_space<vmem_shared>>) dst(%dma_wait3A_24 : memref<640x128xf32, #tpu.memory_space<hbm>>)
      tpu.yield
    }) : () -> ()
    return
  }
}

#map = affine_map<(d0, d1) -> (0, 0)>
module attributes {stable_mosaic.version = 14 : i64} {
  func.func @edge_kernel(%arg0: i32, %arg1: i32, %arg2: memref<20480x128xf32, #tpu.memory_space<hbm>>, %arg3: memref<5120x128xi32, #tpu.memory_space<hbm>>, %arg4: memref<2560x128xi32, #tpu.memory_space<hbm>>, %arg5: memref<20480x128xf32, #tpu.memory_space<hbm>>, %arg6: memref<16x128xi32, #tpu.memory_space<vmem>>, %arg7: memref<16x128xi32, #tpu.memory_space<vmem>>, %arg8: memref<128x128xf32, #tpu.memory_space<vmem>>, %arg9: memref<128x128xf32, #tpu.memory_space<vmem>>, %arg10: memref<10240x128xf32, #tpu.memory_space<vmem_shared>>, %arg11: memref<!tpu.dma_semaphore, #tpu.memory_space<semaphore_mem>>, %arg12: memref<!tpu.dma_semaphore, #tpu.memory_space<semaphore_mem>>, %arg13: memref<!tpu.dma_semaphore, #tpu.memory_space<semaphore_mem>>, %arg14: memref<!tpu.dma_semaphore, #tpu.memory_space<semaphore_mem>>) attributes {dimension_semantics = [#tpu.dimension_semantics<core_parallel>, #tpu.dimension_semantics<subcore_parallel>], iteration_bounds = array<i64: 2, 16>, scalar_prefetch = 0 : i64, scratch_operands = 9 : i64, tpu.core_type = #tpu.core_type<sc_vector_subcore>, window_params = [{transform_indices = #map}, {transform_indices = #map}, {transform_indices = #map}, {transform_indices = #map}]} {
    %broadcast_in_dim3A = arith.constant 0.000000e+00 : f32
    %broadcast_in_dim3A_0 = vector.broadcast %broadcast_in_dim3A : f32 to vector<16xf32>
    %scan3A = arith.constant 0 : i32
    %scan3A_1 = arith.constant 128 : i32
    %scan3A_2 = arith.addi %scan3A, %scan3A_1 : i32
    %scan3A_3 = arith.constant 1 : i32
    scf.for %scan3A_21 = %scan3A to %scan3A_2 step %scan3A_3  : i32 {
      %mul3A_22 = arith.constant 1 : i32
      %mul3A_23 = arith.muli %scan3A_21, %mul3A_22 : i32
      %add3A_24 = arith.constant 0 : i32
      %add3A_25 = arith.addi %add3A_24, %mul3A_23 : i32
      %swap3A = arith.index_cast %add3A_25 : i32 to index
      %swap3A_26 = arith.constant 0 : index
      %swap3A_27 = tpu.vector_load %arg8[%swap3A, %swap3A_26] {strides = array<i32>} : memref<128x128xf32, #tpu.memory_space<vmem>>, vector<1x16xf32>,
      %swap3A_28 = vector.shape_cast %swap3A_27 : vector<1x16xf32> to vector<16xf32>
      %swap3A_29 = vector.shape_cast %broadcast_in_dim3A_0 : vector<16xf32> to vector<1x16xf32>
      tpu.vector_store %arg8[%swap3A, %swap3A_26], %swap3A_29 {strides = array<i32>} : memref<128x128xf32, #tpu.memory_space<vmem>>, vector<1x16xf32>,
      %swap3A_30 = arith.index_cast %add3A_25 : i32 to index
      %swap3A_31 = arith.constant 16 : index
      %swap3A_32 = tpu.vector_load %arg8[%swap3A_30, %swap3A_31] {strides = array<i32>} : memref<128x128xf32, #tpu.memory_space<vmem>>, vector<1x16xf32>,
      %swap3A_33 = vector.shape_cast %swap3A_32 : vector<1x16xf32> to vector<16xf32>
      %swap3A_34 = vector.shape_cast %broadcast_in_dim3A_0 : vector<16xf32> to vector<1x16xf32>
      tpu.vector_store %arg8[%swap3A_30, %swap3A_31], %swap3A_34 {strides = array<i32>} : memref<128x128xf32, #tpu.memory_space<vmem>>, vector<1x16xf32>,
      %swap3A_35 = arith.index_cast %add3A_25 : i32 to index
      %swap3A_36 = arith.constant 32 : index
      %swap3A_37 = tpu.vector_load %arg8[%swap3A_35, %swap3A_36] {strides = array<i32>} : memref<128x128xf32, #tpu.memory_space<vmem>>, vector<1x16xf32>,
      %swap3A_38 = vector.shape_cast %swap3A_37 : vector<1x16xf32> to vector<16xf32>
      %swap3A_39 = vector.shape_cast %broadcast_in_dim3A_0 : vector<16xf32> to vector<1x16xf32>
      tpu.vector_store %arg8[%swap3A_35, %swap3A_36], %swap3A_39 {strides = array<i32>} : memref<128x128xf32, #tpu.memory_space<vmem>>, vector<1x16xf32>,
      %swap3A_40 = arith.index_cast %add3A_25 : i32 to index
      %swap3A_41 = arith.constant 48 : index
      %swap3A_42 = tpu.vector_load %arg8[%swap3A_40, %swap3A_41] {strides = array<i32>} : memref<128x128xf32, #tpu.memory_space<vmem>>, vector<1x16xf32>,
      %swap3A_43 = vector.shape_cast %swap3A_42 : vector<1x16xf32> to vector<16xf32>
      %swap3A_44 = vector.shape_cast %broadcast_in_dim3A_0 : vector<16xf32> to vector<1x16xf32>
      tpu.vector_store %arg8[%swap3A_40, %swap3A_41], %swap3A_44 {strides = array<i32>} : memref<128x128xf32, #tpu.memory_space<vmem>>, vector<1x16xf32>,
      %swap3A_45 = arith.index_cast %add3A_25 : i32 to index
      %swap3A_46 = arith.constant 64 : index
      %swap3A_47 = tpu.vector_load %arg8[%swap3A_45, %swap3A_46] {strides = array<i32>} : memref<128x128xf32, #tpu.memory_space<vmem>>, vector<1x16xf32>,
      %swap3A_48 = vector.shape_cast %swap3A_47 : vector<1x16xf32> to vector<16xf32>
      %swap3A_49 = vector.shape_cast %broadcast_in_dim3A_0 : vector<16xf32> to vector<1x16xf32>
      tpu.vector_store %arg8[%swap3A_45, %swap3A_46], %swap3A_49 {strides = array<i32>} : memref<128x128xf32, #tpu.memory_space<vmem>>, vector<1x16xf32>,
      %swap3A_50 = arith.index_cast %add3A_25 : i32 to index
      %swap3A_51 = arith.constant 80 : index
      %swap3A_52 = tpu.vector_load %arg8[%swap3A_50, %swap3A_51] {strides = array<i32>} : memref<128x128xf32, #tpu.memory_space<vmem>>, vector<1x16xf32>,
      %swap3A_53 = vector.shape_cast %swap3A_52 : vector<1x16xf32> to vector<16xf32>
      %swap3A_54 = vector.shape_cast %broadcast_in_dim3A_0 : vector<16xf32> to vector<1x16xf32>
      tpu.vector_store %arg8[%swap3A_50, %swap3A_51], %swap3A_54 {strides = array<i32>} : memref<128x128xf32, #tpu.memory_space<vmem>>, vector<1x16xf32>,
      %swap3A_55 = arith.index_cast %add3A_25 : i32 to index
      %swap3A_56 = arith.constant 96 : index
      %swap3A_57 = tpu.vector_load %arg8[%swap3A_55, %swap3A_56] {strides = array<i32>} : memref<128x128xf32, #tpu.memory_space<vmem>>, vector<1x16xf32>,
      %swap3A_58 = vector.shape_cast %swap3A_57 : vector<1x16xf32> to vector<16xf32>
      %swap3A_59 = vector.shape_cast %broadcast_in_dim3A_0 : vector<16xf32> to vector<1x16xf32>
      tpu.vector_store %arg8[%swap3A_55, %swap3A_56], %swap3A_59 {strides = array<i32>} : memref<128x128xf32, #tpu.memory_space<vmem>>, vector<1x16xf32>,
      %swap3A_60 = arith.index_cast %add3A_25 : i32 to index
      %swap3A_61 = arith.constant 112 : index
      %swap3A_62 = tpu.vector_load %arg8[%swap3A_60, %swap3A_61] {strides = array<i32>} : memref<128x128xf32, #tpu.memory_space<vmem>>, vector<1x16xf32>,
      %swap3A_63 = vector.shape_cast %swap3A_62 : vector<1x16xf32> to vector<16xf32>
      %swap3A_64 = vector.shape_cast %broadcast_in_dim3A_0 : vector<16xf32> to vector<1x16xf32>
      tpu.vector_store %arg8[%swap3A_60, %swap3A_61], %swap3A_64 {strides = array<i32>} : memref<128x128xf32, #tpu.memory_space<vmem>>, vector<1x16xf32>,
    }
    %scan3A_4 = arith.constant 128 : i32
    %scan3A_5 = arith.constant 0 : i32
    %scan3A_6 = arith.constant 5 : i32
    %scan3A_7 = arith.addi %scan3A_5, %scan3A_6 : i32
    %scan3A_8 = arith.constant 1 : i32
    scf.for %scan3A_21 = %scan3A_5 to %scan3A_7 step %scan3A_8  : i32 {
      %mul3A_22 = arith.constant 1 : i32
      %mul3A_23 = arith.muli %scan3A_21, %mul3A_22 : i32
      %add3A_24 = arith.constant 0 : i32
      %add3A_25 = arith.addi %add3A_24, %mul3A_23 : i32
      %mul3A_26 = arith.constant 640 : i32
      %mul3A_27 = arith.muli %arg1, %mul3A_26 : i32
      %mul3A_28 = arith.constant 128 : i32
      %mul3A_29 = arith.muli %add3A_25, %mul3A_28 : i32
      %add3A_30 = arith.addi %mul3A_27, %mul3A_29 : i32
      "tpu.region"() ({
        %run_scoped3A = tpu.sem_alloc : memref<!tpu.dma_semaphore, #tpu.memory_space<semaphore_mem>>
        %dma_start3A = arith.constant 0 : i32
        %dma_start3A_31 = tpu.memref_slice %arg10[%add3A_30, %dma_start3A] : memref<10240x128xf32, #tpu.memory_space<vmem_shared>> -> memref<128x128xf32, #tpu.memory_space<vmem_shared>>
        %dma_start3A_32 = arith.constant 0 : i32
        %dma_start3A_33 = tpu.memref_slice %arg10[%add3A_30, %dma_start3A_32] : memref<10240x128xf32, #tpu.memory_space<vmem_shared>> -> memref<128x128xf32, #tpu.memory_space<vmem_shared>>
        tpu.enqueue_dma source(%arg8 : memref<128x128xf32, #tpu.memory_space<vmem>>) target(%dma_start3A_33 : memref<128x128xf32, #tpu.memory_space<vmem_shared>>) target_semaphore(%run_scoped3A : memref<!tpu.dma_semaphore, #tpu.memory_space<semaphore_mem>>)
        %dma_wait3A = arith.constant 0 : i32
        %dma_wait3A_34 = tpu.memref_slice %arg10[%add3A_30, %dma_wait3A] : memref<10240x128xf32, #tpu.memory_space<vmem_shared>> -> memref<128x128xf32, #tpu.memory_space<vmem_shared>>
        %dma_wait3A_35 = arith.constant 0 : i32
        %dma_wait3A_36 = tpu.memref_slice %arg10[%add3A_30, %dma_wait3A_35] : memref<10240x128xf32, #tpu.memory_space<vmem_shared>> -> memref<128x128xf32, #tpu.memory_space<vmem_shared>>
        tpu.wait_dma2 semaphore(%run_scoped3A : memref<!tpu.dma_semaphore, #tpu.memory_space<semaphore_mem>>) src(%arg8 : memref<128x128xf32, #tpu.memory_space<vmem>>) dst(%dma_wait3A_36 : memref<128x128xf32, #tpu.memory_space<vmem_shared>>)
        tpu.yield
      }) : () -> ()
    }
    %scan3A_9 = arith.constant 5 : i32
    %barrier3A = arith.constant 0 : index
    tpu.barrier barrier_id(%barrier3A)
    %scan3A_10 = arith.constant 0 : i32
    %scan3A_11 = arith.constant 10 : i32
    %scan3A_12 = arith.addi %scan3A_10, %scan3A_11 : i32
    %scan3A_13 = arith.constant 1 : i32
    scf.for %scan3A_21 = %scan3A_10 to %scan3A_12 step %scan3A_13  : i32 {
      %mul3A_22 = arith.constant 1 : i32
      %mul3A_23 = arith.muli %scan3A_21, %mul3A_22 : i32
      %add3A_24 = arith.constant 0 : i32
      %add3A_25 = arith.addi %add3A_24, %mul3A_23 : i32
      %mul3A_26 = arith.constant 2560 : i32
      %mul3A_27 = arith.muli %arg0, %mul3A_26 : i32
      %mul3A_28 = arith.constant 160 : i32
      %mul3A_29 = arith.muli %arg1, %mul3A_28 : i32
      %add3A_30 = arith.addi %mul3A_27, %mul3A_29 : i32
      %mul3A_31 = arith.constant 16 : i32
      %mul3A_32 = arith.muli %add3A_25, %mul3A_31 : i32
      %add3A_33 = arith.addi %add3A_30, %mul3A_32 : i32
      "tpu.region"() ({
        %run_scoped3A = tpu.sem_alloc : memref<!tpu.dma_semaphore, #tpu.memory_space<semaphore_mem>>
        %dma_start3A_485 = arith.constant 0 : i32
        %dma_start3A_486 = tpu.memref_slice %arg3[%add3A_33, %dma_start3A_485] : memref<5120x128xi32, #tpu.memory_space<hbm>> -> memref<16x128xi32, #tpu.memory_space<hbm>>
        %dma_start3A_487 = arith.constant 0 : i32
        %dma_start3A_488 = tpu.memref_slice %arg3[%add3A_33, %dma_start3A_487] : memref<5120x128xi32, #tpu.memory_space<hbm>> -> memref<16x128xi32, #tpu.memory_space<hbm>>
        tpu.enqueue_dma source(%dma_start3A_488 : memref<16x128xi32, #tpu.memory_space<hbm>>) target(%arg6 : memref<16x128xi32, #tpu.memory_space<vmem>>) target_semaphore(%run_scoped3A : memref<!tpu.dma_semaphore, #tpu.memory_space<semaphore_mem>>)
        %dma_wait3A_489 = arith.constant 0 : i32
        %dma_wait3A_490 = tpu.memref_slice %arg3[%add3A_33, %dma_wait3A_489] : memref<5120x128xi32, #tpu.memory_space<hbm>> -> memref<16x128xi32, #tpu.memory_space<hbm>>
        %dma_wait3A_491 = arith.constant 0 : i32
        %dma_wait3A_492 = tpu.memref_slice %arg3[%add3A_33, %dma_wait3A_491] : memref<5120x128xi32, #tpu.memory_space<hbm>> -> memref<16x128xi32, #tpu.memory_space<hbm>>
        tpu.wait_dma2 semaphore(%run_scoped3A : memref<!tpu.dma_semaphore, #tpu.memory_space<semaphore_mem>>) src(%dma_wait3A_492 : memref<16x128xi32, #tpu.memory_space<hbm>>) dst(%arg6 : memref<16x128xi32, #tpu.memory_space<vmem>>)
        tpu.yield
      }) : () -> ()
      %mul3A_34 = arith.constant 160 : i32
      %mul3A_35 = arith.muli %arg1, %mul3A_34 : i32
      %mul3A_36 = arith.constant 16 : i32
      %mul3A_37 = arith.muli %add3A_25, %mul3A_36 : i32
      %add3A_38 = arith.addi %mul3A_35, %mul3A_37 : i32
      "tpu.region"() ({
        %run_scoped3A = tpu.sem_alloc : memref<!tpu.dma_semaphore, #tpu.memory_space<semaphore_mem>>
        %dma_start3A_485 = arith.constant 0 : i32
        %dma_start3A_486 = tpu.memref_slice %arg4[%add3A_38, %dma_start3A_485] : memref<2560x128xi32, #tpu.memory_space<hbm>> -> memref<16x128xi32, #tpu.memory_space<hbm>>
        %dma_start3A_487 = arith.constant 0 : i32
        %dma_start3A_488 = tpu.memref_slice %arg4[%add3A_38, %dma_start3A_487] : memref<2560x128xi32, #tpu.memory_space<hbm>> -> memref<16x128xi32, #tpu.memory_space<hbm>>
        tpu.enqueue_dma source(%dma_start3A_488 : memref<16x128xi32, #tpu.memory_space<hbm>>) target(%arg7 : memref<16x128xi32, #tpu.memory_space<vmem>>) target_semaphore(%run_scoped3A : memref<!tpu.dma_semaphore, #tpu.memory_space<semaphore_mem>>)
        %dma_wait3A_489 = arith.constant 0 : i32
        %dma_wait3A_490 = tpu.memref_slice %arg4[%add3A_38, %dma_wait3A_489] : memref<2560x128xi32, #tpu.memory_space<hbm>> -> memref<16x128xi32, #tpu.memory_space<hbm>>
        %dma_wait3A_491 = arith.constant 0 : i32
        %dma_wait3A_492 = tpu.memref_slice %arg4[%add3A_38, %dma_wait3A_491] : memref<2560x128xi32, #tpu.memory_space<hbm>> -> memref<16x128xi32, #tpu.memory_space<hbm>>
        tpu.wait_dma2 semaphore(%run_scoped3A : memref<!tpu.dma_semaphore, #tpu.memory_space<semaphore_mem>>) src(%dma_wait3A_492 : memref<16x128xi32, #tpu.memory_space<hbm>>) dst(%arg7 : memref<16x128xi32, #tpu.memory_space<vmem>>)
        tpu.yield
      }) : () -> ()
      %dma_start3A = arith.constant 0 : i32
      %dma_start3A_39 = arith.constant 0 : i32
      %dma_start3A_40 = tpu.memref_slice %arg6[%dma_start3A, %dma_start3A_39] : memref<16x128xi32, #tpu.memory_space<vmem>> -> memref<1x128xi32, #tpu.memory_space<vmem>>
      %dma_start3A_41 = tpu.memref_squeeze %dma_start3A_40 : memref<1x128xi32, #tpu.memory_space<vmem>> -> memref<128xi32, #tpu.memory_space<vmem>>
      %dma_start3A_42 = arith.constant 0 : i32
      %dma_start3A_43 = arith.constant 0 : i32
      %dma_start3A_44 = tpu.memref_slice %arg2[%dma_start3A_42, %dma_start3A_43] : memref<20480x128xf32, #tpu.memory_space<hbm>> -> memref<20480x128xf32, #tpu.memory_space<hbm>>
      tpu.enqueue_indirect_dma source(%dma_start3A_44 : memref<20480x128xf32, #tpu.memory_space<hbm>>) target(%arg8 : memref<128x128xf32, #tpu.memory_space<vmem>>) offsets(%dma_start3A_41 : memref<128xi32, #tpu.memory_space<vmem>>) semaphore(%arg11 : memref<!tpu.dma_semaphore, #tpu.memory_space<semaphore_mem>>)
      %dma_start3A_45 = arith.constant 1 : i32
      %dma_start3A_46 = arith.constant 0 : i32
      %dma_start3A_47 = tpu.memref_slice %arg6[%dma_start3A_45, %dma_start3A_46] : memref<16x128xi32, #tpu.memory_space<vmem>> -> memref<1x128xi32, #tpu.memory_space<vmem>>
      %dma_start3A_48 = tpu.memref_squeeze %dma_start3A_47 : memref<1x128xi32, #tpu.memory_space<vmem>> -> memref<128xi32, #tpu.memory_space<vmem>>
      %dma_start3A_49 = arith.constant 0 : i32
      %dma_start3A_50 = arith.constant 0 : i32
      %dma_start3A_51 = tpu.memref_slice %arg2[%dma_start3A_49, %dma_start3A_50] : memref<20480x128xf32, #tpu.memory_space<hbm>> -> memref<20480x128xf32, #tpu.memory_space<hbm>>
      tpu.enqueue_indirect_dma source(%dma_start3A_51 : memref<20480x128xf32, #tpu.memory_space<hbm>>) target(%arg9 : memref<128x128xf32, #tpu.memory_space<vmem>>) offsets(%dma_start3A_48 : memref<128xi32, #tpu.memory_space<vmem>>) semaphore(%arg12 : memref<!tpu.dma_semaphore, #tpu.memory_space<semaphore_mem>>)
      %dma_wait3A = arith.constant 0 : i32
      %dma_wait3A_52 = arith.constant 0 : i32
      %dma_wait3A_53 = tpu.memref_slice %arg6[%dma_wait3A, %dma_wait3A_52] : memref<16x128xi32, #tpu.memory_space<vmem>> -> memref<1x128xi32, #tpu.memory_space<vmem>>
      %dma_wait3A_54 = tpu.memref_squeeze %dma_wait3A_53 : memref<1x128xi32, #tpu.memory_space<vmem>> -> memref<128xi32, #tpu.memory_space<vmem>>
      %dma_wait3A_55 = arith.constant 0 : i32
      %dma_wait3A_56 = arith.constant 0 : i32
      %dma_wait3A_57 = tpu.memref_slice %arg2[%dma_wait3A_55, %dma_wait3A_56] : memref<20480x128xf32, #tpu.memory_space<hbm>> -> memref<20480x128xf32, #tpu.memory_space<hbm>>
      tpu.wait_indirect_dma semaphore(%arg11 : memref<!tpu.dma_semaphore, #tpu.memory_space<semaphore_mem>>) src(%dma_wait3A_57 : memref<20480x128xf32, #tpu.memory_space<hbm>>) dst(%arg8 : memref<128x128xf32, #tpu.memory_space<vmem>>)
      %dma_start3A_58 = arith.constant 0 : i32
      %dma_start3A_59 = arith.constant 0 : i32
      %dma_start3A_60 = tpu.memref_slice %arg7[%dma_start3A_58, %dma_start3A_59] : memref<16x128xi32, #tpu.memory_space<vmem>> -> memref<1x128xi32, #tpu.memory_space<vmem>>
      %dma_start3A_61 = tpu.memref_squeeze %dma_start3A_60 : memref<1x128xi32, #tpu.memory_space<vmem>> -> memref<128xi32, #tpu.memory_space<vmem>>
      %dma_start3A_62 = arith.constant 0 : i32
      %dma_start3A_63 = arith.constant 0 : i32
      %dma_start3A_64 = tpu.memref_slice %arg10[%dma_start3A_62, %dma_start3A_63] : memref<10240x128xf32, #tpu.memory_space<vmem_shared>> -> memref<10240x128xf32, #tpu.memory_space<vmem_shared>>
      tpu.enqueue_indirect_dma source(%arg8 : memref<128x128xf32, #tpu.memory_space<vmem>>) target(%dma_start3A_64 : memref<10240x128xf32, #tpu.memory_space<vmem_shared>>) offsets(%dma_start3A_61 : memref<128xi32, #tpu.memory_space<vmem>>) semaphore(%arg13 : memref<!tpu.dma_semaphore, #tpu.memory_space<semaphore_mem>>) {add = true}
      %dma_wait3A_65 = arith.constant 0 : i32
      %dma_wait3A_66 = arith.constant 0 : i32
      %dma_wait3A_67 = tpu.memref_slice %arg7[%dma_wait3A_65, %dma_wait3A_66] : memref<16x128xi32, #tpu.memory_space<vmem>> -> memref<1x128xi32, #tpu.memory_space<vmem>>
      %dma_wait3A_68 = tpu.memref_squeeze %dma_wait3A_67 : memref<1x128xi32, #tpu.memory_space<vmem>> -> memref<128xi32, #tpu.memory_space<vmem>>
      %dma_wait3A_69 = arith.constant 0 : i32
      %dma_wait3A_70 = arith.constant 0 : i32
      %dma_wait3A_71 = tpu.memref_slice %arg10[%dma_wait3A_69, %dma_wait3A_70] : memref<10240x128xf32, #tpu.memory_space<vmem_shared>> -> memref<10240x128xf32, #tpu.memory_space<vmem_shared>>
      tpu.wait_indirect_dma semaphore(%arg13 : memref<!tpu.dma_semaphore, #tpu.memory_space<semaphore_mem>>) src(%arg8 : memref<128x128xf32, #tpu.memory_space<vmem>>) dst(%dma_wait3A_71 : memref<10240x128xf32, #tpu.memory_space<vmem_shared>>)
      %dma_start3A_72 = arith.constant 2 : i32
      %dma_start3A_73 = arith.constant 0 : i32
      %dma_start3A_74 = tpu.memref_slice %arg6[%dma_start3A_72, %dma_start3A_73] : memref<16x128xi32, #tpu.memory_space<vmem>> -> memref<1x128xi32, #tpu.memory_space<vmem>>
      %dma_start3A_75 = tpu.memref_squeeze %dma_start3A_74 : memref<1x128xi32, #tpu.memory_space<vmem>> -> memref<128xi32, #tpu.memory_space<vmem>>
      %dma_start3A_76 = arith.constant 0 : i32
      %dma_start3A_77 = arith.constant 0 : i32
      %dma_start3A_78 = tpu.memref_slice %arg2[%dma_start3A_76, %dma_start3A_77] : memref<20480x128xf32, #tpu.memory_space<hbm>> -> memref<20480x128xf32, #tpu.memory_space<hbm>>
      tpu.enqueue_indirect_dma source(%dma_start3A_78 : memref<20480x128xf32, #tpu.memory_space<hbm>>) target(%arg8 : memref<128x128xf32, #tpu.memory_space<vmem>>) offsets(%dma_start3A_75 : memref<128xi32, #tpu.memory_space<vmem>>) semaphore(%arg11 : memref<!tpu.dma_semaphore, #tpu.memory_space<semaphore_mem>>)
      %dma_wait3A_79 = arith.constant 1 : i32
      %dma_wait3A_80 = arith.constant 0 : i32
      %dma_wait3A_81 = tpu.memref_slice %arg6[%dma_wait3A_79, %dma_wait3A_80] : memref<16x128xi32, #tpu.memory_space<vmem>> -> memref<1x128xi32, #tpu.memory_space<vmem>>
      %dma_wait3A_82 = tpu.memref_squeeze %dma_wait3A_81 : memref<1x128xi32, #tpu.memory_space<vmem>> -> memref<128xi32, #tpu.memory_space<vmem>>
      %dma_wait3A_83 = arith.constant 0 : i32
      %dma_wait3A_84 = arith.constant 0 : i32
      %dma_wait3A_85 = tpu.memref_slice %arg2[%dma_wait3A_83, %dma_wait3A_84] : memref<20480x128xf32, #tpu.memory_space<hbm>> -> memref<20480x128xf32, #tpu.memory_space<hbm>>
      tpu.wait_indirect_dma semaphore(%arg12 : memref<!tpu.dma_semaphore, #tpu.memory_space<semaphore_mem>>) src(%dma_wait3A_85 : memref<20480x128xf32, #tpu.memory_space<hbm>>) dst(%arg9 : memref<128x128xf32, #tpu.memory_space<vmem>>)
      %dma_start3A_86 = arith.constant 1 : i32
      %dma_start3A_87 = arith.constant 0 : i32
      %dma_start3A_88 = tpu.memref_slice %arg7[%dma_start3A_86, %dma_start3A_87] : memref<16x128xi32, #tpu.memory_space<vmem>> -> memref<1x128xi32, #tpu.memory_space<vmem>>
      %dma_start3A_89 = tpu.memref_squeeze %dma_start3A_88 : memref<1x128xi32, #tpu.memory_space<vmem>> -> memref<128xi32, #tpu.memory_space<vmem>>
      %dma_start3A_90 = arith.constant 0 : i32
      %dma_start3A_91 = arith.constant 0 : i32
      %dma_start3A_92 = tpu.memref_slice %arg10[%dma_start3A_90, %dma_start3A_91] : memref<10240x128xf32, #tpu.memory_space<vmem_shared>> -> memref<10240x128xf32, #tpu.memory_space<vmem_shared>>
      tpu.enqueue_indirect_dma source(%arg9 : memref<128x128xf32, #tpu.memory_space<vmem>>) target(%dma_start3A_92 : memref<10240x128xf32, #tpu.memory_space<vmem_shared>>) offsets(%dma_start3A_89 : memref<128xi32, #tpu.memory_space<vmem>>) semaphore(%arg14 : memref<!tpu.dma_semaphore, #tpu.memory_space<semaphore_mem>>) {add = true}
      %dma_wait3A_93 = arith.constant 1 : i32
      %dma_wait3A_94 = arith.constant 0 : i32
      %dma_wait3A_95 = tpu.memref_slice %arg7[%dma_wait3A_93, %dma_wait3A_94] : memref<16x128xi32, #tpu.memory_space<vmem>> -> memref<1x128xi32, #tpu.memory_space<vmem>>
      %dma_wait3A_96 = tpu.memref_squeeze %dma_wait3A_95 : memref<1x128xi32, #tpu.memory_space<vmem>> -> memref<128xi32, #tpu.memory_space<vmem>>
      %dma_wait3A_97 = arith.constant 0 : i32
      %dma_wait3A_98 = arith.constant 0 : i32
      %dma_wait3A_99 = tpu.memref_slice %arg10[%dma_wait3A_97, %dma_wait3A_98] : memref<10240x128xf32, #tpu.memory_space<vmem_shared>> -> memref<10240x128xf32, #tpu.memory_space<vmem_shared>>
      tpu.wait_indirect_dma semaphore(%arg14 : memref<!tpu.dma_semaphore, #tpu.memory_space<semaphore_mem>>) src(%arg9 : memref<128x128xf32, #tpu.memory_space<vmem>>) dst(%dma_wait3A_99 : memref<10240x128xf32, #tpu.memory_space<vmem_shared>>)
      %dma_start3A_100 = arith.constant 3 : i32
      %dma_start3A_101 = arith.constant 0 : i32
      %dma_start3A_102 = tpu.memref_slice %arg6[%dma_start3A_100, %dma_start3A_101] : memref<16x128xi32, #tpu.memory_space<vmem>> -> memref<1x128xi32, #tpu.memory_space<vmem>>
      %dma_start3A_103 = tpu.memref_squeeze %dma_start3A_102 : memref<1x128xi32, #tpu.memory_space<vmem>> -> memref<128xi32, #tpu.memory_space<vmem>>
      %dma_start3A_104 = arith.constant 0 : i32
      %dma_start3A_105 = arith.constant 0 : i32
      %dma_start3A_106 = tpu.memref_slice %arg2[%dma_start3A_104, %dma_start3A_105] : memref<20480x128xf32, #tpu.memory_space<hbm>> -> memref<20480x128xf32, #tpu.memory_space<hbm>>
      tpu.enqueue_indirect_dma source(%dma_start3A_106 : memref<20480x128xf32, #tpu.memory_space<hbm>>) target(%arg9 : memref<128x128xf32, #tpu.memory_space<vmem>>) offsets(%dma_start3A_103 : memref<128xi32, #tpu.memory_space<vmem>>) semaphore(%arg12 : memref<!tpu.dma_semaphore, #tpu.memory_space<semaphore_mem>>)
      %dma_wait3A_107 = arith.constant 2 : i32
      %dma_wait3A_108 = arith.constant 0 : i32
      %dma_wait3A_109 = tpu.memref_slice %arg6[%dma_wait3A_107, %dma_wait3A_108] : memref<16x128xi32, #tpu.memory_space<vmem>> -> memref<1x128xi32, #tpu.memory_space<vmem>>
      %dma_wait3A_110 = tpu.memref_squeeze %dma_wait3A_109 : memref<1x128xi32, #tpu.memory_space<vmem>> -> memref<128xi32, #tpu.memory_space<vmem>>
      %dma_wait3A_111 = arith.constant 0 : i32
      %dma_wait3A_112 = arith.constant 0 : i32
      %dma_wait3A_113 = tpu.memref_slice %arg2[%dma_wait3A_111, %dma_wait3A_112] : memref<20480x128xf32, #tpu.memory_space<hbm>> -> memref<20480x128xf32, #tpu.memory_space<hbm>>
      tpu.wait_indirect_dma semaphore(%arg11 : memref<!tpu.dma_semaphore, #tpu.memory_space<semaphore_mem>>) src(%dma_wait3A_113 : memref<20480x128xf32, #tpu.memory_space<hbm>>) dst(%arg8 : memref<128x128xf32, #tpu.memory_space<vmem>>)
      %dma_start3A_114 = arith.constant 2 : i32
      %dma_start3A_115 = arith.constant 0 : i32
      %dma_start3A_116 = tpu.memref_slice %arg7[%dma_start3A_114, %dma_start3A_115] : memref<16x128xi32, #tpu.memory_space<vmem>> -> memref<1x128xi32, #tpu.memory_space<vmem>>
      %dma_start3A_117 = tpu.memref_squeeze %dma_start3A_116 : memref<1x128xi32, #tpu.memory_space<vmem>> -> memref<128xi32, #tpu.memory_space<vmem>>
      %dma_start3A_118 = arith.constant 0 : i32
      %dma_start3A_119 = arith.constant 0 : i32
      %dma_start3A_120 = tpu.memref_slice %arg10[%dma_start3A_118, %dma_start3A_119] : memref<10240x128xf32, #tpu.memory_space<vmem_shared>> -> memref<10240x128xf32, #tpu.memory_space<vmem_shared>>
      tpu.enqueue_indirect_dma source(%arg8 : memref<128x128xf32, #tpu.memory_space<vmem>>) target(%dma_start3A_120 : memref<10240x128xf32, #tpu.memory_space<vmem_shared>>) offsets(%dma_start3A_117 : memref<128xi32, #tpu.memory_space<vmem>>) semaphore(%arg13 : memref<!tpu.dma_semaphore, #tpu.memory_space<semaphore_mem>>) {add = true}
      %dma_wait3A_121 = arith.constant 2 : i32
      %dma_wait3A_122 = arith.constant 0 : i32
      %dma_wait3A_123 = tpu.memref_slice %arg7[%dma_wait3A_121, %dma_wait3A_122] : memref<16x128xi32, #tpu.memory_space<vmem>> -> memref<1x128xi32, #tpu.memory_space<vmem>>
      %dma_wait3A_124 = tpu.memref_squeeze %dma_wait3A_123 : memref<1x128xi32, #tpu.memory_space<vmem>> -> memref<128xi32, #tpu.memory_space<vmem>>
      %dma_wait3A_125 = arith.constant 0 : i32
      %dma_wait3A_126 = arith.constant 0 : i32
      %dma_wait3A_127 = tpu.memref_slice %arg10[%dma_wait3A_125, %dma_wait3A_126] : memref<10240x128xf32, #tpu.memory_space<vmem_shared>> -> memref<10240x128xf32, #tpu.memory_space<vmem_shared>>
      tpu.wait_indirect_dma semaphore(%arg13 : memref<!tpu.dma_semaphore, #tpu.memory_space<semaphore_mem>>) src(%arg8 : memref<128x128xf32, #tpu.memory_space<vmem>>) dst(%dma_wait3A_127 : memref<10240x128xf32, #tpu.memory_space<vmem_shared>>)
      %dma_start3A_128 = arith.constant 4 : i32
      %dma_start3A_129 = arith.constant 0 : i32
      %dma_start3A_130 = tpu.memref_slice %arg6[%dma_start3A_128, %dma_start3A_129] : memref<16x128xi32, #tpu.memory_space<vmem>> -> memref<1x128xi32, #tpu.memory_space<vmem>>
      %dma_start3A_131 = tpu.memref_squeeze %dma_start3A_130 : memref<1x128xi32, #tpu.memory_space<vmem>> -> memref<128xi32, #tpu.memory_space<vmem>>
      %dma_start3A_132 = arith.constant 0 : i32
      %dma_start3A_133 = arith.constant 0 : i32
      %dma_start3A_134 = tpu.memref_slice %arg2[%dma_start3A_132, %dma_start3A_133] : memref<20480x128xf32, #tpu.memory_space<hbm>> -> memref<20480x128xf32, #tpu.memory_space<hbm>>
      tpu.enqueue_indirect_dma source(%dma_start3A_134 : memref<20480x128xf32, #tpu.memory_space<hbm>>) target(%arg8 : memref<128x128xf32, #tpu.memory_space<vmem>>) offsets(%dma_start3A_131 : memref<128xi32, #tpu.memory_space<vmem>>) semaphore(%arg11 : memref<!tpu.dma_semaphore, #tpu.memory_space<semaphore_mem>>)
      %dma_wait3A_135 = arith.constant 3 : i32
      %dma_wait3A_136 = arith.constant 0 : i32
      %dma_wait3A_137 = tpu.memref_slice %arg6[%dma_wait3A_135, %dma_wait3A_136] : memref<16x128xi32, #tpu.memory_space<vmem>> -> memref<1x128xi32, #tpu.memory_space<vmem>>
      %dma_wait3A_138 = tpu.memref_squeeze %dma_wait3A_137 : memref<1x128xi32, #tpu.memory_space<vmem>> -> memref<128xi32, #tpu.memory_space<vmem>>
      %dma_wait3A_139 = arith.constant 0 : i32
      %dma_wait3A_140 = arith.constant 0 : i32
      %dma_wait3A_141 = tpu.memref_slice %arg2[%dma_wait3A_139, %dma_wait3A_140] : memref<20480x128xf32, #tpu.memory_space<hbm>> -> memref<20480x128xf32, #tpu.memory_space<hbm>>
      tpu.wait_indirect_dma semaphore(%arg12 : memref<!tpu.dma_semaphore, #tpu.memory_space<semaphore_mem>>) src(%dma_wait3A_141 : memref<20480x128xf32, #tpu.memory_space<hbm>>) dst(%arg9 : memref<128x128xf32, #tpu.memory_space<vmem>>)
      %dma_start3A_142 = arith.constant 3 : i32
      %dma_start3A_143 = arith.constant 0 : i32
      %dma_start3A_144 = tpu.memref_slice %arg7[%dma_start3A_142, %dma_start3A_143] : memref<16x128xi32, #tpu.memory_space<vmem>> -> memref<1x128xi32, #tpu.memory_space<vmem>>
      %dma_start3A_145 = tpu.memref_squeeze %dma_start3A_144 : memref<1x128xi32, #tpu.memory_space<vmem>> -> memref<128xi32, #tpu.memory_space<vmem>>
      %dma_start3A_146 = arith.constant 0 : i32
      %dma_start3A_147 = arith.constant 0 : i32
      %dma_start3A_148 = tpu.memref_slice %arg10[%dma_start3A_146, %dma_start3A_147] : memref<10240x128xf32, #tpu.memory_space<vmem_shared>> -> memref<10240x128xf32, #tpu.memory_space<vmem_shared>>
      tpu.enqueue_indirect_dma source(%arg9 : memref<128x128xf32, #tpu.memory_space<vmem>>) target(%dma_start3A_148 : memref<10240x128xf32, #tpu.memory_space<vmem_shared>>) offsets(%dma_start3A_145 : memref<128xi32, #tpu.memory_space<vmem>>) semaphore(%arg14 : memref<!tpu.dma_semaphore, #tpu.memory_space<semaphore_mem>>) {add = true}
      %dma_wait3A_149 = arith.constant 3 : i32
      %dma_wait3A_150 = arith.constant 0 : i32
      %dma_wait3A_151 = tpu.memref_slice %arg7[%dma_wait3A_149, %dma_wait3A_150] : memref<16x128xi32, #tpu.memory_space<vmem>> -> memref<1x128xi32, #tpu.memory_space<vmem>>
      %dma_wait3A_152 = tpu.memref_squeeze %dma_wait3A_151 : memref<1x128xi32, #tpu.memory_space<vmem>> -> memref<128xi32, #tpu.memory_space<vmem>>
      %dma_wait3A_153 = arith.constant 0 : i32
      %dma_wait3A_154 = arith.constant 0 : i32
      %dma_wait3A_155 = tpu.memref_slice %arg10[%dma_wait3A_153, %dma_wait3A_154] : memref<10240x128xf32, #tpu.memory_space<vmem_shared>> -> memref<10240x128xf32, #tpu.memory_space<vmem_shared>>
      tpu.wait_indirect_dma semaphore(%arg14 : memref<!tpu.dma_semaphore, #tpu.memory_space<semaphore_mem>>) src(%arg9 : memref<128x128xf32, #tpu.memory_space<vmem>>) dst(%dma_wait3A_155 : memref<10240x128xf32, #tpu.memory_space<vmem_shared>>)
      %dma_start3A_156 = arith.constant 5 : i32
      %dma_start3A_157 = arith.constant 0 : i32
      %dma_start3A_158 = tpu.memref_slice %arg6[%dma_start3A_156, %dma_start3A_157] : memref<16x128xi32, #tpu.memory_space<vmem>> -> memref<1x128xi32, #tpu.memory_space<vmem>>
      %dma_start3A_159 = tpu.memref_squeeze %dma_start3A_158 : memref<1x128xi32, #tpu.memory_space<vmem>> -> memref<128xi32, #tpu.memory_space<vmem>>
      %dma_start3A_160 = arith.constant 0 : i32
      %dma_start3A_161 = arith.constant 0 : i32
      %dma_start3A_162 = tpu.memref_slice %arg2[%dma_start3A_160, %dma_start3A_161] : memref<20480x128xf32, #tpu.memory_space<hbm>> -> memref<20480x128xf32, #tpu.memory_space<hbm>>
      tpu.enqueue_indirect_dma source(%dma_start3A_162 : memref<20480x128xf32, #tpu.memory_space<hbm>>) target(%arg9 : memref<128x128xf32, #tpu.memory_space<vmem>>) offsets(%dma_start3A_159 : memref<128xi32, #tpu.memory_space<vmem>>) semaphore(%arg12 : memref<!tpu.dma_semaphore, #tpu.memory_space<semaphore_mem>>)
      %dma_wait3A_163 = arith.constant 4 : i32
      %dma_wait3A_164 = arith.constant 0 : i32
      %dma_wait3A_165 = tpu.memref_slice %arg6[%dma_wait3A_163, %dma_wait3A_164] : memref<16x128xi32, #tpu.memory_space<vmem>> -> memref<1x128xi32, #tpu.memory_space<vmem>>
      %dma_wait3A_166 = tpu.memref_squeeze %dma_wait3A_165 : memref<1x128xi32, #tpu.memory_space<vmem>> -> memref<128xi32, #tpu.memory_space<vmem>>
      %dma_wait3A_167 = arith.constant 0 : i32
      %dma_wait3A_168 = arith.constant 0 : i32
      %dma_wait3A_169 = tpu.memref_slice %arg2[%dma_wait3A_167, %dma_wait3A_168] : memref<20480x128xf32, #tpu.memory_space<hbm>> -> memref<20480x128xf32, #tpu.memory_space<hbm>>
      tpu.wait_indirect_dma semaphore(%arg11 : memref<!tpu.dma_semaphore, #tpu.memory_space<semaphore_mem>>) src(%dma_wait3A_169 : memref<20480x128xf32, #tpu.memory_space<hbm>>) dst(%arg8 : memref<128x128xf32, #tpu.memory_space<vmem>>)
      %dma_start3A_170 = arith.constant 4 : i32
      %dma_start3A_171 = arith.constant 0 : i32
      %dma_start3A_172 = tpu.memref_slice %arg7[%dma_start3A_170, %dma_start3A_171] : memref<16x128xi32, #tpu.memory_space<vmem>> -> memref<1x128xi32, #tpu.memory_space<vmem>>
      %dma_start3A_173 = tpu.memref_squeeze %dma_start3A_172 : memref<1x128xi32, #tpu.memory_space<vmem>> -> memref<128xi32, #tpu.memory_space<vmem>>
      %dma_start3A_174 = arith.constant 0 : i32
      %dma_start3A_175 = arith.constant 0 : i32
      %dma_start3A_176 = tpu.memref_slice %arg10[%dma_start3A_174, %dma_start3A_175] : memref<10240x128xf32, #tpu.memory_space<vmem_shared>> -> memref<10240x128xf32, #tpu.memory_space<vmem_shared>>
      tpu.enqueue_indirect_dma source(%arg8 : memref<128x128xf32, #tpu.memory_space<vmem>>) target(%dma_start3A_176 : memref<10240x128xf32, #tpu.memory_space<vmem_shared>>) offsets(%dma_start3A_173 : memref<128xi32, #tpu.memory_space<vmem>>) semaphore(%arg13 : memref<!tpu.dma_semaphore, #tpu.memory_space<semaphore_mem>>) {add = true}
      %dma_wait3A_177 = arith.constant 4 : i32
      %dma_wait3A_178 = arith.constant 0 : i32
      %dma_wait3A_179 = tpu.memref_slice %arg7[%dma_wait3A_177, %dma_wait3A_178] : memref<16x128xi32, #tpu.memory_space<vmem>> -> memref<1x128xi32, #tpu.memory_space<vmem>>
      %dma_wait3A_180 = tpu.memref_squeeze %dma_wait3A_179 : memref<1x128xi32, #tpu.memory_space<vmem>> -> memref<128xi32, #tpu.memory_space<vmem>>
      %dma_wait3A_181 = arith.constant 0 : i32
      %dma_wait3A_182 = arith.constant 0 : i32
      %dma_wait3A_183 = tpu.memref_slice %arg10[%dma_wait3A_181, %dma_wait3A_182] : memref<10240x128xf32, #tpu.memory_space<vmem_shared>> -> memref<10240x128xf32, #tpu.memory_space<vmem_shared>>
      tpu.wait_indirect_dma semaphore(%arg13 : memref<!tpu.dma_semaphore, #tpu.memory_space<semaphore_mem>>) src(%arg8 : memref<128x128xf32, #tpu.memory_space<vmem>>) dst(%dma_wait3A_183 : memref<10240x128xf32, #tpu.memory_space<vmem_shared>>)
      %dma_start3A_184 = arith.constant 6 : i32
      %dma_start3A_185 = arith.constant 0 : i32
      %dma_start3A_186 = tpu.memref_slice %arg6[%dma_start3A_184, %dma_start3A_185] : memref<16x128xi32, #tpu.memory_space<vmem>> -> memref<1x128xi32, #tpu.memory_space<vmem>>
      %dma_start3A_187 = tpu.memref_squeeze %dma_start3A_186 : memref<1x128xi32, #tpu.memory_space<vmem>> -> memref<128xi32, #tpu.memory_space<vmem>>
      %dma_start3A_188 = arith.constant 0 : i32
      %dma_start3A_189 = arith.constant 0 : i32
      %dma_start3A_190 = tpu.memref_slice %arg2[%dma_start3A_188, %dma_start3A_189] : memref<20480x128xf32, #tpu.memory_space<hbm>> -> memref<20480x128xf32, #tpu.memory_space<hbm>>
      tpu.enqueue_indirect_dma source(%dma_start3A_190 : memref<20480x128xf32, #tpu.memory_space<hbm>>) target(%arg8 : memref<128x128xf32, #tpu.memory_space<vmem>>) offsets(%dma_start3A_187 : memref<128xi32, #tpu.memory_space<vmem>>) semaphore(%arg11 : memref<!tpu.dma_semaphore, #tpu.memory_space<semaphore_mem>>)
      %dma_wait3A_191 = arith.constant 5 : i32
      %dma_wait3A_192 = arith.constant 0 : i32
      %dma_wait3A_193 = tpu.memref_slice %arg6[%dma_wait3A_191, %dma_wait3A_192] : memref<16x128xi32, #tpu.memory_space<vmem>> -> memref<1x128xi32, #tpu.memory_space<vmem>>
      %dma_wait3A_194 = tpu.memref_squeeze %dma_wait3A_193 : memref<1x128xi32, #tpu.memory_space<vmem>> -> memref<128xi32, #tpu.memory_space<vmem>>
      %dma_wait3A_195 = arith.constant 0 : i32
      %dma_wait3A_196 = arith.constant 0 : i32
      %dma_wait3A_197 = tpu.memref_slice %arg2[%dma_wait3A_195, %dma_wait3A_196] : memref<20480x128xf32, #tpu.memory_space<hbm>> -> memref<20480x128xf32, #tpu.memory_space<hbm>>
      tpu.wait_indirect_dma semaphore(%arg12 : memref<!tpu.dma_semaphore, #tpu.memory_space<semaphore_mem>>) src(%dma_wait3A_197 : memref<20480x128xf32, #tpu.memory_space<hbm>>) dst(%arg9 : memref<128x128xf32, #tpu.memory_space<vmem>>)
      %dma_start3A_198 = arith.constant 5 : i32
      %dma_start3A_199 = arith.constant 0 : i32
      %dma_start3A_200 = tpu.memref_slice %arg7[%dma_start3A_198, %dma_start3A_199] : memref<16x128xi32, #tpu.memory_space<vmem>> -> memref<1x128xi32, #tpu.memory_space<vmem>>
      %dma_start3A_201 = tpu.memref_squeeze %dma_start3A_200 : memref<1x128xi32, #tpu.memory_space<vmem>> -> memref<128xi32, #tpu.memory_space<vmem>>
      %dma_start3A_202 = arith.constant 0 : i32
      %dma_start3A_203 = arith.constant 0 : i32
      %dma_start3A_204 = tpu.memref_slice %arg10[%dma_start3A_202, %dma_start3A_203] : memref<10240x128xf32, #tpu.memory_space<vmem_shared>> -> memref<10240x128xf32, #tpu.memory_space<vmem_shared>>
      tpu.enqueue_indirect_dma source(%arg9 : memref<128x128xf32, #tpu.memory_space<vmem>>) target(%dma_start3A_204 : memref<10240x128xf32, #tpu.memory_space<vmem_shared>>) offsets(%dma_start3A_201 : memref<128xi32, #tpu.memory_space<vmem>>) semaphore(%arg14 : memref<!tpu.dma_semaphore, #tpu.memory_space<semaphore_mem>>) {add = true}
      %dma_wait3A_205 = arith.constant 5 : i32
      %dma_wait3A_206 = arith.constant 0 : i32
      %dma_wait3A_207 = tpu.memref_slice %arg7[%dma_wait3A_205, %dma_wait3A_206] : memref<16x128xi32, #tpu.memory_space<vmem>> -> memref<1x128xi32, #tpu.memory_space<vmem>>
      %dma_wait3A_208 = tpu.memref_squeeze %dma_wait3A_207 : memref<1x128xi32, #tpu.memory_space<vmem>> -> memref<128xi32, #tpu.memory_space<vmem>>
      %dma_wait3A_209 = arith.constant 0 : i32
      %dma_wait3A_210 = arith.constant 0 : i32
      %dma_wait3A_211 = tpu.memref_slice %arg10[%dma_wait3A_209, %dma_wait3A_210] : memref<10240x128xf32, #tpu.memory_space<vmem_shared>> -> memref<10240x128xf32, #tpu.memory_space<vmem_shared>>
      tpu.wait_indirect_dma semaphore(%arg14 : memref<!tpu.dma_semaphore, #tpu.memory_space<semaphore_mem>>) src(%arg9 : memref<128x128xf32, #tpu.memory_space<vmem>>) dst(%dma_wait3A_211 : memref<10240x128xf32, #tpu.memory_space<vmem_shared>>)
      %dma_start3A_212 = arith.constant 7 : i32
      %dma_start3A_213 = arith.constant 0 : i32
      %dma_start3A_214 = tpu.memref_slice %arg6[%dma_start3A_212, %dma_start3A_213] : memref<16x128xi32, #tpu.memory_space<vmem>> -> memref<1x128xi32, #tpu.memory_space<vmem>>
      %dma_start3A_215 = tpu.memref_squeeze %dma_start3A_214 : memref<1x128xi32, #tpu.memory_space<vmem>> -> memref<128xi32, #tpu.memory_space<vmem>>
      %dma_start3A_216 = arith.constant 0 : i32
      %dma_start3A_217 = arith.constant 0 : i32
      %dma_start3A_218 = tpu.memref_slice %arg2[%dma_start3A_216, %dma_start3A_217] : memref<20480x128xf32, #tpu.memory_space<hbm>> -> memref<20480x128xf32, #tpu.memory_space<hbm>>
      tpu.enqueue_indirect_dma source(%dma_start3A_218 : memref<20480x128xf32, #tpu.memory_space<hbm>>) target(%arg9 : memref<128x128xf32, #tpu.memory_space<vmem>>) offsets(%dma_start3A_215 : memref<128xi32, #tpu.memory_space<vmem>>) semaphore(%arg12 : memref<!tpu.dma_semaphore, #tpu.memory_space<semaphore_mem>>)
      %dma_wait3A_219 = arith.constant 6 : i32
      %dma_wait3A_220 = arith.constant 0 : i32
      %dma_wait3A_221 = tpu.memref_slice %arg6[%dma_wait3A_219, %dma_wait3A_220] : memref<16x128xi32, #tpu.memory_space<vmem>> -> memref<1x128xi32, #tpu.memory_space<vmem>>
      %dma_wait3A_222 = tpu.memref_squeeze %dma_wait3A_221 : memref<1x128xi32, #tpu.memory_space<vmem>> -> memref<128xi32, #tpu.memory_space<vmem>>
      %dma_wait3A_223 = arith.constant 0 : i32
      %dma_wait3A_224 = arith.constant 0 : i32
      %dma_wait3A_225 = tpu.memref_slice %arg2[%dma_wait3A_223, %dma_wait3A_224] : memref<20480x128xf32, #tpu.memory_space<hbm>> -> memref<20480x128xf32, #tpu.memory_space<hbm>>
      tpu.wait_indirect_dma semaphore(%arg11 : memref<!tpu.dma_semaphore, #tpu.memory_space<semaphore_mem>>) src(%dma_wait3A_225 : memref<20480x128xf32, #tpu.memory_space<hbm>>) dst(%arg8 : memref<128x128xf32, #tpu.memory_space<vmem>>)
      %dma_start3A_226 = arith.constant 6 : i32
      %dma_start3A_227 = arith.constant 0 : i32
      %dma_start3A_228 = tpu.memref_slice %arg7[%dma_start3A_226, %dma_start3A_227] : memref<16x128xi32, #tpu.memory_space<vmem>> -> memref<1x128xi32, #tpu.memory_space<vmem>>
      %dma_start3A_229 = tpu.memref_squeeze %dma_start3A_228 : memref<1x128xi32, #tpu.memory_space<vmem>> -> memref<128xi32, #tpu.memory_space<vmem>>
      %dma_start3A_230 = arith.constant 0 : i32
      %dma_start3A_231 = arith.constant 0 : i32
      %dma_start3A_232 = tpu.memref_slice %arg10[%dma_start3A_230, %dma_start3A_231] : memref<10240x128xf32, #tpu.memory_space<vmem_shared>> -> memref<10240x128xf32, #tpu.memory_space<vmem_shared>>
      tpu.enqueue_indirect_dma source(%arg8 : memref<128x128xf32, #tpu.memory_space<vmem>>) target(%dma_start3A_232 : memref<10240x128xf32, #tpu.memory_space<vmem_shared>>) offsets(%dma_start3A_229 : memref<128xi32, #tpu.memory_space<vmem>>) semaphore(%arg13 : memref<!tpu.dma_semaphore, #tpu.memory_space<semaphore_mem>>) {add = true}
      %dma_wait3A_233 = arith.constant 6 : i32
      %dma_wait3A_234 = arith.constant 0 : i32
      %dma_wait3A_235 = tpu.memref_slice %arg7[%dma_wait3A_233, %dma_wait3A_234] : memref<16x128xi32, #tpu.memory_space<vmem>> -> memref<1x128xi32, #tpu.memory_space<vmem>>
      %dma_wait3A_236 = tpu.memref_squeeze %dma_wait3A_235 : memref<1x128xi32, #tpu.memory_space<vmem>> -> memref<128xi32, #tpu.memory_space<vmem>>
      %dma_wait3A_237 = arith.constant 0 : i32
      %dma_wait3A_238 = arith.constant 0 : i32
      %dma_wait3A_239 = tpu.memref_slice %arg10[%dma_wait3A_237, %dma_wait3A_238] : memref<10240x128xf32, #tpu.memory_space<vmem_shared>> -> memref<10240x128xf32, #tpu.memory_space<vmem_shared>>
      tpu.wait_indirect_dma semaphore(%arg13 : memref<!tpu.dma_semaphore, #tpu.memory_space<semaphore_mem>>) src(%arg8 : memref<128x128xf32, #tpu.memory_space<vmem>>) dst(%dma_wait3A_239 : memref<10240x128xf32, #tpu.memory_space<vmem_shared>>)
      %dma_start3A_240 = arith.constant 8 : i32
      %dma_start3A_241 = arith.constant 0 : i32
      %dma_start3A_242 = tpu.memref_slice %arg6[%dma_start3A_240, %dma_start3A_241] : memref<16x128xi32, #tpu.memory_space<vmem>> -> memref<1x128xi32, #tpu.memory_space<vmem>>
      %dma_start3A_243 = tpu.memref_squeeze %dma_start3A_242 : memref<1x128xi32, #tpu.memory_space<vmem>> -> memref<128xi32, #tpu.memory_space<vmem>>
      %dma_start3A_244 = arith.constant 0 : i32
      %dma_start3A_245 = arith.constant 0 : i32
      %dma_start3A_246 = tpu.memref_slice %arg2[%dma_start3A_244, %dma_start3A_245] : memref<20480x128xf32, #tpu.memory_space<hbm>> -> memref<20480x128xf32, #tpu.memory_space<hbm>>
      tpu.enqueue_indirect_dma source(%dma_start3A_246 : memref<20480x128xf32, #tpu.memory_space<hbm>>) target(%arg8 : memref<128x128xf32, #tpu.memory_space<vmem>>) offsets(%dma_start3A_243 : memref<128xi32, #tpu.memory_space<vmem>>) semaphore(%arg11 : memref<!tpu.dma_semaphore, #tpu.memory_space<semaphore_mem>>)
      %dma_wait3A_247 = arith.constant 7 : i32
      %dma_wait3A_248 = arith.constant 0 : i32
      %dma_wait3A_249 = tpu.memref_slice %arg6[%dma_wait3A_247, %dma_wait3A_248] : memref<16x128xi32, #tpu.memory_space<vmem>> -> memref<1x128xi32, #tpu.memory_space<vmem>>
      %dma_wait3A_250 = tpu.memref_squeeze %dma_wait3A_249 : memref<1x128xi32, #tpu.memory_space<vmem>> -> memref<128xi32, #tpu.memory_space<vmem>>
      %dma_wait3A_251 = arith.constant 0 : i32
      %dma_wait3A_252 = arith.constant 0 : i32
      %dma_wait3A_253 = tpu.memref_slice %arg2[%dma_wait3A_251, %dma_wait3A_252] : memref<20480x128xf32, #tpu.memory_space<hbm>> -> memref<20480x128xf32, #tpu.memory_space<hbm>>
      tpu.wait_indirect_dma semaphore(%arg12 : memref<!tpu.dma_semaphore, #tpu.memory_space<semaphore_mem>>) src(%dma_wait3A_253 : memref<20480x128xf32, #tpu.memory_space<hbm>>) dst(%arg9 : memref<128x128xf32, #tpu.memory_space<vmem>>)
      %dma_start3A_254 = arith.constant 7 : i32
      %dma_start3A_255 = arith.constant 0 : i32
      %dma_start3A_256 = tpu.memref_slice %arg7[%dma_start3A_254, %dma_start3A_255] : memref<16x128xi32, #tpu.memory_space<vmem>> -> memref<1x128xi32, #tpu.memory_space<vmem>>
      %dma_start3A_257 = tpu.memref_squeeze %dma_start3A_256 : memref<1x128xi32, #tpu.memory_space<vmem>> -> memref<128xi32, #tpu.memory_space<vmem>>
      %dma_start3A_258 = arith.constant 0 : i32
      %dma_start3A_259 = arith.constant 0 : i32
      %dma_start3A_260 = tpu.memref_slice %arg10[%dma_start3A_258, %dma_start3A_259] : memref<10240x128xf32, #tpu.memory_space<vmem_shared>> -> memref<10240x128xf32, #tpu.memory_space<vmem_shared>>
      tpu.enqueue_indirect_dma source(%arg9 : memref<128x128xf32, #tpu.memory_space<vmem>>) target(%dma_start3A_260 : memref<10240x128xf32, #tpu.memory_space<vmem_shared>>) offsets(%dma_start3A_257 : memref<128xi32, #tpu.memory_space<vmem>>) semaphore(%arg14 : memref<!tpu.dma_semaphore, #tpu.memory_space<semaphore_mem>>) {add = true}
      %dma_wait3A_261 = arith.constant 7 : i32
      %dma_wait3A_262 = arith.constant 0 : i32
      %dma_wait3A_263 = tpu.memref_slice %arg7[%dma_wait3A_261, %dma_wait3A_262] : memref<16x128xi32, #tpu.memory_space<vmem>> -> memref<1x128xi32, #tpu.memory_space<vmem>>
      %dma_wait3A_264 = tpu.memref_squeeze %dma_wait3A_263 : memref<1x128xi32, #tpu.memory_space<vmem>> -> memref<128xi32, #tpu.memory_space<vmem>>
      %dma_wait3A_265 = arith.constant 0 : i32
      %dma_wait3A_266 = arith.constant 0 : i32
      %dma_wait3A_267 = tpu.memref_slice %arg10[%dma_wait3A_265, %dma_wait3A_266] : memref<10240x128xf32, #tpu.memory_space<vmem_shared>> -> memref<10240x128xf32, #tpu.memory_space<vmem_shared>>
      tpu.wait_indirect_dma semaphore(%arg14 : memref<!tpu.dma_semaphore, #tpu.memory_space<semaphore_mem>>) src(%arg9 : memref<128x128xf32, #tpu.memory_space<vmem>>) dst(%dma_wait3A_267 : memref<10240x128xf32, #tpu.memory_space<vmem_shared>>)
      %dma_start3A_268 = arith.constant 9 : i32
      %dma_start3A_269 = arith.constant 0 : i32
      %dma_start3A_270 = tpu.memref_slice %arg6[%dma_start3A_268, %dma_start3A_269] : memref<16x128xi32, #tpu.memory_space<vmem>> -> memref<1x128xi32, #tpu.memory_space<vmem>>
      %dma_start3A_271 = tpu.memref_squeeze %dma_start3A_270 : memref<1x128xi32, #tpu.memory_space<vmem>> -> memref<128xi32, #tpu.memory_space<vmem>>
      %dma_start3A_272 = arith.constant 0 : i32
      %dma_start3A_273 = arith.constant 0 : i32
      %dma_start3A_274 = tpu.memref_slice %arg2[%dma_start3A_272, %dma_start3A_273] : memref<20480x128xf32, #tpu.memory_space<hbm>> -> memref<20480x128xf32, #tpu.memory_space<hbm>>
      tpu.enqueue_indirect_dma source(%dma_start3A_274 : memref<20480x128xf32, #tpu.memory_space<hbm>>) target(%arg9 : memref<128x128xf32, #tpu.memory_space<vmem>>) offsets(%dma_start3A_271 : memref<128xi32, #tpu.memory_space<vmem>>) semaphore(%arg12 : memref<!tpu.dma_semaphore, #tpu.memory_space<semaphore_mem>>)
      %dma_wait3A_275 = arith.constant 8 : i32
      %dma_wait3A_276 = arith.constant 0 : i32
      %dma_wait3A_277 = tpu.memref_slice %arg6[%dma_wait3A_275, %dma_wait3A_276] : memref<16x128xi32, #tpu.memory_space<vmem>> -> memref<1x128xi32, #tpu.memory_space<vmem>>
      %dma_wait3A_278 = tpu.memref_squeeze %dma_wait3A_277 : memref<1x128xi32, #tpu.memory_space<vmem>> -> memref<128xi32, #tpu.memory_space<vmem>>
      %dma_wait3A_279 = arith.constant 0 : i32
      %dma_wait3A_280 = arith.constant 0 : i32
      %dma_wait3A_281 = tpu.memref_slice %arg2[%dma_wait3A_279, %dma_wait3A_280] : memref<20480x128xf32, #tpu.memory_space<hbm>> -> memref<20480x128xf32, #tpu.memory_space<hbm>>
      tpu.wait_indirect_dma semaphore(%arg11 : memref<!tpu.dma_semaphore, #tpu.memory_space<semaphore_mem>>) src(%dma_wait3A_281 : memref<20480x128xf32, #tpu.memory_space<hbm>>) dst(%arg8 : memref<128x128xf32, #tpu.memory_space<vmem>>)
      %dma_start3A_282 = arith.constant 8 : i32
      %dma_start3A_283 = arith.constant 0 : i32
      %dma_start3A_284 = tpu.memref_slice %arg7[%dma_start3A_282, %dma_start3A_283] : memref<16x128xi32, #tpu.memory_space<vmem>> -> memref<1x128xi32, #tpu.memory_space<vmem>>
      %dma_start3A_285 = tpu.memref_squeeze %dma_start3A_284 : memref<1x128xi32, #tpu.memory_space<vmem>> -> memref<128xi32, #tpu.memory_space<vmem>>
      %dma_start3A_286 = arith.constant 0 : i32
      %dma_start3A_287 = arith.constant 0 : i32
      %dma_start3A_288 = tpu.memref_slice %arg10[%dma_start3A_286, %dma_start3A_287] : memref<10240x128xf32, #tpu.memory_space<vmem_shared>> -> memref<10240x128xf32, #tpu.memory_space<vmem_shared>>
      tpu.enqueue_indirect_dma source(%arg8 : memref<128x128xf32, #tpu.memory_space<vmem>>) target(%dma_start3A_288 : memref<10240x128xf32, #tpu.memory_space<vmem_shared>>) offsets(%dma_start3A_285 : memref<128xi32, #tpu.memory_space<vmem>>) semaphore(%arg13 : memref<!tpu.dma_semaphore, #tpu.memory_space<semaphore_mem>>) {add = true}
      %dma_wait3A_289 = arith.constant 8 : i32
      %dma_wait3A_290 = arith.constant 0 : i32
      %dma_wait3A_291 = tpu.memref_slice %arg7[%dma_wait3A_289, %dma_wait3A_290] : memref<16x128xi32, #tpu.memory_space<vmem>> -> memref<1x128xi32, #tpu.memory_space<vmem>>
      %dma_wait3A_292 = tpu.memref_squeeze %dma_wait3A_291 : memref<1x128xi32, #tpu.memory_space<vmem>> -> memref<128xi32, #tpu.memory_space<vmem>>
      %dma_wait3A_293 = arith.constant 0 : i32
      %dma_wait3A_294 = arith.constant 0 : i32
      %dma_wait3A_295 = tpu.memref_slice %arg10[%dma_wait3A_293, %dma_wait3A_294] : memref<10240x128xf32, #tpu.memory_space<vmem_shared>> -> memref<10240x128xf32, #tpu.memory_space<vmem_shared>>
      tpu.wait_indirect_dma semaphore(%arg13 : memref<!tpu.dma_semaphore, #tpu.memory_space<semaphore_mem>>) src(%arg8 : memref<128x128xf32, #tpu.memory_space<vmem>>) dst(%dma_wait3A_295 : memref<10240x128xf32, #tpu.memory_space<vmem_shared>>)
      %dma_start3A_296 = arith.constant 10 : i32
      %dma_start3A_297 = arith.constant 0 : i32
      %dma_start3A_298 = tpu.memref_slice %arg6[%dma_start3A_296, %dma_start3A_297] : memref<16x128xi32, #tpu.memory_space<vmem>> -> memref<1x128xi32, #tpu.memory_space<vmem>>
      %dma_start3A_299 = tpu.memref_squeeze %dma_start3A_298 : memref<1x128xi32, #tpu.memory_space<vmem>> -> memref<128xi32, #tpu.memory_space<vmem>>
      %dma_start3A_300 = arith.constant 0 : i32
      %dma_start3A_301 = arith.constant 0 : i32
      %dma_start3A_302 = tpu.memref_slice %arg2[%dma_start3A_300, %dma_start3A_301] : memref<20480x128xf32, #tpu.memory_space<hbm>> -> memref<20480x128xf32, #tpu.memory_space<hbm>>
      tpu.enqueue_indirect_dma source(%dma_start3A_302 : memref<20480x128xf32, #tpu.memory_space<hbm>>) target(%arg8 : memref<128x128xf32, #tpu.memory_space<vmem>>) offsets(%dma_start3A_299 : memref<128xi32, #tpu.memory_space<vmem>>) semaphore(%arg11 : memref<!tpu.dma_semaphore, #tpu.memory_space<semaphore_mem>>)
      %dma_wait3A_303 = arith.constant 9 : i32
      %dma_wait3A_304 = arith.constant 0 : i32
      %dma_wait3A_305 = tpu.memref_slice %arg6[%dma_wait3A_303, %dma_wait3A_304] : memref<16x128xi32, #tpu.memory_space<vmem>> -> memref<1x128xi32, #tpu.memory_space<vmem>>
      %dma_wait3A_306 = tpu.memref_squeeze %dma_wait3A_305 : memref<1x128xi32, #tpu.memory_space<vmem>> -> memref<128xi32, #tpu.memory_space<vmem>>
      %dma_wait3A_307 = arith.constant 0 : i32
      %dma_wait3A_308 = arith.constant 0 : i32
      %dma_wait3A_309 = tpu.memref_slice %arg2[%dma_wait3A_307, %dma_wait3A_308] : memref<20480x128xf32, #tpu.memory_space<hbm>> -> memref<20480x128xf32, #tpu.memory_space<hbm>>
      tpu.wait_indirect_dma semaphore(%arg12 : memref<!tpu.dma_semaphore, #tpu.memory_space<semaphore_mem>>) src(%dma_wait3A_309 : memref<20480x128xf32, #tpu.memory_space<hbm>>) dst(%arg9 : memref<128x128xf32, #tpu.memory_space<vmem>>)
      %dma_start3A_310 = arith.constant 9 : i32
      %dma_start3A_311 = arith.constant 0 : i32
      %dma_start3A_312 = tpu.memref_slice %arg7[%dma_start3A_310, %dma_start3A_311] : memref<16x128xi32, #tpu.memory_space<vmem>> -> memref<1x128xi32, #tpu.memory_space<vmem>>
      %dma_start3A_313 = tpu.memref_squeeze %dma_start3A_312 : memref<1x128xi32, #tpu.memory_space<vmem>> -> memref<128xi32, #tpu.memory_space<vmem>>
      %dma_start3A_314 = arith.constant 0 : i32
      %dma_start3A_315 = arith.constant 0 : i32
      %dma_start3A_316 = tpu.memref_slice %arg10[%dma_start3A_314, %dma_start3A_315] : memref<10240x128xf32, #tpu.memory_space<vmem_shared>> -> memref<10240x128xf32, #tpu.memory_space<vmem_shared>>
      tpu.enqueue_indirect_dma source(%arg9 : memref<128x128xf32, #tpu.memory_space<vmem>>) target(%dma_start3A_316 : memref<10240x128xf32, #tpu.memory_space<vmem_shared>>) offsets(%dma_start3A_313 : memref<128xi32, #tpu.memory_space<vmem>>) semaphore(%arg14 : memref<!tpu.dma_semaphore, #tpu.memory_space<semaphore_mem>>) {add = true}
      %dma_wait3A_317 = arith.constant 9 : i32
      %dma_wait3A_318 = arith.constant 0 : i32
      %dma_wait3A_319 = tpu.memref_slice %arg7[%dma_wait3A_317, %dma_wait3A_318] : memref<16x128xi32, #tpu.memory_space<vmem>> -> memref<1x128xi32, #tpu.memory_space<vmem>>
      %dma_wait3A_320 = tpu.memref_squeeze %dma_wait3A_319 : memref<1x128xi32, #tpu.memory_space<vmem>> -> memref<128xi32, #tpu.memory_space<vmem>>
      %dma_wait3A_321 = arith.constant 0 : i32
      %dma_wait3A_322 = arith.constant 0 : i32
      %dma_wait3A_323 = tpu.memref_slice %arg10[%dma_wait3A_321, %dma_wait3A_322] : memref<10240x128xf32, #tpu.memory_space<vmem_shared>> -> memref<10240x128xf32, #tpu.memory_space<vmem_shared>>
      tpu.wait_indirect_dma semaphore(%arg14 : memref<!tpu.dma_semaphore, #tpu.memory_space<semaphore_mem>>) src(%arg9 : memref<128x128xf32, #tpu.memory_space<vmem>>) dst(%dma_wait3A_323 : memref<10240x128xf32, #tpu.memory_space<vmem_shared>>)
      %dma_start3A_324 = arith.constant 11 : i32
      %dma_start3A_325 = arith.constant 0 : i32
      %dma_start3A_326 = tpu.memref_slice %arg6[%dma_start3A_324, %dma_start3A_325] : memref<16x128xi32, #tpu.memory_space<vmem>> -> memref<1x128xi32, #tpu.memory_space<vmem>>
      %dma_start3A_327 = tpu.memref_squeeze %dma_start3A_326 : memref<1x128xi32, #tpu.memory_space<vmem>> -> memref<128xi32, #tpu.memory_space<vmem>>
      %dma_start3A_328 = arith.constant 0 : i32
      %dma_start3A_329 = arith.constant 0 : i32
      %dma_start3A_330 = tpu.memref_slice %arg2[%dma_start3A_328, %dma_start3A_329] : memref<20480x128xf32, #tpu.memory_space<hbm>> -> memref<20480x128xf32, #tpu.memory_space<hbm>>
      tpu.enqueue_indirect_dma source(%dma_start3A_330 : memref<20480x128xf32, #tpu.memory_space<hbm>>) target(%arg9 : memref<128x128xf32, #tpu.memory_space<vmem>>) offsets(%dma_start3A_327 : memref<128xi32, #tpu.memory_space<vmem>>) semaphore(%arg12 : memref<!tpu.dma_semaphore, #tpu.memory_space<semaphore_mem>>)
      %dma_wait3A_331 = arith.constant 10 : i32
      %dma_wait3A_332 = arith.constant 0 : i32
      %dma_wait3A_333 = tpu.memref_slice %arg6[%dma_wait3A_331, %dma_wait3A_332] : memref<16x128xi32, #tpu.memory_space<vmem>> -> memref<1x128xi32, #tpu.memory_space<vmem>>
      %dma_wait3A_334 = tpu.memref_squeeze %dma_wait3A_333 : memref<1x128xi32, #tpu.memory_space<vmem>> -> memref<128xi32, #tpu.memory_space<vmem>>
      %dma_wait3A_335 = arith.constant 0 : i32
      %dma_wait3A_336 = arith.constant 0 : i32
      %dma_wait3A_337 = tpu.memref_slice %arg2[%dma_wait3A_335, %dma_wait3A_336] : memref<20480x128xf32, #tpu.memory_space<hbm>> -> memref<20480x128xf32, #tpu.memory_space<hbm>>
      tpu.wait_indirect_dma semaphore(%arg11 : memref<!tpu.dma_semaphore, #tpu.memory_space<semaphore_mem>>) src(%dma_wait3A_337 : memref<20480x128xf32, #tpu.memory_space<hbm>>) dst(%arg8 : memref<128x128xf32, #tpu.memory_space<vmem>>)
      %dma_start3A_338 = arith.constant 10 : i32
      %dma_start3A_339 = arith.constant 0 : i32
      %dma_start3A_340 = tpu.memref_slice %arg7[%dma_start3A_338, %dma_start3A_339] : memref<16x128xi32, #tpu.memory_space<vmem>> -> memref<1x128xi32, #tpu.memory_space<vmem>>
      %dma_start3A_341 = tpu.memref_squeeze %dma_start3A_340 : memref<1x128xi32, #tpu.memory_space<vmem>> -> memref<128xi32, #tpu.memory_space<vmem>>
      %dma_start3A_342 = arith.constant 0 : i32
      %dma_start3A_343 = arith.constant 0 : i32
      %dma_start3A_344 = tpu.memref_slice %arg10[%dma_start3A_342, %dma_start3A_343] : memref<10240x128xf32, #tpu.memory_space<vmem_shared>> -> memref<10240x128xf32, #tpu.memory_space<vmem_shared>>
      tpu.enqueue_indirect_dma source(%arg8 : memref<128x128xf32, #tpu.memory_space<vmem>>) target(%dma_start3A_344 : memref<10240x128xf32, #tpu.memory_space<vmem_shared>>) offsets(%dma_start3A_341 : memref<128xi32, #tpu.memory_space<vmem>>) semaphore(%arg13 : memref<!tpu.dma_semaphore, #tpu.memory_space<semaphore_mem>>) {add = true}
      %dma_wait3A_345 = arith.constant 10 : i32
      %dma_wait3A_346 = arith.constant 0 : i32
      %dma_wait3A_347 = tpu.memref_slice %arg7[%dma_wait3A_345, %dma_wait3A_346] : memref<16x128xi32, #tpu.memory_space<vmem>> -> memref<1x128xi32, #tpu.memory_space<vmem>>
      %dma_wait3A_348 = tpu.memref_squeeze %dma_wait3A_347 : memref<1x128xi32, #tpu.memory_space<vmem>> -> memref<128xi32, #tpu.memory_space<vmem>>
      %dma_wait3A_349 = arith.constant 0 : i32
      %dma_wait3A_350 = arith.constant 0 : i32
      %dma_wait3A_351 = tpu.memref_slice %arg10[%dma_wait3A_349, %dma_wait3A_350] : memref<10240x128xf32, #tpu.memory_space<vmem_shared>> -> memref<10240x128xf32, #tpu.memory_space<vmem_shared>>
      tpu.wait_indirect_dma semaphore(%arg13 : memref<!tpu.dma_semaphore, #tpu.memory_space<semaphore_mem>>) src(%arg8 : memref<128x128xf32, #tpu.memory_space<vmem>>) dst(%dma_wait3A_351 : memref<10240x128xf32, #tpu.memory_space<vmem_shared>>)
      %dma_start3A_352 = arith.constant 12 : i32
      %dma_start3A_353 = arith.constant 0 : i32
      %dma_start3A_354 = tpu.memref_slice %arg6[%dma_start3A_352, %dma_start3A_353] : memref<16x128xi32, #tpu.memory_space<vmem>> -> memref<1x128xi32, #tpu.memory_space<vmem>>
      %dma_start3A_355 = tpu.memref_squeeze %dma_start3A_354 : memref<1x128xi32, #tpu.memory_space<vmem>> -> memref<128xi32, #tpu.memory_space<vmem>>
      %dma_start3A_356 = arith.constant 0 : i32
      %dma_start3A_357 = arith.constant 0 : i32
      %dma_start3A_358 = tpu.memref_slice %arg2[%dma_start3A_356, %dma_start3A_357] : memref<20480x128xf32, #tpu.memory_space<hbm>> -> memref<20480x128xf32, #tpu.memory_space<hbm>>
      tpu.enqueue_indirect_dma source(%dma_start3A_358 : memref<20480x128xf32, #tpu.memory_space<hbm>>) target(%arg8 : memref<128x128xf32, #tpu.memory_space<vmem>>) offsets(%dma_start3A_355 : memref<128xi32, #tpu.memory_space<vmem>>) semaphore(%arg11 : memref<!tpu.dma_semaphore, #tpu.memory_space<semaphore_mem>>)
      %dma_wait3A_359 = arith.constant 11 : i32
      %dma_wait3A_360 = arith.constant 0 : i32
      %dma_wait3A_361 = tpu.memref_slice %arg6[%dma_wait3A_359, %dma_wait3A_360] : memref<16x128xi32, #tpu.memory_space<vmem>> -> memref<1x128xi32, #tpu.memory_space<vmem>>
      %dma_wait3A_362 = tpu.memref_squeeze %dma_wait3A_361 : memref<1x128xi32, #tpu.memory_space<vmem>> -> memref<128xi32, #tpu.memory_space<vmem>>
      %dma_wait3A_363 = arith.constant 0 : i32
      %dma_wait3A_364 = arith.constant 0 : i32
      %dma_wait3A_365 = tpu.memref_slice %arg2[%dma_wait3A_363, %dma_wait3A_364] : memref<20480x128xf32, #tpu.memory_space<hbm>> -> memref<20480x128xf32, #tpu.memory_space<hbm>>
      tpu.wait_indirect_dma semaphore(%arg12 : memref<!tpu.dma_semaphore, #tpu.memory_space<semaphore_mem>>) src(%dma_wait3A_365 : memref<20480x128xf32, #tpu.memory_space<hbm>>) dst(%arg9 : memref<128x128xf32, #tpu.memory_space<vmem>>)
      %dma_start3A_366 = arith.constant 11 : i32
      %dma_start3A_367 = arith.constant 0 : i32
      %dma_start3A_368 = tpu.memref_slice %arg7[%dma_start3A_366, %dma_start3A_367] : memref<16x128xi32, #tpu.memory_space<vmem>> -> memref<1x128xi32, #tpu.memory_space<vmem>>
      %dma_start3A_369 = tpu.memref_squeeze %dma_start3A_368 : memref<1x128xi32, #tpu.memory_space<vmem>> -> memref<128xi32, #tpu.memory_space<vmem>>
      %dma_start3A_370 = arith.constant 0 : i32
      %dma_start3A_371 = arith.constant 0 : i32
      %dma_start3A_372 = tpu.memref_slice %arg10[%dma_start3A_370, %dma_start3A_371] : memref<10240x128xf32, #tpu.memory_space<vmem_shared>> -> memref<10240x128xf32, #tpu.memory_space<vmem_shared>>
      tpu.enqueue_indirect_dma source(%arg9 : memref<128x128xf32, #tpu.memory_space<vmem>>) target(%dma_start3A_372 : memref<10240x128xf32, #tpu.memory_space<vmem_shared>>) offsets(%dma_start3A_369 : memref<128xi32, #tpu.memory_space<vmem>>) semaphore(%arg14 : memref<!tpu.dma_semaphore, #tpu.memory_space<semaphore_mem>>) {add = true}
      %dma_wait3A_373 = arith.constant 11 : i32
      %dma_wait3A_374 = arith.constant 0 : i32
      %dma_wait3A_375 = tpu.memref_slice %arg7[%dma_wait3A_373, %dma_wait3A_374] : memref<16x128xi32, #tpu.memory_space<vmem>> -> memref<1x128xi32, #tpu.memory_space<vmem>>
      %dma_wait3A_376 = tpu.memref_squeeze %dma_wait3A_375 : memref<1x128xi32, #tpu.memory_space<vmem>> -> memref<128xi32, #tpu.memory_space<vmem>>
      %dma_wait3A_377 = arith.constant 0 : i32
      %dma_wait3A_378 = arith.constant 0 : i32
      %dma_wait3A_379 = tpu.memref_slice %arg10[%dma_wait3A_377, %dma_wait3A_378] : memref<10240x128xf32, #tpu.memory_space<vmem_shared>> -> memref<10240x128xf32, #tpu.memory_space<vmem_shared>>
      tpu.wait_indirect_dma semaphore(%arg14 : memref<!tpu.dma_semaphore, #tpu.memory_space<semaphore_mem>>) src(%arg9 : memref<128x128xf32, #tpu.memory_space<vmem>>) dst(%dma_wait3A_379 : memref<10240x128xf32, #tpu.memory_space<vmem_shared>>)
      %dma_start3A_380 = arith.constant 13 : i32
      %dma_start3A_381 = arith.constant 0 : i32
      %dma_start3A_382 = tpu.memref_slice %arg6[%dma_start3A_380, %dma_start3A_381] : memref<16x128xi32, #tpu.memory_space<vmem>> -> memref<1x128xi32, #tpu.memory_space<vmem>>
      %dma_start3A_383 = tpu.memref_squeeze %dma_start3A_382 : memref<1x128xi32, #tpu.memory_space<vmem>> -> memref<128xi32, #tpu.memory_space<vmem>>
      %dma_start3A_384 = arith.constant 0 : i32
      %dma_start3A_385 = arith.constant 0 : i32
      %dma_start3A_386 = tpu.memref_slice %arg2[%dma_start3A_384, %dma_start3A_385] : memref<20480x128xf32, #tpu.memory_space<hbm>> -> memref<20480x128xf32, #tpu.memory_space<hbm>>
      tpu.enqueue_indirect_dma source(%dma_start3A_386 : memref<20480x128xf32, #tpu.memory_space<hbm>>) target(%arg9 : memref<128x128xf32, #tpu.memory_space<vmem>>) offsets(%dma_start3A_383 : memref<128xi32, #tpu.memory_space<vmem>>) semaphore(%arg12 : memref<!tpu.dma_semaphore, #tpu.memory_space<semaphore_mem>>)
      %dma_wait3A_387 = arith.constant 12 : i32
      %dma_wait3A_388 = arith.constant 0 : i32
      %dma_wait3A_389 = tpu.memref_slice %arg6[%dma_wait3A_387, %dma_wait3A_388] : memref<16x128xi32, #tpu.memory_space<vmem>> -> memref<1x128xi32, #tpu.memory_space<vmem>>
      %dma_wait3A_390 = tpu.memref_squeeze %dma_wait3A_389 : memref<1x128xi32, #tpu.memory_space<vmem>> -> memref<128xi32, #tpu.memory_space<vmem>>
      %dma_wait3A_391 = arith.constant 0 : i32
      %dma_wait3A_392 = arith.constant 0 : i32
      %dma_wait3A_393 = tpu.memref_slice %arg2[%dma_wait3A_391, %dma_wait3A_392] : memref<20480x128xf32, #tpu.memory_space<hbm>> -> memref<20480x128xf32, #tpu.memory_space<hbm>>
      tpu.wait_indirect_dma semaphore(%arg11 : memref<!tpu.dma_semaphore, #tpu.memory_space<semaphore_mem>>) src(%dma_wait3A_393 : memref<20480x128xf32, #tpu.memory_space<hbm>>) dst(%arg8 : memref<128x128xf32, #tpu.memory_space<vmem>>)
      %dma_start3A_394 = arith.constant 12 : i32
      %dma_start3A_395 = arith.constant 0 : i32
      %dma_start3A_396 = tpu.memref_slice %arg7[%dma_start3A_394, %dma_start3A_395] : memref<16x128xi32, #tpu.memory_space<vmem>> -> memref<1x128xi32, #tpu.memory_space<vmem>>
      %dma_start3A_397 = tpu.memref_squeeze %dma_start3A_396 : memref<1x128xi32, #tpu.memory_space<vmem>> -> memref<128xi32, #tpu.memory_space<vmem>>
      %dma_start3A_398 = arith.constant 0 : i32
      %dma_start3A_399 = arith.constant 0 : i32
      %dma_start3A_400 = tpu.memref_slice %arg10[%dma_start3A_398, %dma_start3A_399] : memref<10240x128xf32, #tpu.memory_space<vmem_shared>> -> memref<10240x128xf32, #tpu.memory_space<vmem_shared>>
      tpu.enqueue_indirect_dma source(%arg8 : memref<128x128xf32, #tpu.memory_space<vmem>>) target(%dma_start3A_400 : memref<10240x128xf32, #tpu.memory_space<vmem_shared>>) offsets(%dma_start3A_397 : memref<128xi32, #tpu.memory_space<vmem>>) semaphore(%arg13 : memref<!tpu.dma_semaphore, #tpu.memory_space<semaphore_mem>>) {add = true}
      %dma_wait3A_401 = arith.constant 12 : i32
      %dma_wait3A_402 = arith.constant 0 : i32
      %dma_wait3A_403 = tpu.memref_slice %arg7[%dma_wait3A_401, %dma_wait3A_402] : memref<16x128xi32, #tpu.memory_space<vmem>> -> memref<1x128xi32, #tpu.memory_space<vmem>>
      %dma_wait3A_404 = tpu.memref_squeeze %dma_wait3A_403 : memref<1x128xi32, #tpu.memory_space<vmem>> -> memref<128xi32, #tpu.memory_space<vmem>>
      %dma_wait3A_405 = arith.constant 0 : i32
      %dma_wait3A_406 = arith.constant 0 : i32
      %dma_wait3A_407 = tpu.memref_slice %arg10[%dma_wait3A_405, %dma_wait3A_406] : memref<10240x128xf32, #tpu.memory_space<vmem_shared>> -> memref<10240x128xf32, #tpu.memory_space<vmem_shared>>
      tpu.wait_indirect_dma semaphore(%arg13 : memref<!tpu.dma_semaphore, #tpu.memory_space<semaphore_mem>>) src(%arg8 : memref<128x128xf32, #tpu.memory_space<vmem>>) dst(%dma_wait3A_407 : memref<10240x128xf32, #tpu.memory_space<vmem_shared>>)
      %dma_start3A_408 = arith.constant 14 : i32
      %dma_start3A_409 = arith.constant 0 : i32
      %dma_start3A_410 = tpu.memref_slice %arg6[%dma_start3A_408, %dma_start3A_409] : memref<16x128xi32, #tpu.memory_space<vmem>> -> memref<1x128xi32, #tpu.memory_space<vmem>>
      %dma_start3A_411 = tpu.memref_squeeze %dma_start3A_410 : memref<1x128xi32, #tpu.memory_space<vmem>> -> memref<128xi32, #tpu.memory_space<vmem>>
      %dma_start3A_412 = arith.constant 0 : i32
      %dma_start3A_413 = arith.constant 0 : i32
      %dma_start3A_414 = tpu.memref_slice %arg2[%dma_start3A_412, %dma_start3A_413] : memref<20480x128xf32, #tpu.memory_space<hbm>> -> memref<20480x128xf32, #tpu.memory_space<hbm>>
      tpu.enqueue_indirect_dma source(%dma_start3A_414 : memref<20480x128xf32, #tpu.memory_space<hbm>>) target(%arg8 : memref<128x128xf32, #tpu.memory_space<vmem>>) offsets(%dma_start3A_411 : memref<128xi32, #tpu.memory_space<vmem>>) semaphore(%arg11 : memref<!tpu.dma_semaphore, #tpu.memory_space<semaphore_mem>>)
      %dma_wait3A_415 = arith.constant 13 : i32
      %dma_wait3A_416 = arith.constant 0 : i32
      %dma_wait3A_417 = tpu.memref_slice %arg6[%dma_wait3A_415, %dma_wait3A_416] : memref<16x128xi32, #tpu.memory_space<vmem>> -> memref<1x128xi32, #tpu.memory_space<vmem>>
      %dma_wait3A_418 = tpu.memref_squeeze %dma_wait3A_417 : memref<1x128xi32, #tpu.memory_space<vmem>> -> memref<128xi32, #tpu.memory_space<vmem>>
      %dma_wait3A_419 = arith.constant 0 : i32
      %dma_wait3A_420 = arith.constant 0 : i32
      %dma_wait3A_421 = tpu.memref_slice %arg2[%dma_wait3A_419, %dma_wait3A_420] : memref<20480x128xf32, #tpu.memory_space<hbm>> -> memref<20480x128xf32, #tpu.memory_space<hbm>>
      tpu.wait_indirect_dma semaphore(%arg12 : memref<!tpu.dma_semaphore, #tpu.memory_space<semaphore_mem>>) src(%dma_wait3A_421 : memref<20480x128xf32, #tpu.memory_space<hbm>>) dst(%arg9 : memref<128x128xf32, #tpu.memory_space<vmem>>)
      %dma_start3A_422 = arith.constant 13 : i32
      %dma_start3A_423 = arith.constant 0 : i32
      %dma_start3A_424 = tpu.memref_slice %arg7[%dma_start3A_422, %dma_start3A_423] : memref<16x128xi32, #tpu.memory_space<vmem>> -> memref<1x128xi32, #tpu.memory_space<vmem>>
      %dma_start3A_425 = tpu.memref_squeeze %dma_start3A_424 : memref<1x128xi32, #tpu.memory_space<vmem>> -> memref<128xi32, #tpu.memory_space<vmem>>
      %dma_start3A_426 = arith.constant 0 : i32
      %dma_start3A_427 = arith.constant 0 : i32
      %dma_start3A_428 = tpu.memref_slice %arg10[%dma_start3A_426, %dma_start3A_427] : memref<10240x128xf32, #tpu.memory_space<vmem_shared>> -> memref<10240x128xf32, #tpu.memory_space<vmem_shared>>
      tpu.enqueue_indirect_dma source(%arg9 : memref<128x128xf32, #tpu.memory_space<vmem>>) target(%dma_start3A_428 : memref<10240x128xf32, #tpu.memory_space<vmem_shared>>) offsets(%dma_start3A_425 : memref<128xi32, #tpu.memory_space<vmem>>) semaphore(%arg14 : memref<!tpu.dma_semaphore, #tpu.memory_space<semaphore_mem>>) {add = true}
      %dma_wait3A_429 = arith.constant 13 : i32
      %dma_wait3A_430 = arith.constant 0 : i32
      %dma_wait3A_431 = tpu.memref_slice %arg7[%dma_wait3A_429, %dma_wait3A_430] : memref<16x128xi32, #tpu.memory_space<vmem>> -> memref<1x128xi32, #tpu.memory_space<vmem>>
      %dma_wait3A_432 = tpu.memref_squeeze %dma_wait3A_431 : memref<1x128xi32, #tpu.memory_space<vmem>> -> memref<128xi32, #tpu.memory_space<vmem>>
      %dma_wait3A_433 = arith.constant 0 : i32
      %dma_wait3A_434 = arith.constant 0 : i32
      %dma_wait3A_435 = tpu.memref_slice %arg10[%dma_wait3A_433, %dma_wait3A_434] : memref<10240x128xf32, #tpu.memory_space<vmem_shared>> -> memref<10240x128xf32, #tpu.memory_space<vmem_shared>>
      tpu.wait_indirect_dma semaphore(%arg14 : memref<!tpu.dma_semaphore, #tpu.memory_space<semaphore_mem>>) src(%arg9 : memref<128x128xf32, #tpu.memory_space<vmem>>) dst(%dma_wait3A_435 : memref<10240x128xf32, #tpu.memory_space<vmem_shared>>)
      %dma_start3A_436 = arith.constant 15 : i32
      %dma_start3A_437 = arith.constant 0 : i32
      %dma_start3A_438 = tpu.memref_slice %arg6[%dma_start3A_436, %dma_start3A_437] : memref<16x128xi32, #tpu.memory_space<vmem>> -> memref<1x128xi32, #tpu.memory_space<vmem>>
      %dma_start3A_439 = tpu.memref_squeeze %dma_start3A_438 : memref<1x128xi32, #tpu.memory_space<vmem>> -> memref<128xi32, #tpu.memory_space<vmem>>
      %dma_start3A_440 = arith.constant 0 : i32
      %dma_start3A_441 = arith.constant 0 : i32
      %dma_start3A_442 = tpu.memref_slice %arg2[%dma_start3A_440, %dma_start3A_441] : memref<20480x128xf32, #tpu.memory_space<hbm>> -> memref<20480x128xf32, #tpu.memory_space<hbm>>
      tpu.enqueue_indirect_dma source(%dma_start3A_442 : memref<20480x128xf32, #tpu.memory_space<hbm>>) target(%arg9 : memref<128x128xf32, #tpu.memory_space<vmem>>) offsets(%dma_start3A_439 : memref<128xi32, #tpu.memory_space<vmem>>) semaphore(%arg12 : memref<!tpu.dma_semaphore, #tpu.memory_space<semaphore_mem>>)
      %dma_wait3A_443 = arith.constant 14 : i32
      %dma_wait3A_444 = arith.constant 0 : i32
      %dma_wait3A_445 = tpu.memref_slice %arg6[%dma_wait3A_443, %dma_wait3A_444] : memref<16x128xi32, #tpu.memory_space<vmem>> -> memref<1x128xi32, #tpu.memory_space<vmem>>
      %dma_wait3A_446 = tpu.memref_squeeze %dma_wait3A_445 : memref<1x128xi32, #tpu.memory_space<vmem>> -> memref<128xi32, #tpu.memory_space<vmem>>
      %dma_wait3A_447 = arith.constant 0 : i32
      %dma_wait3A_448 = arith.constant 0 : i32
      %dma_wait3A_449 = tpu.memref_slice %arg2[%dma_wait3A_447, %dma_wait3A_448] : memref<20480x128xf32, #tpu.memory_space<hbm>> -> memref<20480x128xf32, #tpu.memory_space<hbm>>
      tpu.wait_indirect_dma semaphore(%arg11 : memref<!tpu.dma_semaphore, #tpu.memory_space<semaphore_mem>>) src(%dma_wait3A_449 : memref<20480x128xf32, #tpu.memory_space<hbm>>) dst(%arg8 : memref<128x128xf32, #tpu.memory_space<vmem>>)
      %dma_start3A_450 = arith.constant 14 : i32
      %dma_start3A_451 = arith.constant 0 : i32
      %dma_start3A_452 = tpu.memref_slice %arg7[%dma_start3A_450, %dma_start3A_451] : memref<16x128xi32, #tpu.memory_space<vmem>> -> memref<1x128xi32, #tpu.memory_space<vmem>>
      %dma_start3A_453 = tpu.memref_squeeze %dma_start3A_452 : memref<1x128xi32, #tpu.memory_space<vmem>> -> memref<128xi32, #tpu.memory_space<vmem>>
      %dma_start3A_454 = arith.constant 0 : i32
      %dma_start3A_455 = arith.constant 0 : i32
      %dma_start3A_456 = tpu.memref_slice %arg10[%dma_start3A_454, %dma_start3A_455] : memref<10240x128xf32, #tpu.memory_space<vmem_shared>> -> memref<10240x128xf32, #tpu.memory_space<vmem_shared>>
      tpu.enqueue_indirect_dma source(%arg8 : memref<128x128xf32, #tpu.memory_space<vmem>>) target(%dma_start3A_456 : memref<10240x128xf32, #tpu.memory_space<vmem_shared>>) offsets(%dma_start3A_453 : memref<128xi32, #tpu.memory_space<vmem>>) semaphore(%arg13 : memref<!tpu.dma_semaphore, #tpu.memory_space<semaphore_mem>>) {add = true}
      %dma_wait3A_457 = arith.constant 15 : i32
      %dma_wait3A_458 = arith.constant 0 : i32
      %dma_wait3A_459 = tpu.memref_slice %arg6[%dma_wait3A_457, %dma_wait3A_458] : memref<16x128xi32, #tpu.memory_space<vmem>> -> memref<1x128xi32, #tpu.memory_space<vmem>>
      %dma_wait3A_460 = tpu.memref_squeeze %dma_wait3A_459 : memref<1x128xi32, #tpu.memory_space<vmem>> -> memref<128xi32, #tpu.memory_space<vmem>>
      %dma_wait3A_461 = arith.constant 0 : i32
      %dma_wait3A_462 = arith.constant 0 : i32
      %dma_wait3A_463 = tpu.memref_slice %arg2[%dma_wait3A_461, %dma_wait3A_462] : memref<20480x128xf32, #tpu.memory_space<hbm>> -> memref<20480x128xf32, #tpu.memory_space<hbm>>
      tpu.wait_indirect_dma semaphore(%arg12 : memref<!tpu.dma_semaphore, #tpu.memory_space<semaphore_mem>>) src(%dma_wait3A_463 : memref<20480x128xf32, #tpu.memory_space<hbm>>) dst(%arg9 : memref<128x128xf32, #tpu.memory_space<vmem>>)
      %dma_start3A_464 = arith.constant 15 : i32
      %dma_start3A_465 = arith.constant 0 : i32
      %dma_start3A_466 = tpu.memref_slice %arg7[%dma_start3A_464, %dma_start3A_465] : memref<16x128xi32, #tpu.memory_space<vmem>> -> memref<1x128xi32, #tpu.memory_space<vmem>>
      %dma_start3A_467 = tpu.memref_squeeze %dma_start3A_466 : memref<1x128xi32, #tpu.memory_space<vmem>> -> memref<128xi32, #tpu.memory_space<vmem>>
      %dma_start3A_468 = arith.constant 0 : i32
      %dma_start3A_469 = arith.constant 0 : i32
      %dma_start3A_470 = tpu.memref_slice %arg10[%dma_start3A_468, %dma_start3A_469] : memref<10240x128xf32, #tpu.memory_space<vmem_shared>> -> memref<10240x128xf32, #tpu.memory_space<vmem_shared>>
      tpu.enqueue_indirect_dma source(%arg9 : memref<128x128xf32, #tpu.memory_space<vmem>>) target(%dma_start3A_470 : memref<10240x128xf32, #tpu.memory_space<vmem_shared>>) offsets(%dma_start3A_467 : memref<128xi32, #tpu.memory_space<vmem>>) semaphore(%arg14 : memref<!tpu.dma_semaphore, #tpu.memory_space<semaphore_mem>>) {add = true}
      %dma_wait3A_471 = arith.constant 14 : i32
      %dma_wait3A_472 = arith.constant 0 : i32
      %dma_wait3A_473 = tpu.memref_slice %arg7[%dma_wait3A_471, %dma_wait3A_472] : memref<16x128xi32, #tpu.memory_space<vmem>> -> memref<1x128xi32, #tpu.memory_space<vmem>>
      %dma_wait3A_474 = tpu.memref_squeeze %dma_wait3A_473 : memref<1x128xi32, #tpu.memory_space<vmem>> -> memref<128xi32, #tpu.memory_space<vmem>>
      %dma_wait3A_475 = arith.constant 0 : i32
      %dma_wait3A_476 = arith.constant 0 : i32
      %dma_wait3A_477 = tpu.memref_slice %arg10[%dma_wait3A_475, %dma_wait3A_476] : memref<10240x128xf32, #tpu.memory_space<vmem_shared>> -> memref<10240x128xf32, #tpu.memory_space<vmem_shared>>
      tpu.wait_indirect_dma semaphore(%arg13 : memref<!tpu.dma_semaphore, #tpu.memory_space<semaphore_mem>>) src(%arg8 : memref<128x128xf32, #tpu.memory_space<vmem>>) dst(%dma_wait3A_477 : memref<10240x128xf32, #tpu.memory_space<vmem_shared>>)
      %dma_wait3A_478 = arith.constant 15 : i32
      %dma_wait3A_479 = arith.constant 0 : i32
      %dma_wait3A_480 = tpu.memref_slice %arg7[%dma_wait3A_478, %dma_wait3A_479] : memref<16x128xi32, #tpu.memory_space<vmem>> -> memref<1x128xi32, #tpu.memory_space<vmem>>
      %dma_wait3A_481 = tpu.memref_squeeze %dma_wait3A_480 : memref<1x128xi32, #tpu.memory_space<vmem>> -> memref<128xi32, #tpu.memory_space<vmem>>
      %dma_wait3A_482 = arith.constant 0 : i32
      %dma_wait3A_483 = arith.constant 0 : i32
      %dma_wait3A_484 = tpu.memref_slice %arg10[%dma_wait3A_482, %dma_wait3A_483] : memref<10240x128xf32, #tpu.memory_space<vmem_shared>> -> memref<10240x128xf32, #tpu.memory_space<vmem_shared>>
      tpu.wait_indirect_dma semaphore(%arg14 : memref<!tpu.dma_semaphore, #tpu.memory_space<semaphore_mem>>) src(%arg9 : memref<128x128xf32, #tpu.memory_space<vmem>>) dst(%dma_wait3A_484 : memref<10240x128xf32, #tpu.memory_space<vmem_shared>>)
    }
    %scan3A_14 = arith.constant 10 : i32
    %barrier3A_15 = arith.constant 0 : index
    tpu.barrier barrier_id(%barrier3A_15)
    %mul3A = arith.constant 640 : i32
    %mul3A_16 = arith.muli %arg1, %mul3A : i32
    %mul3A_17 = arith.constant 10240 : i32
    %mul3A_18 = arith.muli %arg0, %mul3A_17 : i32
    %mul3A_19 = arith.constant 640 : i32
    %mul3A_20 = arith.muli %arg1, %mul3A_19 : i32
    %add3A = arith.addi %mul3A_18, %mul3A_20 : i32
    "tpu.region"() ({
      %run_scoped3A = tpu.sem_alloc : memref<!tpu.dma_semaphore, #tpu.memory_space<semaphore_mem>>
      %dma_start3A = arith.constant 0 : i32
      %dma_start3A_21 = tpu.memref_slice %arg5[%add3A, %dma_start3A] : memref<20480x128xf32, #tpu.memory_space<hbm>> -> memref<640x128xf32, #tpu.memory_space<hbm>>
      %dma_start3A_22 = arith.constant 0 : i32
      %dma_start3A_23 = tpu.memref_slice %arg10[%mul3A_16, %dma_start3A_22] : memref<10240x128xf32, #tpu.memory_space<vmem_shared>> -> memref<640x128xf32, #tpu.memory_space<vmem_shared>>
      tpu.enqueue_dma source(%dma_start3A_23 : memref<640x128xf32, #tpu.memory_space<vmem_shared>>) target(%dma_start3A_21 : memref<640x128xf32, #tpu.memory_space<hbm>>) target_semaphore(%run_scoped3A : memref<!tpu.dma_semaphore, #tpu.memory_space<semaphore_mem>>)
      %dma_wait3A = arith.constant 0 : i32
      %dma_wait3A_24 = tpu.memref_slice %arg5[%add3A, %dma_wait3A] : memref<20480x128xf32, #tpu.memory_space<hbm>> -> memref<640x128xf32, #tpu.memory_space<hbm>>
      %dma_wait3A_25 = arith.constant 0 : i32
      %dma_wait3A_26 = tpu.memref_slice %arg10[%mul3A_16, %dma_wait3A_25] : memref<10240x128xf32, #tpu.memory_space<vmem_shared>> -> memref<640x128xf32, #tpu.memory_space<vmem_shared>>
      tpu.wait_dma2 semaphore(%run_scoped3A : memref<!tpu.dma_semaphore, #tpu.memory_space<semaphore_mem>>) src(%dma_wait3A_26 : memref<640x128xf32, #tpu.memory_space<vmem_shared>>) dst(%dma_wait3A_24 : memref<640x128xf32, #tpu.memory_space<hbm>>)
      tpu.yield
    }) : () -> ()
    return
  }
}

module attributes {stable_mosaic.version = 14 : i64} {
  func.func @body(%arg0: i32, %arg1: i32, %arg2: memref<2048x128xf32, #tpu.memory_space<vmem>>, %arg3: memref<2x2048xf32, #tpu.memory_space<vmem>>, %arg4: memref<128x128xf32, #tpu.memory_space<vmem>>, %arg5: memref<2048x128xf32, #tpu.memory_space<vmem>>) attributes {dimension_semantics = [#tpu.dimension_semantics<arbitrary>, #tpu.dimension_semantics<arbitrary>], iteration_bounds = array<i64: 2, 5>, scalar_prefetch = 0 : i64, scratch_operands = 0 : i64, tpu.core_type = #tpu.core_type<tc>, window_params = [{transform_indices = @transform_0, window_bounds = array<i64: 2048, 128>}, {transform_indices = @transform_1, window_bounds = array<i64: 2, 2048>}, {transform_indices = @transform_2, window_bounds = array<i64: 128, 128>}, {transform_indices = @transform_3, window_bounds = array<i64: 2048, 128>}]} {
    %get3A = arith.constant 0 : index
    %get3A_0 = arith.constant 0 : index
    %get3A_1 = vector.load %arg3[%get3A, %get3A_0] : memref<2x2048xf32, #tpu.memory_space<vmem>>, vector<2x2048xf32>
    %slice3A = vector.extract_strided_slice %get3A_1 {offsets = [0, 0], sizes = [1, 2048], strides = [1, 1]} : vector<2x2048xf32> to vector<1x2048xf32>
    %squeeze3A = vector.shape_cast %slice3A : vector<1x2048xf32> to vector<2048xf32>
    %slice3A_2 = vector.extract_strided_slice %get3A_1 {offsets = [1, 0], sizes = [1, 2048], strides = [1, 1]} : vector<2x2048xf32> to vector<1x2048xf32>
    %squeeze3A_3 = vector.shape_cast %slice3A_2 : vector<1x2048xf32> to vector<2048xf32>
    %add3A = arith.addf %squeeze3A, %squeeze3A_3 : vector<2048xf32>
    %add3A_4 = arith.constant 1.000000e+00 : f32
    %add3A_5 = vector.broadcast %add3A_4 : f32 to vector<2048xf32>
    %add3A_6 = arith.addf %add3A, %add3A_5 : vector<2048xf32>
    %rsqrt3A = math.rsqrt %add3A_6 : vector<2048xf32>
    %reshape3A = vector.shape_cast %rsqrt3A : vector<2048xf32> to vector<2048x1xf32>
    %get3A_7 = arith.constant 0 : index
    %get3A_8 = arith.constant 0 : index
    %get3A_9 = vector.load %arg2[%get3A_7, %get3A_8] : memref<2048x128xf32, #tpu.memory_space<vmem>>, vector<2048x128xf32>
    %get3A_10 = arith.constant 0 : index
    %get3A_11 = arith.constant 0 : index
    %get3A_12 = vector.load %arg4[%get3A_10, %get3A_11] : memref<128x128xf32, #tpu.memory_space<vmem>>, vector<128x128xf32>
    %dot_general3A = arith.constant dense<0.000000e+00> : vector<2048x128xf32>
    %dot_general3A_13 = tpu.matmul %get3A_9, %get3A_12, %dot_general3A {dimension_numbers = #tpu.dot_dimension_numbers<[1], [1], [0], [0], [0, 0, 1, 0], [], []>, transpose_lhs_hint = false} : vector<2048x128xf32>, vector<128x128xf32>, vector<2048x128xf32> -> vector<2048x128xf32>
    %mul3A = vector.broadcast %reshape3A : vector<2048x1xf32> to vector<2048x128xf32>
    %mul3A_14 = arith.mulf %mul3A, %dot_general3A_13 : vector<2048x128xf32>
    %swap3A = arith.constant 0 : index
    %swap3A_15 = arith.constant 0 : index
    %swap3A_16 = vector.load %arg5[%swap3A, %swap3A_15] : memref<2048x128xf32, #tpu.memory_space<vmem>>, vector<2048x128xf32>
    tpu.vector_store %arg5[%swap3A, %swap3A_15], %mul3A_14 {strides = array<i32>} : memref<2048x128xf32, #tpu.memory_space<vmem>>, vector<2048x128xf32>,
    return
  }
  func.func @transform_0(%arg0: i32, %arg1: i32) -> (i32, i32) {
    %c0_i32 = arith.constant 0 : i32
    %c0_i32_0 = arith.constant 0 : i32
    return %arg1, %c0_i32 : i32, i32
  }
  func.func @transform_1(%arg0: i32, %arg1: i32) -> (i32, i32) {
    %c0_i32 = arith.constant 0 : i32
    %c0_i32_0 = arith.constant 0 : i32
    return %c0_i32, %arg1 : i32, i32
  }
  func.func @transform_2(%arg0: i32, %arg1: i32) -> (i32, i32) {
    %c0_i32 = arith.constant 0 : i32
    %c0_i32_0 = arith.constant 0 : i32
    return %arg0, %c0_i32 : i32, i32
  }
  func.func @transform_3(%arg0: i32, %arg1: i32) -> (i32, i32) {
    %mul3A = arith.constant 5 : i32
    %mul3A_0 = arith.muli %arg0, %mul3A : i32
    %add3A = arith.addi %mul3A_0, %arg1 : i32
    %c0_i32 = arith.constant 0 : i32
    %c0_i32_1 = arith.constant 0 : i32
    return %add3A, %c0_i32 : i32, i32
  }
}

module attributes {stable_mosaic.version = 14 : i64} {
  func.func @body(%arg0: i32, %arg1: i32, %arg2: memref<2048x128xf32, #tpu.memory_space<vmem>>, %arg3: memref<2048x128xf32, #tpu.memory_space<vmem>>, %arg4: memref<2048x128xf32, #tpu.memory_space<vmem>>, %arg5: memref<2048x128xf32, #tpu.memory_space<vmem>>, %arg6: memref<2x2048xf32, #tpu.memory_space<vmem>>, %arg7: memref<256xf32, #tpu.memory_space<vmem>>, %arg8: memref<128x256xf32, #tpu.memory_space<vmem>>, %arg9: memref<2048x128xf32, #tpu.memory_space<vmem>>) attributes {dimension_semantics = [#tpu.dimension_semantics<arbitrary>, #tpu.dimension_semantics<arbitrary>], iteration_bounds = array<i64: 2, 5>, scalar_prefetch = 0 : i64, scratch_operands = 0 : i64, tpu.core_type = #tpu.core_type<tc>, window_params = [{transform_indices = @transform_0, window_bounds = array<i64: 2048, 128>}, {transform_indices = @transform_1, window_bounds = array<i64: 2048, 128>}, {transform_indices = @transform_2, window_bounds = array<i64: 2048, 128>}, {transform_indices = @transform_3, window_bounds = array<i64: 2048, 128>}, {transform_indices = @transform_4, window_bounds = array<i64: 2, 2048>}, {pipeline_mode = #tpu.pipeline_mode<synchronous>, transform_indices = @transform_5, window_bounds = array<i64: 256>}, {transform_indices = @transform_6, window_bounds = array<i64: 128, 256>}, {transform_indices = @transform_7, window_bounds = array<i64: 2048, 128>}]} {
    %get3A = arith.constant 0 : index
    %get3A_0 = arith.constant 0 : index
    %get3A_1 = vector.load %arg6[%get3A, %get3A_0] : memref<2x2048xf32, #tpu.memory_space<vmem>>, vector<2x2048xf32>
    %slice3A = vector.extract_strided_slice %get3A_1 {offsets = [0, 0], sizes = [1, 2048], strides = [1, 1]} : vector<2x2048xf32> to vector<1x2048xf32>
    %squeeze3A = vector.shape_cast %slice3A : vector<1x2048xf32> to vector<2048xf32>
    %slice3A_2 = vector.extract_strided_slice %get3A_1 {offsets = [1, 0], sizes = [1, 2048], strides = [1, 1]} : vector<2x2048xf32> to vector<1x2048xf32>
    %squeeze3A_3 = vector.shape_cast %slice3A_2 : vector<1x2048xf32> to vector<2048xf32>
    %add3A = arith.addf %squeeze3A, %squeeze3A_3 : vector<2048xf32>
    %add3A_4 = arith.constant 1.000000e+00 : f32
    %add3A_5 = vector.broadcast %add3A_4 : f32 to vector<2048xf32>
    %add3A_6 = arith.addf %add3A, %add3A_5 : vector<2048xf32>
    %rsqrt3A = math.rsqrt %add3A_6 : vector<2048xf32>
    %reshape3A = vector.shape_cast %rsqrt3A : vector<2048xf32> to vector<2048x1xf32>
    %get3A_7 = arith.constant 0 : index
    %get3A_8 = vector.load %arg7[%get3A_7] : memref<256xf32, #tpu.memory_space<vmem>>, vector<256xf32>
    %get3A_9 = arith.constant 0 : index
    %get3A_10 = arith.constant 0 : index
    %get3A_11 = vector.load %arg2[%get3A_9, %get3A_10] : memref<2048x128xf32, #tpu.memory_space<vmem>>, vector<2048x128xf32>
    %get3A_12 = arith.constant 0 : index
    %get3A_13 = arith.constant 0 : index
    %get3A_14 = vector.load %arg4[%get3A_12, %get3A_13] : memref<2048x128xf32, #tpu.memory_space<vmem>>, vector<2048x128xf32>
    %add3A_15 = arith.addf %get3A_11, %get3A_14 : vector<2048x128xf32>
    %mul3A = vector.broadcast %reshape3A : vector<2048x1xf32> to vector<2048x128xf32>
    %mul3A_16 = arith.mulf %mul3A, %add3A_15 : vector<2048x128xf32>
    %slice3A_17 = vector.extract_strided_slice %get3A_8 {offsets = [0], sizes = [128], strides = [1]} : vector<256xf32> to vector<128xf32>
    %broadcast_in_dim3A = vector.shape_cast %slice3A_17 : vector<128xf32> to vector<1x128xf32>
    %add3A_18 = vector.broadcast %broadcast_in_dim3A : vector<1x128xf32> to vector<2048x128xf32>
    %add3A_19 = arith.addf %mul3A_16, %add3A_18 : vector<2048x128xf32>
    %max3A = arith.constant 0.000000e+00 : f32
    %max3A_20 = vector.broadcast %max3A : f32 to vector<2048x128xf32>
    %max3A_21 = arith.maximumf %add3A_19, %max3A_20 : vector<2048x128xf32>
    %get3A_22 = arith.constant 0 : index
    %get3A_23 = arith.constant 0 : index
    %get3A_24 = vector.load %arg3[%get3A_22, %get3A_23] : memref<2048x128xf32, #tpu.memory_space<vmem>>, vector<2048x128xf32>
    %get3A_25 = arith.constant 0 : index
    %get3A_26 = arith.constant 0 : index
    %get3A_27 = vector.load %arg5[%get3A_25, %get3A_26] : memref<2048x128xf32, #tpu.memory_space<vmem>>, vector<2048x128xf32>
    %add3A_28 = arith.addf %get3A_24, %get3A_27 : vector<2048x128xf32>
    %mul3A_29 = vector.broadcast %reshape3A : vector<2048x1xf32> to vector<2048x128xf32>
    %mul3A_30 = arith.mulf %mul3A_29, %add3A_28 : vector<2048x128xf32>
    %slice3A_31 = vector.extract_strided_slice %get3A_8 {offsets = [128], sizes = [128], strides = [1]} : vector<256xf32> to vector<128xf32>
    %broadcast_in_dim3A_32 = vector.shape_cast %slice3A_31 : vector<128xf32> to vector<1x128xf32>
    %add3A_33 = vector.broadcast %broadcast_in_dim3A_32 : vector<1x128xf32> to vector<2048x128xf32>
    %add3A_34 = arith.addf %mul3A_30, %add3A_33 : vector<2048x128xf32>
    %max3A_35 = arith.constant 0.000000e+00 : f32
    %max3A_36 = vector.broadcast %max3A_35 : f32 to vector<2048x128xf32>
    %max3A_37 = arith.maximumf %add3A_34, %max3A_36 : vector<2048x128xf32>
    %get3A_38 = arith.constant 0 : index
    %get3A_39 = arith.constant 0 : index
    %get3A_40 = vector.load %arg8[%get3A_38, %get3A_39] : memref<128x256xf32, #tpu.memory_space<vmem>>, vector<128x256xf32>
    %slice3A_41 = vector.extract_strided_slice %get3A_40 {offsets = [0, 0], sizes = [128, 128], strides = [1, 1]} : vector<128x256xf32> to vector<128x128xf32>
    %dot_general3A = arith.constant dense<0.000000e+00> : vector<2048x128xf32>
    %dot_general3A_42 = tpu.matmul %max3A_21, %slice3A_41, %dot_general3A {dimension_numbers = #tpu.dot_dimension_numbers<[1], [1], [0], [0], [0, 0, 1, 0], [], []>, transpose_lhs_hint = false} : vector<2048x128xf32>, vector<128x128xf32>, vector<2048x128xf32> -> vector<2048x128xf32>
    %slice3A_43 = vector.extract_strided_slice %get3A_40 {offsets = [0, 128], sizes = [128, 128], strides = [1, 1]} : vector<128x256xf32> to vector<128x128xf32>
    %dot_general3A_44 = arith.constant dense<0.000000e+00> : vector<2048x128xf32>
    %dot_general3A_45 = tpu.matmul %max3A_37, %slice3A_43, %dot_general3A_44 {dimension_numbers = #tpu.dot_dimension_numbers<[1], [1], [0], [0], [0, 0, 1, 0], [], []>, transpose_lhs_hint = false} : vector<2048x128xf32>, vector<128x128xf32>, vector<2048x128xf32> -> vector<2048x128xf32>
    %add3A_46 = arith.addf %dot_general3A_42, %dot_general3A_45 : vector<2048x128xf32>
    %mul3A_47 = vector.broadcast %reshape3A : vector<2048x1xf32> to vector<2048x128xf32>
    %mul3A_48 = arith.mulf %mul3A_47, %add3A_46 : vector<2048x128xf32>
    %swap3A = arith.constant 0 : index
    %swap3A_49 = arith.constant 0 : index
    %swap3A_50 = vector.load %arg9[%swap3A, %swap3A_49] : memref<2048x128xf32, #tpu.memory_space<vmem>>, vector<2048x128xf32>
    tpu.vector_store %arg9[%swap3A, %swap3A_49], %mul3A_48 {strides = array<i32>} : memref<2048x128xf32, #tpu.memory_space<vmem>>, vector<2048x128xf32>,
    return
  }
  func.func @transform_0(%arg0: i32, %arg1: i32) -> (i32, i32) {
    %c0_i32 = arith.constant 0 : i32
    %c0_i32_0 = arith.constant 0 : i32
    return %arg1, %c0_i32 : i32, i32
  }
  func.func @transform_1(%arg0: i32, %arg1: i32) -> (i32, i32) {
    %add3A = arith.constant 5 : i32
    %add3A_0 = arith.addi %add3A, %arg1 : i32
    %c0_i32 = arith.constant 0 : i32
    %c0_i32_1 = arith.constant 0 : i32
    return %add3A_0, %c0_i32 : i32, i32
  }
  func.func @transform_2(%arg0: i32, %arg1: i32) -> (i32, i32) {
    %c0_i32 = arith.constant 0 : i32
    %c0_i32_0 = arith.constant 0 : i32
    return %arg1, %c0_i32 : i32, i32
  }
  func.func @transform_3(%arg0: i32, %arg1: i32) -> (i32, i32) {
    %add3A = arith.constant 5 : i32
    %add3A_0 = arith.addi %add3A, %arg1 : i32
    %c0_i32 = arith.constant 0 : i32
    %c0_i32_1 = arith.constant 0 : i32
    return %add3A_0, %c0_i32 : i32, i32
  }
  func.func @transform_4(%arg0: i32, %arg1: i32) -> (i32, i32) {
    %c0_i32 = arith.constant 0 : i32
    %c0_i32_0 = arith.constant 0 : i32
    return %c0_i32, %arg1 : i32, i32
  }
  func.func @transform_5(%arg0: i32, %arg1: i32) -> i32 {
    %c0_i32 = arith.constant 0 : i32
    %c0_i32_0 = arith.constant 0 : i32
    return %c0_i32 : i32
  }
  func.func @transform_6(%arg0: i32, %arg1: i32) -> (i32, i32) {
    %c0_i32 = arith.constant 0 : i32
    %c0_i32_0 = arith.constant 0 : i32
    return %arg0, %c0_i32 : i32, i32
  }
  func.func @transform_7(%arg0: i32, %arg1: i32) -> (i32, i32) {
    %mul3A = arith.constant 5 : i32
    %mul3A_0 = arith.muli %arg0, %mul3A : i32
    %add3A = arith.addi %mul3A_0, %arg1 : i32
    %c0_i32 = arith.constant 0 : i32
    %c0_i32_1 = arith.constant 0 : i32
    return %add3A, %c0_i32 : i32, i32
  }
}

module attributes {stable_mosaic.version = 14 : i64} {
  func.func @body(%arg0: i32, %arg1: memref<2048x128xf32, #tpu.memory_space<vmem>>, %arg2: memref<2048x128xf32, #tpu.memory_space<vmem>>, %arg3: memref<2048x128xf32, #tpu.memory_space<vmem>>, %arg4: memref<2048x128xf32, #tpu.memory_space<vmem>>, %arg5: memref<2x2048xf32, #tpu.memory_space<vmem>>, %arg6: memref<256xf32, #tpu.memory_space<vmem>>, %arg7: memref<2048xi32, #tpu.memory_space<vmem>>, %arg8: memref<256x256xf32, #tpu.memory_space<vmem>>, %arg9: memref<256xf32, #tpu.memory_space<vmem>>, %arg10: memref<128x256xf32, #tpu.memory_space<vmem>>, %arg11: memref<128xf32, #tpu.memory_space<vmem>>, %arg12: memref<64x128xf32, #tpu.memory_space<vmem>>, %arg13: memref<64x256xf32, #tpu.memory_space<vmem>>, %arg14: memref<64x128xf32, #tpu.memory_space<vmem>>) attributes {dimension_semantics = [#tpu.dimension_semantics<arbitrary>], iteration_bounds = array<i64: 5>, scalar_prefetch = 0 : i64, scratch_operands = 2 : i64, tpu.core_type = #tpu.core_type<tc>, window_params = [{transform_indices = @transform_0, window_bounds = array<i64: 2048, 128>}, {transform_indices = @transform_1, window_bounds = array<i64: 2048, 128>}, {transform_indices = @transform_2, window_bounds = array<i64: 2048, 128>}, {transform_indices = @transform_3, window_bounds = array<i64: 2048, 128>}, {transform_indices = @transform_4, window_bounds = array<i64: 2, 2048>}, {pipeline_mode = #tpu.pipeline_mode<synchronous>, transform_indices = @transform_5, window_bounds = array<i64: 256>}, {transform_indices = @transform_6, window_bounds = array<i64: 2048>}, {pipeline_mode = #tpu.pipeline_mode<synchronous>, transform_indices = @transform_7, window_bounds = array<i64: 256, 256>}, {pipeline_mode = #tpu.pipeline_mode<synchronous>, transform_indices = @transform_8, window_bounds = array<i64: 256>}, {pipeline_mode = #tpu.pipeline_mode<synchronous>, transform_indices = @transform_9, window_bounds = array<i64: 128, 256>}, {pipeline_mode = #tpu.pipeline_mode<synchronous>, transform_indices = @transform_10, window_bounds = array<i64: 128>}, {pipeline_mode = #tpu.pipeline_mode<synchronous>, transform_indices = @transform_11, window_bounds = array<i64: 64, 128>}]} {
    %get3A = arith.constant 0 : index
    %get3A_0 = arith.constant 0 : index
    %get3A_1 = vector.load %arg5[%get3A, %get3A_0] : memref<2x2048xf32, #tpu.memory_space<vmem>>, vector<2x2048xf32>
    %slice3A = vector.extract_strided_slice %get3A_1 {offsets = [0, 0], sizes = [1, 2048], strides = [1, 1]} : vector<2x2048xf32> to vector<1x2048xf32>
    %squeeze3A = vector.shape_cast %slice3A : vector<1x2048xf32> to vector<2048xf32>
    %slice3A_2 = vector.extract_strided_slice %get3A_1 {offsets = [1, 0], sizes = [1, 2048], strides = [1, 1]} : vector<2x2048xf32> to vector<1x2048xf32>
    %squeeze3A_3 = vector.shape_cast %slice3A_2 : vector<1x2048xf32> to vector<2048xf32>
    %add3A = arith.addf %squeeze3A, %squeeze3A_3 : vector<2048xf32>
    %add3A_4 = arith.constant 1.000000e+00 : f32
    %add3A_5 = vector.broadcast %add3A_4 : f32 to vector<2048xf32>
    %add3A_6 = arith.addf %add3A, %add3A_5 : vector<2048xf32>
    %rsqrt3A = math.rsqrt %add3A_6 : vector<2048xf32>
    %reshape3A = vector.shape_cast %rsqrt3A : vector<2048xf32> to vector<2048x1xf32>
    %get3A_7 = arith.constant 0 : index
    %get3A_8 = vector.load %arg6[%get3A_7] : memref<256xf32, #tpu.memory_space<vmem>>, vector<256xf32>
    %get3A_9 = arith.constant 0 : index
    %get3A_10 = arith.constant 0 : index
    %get3A_11 = vector.load %arg1[%get3A_9, %get3A_10] : memref<2048x128xf32, #tpu.memory_space<vmem>>, vector<2048x128xf32>
    %get3A_12 = arith.constant 0 : index
    %get3A_13 = arith.constant 0 : index
    %get3A_14 = vector.load %arg3[%get3A_12, %get3A_13] : memref<2048x128xf32, #tpu.memory_space<vmem>>, vector<2048x128xf32>
    %add3A_15 = arith.addf %get3A_11, %get3A_14 : vector<2048x128xf32>
    %mul3A = vector.broadcast %reshape3A : vector<2048x1xf32> to vector<2048x128xf32>
    %mul3A_16 = arith.mulf %mul3A, %add3A_15 : vector<2048x128xf32>
    %slice3A_17 = vector.extract_strided_slice %get3A_8 {offsets = [0], sizes = [128], strides = [1]} : vector<256xf32> to vector<128xf32>
    %broadcast_in_dim3A = vector.shape_cast %slice3A_17 : vector<128xf32> to vector<1x128xf32>
    %add3A_18 = vector.broadcast %broadcast_in_dim3A : vector<1x128xf32> to vector<2048x128xf32>
    %add3A_19 = arith.addf %mul3A_16, %add3A_18 : vector<2048x128xf32>
    %get3A_20 = arith.constant 0 : index
    %get3A_21 = arith.constant 0 : index
    %get3A_22 = vector.load %arg2[%get3A_20, %get3A_21] : memref<2048x128xf32, #tpu.memory_space<vmem>>, vector<2048x128xf32>
    %get3A_23 = arith.constant 0 : index
    %get3A_24 = arith.constant 0 : index
    %get3A_25 = vector.load %arg4[%get3A_23, %get3A_24] : memref<2048x128xf32, #tpu.memory_space<vmem>>, vector<2048x128xf32>
    %add3A_26 = arith.addf %get3A_22, %get3A_25 : vector<2048x128xf32>
    %mul3A_27 = vector.broadcast %reshape3A : vector<2048x1xf32> to vector<2048x128xf32>
    %mul3A_28 = arith.mulf %mul3A_27, %add3A_26 : vector<2048x128xf32>
    %slice3A_29 = vector.extract_strided_slice %get3A_8 {offsets = [128], sizes = [128], strides = [1]} : vector<256xf32> to vector<128xf32>
    %broadcast_in_dim3A_30 = vector.shape_cast %slice3A_29 : vector<128xf32> to vector<1x128xf32>
    %add3A_31 = vector.broadcast %broadcast_in_dim3A_30 : vector<1x128xf32> to vector<2048x128xf32>
    %add3A_32 = arith.addf %mul3A_28, %add3A_31 : vector<2048x128xf32>
    %get3A_33 = arith.constant 0 : index
    %get3A_34 = vector.load %arg7[%get3A_33] : memref<2048xi32, #tpu.memory_space<vmem>>, vector<2048xi32>
    %iota3A = tpu.iota {dimensions = array<i32: 1>} : vector<2048x64xi32>
    %reshape3A_35 = vector.shape_cast %get3A_34 : vector<2048xi32> to vector<2048x1xi32>
    %eq3A = vector.broadcast %reshape3A_35 : vector<2048x1xi32> to vector<2048x64xi32>
    %eq3A_36 = arith.cmpi eq, %eq3A, %iota3A : vector<2048x64xi32>
    %convert_element_type3A = arith.extui %eq3A_36 : vector<2048x64xi1> to vector<2048x64xi32>
    %convert_element_type3A_37 = arith.sitofp %convert_element_type3A : vector<2048x64xi32> to vector<2048x64xf32>
    %dot_general3A = arith.constant dense<0.000000e+00> : vector<64x128xf32>
    %dot_general3A_38 = tpu.matmul %convert_element_type3A_37, %add3A_19, %dot_general3A {dimension_numbers = #tpu.dot_dimension_numbers<[0], [0], [1], [1], [0, 1, 1, 1], [], []>, transpose_lhs_hint = false} : vector<2048x64xf32>, vector<2048x128xf32>, vector<64x128xf32> -> vector<64x128xf32>
    %dot_general3A_39 = arith.constant dense<0.000000e+00> : vector<64x128xf32>
    %dot_general3A_40 = tpu.matmul %convert_element_type3A_37, %add3A_32, %dot_general3A_39 {dimension_numbers = #tpu.dot_dimension_numbers<[0], [0], [1], [1], [0, 1, 1, 1], [], []>, transpose_lhs_hint = false} : vector<2048x64xf32>, vector<2048x128xf32>, vector<64x128xf32> -> vector<64x128xf32>
    %reduce_sum3A = arith.constant dense<0.000000e+00> : vector<64xf32>
    %reduce_sum3A_41 = vector.multi_reduction <add>, %convert_element_type3A_37, %reduce_sum3A [0] : vector<2048x64xf32> to vector<64xf32>
    %reshape3A_42 = vector.shape_cast %reduce_sum3A_41 : vector<64xf32> to vector<64x1xf32>
    %broadcast_in_dim3A_43 = vector.shape_cast %reshape3A_42 : vector<64x1xf32> to vector<64x1xf32>
    %broadcast_in_dim3A_44 = vector.broadcast %broadcast_in_dim3A_43 : vector<64x1xf32> to vector<64x128xf32>
    %eq3A_45 = arith.constant 0 : i32
    %eq3A_46 = arith.cmpi eq, %arg0, %eq3A_45 : i32
    %convert_element_type3A_47 = arith.extui %eq3A_46 : i1 to i32
    %cond3A = arith.constant 0 : i32
    %cond3A_48 = arith.cmpi ne, %convert_element_type3A_47, %cond3A : i32
    scf.if %cond3A_48 {
      %swap3A = arith.constant 0 : index
      %swap3A_58 = arith.constant 0 : index
      %swap3A_59 = vector.load %arg13[%swap3A, %swap3A_58] : memref<64x256xf32, #tpu.memory_space<vmem>>, vector<64x128xf32>
      tpu.vector_store %arg13[%swap3A, %swap3A_58], %dot_general3A_38 {strides = array<i32>} : memref<64x256xf32, #tpu.memory_space<vmem>>, vector<64x128xf32>,
      %swap3A_60 = arith.constant 0 : index
      %swap3A_61 = arith.constant 128 : index
      %swap3A_62 = vector.load %arg13[%swap3A_60, %swap3A_61] : memref<64x256xf32, #tpu.memory_space<vmem>>, vector<64x128xf32>
      tpu.vector_store %arg13[%swap3A_60, %swap3A_61], %dot_general3A_40 {strides = array<i32>} : memref<64x256xf32, #tpu.memory_space<vmem>>, vector<64x128xf32>,
      %swap3A_63 = arith.constant 0 : index
      %swap3A_64 = arith.constant 0 : index
      %swap3A_65 = vector.load %arg14[%swap3A_63, %swap3A_64] : memref<64x128xf32, #tpu.memory_space<vmem>>, vector<64x128xf32>
      tpu.vector_store %arg14[%swap3A_63, %swap3A_64], %broadcast_in_dim3A_44 {strides = array<i32>} : memref<64x128xf32, #tpu.memory_space<vmem>>, vector<64x128xf32>,
    } else {
    }
    %gt3A = arith.constant 0 : i32
    %gt3A_49 = arith.cmpi sgt, %arg0, %gt3A : i32
    %convert_element_type3A_50 = arith.extui %gt3A_49 : i1 to i32
    %cond3A_51 = arith.constant 0 : i32
    %cond3A_52 = arith.cmpi ne, %convert_element_type3A_50, %cond3A_51 : i32
    scf.if %cond3A_52 {
      %get3A_58 = arith.constant 0 : index
      %get3A_59 = arith.constant 0 : index
      %get3A_60 = vector.load %arg13[%get3A_58, %get3A_59] : memref<64x256xf32, #tpu.memory_space<vmem>>, vector<64x128xf32>
      %add3A_61 = arith.addf %get3A_60, %dot_general3A_38 : vector<64x128xf32>
      %swap3A = arith.constant 0 : index
      %swap3A_62 = arith.constant 0 : index
      %swap3A_63 = vector.load %arg13[%swap3A, %swap3A_62] : memref<64x256xf32, #tpu.memory_space<vmem>>, vector<64x128xf32>
      tpu.vector_store %arg13[%swap3A, %swap3A_62], %add3A_61 {strides = array<i32>} : memref<64x256xf32, #tpu.memory_space<vmem>>, vector<64x128xf32>,
      %get3A_64 = arith.constant 0 : index
      %get3A_65 = arith.constant 128 : index
      %get3A_66 = vector.load %arg13[%get3A_64, %get3A_65] : memref<64x256xf32, #tpu.memory_space<vmem>>, vector<64x128xf32>
      %add3A_67 = arith.addf %get3A_66, %dot_general3A_40 : vector<64x128xf32>
      %swap3A_68 = arith.constant 0 : index
      %swap3A_69 = arith.constant 128 : index
      %swap3A_70 = vector.load %arg13[%swap3A_68, %swap3A_69] : memref<64x256xf32, #tpu.memory_space<vmem>>, vector<64x128xf32>
      tpu.vector_store %arg13[%swap3A_68, %swap3A_69], %add3A_67 {strides = array<i32>} : memref<64x256xf32, #tpu.memory_space<vmem>>, vector<64x128xf32>,
      %get3A_71 = arith.constant 0 : index
      %get3A_72 = arith.constant 0 : index
      %get3A_73 = vector.load %arg14[%get3A_71, %get3A_72] : memref<64x128xf32, #tpu.memory_space<vmem>>, vector<64x128xf32>
      %add3A_74 = arith.addf %get3A_73, %broadcast_in_dim3A_44 : vector<64x128xf32>
      %swap3A_75 = arith.constant 0 : index
      %swap3A_76 = arith.constant 0 : index
      %swap3A_77 = vector.load %arg14[%swap3A_75, %swap3A_76] : memref<64x128xf32, #tpu.memory_space<vmem>>, vector<64x128xf32>
      tpu.vector_store %arg14[%swap3A_75, %swap3A_76], %add3A_74 {strides = array<i32>} : memref<64x128xf32, #tpu.memory_space<vmem>>, vector<64x128xf32>,
    } else {
    }
    %eq3A_53 = arith.constant 4 : i32
    %eq3A_54 = arith.cmpi eq, %arg0, %eq3A_53 : i32
    %convert_element_type3A_55 = arith.extui %eq3A_54 : i1 to i32
    %cond3A_56 = arith.constant 0 : i32
    %cond3A_57 = arith.cmpi ne, %convert_element_type3A_55, %cond3A_56 : i32
    scf.if %cond3A_57 {
      %get3A_58 = arith.constant 0 : index
      %get3A_59 = arith.constant 0 : index
      %get3A_60 = vector.load %arg13[%get3A_58, %get3A_59] : memref<64x256xf32, #tpu.memory_space<vmem>>, vector<64x256xf32>
      %get3A_61 = arith.constant 0 : index
      %get3A_62 = arith.constant 0 : index
      %get3A_63 = vector.load %arg14[%get3A_61, %get3A_62] : memref<64x128xf32, #tpu.memory_space<vmem>>, vector<64x1xf32>
      %max3A = arith.constant 1.000000e+00 : f32
      %max3A_64 = vector.broadcast %max3A : f32 to vector<64x1xf32>
      %max3A_65 = arith.maximumf %get3A_63, %max3A_64 : vector<64x1xf32>
      %div3A = vector.broadcast %max3A_65 : vector<64x1xf32> to vector<64x256xf32>
      %div3A_66 = arith.divf %get3A_60, %div3A : vector<64x256xf32>
      %get3A_67 = arith.constant 0 : index
      %get3A_68 = arith.constant 0 : index
      %get3A_69 = vector.load %arg8[%get3A_67, %get3A_68] : memref<256x256xf32, #tpu.memory_space<vmem>>, vector<256x256xf32>
      %dot_general3A_70 = arith.constant dense<0.000000e+00> : vector<64x256xf32>
      %dot_general3A_71 = tpu.matmul %div3A_66, %get3A_69, %dot_general3A_70 {dimension_numbers = #tpu.dot_dimension_numbers<[1], [1], [0], [0], [0, 0, 1, 0], [], []>, transpose_lhs_hint = false} : vector<64x256xf32>, vector<256x256xf32>, vector<64x256xf32> -> vector<64x256xf32>
      %get3A_72 = arith.constant 0 : index
      %get3A_73 = vector.load %arg9[%get3A_72] : memref<256xf32, #tpu.memory_space<vmem>>, vector<256xf32>
      %broadcast_in_dim3A_74 = vector.shape_cast %get3A_73 : vector<256xf32> to vector<1x256xf32>
      %add3A_75 = vector.broadcast %broadcast_in_dim3A_74 : vector<1x256xf32> to vector<64x256xf32>
      %add3A_76 = arith.addf %dot_general3A_71, %add3A_75 : vector<64x256xf32>
      %max3A_77 = arith.constant 0.000000e+00 : f32
      %max3A_78 = vector.broadcast %max3A_77 : f32 to vector<64x256xf32>
      %max3A_79 = arith.maximumf %add3A_76, %max3A_78 : vector<64x256xf32>
      %get3A_80 = arith.constant 0 : index
      %get3A_81 = arith.constant 0 : index
      %get3A_82 = vector.load %arg10[%get3A_80, %get3A_81] : memref<128x256xf32, #tpu.memory_space<vmem>>, vector<128x256xf32>
      %dot_general3A_83 = arith.constant dense<0.000000e+00> : vector<64x128xf32>
      %dot_general3A_84 = tpu.matmul %max3A_79, %get3A_82, %dot_general3A_83 {dimension_numbers = #tpu.dot_dimension_numbers<[1], [1], [0], [0], [0, 0, 1, 0], [], []>, transpose_lhs_hint = false} : vector<64x256xf32>, vector<128x256xf32>, vector<64x128xf32> -> vector<64x128xf32>
      %get3A_85 = arith.constant 0 : index
      %get3A_86 = vector.load %arg11[%get3A_85] : memref<128xf32, #tpu.memory_space<vmem>>, vector<128xf32>
      %broadcast_in_dim3A_87 = vector.shape_cast %get3A_86 : vector<128xf32> to vector<1x128xf32>
      %add3A_88 = vector.broadcast %broadcast_in_dim3A_87 : vector<1x128xf32> to vector<64x128xf32>
      %add3A_89 = arith.addf %dot_general3A_84, %add3A_88 : vector<64x128xf32>
      %swap3A = arith.constant 0 : index
      %swap3A_90 = arith.constant 0 : index
      %swap3A_91 = vector.load %arg12[%swap3A, %swap3A_90] : memref<64x128xf32, #tpu.memory_space<vmem>>, vector<64x128xf32>
      tpu.vector_store %arg12[%swap3A, %swap3A_90], %add3A_89 {strides = array<i32>} : memref<64x128xf32, #tpu.memory_space<vmem>>, vector<64x128xf32>,
    } else {
    }
    return
  }
  func.func @transform_0(%arg0: i32) -> (i32, i32) {
    %c0_i32 = arith.constant 0 : i32
    %c0_i32_0 = arith.constant 0 : i32
    return %arg0, %c0_i32 : i32, i32
  }
  func.func @transform_1(%arg0: i32) -> (i32, i32) {
    %add3A = arith.constant 5 : i32
    %add3A_0 = arith.addi %add3A, %arg0 : i32
    %c0_i32 = arith.constant 0 : i32
    %c0_i32_1 = arith.constant 0 : i32
    return %add3A_0, %c0_i32 : i32, i32
  }
  func.func @transform_2(%arg0: i32) -> (i32, i32) {
    %c0_i32 = arith.constant 0 : i32
    %c0_i32_0 = arith.constant 0 : i32
    return %arg0, %c0_i32 : i32, i32
  }
  func.func @transform_3(%arg0: i32) -> (i32, i32) {
    %add3A = arith.constant 5 : i32
    %add3A_0 = arith.addi %add3A, %arg0 : i32
    %c0_i32 = arith.constant 0 : i32
    %c0_i32_1 = arith.constant 0 : i32
    return %add3A_0, %c0_i32 : i32, i32
  }
  func.func @transform_4(%arg0: i32) -> (i32, i32) {
    %c0_i32 = arith.constant 0 : i32
    %c0_i32_0 = arith.constant 0 : i32
    return %c0_i32, %arg0 : i32, i32
  }
  func.func @transform_5(%arg0: i32) -> i32 {
    %c0_i32 = arith.constant 0 : i32
    %c0_i32_0 = arith.constant 0 : i32
    return %c0_i32 : i32
  }
  func.func @transform_6(%arg0: i32) -> i32 {
    %c0_i32 = arith.constant 0 : i32
    return %arg0 : i32
  }
  func.func @transform_7(%arg0: i32) -> (i32, i32) {
    %c0_i32 = arith.constant 0 : i32
    %c0_i32_0 = arith.constant 0 : i32
    %c0_i32_1 = arith.constant 0 : i32
    return %c0_i32, %c0_i32_0 : i32, i32
  }
  func.func @transform_8(%arg0: i32) -> i32 {
    %c0_i32 = arith.constant 0 : i32
    %c0_i32_0 = arith.constant 0 : i32
    return %c0_i32 : i32
  }
  func.func @transform_9(%arg0: i32) -> (i32, i32) {
    %c0_i32 = arith.constant 0 : i32
    %c0_i32_0 = arith.constant 0 : i32
    %c0_i32_1 = arith.constant 0 : i32
    return %c0_i32, %c0_i32_0 : i32, i32
  }
  func.func @transform_10(%arg0: i32) -> i32 {
    %c0_i32 = arith.constant 0 : i32
    %c0_i32_0 = arith.constant 0 : i32
    return %c0_i32 : i32
  }
  func.func @transform_11(%arg0: i32) -> (i32, i32) {
    %c0_i32 = arith.constant 0 : i32
    %c0_i32_0 = arith.constant 0 : i32
    %c0_i32_1 = arith.constant 0 : i32
    return %c0_i32, %c0_i32_0 : i32, i32
  }
}

</mosaic_0001>

<sc_bundles>
// kernel: kernel.10.cloned.1.call-start
scs
__scs_entry_jumppad:
0x0: {  	(pc) =	sbr.rel $0x88, $3  }
0x1: {  	(tag) =	ssettag $0x0;
	lr =	simm.s32 $0x1  }
0x2: {  	[smem:$0x3F94] =	sst lr;
	_ =	strace $0xD0000000  }
0x3: {  	_ = 	snop  }
0x4: {  	_ = 	snop  }
0x5: {  	_ = 	snop  }
0x6: {  	_ = 	snop  }
0x7: {  	_ = 	snop  }
__scs_overlays_trampoline_lowered:
0x8: {  	[smem:$0x3FA3] =	sst s0  }
0x9: {  	[smem:$0x3FA4] =	sst s1  }
0xa: {  	[smem:$0x3FA5] =	sst s2  }
0xb: {  	[smem:$0x3FA6] =	sst s3  }
0xc: {  	[smem:$0x3FA7] =	sst s4  }
0xd: {  	[smem:$0x3FA8] =	sst s5  }
0xe: {  	[smem:$0x3FA9] =	sst s6  }
0xf: {  	[smem:$0x3FAA] =	sst s7  }
0x10: {  	[smem:$0x3FAB] =	sst s8  }
0x11: {  	[smem:$0x3FAC] =	sst s9;
	s0 =	simm.s32 @!p0 $0x0  }
0x12: {  	s1 =	sld [smem:$0x3F92];
	s0 =	simm.s32 @p0 $0x1  }
0x13: {  	[smem:$0x3FAD] =	sst s0;
	s0 =	simm.s32 @!p1 $0x0  }
0x14: {  	s2 =	sld [smem:$0x3F91];
	s0 =	simm.s32 @p1 $0x1  }
0x15: {  	[smem:$0x3FAE] =	sst s0;
	s0 =	simm.s32 @!p2 $0x0  }
0x16: {  	s3 =	sld [smem:$0x3FDB];
	s0 =	simm.s32 @p2 $0x1  }
0x17: {  	s4 =	simm.s32 $0x1BF5;
	[smem:$0x3FB0] =	sst s0  }
0x18: {  	s0 =	sld [smem:$0x3F93];
	_ =	swait.ge [sflag:s4], $0x0  }
0x19: {  	s7 =	sld [smem:$0x3F94]  }
0x1a: {  	s8 =	sadd.s32 $0xFFFFE003, lr  }
0x1b: {  	s9 =	sadd.s32 $0xFFFFFEF7, lr;
	s5 =	simm.s32 $0xFFFFFFFF;
	p2 =	slt.u32 s8, $0xFFFFF086  }
0x1c: {  	p1 =	slt.u32 s9, $0xF7A;
	s5 =	simm.s32 @!p2 $0x0  }
0x1d: {  	s5 =	simm.s32 @p1 $0x1;
	p0 =	seq.s32 s7, s2  }
0x1e: {  	s7 =	smul.u32 @!p0 $0xF7A, s2;
	p2 =	seq.s32 @!p0 s5, $0x0  }
0x1f: {  	s9 =	smul.u32 $0xF7A, s1;
	s8 =	simm.s32 @!p0 $0x1BF5;
	p2 =	por !p2, p0  }
0x20: {  	[sflag:s8] =	ssyncset.s32 @!p0 $0xFFFFF086;
	s6 =	sadd.s32 @!p0 s3, s7;
	s7 =	simm.s32 @!p0 $0x108  }
0x21: {  	s3 =	sadd.s32 s3, s9;
	s6 =	sadd.s32 @!p0 $0x88, s6;
	s7 =	simm.s32 @p2 $0x1082  }
0x22: {  	[simem:s7], [sflag:s8] =	dma.local @!p0 [hbm:s6], $0xF7A  }
0x23: {  	s9 =	sor.u32 $0xD0000000, s2;
	s6 =	simm.s32 $0x108;
	_ =	swait.ge @!p0 [sflag:s8], $0x0  }
0x24: {  	s3 =	sadd.s32 $0x88, s3;
	s6 =	simm.s32 @!p1 $0x1082;
	[sflag:s4] =	ssyncset.s32 $0xFFFFF086  }
0x25: {  	[simem:s6], [sflag:s4] =	dma.local [hbm:s3], $0xF7A  }
0x26: {  	[smem:$0x3F94] =	sst s1;
	(tag) =	ssettag s2;
	_ =	strace s9  }
0x27: {  	s1 =	sld [smem:$0x3FA4]  }
0x28: {  	s2 =	sld [smem:$0x3FA5]  }
0x29: {  	s4 =	sld [smem:$0x3FA7]  }
0x2a: {  	p0 =	seq.s32 s5, $0x0;
	s5 =	sld [smem:$0x3FA8]  }
0x2b: {  	s6 =	sld [smem:$0x3FA9]  }
0x2c: {  	s7 =	sld [smem:$0x3FAA]  }
0x2d: {  	s3 =	simm.s32 $0x108;
	s8 =	sld [smem:$0x3FAB]  }
0x2e: {  	s3 =	simm.s32 @!p0 $0x1082;
	s9 =	sld [smem:$0x3FAC]  }
0x2f: {  	lr =	sadd.s32 s0, s3;
	s0 =	sld [smem:$0x3FA3]  }
0x30: {  	s3 =	sld [smem:$0x3FA6]  }
0x31: {  	[smem:$0x3FAF] =	sst s10  }
0x32: {  	s10 =	sld [smem:$0x3FAD];
	_ =	sdelay $0x3  }
0x33: {  	p0 =	seq.s32 s10, $0x1;
	s10 =	sld [smem:$0x3FAF];
	_ =	sdelay $0x3  }
0x34: {  	[smem:$0x3FAF] =	sst s10  }
0x35: {  	s10 =	sld [smem:$0x3FAE];
	_ =	sdelay $0x3  }
0x36: {  	p1 =	seq.s32 s10, $0x1;
	s10 =	sld [smem:$0x3FAF];
	_ =	sdelay $0x3  }
0x37: {  	[smem:$0x3FAF] =	sst s10  }
0x38: {  	s10 =	sld [smem:$0x3FB0]  }
0x39: {  	_ = 	snop;
	(pc) =	sbr.ind lr, $3  }
0x3a: {  	_ = 	snop  }
0x3b: {  	_ = 	snop  }
0x3c: {  	p2 =	seq.s32 s10, $0x1;
	s10 =	sld [smem:$0x3FAF]  }
0x3d: {  	_ =	shalt  }
0x3e: {  	_ =	shalt  }
0x3f: {  	_ =	shalt  }
0x40: {  	_ =	shalt  }
0x41: {  	_ =	shalt  }
0x42: {  	_ =	shalt  }
0x43: {  	_ =	shalt  }
0x44: {  	_ =	shalt  }
0x45: {  	_ =	shalt  }
0x46: {  	_ =	shalt  }
0x47: {  	_ =	shalt  }
0x48: {  	_ =	shalt  }
0x49: {  	_ =	shalt  }
0x4a: {  	_ =	shalt  }
0x4b: {  	_ =	shalt  }
0x4c: {  	_ =	shalt  }
0x4d: {  	_ =	shalt  }
0x4e: {  	_ =	shalt  }
0x4f: {  	_ =	shalt  }
0x50: {  	_ =	shalt  }
0x51: {  	_ =	shalt  }
0x52: {  	_ =	shalt  }
0x53: {  	_ =	shalt  }
0x54: {  	_ =	shalt  }
0x55: {  	_ =	shalt  }
0x56: {  	_ =	shalt  }
0x57: {  	_ =	shalt  }
0x58: {  	_ =	shalt  }
0x59: {  	_ =	shalt  }
0x5a: {  	_ =	shalt  }
0x5b: {  	_ =	shalt  }
0x5c: {  	_ =	shalt  }
0x5d: {  	_ =	shalt  }
0x5e: {  	_ =	shalt  }
0x5f: {  	_ =	shalt  }
0x60: {  	_ =	shalt  }
0x61: {  	_ =	shalt  }
0x62: {  	_ =	shalt  }
0x63: {  	_ =	shalt  }
0x64: {  	_ =	shalt  }
0x65: {  	_ =	shalt  }
0x66: {  	_ =	shalt  }
0x67: {  	_ =	shalt  }
0x68: {  	_ =	shalt  }
0x69: {  	_ =	shalt  }
0x6a: {  	_ =	shalt  }
0x6b: {  	_ =	shalt  }
0x6c: {  	_ =	shalt  }
0x6d: {  	_ =	shalt  }
0x6e: {  	_ =	shalt  }
0x6f: {  	_ =	shalt  }
0x70: {  	_ =	shalt  }
0x71: {  	_ =	shalt  }
0x72: {  	_ =	shalt  }
0x73: {  	_ =	shalt  }
0x74: {  	_ =	shalt  }
0x75: {  	_ =	shalt  }
0x76: {  	_ =	shalt  }
0x77: {  	_ =	shalt  }
0x78: {  	_ =	shalt  }
0x79: {  	_ =	shalt  }
0x7a: {  	_ =	shalt  }
0x7b: {  	_ =	shalt  }
0x7c: {  	_ =	shalt  }
0x7d: {  	_ =	shalt  }
0x7e: {  	_ =	shalt  }
0x7f: {  	_ =	shalt  }
0x80: {  	_ =	shalt  }
0x81: {  	_ =	shalt  }
0x82: {  	_ =	shalt  }
0x83: {  	_ =	shalt  }
0x84: {  	_ =	shalt  }
0x85: {  	_ =	shalt  }
0x86: {  	_ =	shalt  }
0x87: {  	_ =	shalt  }
.Lfunc_end0:
.L_simem_size_0:
called_computation_lowered:
.L_overlay_start_0:
0x88: {  	s2 =	sld [smem:$0x3FD9]  }
0x89: {  	s3 =	sld [smem:$0x3FFE];
	_ =	sdelay $0x1  }
0x8a: {  	s1 =	srdreg.scid  }
0x8b: {  	s0 =	sand.u32 $0x1, s1  }
0x8c: {  	s16 =	sshll.u32 s0, $0xA;
	s2 =	sadd.s32 s3, s2  }
0x8d: {  	s2 =	sadd.s32 s2, s16  }
0x8e: {  	[smem:$0x3FBB] =	sst s2  }
0x8f: {  	_ = 	snop  }
0x90: {  	(tm) =	ssettm $0x1  }
0x91: {  	s17 =	sld [smem:$0x3FFB];
	_ =	sdelay $0x3  }
0x92: {  	_ =	strace s17  }
0x93: {  	s2 =	sld [smem:$0x3FFC];
	_ =	sdelay $0x3  }
0x94: {  	_ =	strace s2  }
0x95: {  	s2 =	sld [smem:$0x3FFD];
	_ =	sdelay $0x3  }
0x96: {  	_ =	strace s2  }
0x97: {  	_ =	strace $0x8FFFFFFF  }
0x98: {  	s18 =	sld [smem:$0x3FDB];
	_ =	sdelay $0x1  }
0x99: {  	s19 =	simm.s32 $_scs_section_size  }
0x9a: {  	s4 =	simm.s32 $_size__tile_overlayer_lowered;
	s5 =	simm.s32 $_tile_overlayer_lowered  }
0x9b: {  	s22 =	simm.s32 $0x1BFF;
	s21 =	sshll.u32 s5, $0x1;
	s2 =	sadd.s32 s19, s18  }
0x9c: {  	s6 =	simm.s32 $0x0;
	s20 =	sshll.u32 s4, $0x1;
	s4 =	sadd.s32 s21, s2  }
0x9d: {  	[timem:s6], [sflag:s22] =	dma.local [hbm:s4], s20  }
0x9e: {  	_ =	swait.ge [sflag:s22], s20  }
0x9f: {  	s3 =	ssub.s32 $0x0, s20;
	[sflag:s22] =	ssyncset.done $0x0  }
0xa0: {  	[sflag:s22] =	ssyncadd.s32 s3;
	_ =	sdelay $0x1  }
0xa1: {  	s23 =	simm.s32 $0x1B8B  }
0xa2: {  	_ =	swait.ge [sflag:s23], $0x1  }
0xa3: {  	[sflag:s23] =	ssyncset.done $0x0  }
0xa4: {  	s25 =	simm.s32 $0x1B8E;
	s24 =	sld [smem:$0x3FFE];
	[sflag:s23] =	ssyncadd.s32 $0xFFFFFFFF  }
0xa5: {  	s26 =	simm.s32 $execute0_lowered;
	[smem:$0x3FD2] =	sst s25  }
0xa6: {  	s4 =	sshll.u32 s26, $0x1;
	_ =	strace $0x80000046;
	[dreg:$0x1] =	wrdreg $0xFFFFFFFF  }
0xa7: {  	s28 =	simm.s32 $_size_execute0_lowered;
	s2 =	sadd.s32 s2, s4;
	[dreg:$0x0] =	wrdreg $0x0  }
0xa8: {  	s4 =	sshll.u32 s28, $0x1;
	[dreg:$0x2] =	wrdreg s2  }
0xa9: {  	[dreg:$0x3] =	wrdreg s4  }
0xaa: {  	[dreg:$0x4] =	wrdreg $0xC0  }
0xab: {  	_ =	task [dreg:s6], $0x5FFFF  }
0xac: {  	[dreg:$0x1] =	wrdreg $0xFFFFFFFF  }
0xad: {  	[dreg:$0x0] =	wrdreg $0x60  }
0xae: {  	[dreg:$0x2] =	wrdreg s24  }
0xaf: {  	[dreg:$0x3] =	wrdreg $0x2B000  }
0xb0: {  	[dreg:$0x4] =	wrdreg $0x9  }
0xb1: {  	_ =	task.clear_ibuf [dreg:s6], $0x5FFFF;
	_ =	strace $0x90000046  }
0xb2: {  	s29 =	simm.s32 $0x9;
	_ =	strace $0x80000048  }
0xb3: {  	_ =	swait.ge [sflag:s29], $0x1  }
0xb4: {  	[sflag:s29] =	ssyncadd.s32 $0xFFFFFFFF  }
0xb5: {  	_ =	strace $0x90000048  }
0xb6: {  	_ =	sfence  }
0xb7: {  	s30 =	sld [smem:$0x0];
	_ =	sdelay $0x2  }
0xb8: {  	s31 =	sshll.u32 s1, $0xD;
	s1 =	sshrl.u32 s1, $0x2  }
0xb9: {  	s3 =	sand.u32 $0x4000, s31;
	s1 =	sadd.s32 s1, s30  }
0xba: {  	s0 =	sor.u32 s3, s0;
	s1 =	sshll.u32 s1, $0x11  }
0xbb: {  	s0 =	sor.u32 s1, s0  }
0xbc: {  	s0 =	sadd.s32 $0x8F2B, s0  }
0xbd: {  	[sflag:s0] =	ssyncadd.remote.s32 $0x1  }
0xbe: {  	_ =	sfence.sel $0xFFFF  }
0xbf: {  	[dreg:$0x0] =	wrdreg $0xFFFFFFFF;
	(pc) =	sbr.abs _section_cstart, $3  }
0xc0: {  	[dreg:$0x1] =	wrdreg $0xFFFFFFFF  }
0xc1: {  	_ =	task.clear_ibuf [dreg:s6], $0x2FFFF;
	_ =	strace $0x9FFFFFFF  }
0xc2: {  	(tm) =	ssettm $0x7FFFFFFF  }
0xc3: {  	_ =	shalt  }
tec
execute0_lowered:
.L_overlay_start_1:
0x0: {  	(tag) =	ssettag $0x1  }
0x1: {  	s5 =	rddreg [dreg:$0x0]  }
0x2: {  	s0 =	srdreg.scid;
	s2 =	rddreg [dreg:$0x1]  }
0x3: {  	s3 =	simm.s32 $0x0;
	s10 =	simm.s32 $0x80;
	s11 =	simm.s32 $0x2800  }
0x4: {  	s12 =	simm.s32 $0x100;
	s4 =	sand.u32 $0x1, s0;
	s0 =	stileid.u32  }
0x5: {  	s13 =	simm.s32 $0x0;
	[smem:$0x7FF] =	sst s3;
	s7 =	smul.u32 $0x500, s0  }
0x6: {  	s1 =	sshll.u32 s4, $0x4;
	s8 =	sshll.u32 s4, $0x7;
	s9 =	smul.u32 $0xA00, s0  }
0x7: {  	s4 =	ssub.s32 $0x2, s4;
	s6 =	sor.u32 s0, s1;
	s1 =	rddreg [dreg:$0x2]  }
0x8: {  	_ =	strace $0x80000047;
	s31 =	sshrl.u32 s4, $0x1;
	s6 =	smul.u32 $0x500, s6  }
0x9: {  	s7 =	sor.u32 s8, s7;
	s9 =	sshrl.u32 s9, $0x2;
	s8 =	ssub.s32 s4, s31  }
0xa: {  	s7 =	sshrl.u32 s7, $0x3;
	s4 =	sadd.s32 s9, s2;
	s6 =	sadd.s32 s6, s5  }
0xb: {  	s9 =	simm.s32 $0x1;
	s7 =	sadd.s32 s7, s5;
	s5 =	sadd.s32 $0x3000, s6  }
0xc: {  	v0 =	vimm.f32 $0.0e+00;
	v1 =	vimm.f32 $1.000000000e+00;
	s6 =	sadd.s32 $0xD000, s7;
	s7 =	smax.u32 s8, $0x1;
	s8 =	simm.s32 $0x2880  }
.LBB2_1:
0xd: {  	[tilespmem:$0x2880] =	vst v0  }
0xe: {  	[tilespmem:$0x2890] =	vst v0  }
0xf: {  	[tilespmem:$0x28A0] =	vst v0  }
0x10: {  	[tilespmem:$0x28B0] =	vst v0  }
0x11: {  	[tilespmem:$0x28C0] =	vst v0  }
0x12: {  	[tilespmem:$0x28D0] =	vst v0  }
0x13: {  	[tilespmem:$0x28E0] =	vst v0  }
0x14: {  	[tilespmem:$0x28F0] =	vst v0  }
0x15: {  	[tilespmem:$0x2900] =	vst v0  }
0x16: {  	[tilespmem:$0x2910] =	vst v0  }
0x17: {  	[tilespmem:$0x2920] =	vst v0  }
0x18: {  	[tilespmem:$0x2930] =	vst v0  }
0x19: {  	[tilespmem:$0x2940] =	vst v0  }
0x1a: {  	[tilespmem:$0x2950] =	vst v0  }
0x1b: {  	[tilespmem:$0x2960] =	vst v0  }
0x1c: {  	[tilespmem:$0x2970] =	vst v0  }
0x1d: {  	[tilespmem:$0x2980] =	vst v0  }
0x1e: {  	[tilespmem:$0x2990] =	vst v0  }
0x1f: {  	[tilespmem:$0x29A0] =	vst v0  }
0x20: {  	[tilespmem:$0x29B0] =	vst v0  }
0x21: {  	[tilespmem:$0x29C0] =	vst v0  }
0x22: {  	[tilespmem:$0x29D0] =	vst v0  }
0x23: {  	[tilespmem:$0x29E0] =	vst v0  }
0x24: {  	[tilespmem:$0x29F0] =	vst v0  }
0x25: {  	[tilespmem:$0x2A00] =	vst v0  }
0x26: {  	[tilespmem:$0x2A10] =	vst v0  }
0x27: {  	[tilespmem:$0x2A20] =	vst v0  }
0x28: {  	[tilespmem:$0x2A30] =	vst v0  }
0x29: {  	[tilespmem:$0x2A40] =	vst v0  }
0x2a: {  	[tilespmem:$0x2A50] =	vst v0  }
0x2b: {  	[tilespmem:$0x2A60] =	vst v0  }
0x2c: {  	[tilespmem:$0x2A70] =	vst v0  }
0x2d: {  	[tilespmem:$0x2A80] =	vst v0  }
0x2e: {  	[tilespmem:$0x2A90] =	vst v0  }
0x2f: {  	[tilespmem:$0x2AA0] =	vst v0  }
0x30: {  	[tilespmem:$0x2AB0] =	vst v0  }
0x31: {  	[tilespmem:$0x2AC0] =	vst v0  }
0x32: {  	[tilespmem:$0x2AD0] =	vst v0  }
0x33: {  	[tilespmem:$0x2AE0] =	vst v0  }
0x34: {  	[tilespmem:$0x2AF0] =	vst v0  }
0x35: {  	[tilespmem:$0x2800] =	vst v1  }
0x36: {  	[tilespmem:$0x2810] =	vst v1  }
0x37: {  	[tilespmem:$0x2820] =	vst v1  }
0x38: {  	[tilespmem:$0x2830] =	vst v1  }
0x39: {  	[tilespmem:$0x2840] =	vst v1  }
0x3a: {  	[tilespmem:$0x2850] =	vst v1  }
0x3b: {  	[tilespmem:$0x2860] =	vst v1  }
0x3c: {  	[tilespmem:$0x2870] =	vst v1  }
0x3d: {  	[spmem:s4] =	stream.linear.scatter [tilespmem:s8], [sflag:$0x1], $0x280, $0x38;
	[tilespmem:$0x2D80] =	vst v63  }
0x3e: {  	_ =	swait.ge [sflag:s9], $0x280  }
0x3f: {  	[sflag:s9] =	ssyncset.done $0x0  }
0x40: {  	[sflag:s9] =	ssyncadd.s32 $0xFFFFFD80  }
0x41: {  	[tilespmem:s3], [sflag:$0x1] =	stream.linear.gather [hbm4b:s5+s3], $0x2800, $0x38;
	[tilespmem:$0x2D80] =	vst v63  }
0x42: {  	_ =	swait.ge [sflag:s9], $0x2800  }
0x43: {  	[sflag:s9] =	ssyncset.done $0x0  }
0x44: {  	[sflag:s9] =	ssyncadd.s32 $0xFFFFD800  }
0x45: {  	s14 =	simm.s32 $0x0;
	[bflag:$0x0] =	sbarrier.arrive $0xFFFF  }
0x46: {  	[spmem:s2] =	stream.indirect.scatter.add.f32 [tilespmem:s11], [sflag:$0x1], $0x1, s14, s10, $0xb8;
	[tilespmem:$0x2D80] =	vst v63  }
0x47: {  	_ =	swait.ge [sflag:s9], $0x80  }
0x48: {  	s14 =	simm.s32 $0x200;
	[sflag:s9] =	ssyncset.done $0x0  }
.LBB2_2:
0x49: {  	s15 =	sshra.s32 s14, $0x2;
	[sflag:s9] =	ssyncadd.s32 $0xFFFFFF80;
	p0 =	sne.s32 s14, $0x9E00  }
0x4a: {  	[spmem:s2] =	stream.indirect.scatter.add.f32 [tilespmem:s11], [sflag:$0x1], $0x1, s15, s10, $0xb8;
	[tilespmem:$0x2D80] =	vst v63  }
.Ltmp0:
0x4b: {  	_ = 	snop;
	(pc) =	sbr.rel @p0 .LBB2_2-.Ltmp0, $4  }
0x4c: {  	_ = 	snop  }
0x4d: {  	s14 =	sadd.s32 $0x200, s14  }
0x4e: {  	_ =	swait.ge [sflag:s9], $0x80  }
0x4f: {  	[sflag:s9] =	ssyncset.done $0x0  }
0x50: {  	[sflag:s9] =	ssyncadd.s32 $0xFFFFFF80  }
0x51: {  	[bflag:$0x0] =	sbarrier.arrive $0xFFFF  }
0x52: {  	[tilespmem:s8], [sflag:$0x1] =	stream.linear.gather [spmem:s4], $0x280, $0x38;
	[tilespmem:$0x2D80] =	vst v63  }
0x53: {  	s13 =	sadd.s32 $0x1, s13;
	_ =	swait.ge [sflag:s9], $0x280  }
0x54: {  	p0 =	sne.s32 s13, s7;
	[sflag:s9] =	ssyncset.done $0x0  }
.Ltmp1:
0x55: {  	[sflag:s9] =	ssyncadd.s32 $0xFFFFFD80;
	(pc) =	sbr.rel @p0 .LBB2_1-.Ltmp1, $4  }
0x56: {  	[hbm4b:s6+s10] =	stream.strided.scatter [tilespmem:s8], [sflag:$0x1], $0x280, s12, s10, $0x38;
	[tilespmem:$0x2D80] =	vst v63  }
0x57: {  	_ =	swait.ge [sflag:s9], $0x280  }
0x58: {  	[sflag:s9] =	ssyncset.done $0x0  }
0x59: {  	[sflag:s9] =	ssyncadd.s32 $0xFFFFFD80  }
0x5a: {  	_ =	sfence.sel $0x180000  }
0x5b: {  	[bflag:$0x0] =	sbarrier.arrive $0xFFFF  }
0x5c: {  	p0 =	sne.s32 s0, $0x0;
	_ =	strace $0x90000047  }
0x5d: {  	s0 =	sadd.s32 @!p0 $0x100000, s1;
	[bflag:$0x2] =	sbarrier.arrive $0xFFFF  }
0x5e: {  	[sflag:s0] =	ssyncadd.tile.s32 @!p0 $0x1;
	_ =	shalt  }
.Lfunc_end2:
_tile_overlayer_lowered:
.L_overlay_start_2:
0x5f: {  	(tag) =	ssettag $0x2  }
0x60: {  	s0 =	rddreg [dreg:$0x0];
	s2 =	stileid.u32  }
0x61: {  	s1 =	rddreg [dreg:$0x1];
	p0 =	sne.s32 s2, $0x0  }
0x62: {  	s3 =	rddreg [dreg:$0x2];
	[bflag:$0x3] =	sbarrier.arrive $0xFFFF;
	s2 =	simm.s32 @!p0 $0x1C01  }
0x63: {  	[timem:s3], [sflag:s2] =	dma.local @!p0 [hbm:s0], s1  }
0x64: {  	s0 =	simm.s32 @!p0 $0x1  }
0x65: {  	_ =	swait.ge @!p0 [sflag:s0], s1  }
0x66: {  	s1 =	ssub.s32 @!p0 $0x0, s1;
	[sflag:s0] =	ssyncset.done @!p0 $0x0  }
0x67: {  	[sflag:s0] =	ssyncadd.s32 @!p0 s1  }
0x68: {  	[bflag:$0x3] =	sbarrier.arrive $0xFFFF  }
0x69: {  	_ =	shalt  }

// kernel: kernel.13.cloned.1.call-start
scs
__scs_entry_jumppad:
0x0: {  	(pc) =	sbr.rel $0x88, $3  }
0x1: {  	(tag) =	ssettag $0x0;
	lr =	simm.s32 $0x1  }
0x2: {  	[smem:$0x3F94] =	sst lr;
	_ =	strace $0xD0000000  }
0x3: {  	_ = 	snop  }
0x4: {  	_ = 	snop  }
0x5: {  	_ = 	snop  }
0x6: {  	_ = 	snop  }
0x7: {  	_ = 	snop  }
__scs_overlays_trampoline_lowered:
0x8: {  	[smem:$0x3FA3] =	sst s0  }
0x9: {  	[smem:$0x3FA4] =	sst s1  }
0xa: {  	[smem:$0x3FA5] =	sst s2  }
0xb: {  	[smem:$0x3FA6] =	sst s3  }
0xc: {  	[smem:$0x3FA7] =	sst s4  }
0xd: {  	[smem:$0x3FA8] =	sst s5  }
0xe: {  	[smem:$0x3FA9] =	sst s6  }
0xf: {  	[smem:$0x3FAA] =	sst s7  }
0x10: {  	[smem:$0x3FAB] =	sst s8  }
0x11: {  	[smem:$0x3FAC] =	sst s9;
	s0 =	simm.s32 @!p0 $0x0  }
0x12: {  	s1 =	sld [smem:$0x3F92];
	s0 =	simm.s32 @p0 $0x1  }
0x13: {  	[smem:$0x3FAD] =	sst s0;
	s0 =	simm.s32 @!p1 $0x0  }
0x14: {  	s2 =	sld [smem:$0x3F91];
	s0 =	simm.s32 @p1 $0x1  }
0x15: {  	[smem:$0x3FAE] =	sst s0;
	s0 =	simm.s32 @!p2 $0x0  }
0x16: {  	s3 =	sld [smem:$0x3FDB];
	s0 =	simm.s32 @p2 $0x1  }
0x17: {  	s4 =	simm.s32 $0x1BF5;
	[smem:$0x3FB0] =	sst s0  }
0x18: {  	s0 =	sld [smem:$0x3F93];
	_ =	swait.ge [sflag:s4], $0x0  }
0x19: {  	s7 =	sld [smem:$0x3F94]  }
0x1a: {  	s8 =	sadd.s32 $0xFFFFE003, lr  }
0x1b: {  	s9 =	sadd.s32 $0xFFFFFEF7, lr;
	s5 =	simm.s32 $0xFFFFFFFF;
	p2 =	slt.u32 s8, $0xFFFFF086  }
0x1c: {  	p1 =	slt.u32 s9, $0xF7A;
	s5 =	simm.s32 @!p2 $0x0  }
0x1d: {  	s5 =	simm.s32 @p1 $0x1;
	p0 =	seq.s32 s7, s2  }
0x1e: {  	s7 =	smul.u32 @!p0 $0xF7A, s2;
	p2 =	seq.s32 @!p0 s5, $0x0  }
0x1f: {  	s9 =	smul.u32 $0xF7A, s1;
	s8 =	simm.s32 @!p0 $0x1BF5;
	p2 =	por !p2, p0  }
0x20: {  	[sflag:s8] =	ssyncset.s32 @!p0 $0xFFFFF086;
	s6 =	sadd.s32 @!p0 s3, s7;
	s7 =	simm.s32 @!p0 $0x108  }
0x21: {  	s3 =	sadd.s32 s3, s9;
	s6 =	sadd.s32 @!p0 $0x88, s6;
	s7 =	simm.s32 @p2 $0x1082  }
0x22: {  	[simem:s7], [sflag:s8] =	dma.local @!p0 [hbm:s6], $0xF7A  }
0x23: {  	s9 =	sor.u32 $0xD0000000, s2;
	s6 =	simm.s32 $0x108;
	_ =	swait.ge @!p0 [sflag:s8], $0x0  }
0x24: {  	s3 =	sadd.s32 $0x88, s3;
	s6 =	simm.s32 @!p1 $0x1082;
	[sflag:s4] =	ssyncset.s32 $0xFFFFF086  }
0x25: {  	[simem:s6], [sflag:s4] =	dma.local [hbm:s3], $0xF7A  }
0x26: {  	[smem:$0x3F94] =	sst s1;
	(tag) =	ssettag s2;
	_ =	strace s9  }
0x27: {  	s1 =	sld [smem:$0x3FA4]  }
0x28: {  	s2 =	sld [smem:$0x3FA5]  }
0x29: {  	s4 =	sld [smem:$0x3FA7]  }
0x2a: {  	p0 =	seq.s32 s5, $0x0;
	s5 =	sld [smem:$0x3FA8]  }
0x2b: {  	s6 =	sld [smem:$0x3FA9]  }
0x2c: {  	s7 =	sld [smem:$0x3FAA]  }
0x2d: {  	s3 =	simm.s32 $0x108;
	s8 =	sld [smem:$0x3FAB]  }
0x2e: {  	s3 =	simm.s32 @!p0 $0x1082;
	s9 =	sld [smem:$0x3FAC]  }
0x2f: {  	lr =	sadd.s32 s0, s3;
	s0 =	sld [smem:$0x3FA3]  }
0x30: {  	s3 =	sld [smem:$0x3FA6]  }
0x31: {  	[smem:$0x3FAF] =	sst s10  }
0x32: {  	s10 =	sld [smem:$0x3FAD];
	_ =	sdelay $0x3  }
0x33: {  	p0 =	seq.s32 s10, $0x1;
	s10 =	sld [smem:$0x3FAF];
	_ =	sdelay $0x3  }
0x34: {  	[smem:$0x3FAF] =	sst s10  }
0x35: {  	s10 =	sld [smem:$0x3FAE];
	_ =	sdelay $0x3  }
0x36: {  	p1 =	seq.s32 s10, $0x1;
	s10 =	sld [smem:$0x3FAF];
	_ =	sdelay $0x3  }
0x37: {  	[smem:$0x3FAF] =	sst s10  }
0x38: {  	s10 =	sld [smem:$0x3FB0]  }
0x39: {  	_ = 	snop;
	(pc) =	sbr.ind lr, $3  }
0x3a: {  	_ = 	snop  }
0x3b: {  	_ = 	snop  }
0x3c: {  	p2 =	seq.s32 s10, $0x1;
	s10 =	sld [smem:$0x3FAF]  }
0x3d: {  	_ =	shalt  }
0x3e: {  	_ =	shalt  }
0x3f: {  	_ =	shalt  }
0x40: {  	_ =	shalt  }
0x41: {  	_ =	shalt  }
0x42: {  	_ =	shalt  }
0x43: {  	_ =	shalt  }
0x44: {  	_ =	shalt  }
0x45: {  	_ =	shalt  }
0x46: {  	_ =	shalt  }
0x47: {  	_ =	shalt  }
0x48: {  	_ =	shalt  }
0x49: {  	_ =	shalt  }
0x4a: {  	_ =	shalt  }
0x4b: {  	_ =	shalt  }
0x4c: {  	_ =	shalt  }
0x4d: {  	_ =	shalt  }
0x4e: {  	_ =	shalt  }
0x4f: {  	_ =	shalt  }
0x50: {  	_ =	shalt  }
0x51: {  	_ =	shalt  }
0x52: {  	_ =	shalt  }
0x53: {  	_ =	shalt  }
0x54: {  	_ =	shalt  }
0x55: {  	_ =	shalt  }
0x56: {  	_ =	shalt  }
0x57: {  	_ =	shalt  }
0x58: {  	_ =	shalt  }
0x59: {  	_ =	shalt  }
0x5a: {  	_ =	shalt  }
0x5b: {  	_ =	shalt  }
0x5c: {  	_ =	shalt  }
0x5d: {  	_ =	shalt  }
0x5e: {  	_ =	shalt  }
0x5f: {  	_ =	shalt  }
0x60: {  	_ =	shalt  }
0x61: {  	_ =	shalt  }
0x62: {  	_ =	shalt  }
0x63: {  	_ =	shalt  }
0x64: {  	_ =	shalt  }
0x65: {  	_ =	shalt  }
0x66: {  	_ =	shalt  }
0x67: {  	_ =	shalt  }
0x68: {  	_ =	shalt  }
0x69: {  	_ =	shalt  }
0x6a: {  	_ =	shalt  }
0x6b: {  	_ =	shalt  }
0x6c: {  	_ =	shalt  }
0x6d: {  	_ =	shalt  }
0x6e: {  	_ =	shalt  }
0x6f: {  	_ =	shalt  }
0x70: {  	_ =	shalt  }
0x71: {  	_ =	shalt  }
0x72: {  	_ =	shalt  }
0x73: {  	_ =	shalt  }
0x74: {  	_ =	shalt  }
0x75: {  	_ =	shalt  }
0x76: {  	_ =	shalt  }
0x77: {  	_ =	shalt  }
0x78: {  	_ =	shalt  }
0x79: {  	_ =	shalt  }
0x7a: {  	_ =	shalt  }
0x7b: {  	_ =	shalt  }
0x7c: {  	_ =	shalt  }
0x7d: {  	_ =	shalt  }
0x7e: {  	_ =	shalt  }
0x7f: {  	_ =	shalt  }
0x80: {  	_ =	shalt  }
0x81: {  	_ =	shalt  }
0x82: {  	_ =	shalt  }
0x83: {  	_ =	shalt  }
0x84: {  	_ =	shalt  }
0x85: {  	_ =	shalt  }
0x86: {  	_ =	shalt  }
0x87: {  	_ =	shalt  }
.Lfunc_end0:
.L_simem_size_0:
called_computation.1_lowered:
.L_overlay_start_0:
0x88: {  	s2 =	sld [smem:$0x3FD9]  }
0x89: {  	s3 =	sld [smem:$0x3FFE];
	_ =	sdelay $0x1  }
0x8a: {  	s1 =	srdreg.scid  }
0x8b: {  	s0 =	sand.u32 $0x1, s1  }
0x8c: {  	s16 =	sshll.u32 s0, $0xA;
	s2 =	sadd.s32 s3, s2  }
0x8d: {  	s2 =	sadd.s32 s2, s16  }
0x8e: {  	[smem:$0x3FBB] =	sst s2  }
0x8f: {  	_ = 	snop  }
0x90: {  	(tm) =	ssettm $0x1  }
0x91: {  	s17 =	sld [smem:$0x3FFB];
	_ =	sdelay $0x3  }
0x92: {  	_ =	strace s17  }
0x93: {  	s2 =	sld [smem:$0x3FFC];
	_ =	sdelay $0x3  }
0x94: {  	_ =	strace s2  }
0x95: {  	s2 =	sld [smem:$0x3FFD];
	_ =	sdelay $0x3  }
0x96: {  	_ =	strace s2  }
0x97: {  	_ =	strace $0x8FFFFFFF  }
0x98: {  	s18 =	sld [smem:$0x3FDB];
	_ =	sdelay $0x1  }
0x99: {  	s19 =	simm.s32 $_scs_section_size  }
0x9a: {  	s4 =	simm.s32 $_size__tile_overlayer_lowered;
	s5 =	simm.s32 $_tile_overlayer_lowered  }
0x9b: {  	s22 =	simm.s32 $0x1BFF;
	s21 =	sshll.u32 s5, $0x1;
	s2 =	sadd.s32 s19, s18  }
0x9c: {  	s6 =	simm.s32 $0x0;
	s20 =	sshll.u32 s4, $0x1;
	s4 =	sadd.s32 s21, s2  }
0x9d: {  	[timem:s6], [sflag:s22] =	dma.local [hbm:s4], s20  }
0x9e: {  	_ =	swait.ge [sflag:s22], s20  }
0x9f: {  	s3 =	ssub.s32 $0x0, s20;
	[sflag:s22] =	ssyncset.done $0x0  }
0xa0: {  	[sflag:s22] =	ssyncadd.s32 s3;
	_ =	sdelay $0x1  }
0xa1: {  	s23 =	simm.s32 $0x1B8B  }
0xa2: {  	_ =	swait.ge [sflag:s23], $0x1  }
0xa3: {  	[sflag:s23] =	ssyncset.done $0x0  }
0xa4: {  	s25 =	simm.s32 $0x1B8E;
	s24 =	sld [smem:$0x3FFE];
	[sflag:s23] =	ssyncadd.s32 $0xFFFFFFFF  }
0xa5: {  	s26 =	simm.s32 $execute0_lowered;
	[smem:$0x3FD2] =	sst s25  }
0xa6: {  	s4 =	sshll.u32 s26, $0x1;
	_ =	strace $0x80000049;
	[dreg:$0x1] =	wrdreg $0xFFFFFFFF  }
0xa7: {  	s28 =	simm.s32 $_size_execute0_lowered;
	s2 =	sadd.s32 s2, s4;
	[dreg:$0x0] =	wrdreg $0x0  }
0xa8: {  	s4 =	sshll.u32 s28, $0x1;
	[dreg:$0x2] =	wrdreg s2  }
0xa9: {  	[dreg:$0x3] =	wrdreg s4  }
0xaa: {  	[dreg:$0x4] =	wrdreg $0xC0  }
0xab: {  	_ =	task [dreg:s6], $0x5FFFF  }
0xac: {  	[dreg:$0x1] =	wrdreg $0xFFFFFFFF  }
0xad: {  	[dreg:$0x0] =	wrdreg $0x60  }
0xae: {  	[dreg:$0x2] =	wrdreg s24  }
0xaf: {  	[dreg:$0x3] =	wrdreg $0x90000  }
0xb0: {  	[dreg:$0x4] =	wrdreg $0x9  }
0xb1: {  	_ =	task.clear_ibuf [dreg:s6], $0x5FFFF;
	_ =	strace $0x90000049  }
0xb2: {  	s29 =	simm.s32 $0x9;
	_ =	strace $0x8000004B  }
0xb3: {  	_ =	swait.ge [sflag:s29], $0x1  }
0xb4: {  	[sflag:s29] =	ssyncadd.s32 $0xFFFFFFFF  }
0xb5: {  	_ =	strace $0x9000004B  }
0xb6: {  	_ =	sfence  }
0xb7: {  	s30 =	sld [smem:$0x0];
	_ =	sdelay $0x2  }
0xb8: {  	s31 =	sshll.u32 s1, $0xD;
	s1 =	sshrl.u32 s1, $0x2  }
0xb9: {  	s3 =	sand.u32 $0x4000, s31;
	s1 =	sadd.s32 s1, s30  }
0xba: {  	s0 =	sor.u32 s3, s0;
	s1 =	sshll.u32 s1, $0x11  }
0xbb: {  	s0 =	sor.u32 s1, s0  }
0xbc: {  	s0 =	sadd.s32 $0x8F2B, s0  }
0xbd: {  	[sflag:s0] =	ssyncadd.remote.s32 $0x1  }
0xbe: {  	_ =	sfence.sel $0xFFFF  }
0xbf: {  	[dreg:$0x0] =	wrdreg $0xFFFFFFFF;
	(pc) =	sbr.abs _section_cstart, $3  }
0xc0: {  	[dreg:$0x1] =	wrdreg $0xFFFFFFFF  }
0xc1: {  	_ =	task.clear_ibuf [dreg:s6], $0x2FFFF;
	_ =	strace $0x9FFFFFFF  }
0xc2: {  	(tm) =	ssettm $0x7FFFFFFF  }
0xc3: {  	_ =	shalt  }
tec
execute0_lowered:
.L_overlay_start_1:
0x0: {  	(tag) =	ssettag $0x1  }
0x1: {  	s0 =	rddreg [dreg:$0x0]  }
0x2: {  	s2 =	rddreg [dreg:$0x1];
	s9 =	stileid.u32  }
0x3: {  	s1 =	srdreg.scid;
	s3 =	simm.s32 $0x0;
	s5 =	smul.u32 $0xA00, s9  }
0x4: {  	s10 =	simm.s32 $0x880;
	s12 =	simm.s32 $0x180;
	s7 =	smul.u32 $0x2800, s9  }
0x5: {  	[smem:$0x7FF] =	sst s3;
	s25 =	smul.u32 $0x50000, s9;
	s9 =	simm.s32 $0x100  }
0x6: {  	s14 =	simm.s32 $0x900;
	_ =	strace $0x8000004A;
	[dreg:$0x5] =	wrdreg s9  }
0x7: {  	s16 =	simm.s32 $0x200;
	s18 =	simm.s32 $0x980;
	[dreg:$0x6] =	wrdreg s10  }
0x8: {  	s19 =	simm.s32 $0x280;
	s20 =	simm.s32 $0xA00;
	[dreg:$0x7] =	wrdreg s12  }
0x9: {  	s21 =	simm.s32 $0x300;
	s22 =	simm.s32 $0xA80;
	[dreg:$0x8] =	wrdreg s14  }
0xa: {  	s23 =	simm.s32 $0x380;
	s24 =	simm.s32 $0xB00;
	[dreg:$0x9] =	wrdreg s16  }
0xb: {  	s28 =	simm.s32 $0x600;
	s29 =	simm.s32 $0xD80;
	[dreg:$0xa] =	wrdreg s18  }
0xc: {  	s30 =	simm.s32 $0x680;
	s1 =	sand.u32 $0x1, s1;
	[dreg:$0xb] =	wrdreg s19  }
0xd: {  	s31 =	simm.s32 $0xE00;
	s6 =	smul.u32 $0x28000, s1;
	[dreg:$0xc] =	wrdreg s20  }
0xe: {  	s4 =	sadd.s32 $0x21A00, s0;
	s8 =	smul.u32 $0xA000, s1;
	[dreg:$0xd] =	wrdreg s21  }
0xf: {  	s1 =	ssub.s32 $0x2, s1;
	s12 =	simm.s32 $0x1000;
	[dreg:$0xe] =	wrdreg s22  }
0x10: {  	s14 =	simm.s32 $0x800;
	s16 =	simm.s32 $0x5000;
	[dreg:$0xf] =	wrdreg s23  }
0x11: {  	s18 =	simm.s32 $0x3;
	[dreg:$0x10] =	wrdreg s24;
	s19 =	simm.s32 $0x2  }
0x12: {  	s20 =	simm.s32 $0x4;
	s21 =	simm.s32 $0x480;
	s22 =	simm.s32 $0xC00  }
0x13: {  	s23 =	simm.s32 $0x500;
	s5 =	sadd.s32 s5, s0;
	s26 =	sshrl.u32 s1, $0x1  }
0x14: {  	s6 =	sadd.s32 s7, s6;
	s8 =	sadd.s32 s8, s5;
	s5 =	sadd.s32 $0x3000, s5  }
0x15: {  	s7 =	sshrl.u32 s25, $0x2;
	s25 =	simm.s32 $0x400;
	[dreg:$0x4] =	wrdreg s5  }
0x16: {  	s1 =	ssub.s32 s1, s26;
	s26 =	simm.s32 $0xB80;
	[dreg:$0x11] =	wrdreg s25  }
0x17: {  	s24 =	simm.s32 $0xC80;
	s8 =	sadd.s32 $0xDA00, s8;
	[dreg:$0x12] =	wrdreg s26  }
0x18: {  	s9 =	simm.s32 $0x0;
	s1 =	smax.u32 s1, $0x1;
	[dreg:$0x3] =	wrdreg s8  }
0x19: {  	s0 =	sadd.s32 s6, s0;
	s6 =	sadd.s32 s7, s2;
	[dreg:$0x15] =	wrdreg s1  }
0x1a: {  	s25 =	simm.s32 $0x580;
	s0 =	sadd.s32 $0x71A00, s0;
	[dreg:$0x13] =	wrdreg s6  }
0x1b: {  	s26 =	simm.s32 $0xD00;
	s11 =	sadd.s32 $0x4000, s6;
	[dreg:$0x14] =	wrdreg s0  }
0x1c: {  	s7 =	simm.s32 $0xF00;
	s13 =	sadd.s32 $0x8000, s6;
	[dreg:$0x16] =	wrdreg s11  }
0x1d: {  	s15 =	sadd.s32 $0xC000, s6;
	s17 =	sadd.s32 $0x10000, s6;
	[dreg:$0x17] =	wrdreg s13  }
0x1e: {  	s1 =	simm.s32 $0xE80;
	s6 =	simm.s32 $0x780;
	[dreg:$0x18] =	wrdreg s15  }
0x1f: {  	s8 =	simm.s32 $0xF80;
	[dreg:$0x19] =	wrdreg s17;
	s13 =	simm.s32 $0x5  }
0x20: {  	v0 =	vimm.f32 $0.0e+00;
	s15 =	simm.s32 $0x80;
	s17 =	simm.s32 $0x1;
	s0 =	simm.s32 $0x700  }
.LBB2_1:
0x21: {  	s10 =	simm.s32 $0x0;
	s11 =	simm.s32 $0x200  }
.LBB2_2:
0x22: {  	p0 =	sne.s32 s11, $0xFE00;
	[tilespmem:s10+$0x1070] =	vst v0  }
0x23: {  	[tilespmem:s10+$0x1000] =	vst v0  }
0x24: {  	[tilespmem:s10+$0x1010] =	vst v0  }
.Ltmp0:
0x25: {  	[tilespmem:s10+$0x1020] =	vst v0;
	(pc) =	sbr.rel @p0 .LBB2_2-.Ltmp0, $4  }
0x26: {  	[tilespmem:s10+$0x1030] =	vst v0  }
0x27: {  	[tilespmem:s10+$0x1040] =	vst v0  }
0x28: {  	[tilespmem:s10+$0x1050] =	vst v0  }
0x29: {  	[tilespmem:s10+$0x1060] =	vst v0;
	s10 =	sshra.s32 s11, $0x2;
	s11 =	sadd.s32 $0x200, s11  }
0x2a: {  	[tilespmem:s10+$0x1070] =	vst v0  }
0x2b: {  	[tilespmem:s10+$0x1000] =	vst v0  }
0x2c: {  	[tilespmem:s10+$0x1010] =	vst v0  }
0x2d: {  	[tilespmem:s10+$0x1020] =	vst v0  }
0x2e: {  	[tilespmem:s10+$0x1030] =	vst v0  }
0x2f: {  	[tilespmem:s10+$0x1040] =	vst v0  }
0x30: {  	[dreg:$0x1a] =	wrdreg s9;
	[tilespmem:s10+$0x1050] =	vst v0  }
0x31: {  	[tilespmem:s10+$0x1060] =	vst v0;
	s5 =	rddreg [dreg:$0x13]  }
0x32: {  	[spmem:s5] =	stream.linear.scatter [tilespmem:s12], [sflag:$0x5], $0x4000, $0x38;
	[tilespmem:$0x1D000] =	vst v63  }
0x33: {  	_ =	swait.ge [sflag:s13], $0x4000  }
0x34: {  	[sflag:s13] =	ssyncset.done $0x0  }
0x35: {  	s10 =	rddreg [dreg:$0x16];
	[sflag:s13] =	ssyncadd.s32 $0xFFFFC000  }
0x36: {  	[spmem:s10] =	stream.linear.scatter [tilespmem:s12], [sflag:$0x5], $0x4000, $0x38;
	[tilespmem:$0x1D000] =	vst v63  }
0x37: {  	_ =	swait.ge [sflag:s13], $0x4000  }
0x38: {  	[sflag:s13] =	ssyncset.done $0x0  }
0x39: {  	s11 =	rddreg [dreg:$0x17];
	[sflag:s13] =	ssyncadd.s32 $0xFFFFC000  }
0x3a: {  	[spmem:s11] =	stream.linear.scatter [tilespmem:s12], [sflag:$0x5], $0x4000, $0x38;
	[tilespmem:$0x1D000] =	vst v63  }
0x3b: {  	_ =	swait.ge [sflag:s13], $0x4000  }
0x3c: {  	[sflag:s13] =	ssyncset.done $0x0  }
0x3d: {  	s9 =	rddreg [dreg:$0x18];
	[sflag:s13] =	ssyncadd.s32 $0xFFFFC000  }
0x3e: {  	[spmem:s9] =	stream.linear.scatter [tilespmem:s12], [sflag:$0x5], $0x4000, $0x38;
	[tilespmem:$0x1D000] =	vst v63  }
0x3f: {  	_ =	swait.ge [sflag:s13], $0x4000  }
0x40: {  	[sflag:s13] =	ssyncset.done $0x0  }
0x41: {  	s10 =	rddreg [dreg:$0x19];
	[sflag:s13] =	ssyncadd.s32 $0xFFFFC000  }
0x42: {  	[spmem:s10] =	stream.linear.scatter [tilespmem:s12], [sflag:$0x5], $0x4000, $0x38;
	[tilespmem:$0x1D000] =	vst v63  }
0x43: {  	_ =	swait.ge [sflag:s13], $0x4000  }
0x44: {  	[sflag:s13] =	ssyncset.done $0x0  }
0x45: {  	[sflag:s13] =	ssyncadd.s32 $0xFFFFC000  }
0x46: {  	[bflag:$0x0] =	sbarrier.arrive $0xFFFF  }
0x47: {  	s11 =	rddreg [dreg:$0x3]  }
0x48: {  	s5 =	sadd.s32 $0x0, s11  }
0x49: {  	[tilespmem:s3], [sflag:$0x5] =	stream.linear.gather [hbm4b:s5+s3], $0x800, $0x38;
	[tilespmem:$0x1D000] =	vst v63  }
0x4a: {  	_ =	swait.ge [sflag:s13], $0x800  }
0x4b: {  	s9 =	rddreg [dreg:$0x4];
	[sflag:s13] =	ssyncset.done $0x0  }
0x4c: {  	[sflag:s13] =	ssyncadd.s32 $0xFFFFF800;
	s5 =	sadd.s32 $0x0, s9  }
0x4d: {  	[tilespmem:s14], [sflag:$0x5] =	stream.linear.gather [hbm4b:s5+s3], $0x800, $0x38;
	[tilespmem:$0x1D000] =	vst v63  }
0x4e: {  	_ =	swait.ge [sflag:s13], $0x800  }
0x4f: {  	[sflag:s13] =	ssyncset.done $0x0  }
0x50: {  	[sflag:s13] =	ssyncadd.s32 $0xFFFFF800  }
0x51: {  	[tilespmem:s12], [sflag:$0x1] =	stream.indirect.gather [hbm4b:s4+s15], $0x80, s3, s15, $0xb8;
	[tilespmem:$0x1D000] =	vst v63  }
0x52: {  	_ = 	snop  }
0x53: {  	[tilespmem:s16], [sflag:$0x2] =	stream.indirect.gather [hbm4b:s4+s15], $0x80, s15, s15, $0xb8;
	[tilespmem:$0x1D000] =	vst v63  }
0x54: {  	_ =	swait.ge [sflag:s17], $0x4000  }
0x55: {  	[sflag:s17] =	ssyncset.done $0x0  }
0x56: {  	[sflag:s17] =	ssyncadd.s32 $0xFFFFC000  }
0x57: {  	[spmem:s2] =	stream.indirect.scatter.add.f32 [tilespmem:s12], [sflag:$0x3], $0x80, s14, s15, $0xb8;
	[tilespmem:$0x1D000] =	vst v63  }
0x58: {  	_ =	swait.ge [sflag:s18], $0x4000  }
0x59: {  	[sflag:s18] =	ssyncset.done $0x0  }
0x5a: {  	s10 =	rddreg [dreg:$0x5];
	[sflag:s18] =	ssyncadd.s32 $0xFFFFC000  }
0x5b: {  	[tilespmem:s12], [sflag:$0x1] =	stream.indirect.gather [hbm4b:s4+s15], $0x80, s10, s15, $0xb8;
	[tilespmem:$0x1D000] =	vst v63  }
0x5c: {  	_ =	swait.ge [sflag:s19], $0x4000  }
0x5d: {  	[sflag:s19] =	ssyncset.done $0x0  }
0x5e: {  	s11 =	rddreg [dreg:$0x6];
	[sflag:s19] =	ssyncadd.s32 $0xFFFFC000  }
0x5f: {  	[spmem:s2] =	stream.indirect.scatter.add.f32 [tilespmem:s16], [sflag:$0x4], $0x80, s11, s15, $0xb8;
	[tilespmem:$0x1D000] =	vst v63  }
0x60: {  	_ =	swait.ge [sflag:s20], $0x4000  }
0x61: {  	[sflag:s20] =	ssyncset.done $0x0  }
0x62: {  	s9 =	rddreg [dreg:$0x7];
	[sflag:s20] =	ssyncadd.s32 $0xFFFFC000  }
0x63: {  	[tilespmem:s16], [sflag:$0x2] =	stream.indirect.gather [hbm4b:s4+s15], $0x80, s9, s15, $0xb8;
	[tilespmem:$0x1D000] =	vst v63  }
0x64: {  	_ =	swait.ge [sflag:s17], $0x4000  }
0x65: {  	[sflag:s17] =	ssyncset.done $0x0  }
0x66: {  	s10 =	rddreg [dreg:$0x8];
	[sflag:s17] =	ssyncadd.s32 $0xFFFFC000  }
0x67: {  	[spmem:s2] =	stream.indirect.scatter.add.f32 [tilespmem:s12], [sflag:$0x3], $0x80, s10, s15, $0xb8;
	[tilespmem:$0x1D000] =	vst v63  }
0x68: {  	_ =	swait.ge [sflag:s18], $0x4000  }
0x69: {  	[sflag:s18] =	ssyncset.done $0x0  }
0x6a: {  	s11 =	rddreg [dreg:$0x9];
	[sflag:s18] =	ssyncadd.s32 $0xFFFFC000  }
0x6b: {  	[tilespmem:s12], [sflag:$0x1] =	stream.indirect.gather [hbm4b:s4+s15], $0x80, s11, s15, $0xb8;
	[tilespmem:$0x1D000] =	vst v63  }
0x6c: {  	_ =	swait.ge [sflag:s19], $0x4000  }
0x6d: {  	[sflag:s19] =	ssyncset.done $0x0  }
0x6e: {  	s9 =	rddreg [dreg:$0xa];
	[sflag:s19] =	ssyncadd.s32 $0xFFFFC000  }
0x6f: {  	[spmem:s2] =	stream.indirect.scatter.add.f32 [tilespmem:s16], [sflag:$0x4], $0x80, s9, s15, $0xb8;
	[tilespmem:$0x1D000] =	vst v63  }
0x70: {  	_ =	swait.ge [sflag:s20], $0x4000  }
0x71: {  	[sflag:s20] =	ssyncset.done $0x0  }
0x72: {  	s10 =	rddreg [dreg:$0xb];
	[sflag:s20] =	ssyncadd.s32 $0xFFFFC000  }
0x73: {  	[tilespmem:s16], [sflag:$0x2] =	stream.indirect.gather [hbm4b:s4+s15], $0x80, s10, s15, $0xb8;
	[tilespmem:$0x1D000] =	vst v63  }
0x74: {  	_ =	swait.ge [sflag:s17], $0x4000  }
0x75: {  	[sflag:s17] =	ssyncset.done $0x0  }
0x76: {  	s11 =	rddreg [dreg:$0xc];
	[sflag:s17] =	ssyncadd.s32 $0xFFFFC000  }
0x77: {  	[spmem:s2] =	stream.indirect.scatter.add.f32 [tilespmem:s12], [sflag:$0x3], $0x80, s11, s15, $0xb8;
	[tilespmem:$0x1D000] =	vst v63  }
0x78: {  	_ =	swait.ge [sflag:s18], $0x4000  }
0x79: {  	[sflag:s18] =	ssyncset.done $0x0  }
0x7a: {  	s9 =	rddreg [dreg:$0xd];
	[sflag:s18] =	ssyncadd.s32 $0xFFFFC000  }
0x7b: {  	[tilespmem:s12], [sflag:$0x1] =	stream.indirect.gather [hbm4b:s4+s15], $0x80, s9, s15, $0xb8;
	[tilespmem:$0x1D000] =	vst v63  }
0x7c: {  	_ =	swait.ge [sflag:s19], $0x4000  }
0x7d: {  	[sflag:s19] =	ssyncset.done $0x0  }
0x7e: {  	s10 =	rddreg [dreg:$0xe];
	[sflag:s19] =	ssyncadd.s32 $0xFFFFC000  }
0x7f: {  	[spmem:s2] =	stream.indirect.scatter.add.f32 [tilespmem:s16], [sflag:$0x4], $0x80, s10, s15, $0xb8;
	[tilespmem:$0x1D000] =	vst v63  }
0x80: {  	_ =	swait.ge [sflag:s20], $0x4000  }
0x81: {  	[sflag:s20] =	ssyncset.done $0x0  }
0x82: {  	s11 =	rddreg [dreg:$0xf];
	[sflag:s20] =	ssyncadd.s32 $0xFFFFC000  }
0x83: {  	[tilespmem:s16], [sflag:$0x2] =	stream.indirect.gather [hbm4b:s4+s15], $0x80, s11, s15, $0xb8;
	[tilespmem:$0x1D000] =	vst v63  }
0x84: {  	_ =	swait.ge [sflag:s17], $0x4000  }
0x85: {  	[sflag:s17] =	ssyncset.done $0x0  }
0x86: {  	s9 =	rddreg [dreg:$0x10];
	[sflag:s17] =	ssyncadd.s32 $0xFFFFC000  }
0x87: {  	[spmem:s2] =	stream.indirect.scatter.add.f32 [tilespmem:s12], [sflag:$0x3], $0x80, s9, s15, $0xb8;
	[tilespmem:$0x1D000] =	vst v63  }
0x88: {  	_ =	swait.ge [sflag:s18], $0x4000  }
0x89: {  	[sflag:s18] =	ssyncset.done $0x0  }
0x8a: {  	s10 =	rddreg [dreg:$0x11];
	[sflag:s18] =	ssyncadd.s32 $0xFFFFC000  }
0x8b: {  	[tilespmem:s12], [sflag:$0x1] =	stream.indirect.gather [hbm4b:s4+s15], $0x80, s10, s15, $0xb8;
	[tilespmem:$0x1D000] =	vst v63  }
0x8c: {  	_ =	swait.ge [sflag:s19], $0x4000  }
0x8d: {  	[sflag:s19] =	ssyncset.done $0x0  }
0x8e: {  	s11 =	rddreg [dreg:$0x12];
	[sflag:s19] =	ssyncadd.s32 $0xFFFFC000  }
0x8f: {  	[spmem:s2] =	stream.indirect.scatter.add.f32 [tilespmem:s16], [sflag:$0x4], $0x80, s11, s15, $0xb8;
	[tilespmem:$0x1D000] =	vst v63  }
0x90: {  	_ =	swait.ge [sflag:s20], $0x4000  }
0x91: {  	[sflag:s20] =	ssyncset.done $0x0  }
0x92: {  	[sflag:s20] =	ssyncadd.s32 $0xFFFFC000  }
0x93: {  	[tilespmem:s16], [sflag:$0x2] =	stream.indirect.gather [hbm4b:s4+s15], $0x80, s21, s15, $0xb8;
	[tilespmem:$0x1D000] =	vst v63  }
0x94: {  	_ =	swait.ge [sflag:s17], $0x4000  }
0x95: {  	[sflag:s17] =	ssyncset.done $0x0  }
0x96: {  	[sflag:s17] =	ssyncadd.s32 $0xFFFFC000  }
0x97: {  	[spmem:s2] =	stream.indirect.scatter.add.f32 [tilespmem:s12], [sflag:$0x3], $0x80, s22, s15, $0xb8;
	[tilespmem:$0x1D000] =	vst v63  }
0x98: {  	_ =	swait.ge [sflag:s18], $0x4000  }
0x99: {  	[sflag:s18] =	ssyncset.done $0x0  }
0x9a: {  	[sflag:s18] =	ssyncadd.s32 $0xFFFFC000  }
0x9b: {  	[tilespmem:s12], [sflag:$0x1] =	stream.indirect.gather [hbm4b:s4+s15], $0x80, s23, s15, $0xb8;
	[tilespmem:$0x1D000] =	vst v63  }
0x9c: {  	_ =	swait.ge [sflag:s19], $0x4000  }
0x9d: {  	[sflag:s19] =	ssyncset.done $0x0  }
0x9e: {  	[sflag:s19] =	ssyncadd.s32 $0xFFFFC000  }
0x9f: {  	[spmem:s2] =	stream.indirect.scatter.add.f32 [tilespmem:s16], [sflag:$0x4], $0x80, s24, s15, $0xb8;
	[tilespmem:$0x1D000] =	vst v63  }
0xa0: {  	_ =	swait.ge [sflag:s20], $0x4000  }
0xa1: {  	[sflag:s20] =	ssyncset.done $0x0  }
0xa2: {  	[sflag:s20] =	ssyncadd.s32 $0xFFFFC000  }
0xa3: {  	[tilespmem:s16], [sflag:$0x2] =	stream.indirect.gather [hbm4b:s4+s15], $0x80, s25, s15, $0xb8;
	[tilespmem:$0x1D000] =	vst v63  }
0xa4: {  	_ =	swait.ge [sflag:s17], $0x4000  }
0xa5: {  	[sflag:s17] =	ssyncset.done $0x0  }
0xa6: {  	[sflag:s17] =	ssyncadd.s32 $0xFFFFC000  }
0xa7: {  	[spmem:s2] =	stream.indirect.scatter.add.f32 [tilespmem:s12], [sflag:$0x3], $0x80, s26, s15, $0xb8;
	[tilespmem:$0x1D000] =	vst v63  }
0xa8: {  	_ =	swait.ge [sflag:s18], $0x4000  }
0xa9: {  	[sflag:s18] =	ssyncset.done $0x0  }
0xaa: {  	[sflag:s18] =	ssyncadd.s32 $0xFFFFC000  }
0xab: {  	[tilespmem:s12], [sflag:$0x1] =	stream.indirect.gather [hbm4b:s4+s15], $0x80, s28, s15, $0xb8;
	[tilespmem:$0x1D000] =	vst v63  }
0xac: {  	_ =	swait.ge [sflag:s19], $0x4000  }
0xad: {  	[sflag:s19] =	ssyncset.done $0x0  }
0xae: {  	[sflag:s19] =	ssyncadd.s32 $0xFFFFC000  }
0xaf: {  	[spmem:s2] =	stream.indirect.scatter.add.f32 [tilespmem:s16], [sflag:$0x4], $0x80, s29, s15, $0xb8;
	[tilespmem:$0x1D000] =	vst v63  }
0xb0: {  	_ =	swait.ge [sflag:s20], $0x4000  }
0xb1: {  	[sflag:s20] =	ssyncset.done $0x0  }
0xb2: {  	[sflag:s20] =	ssyncadd.s32 $0xFFFFC000  }
0xb3: {  	[tilespmem:s16], [sflag:$0x2] =	stream.indirect.gather [hbm4b:s4+s15], $0x80, s30, s15, $0xb8;
	[tilespmem:$0x1D000] =	vst v63  }
0xb4: {  	_ =	swait.ge [sflag:s17], $0x4000  }
0xb5: {  	[sflag:s17] =	ssyncset.done $0x0  }
0xb6: {  	[sflag:s17] =	ssyncadd.s32 $0xFFFFC000  }
0xb7: {  	[spmem:s2] =	stream.indirect.scatter.add.f32 [tilespmem:s12], [sflag:$0x3], $0x80, s31, s15, $0xb8;
	[tilespmem:$0x1D000] =	vst v63  }
0xb8: {  	_ =	swait.ge [sflag:s18], $0x4000  }
0xb9: {  	[sflag:s18] =	ssyncset.done $0x0  }
0xba: {  	[sflag:s18] =	ssyncadd.s32 $0xFFFFC000  }
0xbb: {  	[tilespmem:s12], [sflag:$0x1] =	stream.indirect.gather [hbm4b:s4+s15], $0x80, s0, s15, $0xb8;
	[tilespmem:$0x1D000] =	vst v63  }
0xbc: {  	_ =	swait.ge [sflag:s19], $0x4000  }
0xbd: {  	[sflag:s19] =	ssyncset.done $0x0  }
0xbe: {  	[sflag:s19] =	ssyncadd.s32 $0xFFFFC000  }
0xbf: {  	[spmem:s2] =	stream.indirect.scatter.add.f32 [tilespmem:s16], [sflag:$0x4], $0x80, s1, s15, $0xb8;
	[tilespmem:$0x1D000] =	vst v63  }
0xc0: {  	_ =	swait.ge [sflag:s20], $0x4000  }
0xc1: {  	[sflag:s20] =	ssyncset.done $0x0  }
0xc2: {  	[sflag:s20] =	ssyncadd.s32 $0xFFFFC000  }
0xc3: {  	[tilespmem:s16], [sflag:$0x2] =	stream.indirect.gather [hbm4b:s4+s15], $0x80, s6, s15, $0xb8;
	[tilespmem:$0x1D000] =	vst v63  }
0xc4: {  	_ =	swait.ge [sflag:s17], $0x4000  }
0xc5: {  	[sflag:s17] =	ssyncset.done $0x0  }
0xc6: {  	[sflag:s17] =	ssyncadd.s32 $0xFFFFC000  }
0xc7: {  	[spmem:s2] =	stream.indirect.scatter.add.f32 [tilespmem:s12], [sflag:$0x3], $0x80, s7, s15, $0xb8;
	[tilespmem:$0x1D000] =	vst v63  }
0xc8: {  	_ =	swait.ge [sflag:s19], $0x4000  }
0xc9: {  	[sflag:s19] =	ssyncset.done $0x0  }
0xca: {  	[sflag:s19] =	ssyncadd.s32 $0xFFFFC000  }
0xcb: {  	[spmem:s2] =	stream.indirect.scatter.add.f32 [tilespmem:s16], [sflag:$0x4], $0x80, s8, s15, $0xb8;
	[tilespmem:$0x1D000] =	vst v63  }
0xcc: {  	_ =	swait.ge [sflag:s18], $0x4000  }
0xcd: {  	[sflag:s18] =	ssyncset.done $0x0  }
0xce: {  	[sflag:s18] =	ssyncadd.s32 $0xFFFFC000  }
0xcf: {  	s10 =	simm.s32 $0x100;
	_ =	swait.ge [sflag:s20], $0x4000  }
0xd0: {  	s11 =	simm.s32 $0x200;
	s5 =	rddreg [dreg:$0x3];
	[sflag:s20] =	ssyncset.done $0x0  }
.LBB2_4:
0xd1: {  	[sflag:s20] =	ssyncadd.s32 $0xFFFFC000;
	s5 =	sadd.s32 s10, s5  }
0xd2: {  	[tilespmem:s3], [sflag:$0x5] =	stream.linear.gather [hbm4b:s5+s3], $0x800, $0x38;
	[tilespmem:$0x1D000] =	vst v63  }
0xd3: {  	_ =	swait.ge [sflag:s13], $0x800  }
0xd4: {  	s5 =	rddreg [dreg:$0x4];
	[sflag:s13] =	ssyncset.done $0x0  }
0xd5: {  	[sflag:s13] =	ssyncadd.s32 $0xFFFFF800;
	s5 =	sadd.s32 s10, s5  }
0xd6: {  	[tilespmem:s14], [sflag:$0x5] =	stream.linear.gather [hbm4b:s5+s3], $0x800, $0x38;
	[tilespmem:$0x1D000] =	vst v63  }
0xd7: {  	_ =	swait.ge [sflag:s13], $0x800  }
0xd8: {  	[sflag:s13] =	ssyncset.done $0x0  }
0xd9: {  	[sflag:s13] =	ssyncadd.s32 $0xFFFFF800  }
0xda: {  	[tilespmem:s12], [sflag:$0x1] =	stream.indirect.gather [hbm4b:s4+s15], $0x80, s3, s15, $0xb8;
	[tilespmem:$0x1D000] =	vst v63  }
0xdb: {  	_ = 	snop  }
0xdc: {  	[tilespmem:s16], [sflag:$0x2] =	stream.indirect.gather [hbm4b:s4+s15], $0x80, s15, s15, $0xb8;
	[tilespmem:$0x1D000] =	vst v63  }
0xdd: {  	_ =	swait.ge [sflag:s17], $0x4000  }
0xde: {  	[sflag:s17] =	ssyncset.done $0x0  }
0xdf: {  	[sflag:s17] =	ssyncadd.s32 $0xFFFFC000  }
0xe0: {  	[spmem:s2] =	stream.indirect.scatter.add.f32 [tilespmem:s12], [sflag:$0x3], $0x80, s14, s15, $0xb8;
	[tilespmem:$0x1D000] =	vst v63  }
0xe1: {  	_ =	swait.ge [sflag:s18], $0x4000  }
0xe2: {  	s9 =	smov.u32 s11;
	[sflag:s18] =	ssyncset.done $0x0  }
0xe3: {  	s10 =	smov.u32 s9;
	s9 =	rddreg [dreg:$0x5];
	[sflag:s18] =	ssyncadd.s32 $0xFFFFC000  }
0xe4: {  	[tilespmem:s12], [sflag:$0x1] =	stream.indirect.gather [hbm4b:s4+s15], $0x80, s9, s15, $0xb8;
	[tilespmem:$0x1D000] =	vst v63  }
0xe5: {  	_ =	swait.ge [sflag:s19], $0x4000  }
0xe6: {  	[sflag:s19] =	ssyncset.done $0x0  }
0xe7: {  	s9 =	rddreg [dreg:$0x6];
	[sflag:s19] =	ssyncadd.s32 $0xFFFFC000  }
0xe8: {  	[spmem:s2] =	stream.indirect.scatter.add.f32 [tilespmem:s16], [sflag:$0x4], $0x80, s9, s15, $0xb8;
	[tilespmem:$0x1D000] =	vst v63  }
0xe9: {  	_ =	swait.ge [sflag:s20], $0x4000  }
0xea: {  	[sflag:s20] =	ssyncset.done $0x0  }
0xeb: {  	s9 =	rddreg [dreg:$0x7];
	[sflag:s20] =	ssyncadd.s32 $0xFFFFC000  }
0xec: {  	[tilespmem:s16], [sflag:$0x2] =	stream.indirect.gather [hbm4b:s4+s15], $0x80, s9, s15, $0xb8;
	[tilespmem:$0x1D000] =	vst v63  }
0xed: {  	_ =	swait.ge [sflag:s17], $0x4000  }
0xee: {  	[sflag:s17] =	ssyncset.done $0x0  }
0xef: {  	s9 =	rddreg [dreg:$0x8];
	[sflag:s17] =	ssyncadd.s32 $0xFFFFC000  }
0xf0: {  	[spmem:s2] =	stream.indirect.scatter.add.f32 [tilespmem:s12], [sflag:$0x3], $0x80, s9, s15, $0xb8;
	[tilespmem:$0x1D000] =	vst v63  }
0xf1: {  	_ =	swait.ge [sflag:s18], $0x4000  }
0xf2: {  	[sflag:s18] =	ssyncset.done $0x0  }
0xf3: {  	s9 =	rddreg [dreg:$0x9];
	[sflag:s18] =	ssyncadd.s32 $0xFFFFC000  }
0xf4: {  	[tilespmem:s12], [sflag:$0x1] =	stream.indirect.gather [hbm4b:s4+s15], $0x80, s9, s15, $0xb8;
	[tilespmem:$0x1D000] =	vst v63  }
0xf5: {  	_ =	swait.ge [sflag:s19], $0x4000  }
0xf6: {  	[sflag:s19] =	ssyncset.done $0x0  }
0xf7: {  	s9 =	rddreg [dreg:$0xa];
	[sflag:s19] =	ssyncadd.s32 $0xFFFFC000  }
0xf8: {  	[spmem:s2] =	stream.indirect.scatter.add.f32 [tilespmem:s16], [sflag:$0x4], $0x80, s9, s15, $0xb8;
	[tilespmem:$0x1D000] =	vst v63  }
0xf9: {  	_ =	swait.ge [sflag:s20], $0x4000  }
0xfa: {  	[sflag:s20] =	ssyncset.done $0x0  }
0xfb: {  	s9 =	rddreg [dreg:$0xb];
	[sflag:s20] =	ssyncadd.s32 $0xFFFFC000  }
0xfc: {  	[tilespmem:s16], [sflag:$0x2] =	stream.indirect.gather [hbm4b:s4+s15], $0x80, s9, s15, $0xb8;
	[tilespmem:$0x1D000] =	vst v63  }
0xfd: {  	_ =	swait.ge [sflag:s17], $0x4000  }
0xfe: {  	[sflag:s17] =	ssyncset.done $0x0  }
0xff: {  	s9 =	rddreg [dreg:$0xc];
	[sflag:s17] =	ssyncadd.s32 $0xFFFFC000  }
0x100: {  	[spmem:s2] =	stream.indirect.scatter.add.f32 [tilespmem:s12], [sflag:$0x3], $0x80, s9, s15, $0xb8;
	[tilespmem:$0x1D000] =	vst v63  }
0x101: {  	_ =	swait.ge [sflag:s18], $0x4000  }
0x102: {  	[sflag:s18] =	ssyncset.done $0x0  }
0x103: {  	s9 =	rddreg [dreg:$0xd];
	[sflag:s18] =	ssyncadd.s32 $0xFFFFC000  }
0x104: {  	[tilespmem:s12], [sflag:$0x1] =	stream.indirect.gather [hbm4b:s4+s15], $0x80, s9, s15, $0xb8;
	[tilespmem:$0x1D000] =	vst v63  }
0x105: {  	_ =	swait.ge [sflag:s19], $0x4000  }
0x106: {  	[sflag:s19] =	ssyncset.done $0x0  }
0x107: {  	s9 =	rddreg [dreg:$0xe];
	[sflag:s19] =	ssyncadd.s32 $0xFFFFC000  }
0x108: {  	[spmem:s2] =	stream.indirect.scatter.add.f32 [tilespmem:s16], [sflag:$0x4], $0x80, s9, s15, $0xb8;
	[tilespmem:$0x1D000] =	vst v63  }
0x109: {  	_ =	swait.ge [sflag:s20], $0x4000  }
0x10a: {  	[sflag:s20] =	ssyncset.done $0x0  }
0x10b: {  	s9 =	rddreg [dreg:$0xf];
	[sflag:s20] =	ssyncadd.s32 $0xFFFFC000  }
0x10c: {  	[tilespmem:s16], [sflag:$0x2] =	stream.indirect.gather [hbm4b:s4+s15], $0x80, s9, s15, $0xb8;
	[tilespmem:$0x1D000] =	vst v63  }
0x10d: {  	_ =	swait.ge [sflag:s17], $0x4000  }
0x10e: {  	[sflag:s17] =	ssyncset.done $0x0  }
0x10f: {  	s9 =	rddreg [dreg:$0x10];
	[sflag:s17] =	ssyncadd.s32 $0xFFFFC000  }
0x110: {  	[spmem:s2] =	stream.indirect.scatter.add.f32 [tilespmem:s12], [sflag:$0x3], $0x80, s9, s15, $0xb8;
	[tilespmem:$0x1D000] =	vst v63  }
0x111: {  	_ =	swait.ge [sflag:s18], $0x4000  }
0x112: {  	[sflag:s18] =	ssyncset.done $0x0  }
0x113: {  	s9 =	rddreg [dreg:$0x11];
	[sflag:s18] =	ssyncadd.s32 $0xFFFFC000  }
0x114: {  	[tilespmem:s12], [sflag:$0x1] =	stream.indirect.gather [hbm4b:s4+s15], $0x80, s9, s15, $0xb8;
	[tilespmem:$0x1D000] =	vst v63  }
0x115: {  	_ =	swait.ge [sflag:s19], $0x4000  }
0x116: {  	[sflag:s19] =	ssyncset.done $0x0  }
0x117: {  	s9 =	rddreg [dreg:$0x12];
	[sflag:s19] =	ssyncadd.s32 $0xFFFFC000  }
0x118: {  	[spmem:s2] =	stream.indirect.scatter.add.f32 [tilespmem:s16], [sflag:$0x4], $0x80, s9, s15, $0xb8;
	[tilespmem:$0x1D000] =	vst v63  }
0x119: {  	_ =	swait.ge [sflag:s20], $0x4000  }
0x11a: {  	[sflag:s20] =	ssyncset.done $0x0  }
0x11b: {  	[sflag:s20] =	ssyncadd.s32 $0xFFFFC000  }
0x11c: {  	[tilespmem:s16], [sflag:$0x2] =	stream.indirect.gather [hbm4b:s4+s15], $0x80, s21, s15, $0xb8;
	[tilespmem:$0x1D000] =	vst v63  }
0x11d: {  	_ =	swait.ge [sflag:s17], $0x4000  }
0x11e: {  	[sflag:s17] =	ssyncset.done $0x0  }
0x11f: {  	[sflag:s17] =	ssyncadd.s32 $0xFFFFC000  }
0x120: {  	[spmem:s2] =	stream.indirect.scatter.add.f32 [tilespmem:s12], [sflag:$0x3], $0x80, s22, s15, $0xb8;
	[tilespmem:$0x1D000] =	vst v63  }
0x121: {  	_ =	swait.ge [sflag:s18], $0x4000  }
0x122: {  	[sflag:s18] =	ssyncset.done $0x0  }
0x123: {  	[sflag:s18] =	ssyncadd.s32 $0xFFFFC000  }
0x124: {  	[tilespmem:s12], [sflag:$0x1] =	stream.indirect.gather [hbm4b:s4+s15], $0x80, s23, s15, $0xb8;
	[tilespmem:$0x1D000] =	vst v63  }
0x125: {  	_ =	swait.ge [sflag:s19], $0x4000  }
0x126: {  	[sflag:s19] =	ssyncset.done $0x0  }
0x127: {  	[sflag:s19] =	ssyncadd.s32 $0xFFFFC000  }
0x128: {  	[spmem:s2] =	stream.indirect.scatter.add.f32 [tilespmem:s16], [sflag:$0x4], $0x80, s24, s15, $0xb8;
	[tilespmem:$0x1D000] =	vst v63  }
0x129: {  	_ =	swait.ge [sflag:s20], $0x4000  }
0x12a: {  	[sflag:s20] =	ssyncset.done $0x0  }
0x12b: {  	[sflag:s20] =	ssyncadd.s32 $0xFFFFC000  }
0x12c: {  	[tilespmem:s16], [sflag:$0x2] =	stream.indirect.gather [hbm4b:s4+s15], $0x80, s25, s15, $0xb8;
	[tilespmem:$0x1D000] =	vst v63  }
0x12d: {  	_ =	swait.ge [sflag:s17], $0x4000  }
0x12e: {  	[sflag:s17] =	ssyncset.done $0x0  }
0x12f: {  	[sflag:s17] =	ssyncadd.s32 $0xFFFFC000  }
0x130: {  	[spmem:s2] =	stream.indirect.scatter.add.f32 [tilespmem:s12], [sflag:$0x3], $0x80, s26, s15, $0xb8;
	[tilespmem:$0x1D000] =	vst v63  }
0x131: {  	_ =	swait.ge [sflag:s18], $0x4000  }
0x132: {  	[sflag:s18] =	ssyncset.done $0x0  }
0x133: {  	[sflag:s18] =	ssyncadd.s32 $0xFFFFC000  }
0x134: {  	[tilespmem:s12], [sflag:$0x1] =	stream.indirect.gather [hbm4b:s4+s15], $0x80, s28, s15, $0xb8;
	[tilespmem:$0x1D000] =	vst v63  }
0x135: {  	_ =	swait.ge [sflag:s19], $0x4000  }
0x136: {  	[sflag:s19] =	ssyncset.done $0x0  }
0x137: {  	[sflag:s19] =	ssyncadd.s32 $0xFFFFC000  }
0x138: {  	[spmem:s2] =	stream.indirect.scatter.add.f32 [tilespmem:s16], [sflag:$0x4], $0x80, s29, s15, $0xb8;
	[tilespmem:$0x1D000] =	vst v63  }
0x139: {  	_ =	swait.ge [sflag:s20], $0x4000  }
0x13a: {  	[sflag:s20] =	ssyncset.done $0x0  }
0x13b: {  	[sflag:s20] =	ssyncadd.s32 $0xFFFFC000  }
0x13c: {  	[tilespmem:s16], [sflag:$0x2] =	stream.indirect.gather [hbm4b:s4+s15], $0x80, s30, s15, $0xb8;
	[tilespmem:$0x1D000] =	vst v63  }
0x13d: {  	_ =	swait.ge [sflag:s17], $0x4000  }
0x13e: {  	[sflag:s17] =	ssyncset.done $0x0  }
0x13f: {  	[sflag:s17] =	ssyncadd.s32 $0xFFFFC000  }
0x140: {  	[spmem:s2] =	stream.indirect.scatter.add.f32 [tilespmem:s12], [sflag:$0x3], $0x80, s31, s15, $0xb8;
	[tilespmem:$0x1D000] =	vst v63  }
0x141: {  	_ =	swait.ge [sflag:s18], $0x4000  }
0x142: {  	[sflag:s18] =	ssyncset.done $0x0  }
0x143: {  	[sflag:s18] =	ssyncadd.s32 $0xFFFFC000  }
0x144: {  	[tilespmem:s12], [sflag:$0x1] =	stream.indirect.gather [hbm4b:s4+s15], $0x80, s0, s15, $0xb8;
	[tilespmem:$0x1D000] =	vst v63  }
0x145: {  	_ =	swait.ge [sflag:s19], $0x4000  }
0x146: {  	[sflag:s19] =	ssyncset.done $0x0  }
0x147: {  	[sflag:s19] =	ssyncadd.s32 $0xFFFFC000  }
0x148: {  	[spmem:s2] =	stream.indirect.scatter.add.f32 [tilespmem:s16], [sflag:$0x4], $0x80, s1, s15, $0xb8;
	[tilespmem:$0x1D000] =	vst v63  }
0x149: {  	_ =	swait.ge [sflag:s20], $0x4000  }
0x14a: {  	[sflag:s20] =	ssyncset.done $0x0  }
0x14b: {  	[sflag:s20] =	ssyncadd.s32 $0xFFFFC000  }
0x14c: {  	[tilespmem:s16], [sflag:$0x2] =	stream.indirect.gather [hbm4b:s4+s15], $0x80, s6, s15, $0xb8;
	[tilespmem:$0x1D000] =	vst v63  }
0x14d: {  	_ =	swait.ge [sflag:s17], $0x4000  }
0x14e: {  	[sflag:s17] =	ssyncset.done $0x0  }
0x14f: {  	[sflag:s17] =	ssyncadd.s32 $0xFFFFC000  }
0x150: {  	[spmem:s2] =	stream.indirect.scatter.add.f32 [tilespmem:s12], [sflag:$0x3], $0x80, s7, s15, $0xb8;
	[tilespmem:$0x1D000] =	vst v63  }
0x151: {  	_ =	swait.ge [sflag:s19], $0x4000  }
0x152: {  	[sflag:s19] =	ssyncset.done $0x0  }
0x153: {  	p0 =	sne.s32 s11, $0x900;
	[sflag:s19] =	ssyncadd.s32 $0xFFFFC000  }
0x154: {  	[spmem:s2] =	stream.indirect.scatter.add.f32 [tilespmem:s16], [sflag:$0x4], $0x80, s8, s15, $0xb8;
	[tilespmem:$0x1D000] =	vst v63  }
.Ltmp1:
0x155: {  	_ =	swait.ge [sflag:s18], $0x4000;
	(pc) =	sbr.rel @p0 .LBB2_4-.Ltmp1, $4  }
0x156: {  	[sflag:s18] =	ssyncset.done $0x0  }
0x157: {  	[sflag:s18] =	ssyncadd.s32 $0xFFFFC000  }
0x158: {  	_ =	swait.ge [sflag:s20], $0x4000  }
0x159: {  	s11 =	sadd.s32 $0x100, s11;
	s5 =	rddreg [dreg:$0x3];
	[sflag:s20] =	ssyncset.done $0x0  }
0x15a: {  	[sflag:s20] =	ssyncadd.s32 $0xFFFFC000;
	s5 =	sadd.s32 s10, s5  }
0x15b: {  	[tilespmem:s3], [sflag:$0x5] =	stream.linear.gather [hbm4b:s5+s3], $0x800, $0x38;
	[tilespmem:$0x1D000] =	vst v63  }
0x15c: {  	_ =	swait.ge [sflag:s13], $0x800  }
0x15d: {  	s9 =	rddreg [dreg:$0x4];
	[sflag:s13] =	ssyncset.done $0x0  }
0x15e: {  	[sflag:s13] =	ssyncadd.s32 $0xFFFFF800;
	s5 =	sadd.s32 s10, s9  }
0x15f: {  	[tilespmem:s14], [sflag:$0x5] =	stream.linear.gather [hbm4b:s5+s3], $0x800, $0x38;
	[tilespmem:$0x1D000] =	vst v63  }
0x160: {  	_ =	swait.ge [sflag:s13], $0x800  }
0x161: {  	[sflag:s13] =	ssyncset.done $0x0  }
0x162: {  	[sflag:s13] =	ssyncadd.s32 $0xFFFFF800  }
0x163: {  	[tilespmem:s12], [sflag:$0x1] =	stream.indirect.gather [hbm4b:s4+s15], $0x80, s3, s15, $0xb8;
	[tilespmem:$0x1D000] =	vst v63  }
0x164: {  	_ = 	snop  }
0x165: {  	[tilespmem:s16], [sflag:$0x2] =	stream.indirect.gather [hbm4b:s4+s15], $0x80, s15, s15, $0xb8;
	[tilespmem:$0x1D000] =	vst v63  }
0x166: {  	_ =	swait.ge [sflag:s17], $0x4000  }
0x167: {  	[sflag:s17] =	ssyncset.done $0x0  }
0x168: {  	[sflag:s17] =	ssyncadd.s32 $0xFFFFC000  }
0x169: {  	[spmem:s2] =	stream.indirect.scatter.add.f32 [tilespmem:s12], [sflag:$0x3], $0x80, s14, s15, $0xb8;
	[tilespmem:$0x1D000] =	vst v63  }
0x16a: {  	_ =	swait.ge [sflag:s18], $0x4000  }
0x16b: {  	[sflag:s18] =	ssyncset.done $0x0  }
0x16c: {  	s11 =	rddreg [dreg:$0x5];
	[sflag:s18] =	ssyncadd.s32 $0xFFFFC000  }
0x16d: {  	[tilespmem:s12], [sflag:$0x1] =	stream.indirect.gather [hbm4b:s4+s15], $0x80, s11, s15, $0xb8;
	[tilespmem:$0x1D000] =	vst v63  }
0x16e: {  	_ =	swait.ge [sflag:s19], $0x4000  }
0x16f: {  	[sflag:s19] =	ssyncset.done $0x0  }
0x170: {  	s9 =	rddreg [dreg:$0x6];
	[sflag:s19] =	ssyncadd.s32 $0xFFFFC000  }
0x171: {  	[spmem:s2] =	stream.indirect.scatter.add.f32 [tilespmem:s16], [sflag:$0x4], $0x80, s9, s15, $0xb8;
	[tilespmem:$0x1D000] =	vst v63  }
0x172: {  	_ =	swait.ge [sflag:s20], $0x4000  }
0x173: {  	[sflag:s20] =	ssyncset.done $0x0  }
0x174: {  	s10 =	rddreg [dreg:$0x7];
	[sflag:s20] =	ssyncadd.s32 $0xFFFFC000  }
0x175: {  	[tilespmem:s16], [sflag:$0x2] =	stream.indirect.gather [hbm4b:s4+s15], $0x80, s10, s15, $0xb8;
	[tilespmem:$0x1D000] =	vst v63  }
0x176: {  	_ =	swait.ge [sflag:s17], $0x4000  }
0x177: {  	[sflag:s17] =	ssyncset.done $0x0  }
0x178: {  	s11 =	rddreg [dreg:$0x8];
	[sflag:s17] =	ssyncadd.s32 $0xFFFFC000  }
0x179: {  	[spmem:s2] =	stream.indirect.scatter.add.f32 [tilespmem:s12], [sflag:$0x3], $0x80, s11, s15, $0xb8;
	[tilespmem:$0x1D000] =	vst v63  }
0x17a: {  	_ =	swait.ge [sflag:s18], $0x4000  }
0x17b: {  	[sflag:s18] =	ssyncset.done $0x0  }
0x17c: {  	s9 =	rddreg [dreg:$0x9];
	[sflag:s18] =	ssyncadd.s32 $0xFFFFC000  }
0x17d: {  	[tilespmem:s12], [sflag:$0x1] =	stream.indirect.gather [hbm4b:s4+s15], $0x80, s9, s15, $0xb8;
	[tilespmem:$0x1D000] =	vst v63  }
0x17e: {  	_ =	swait.ge [sflag:s19], $0x4000  }
0x17f: {  	[sflag:s19] =	ssyncset.done $0x0  }
0x180: {  	s10 =	rddreg [dreg:$0xa];
	[sflag:s19] =	ssyncadd.s32 $0xFFFFC000  }
0x181: {  	[spmem:s2] =	stream.indirect.scatter.add.f32 [tilespmem:s16], [sflag:$0x4], $0x80, s10, s15, $0xb8;
	[tilespmem:$0x1D000] =	vst v63  }
0x182: {  	_ =	swait.ge [sflag:s20], $0x4000  }
0x183: {  	[sflag:s20] =	ssyncset.done $0x0  }
0x184: {  	s11 =	rddreg [dreg:$0xb];
	[sflag:s20] =	ssyncadd.s32 $0xFFFFC000  }
0x185: {  	[tilespmem:s16], [sflag:$0x2] =	stream.indirect.gather [hbm4b:s4+s15], $0x80, s11, s15, $0xb8;
	[tilespmem:$0x1D000] =	vst v63  }
0x186: {  	_ =	swait.ge [sflag:s17], $0x4000  }
0x187: {  	[sflag:s17] =	ssyncset.done $0x0  }
0x188: {  	s9 =	rddreg [dreg:$0xc];
	[sflag:s17] =	ssyncadd.s32 $0xFFFFC000  }
0x189: {  	[spmem:s2] =	stream.indirect.scatter.add.f32 [tilespmem:s12], [sflag:$0x3], $0x80, s9, s15, $0xb8;
	[tilespmem:$0x1D000] =	vst v63  }
0x18a: {  	_ =	swait.ge [sflag:s18], $0x4000  }
0x18b: {  	[sflag:s18] =	ssyncset.done $0x0  }
0x18c: {  	s10 =	rddreg [dreg:$0xd];
	[sflag:s18] =	ssyncadd.s32 $0xFFFFC000  }
0x18d: {  	[tilespmem:s12], [sflag:$0x1] =	stream.indirect.gather [hbm4b:s4+s15], $0x80, s10, s15, $0xb8;
	[tilespmem:$0x1D000] =	vst v63  }
0x18e: {  	_ =	swait.ge [sflag:s19], $0x4000  }
0x18f: {  	[sflag:s19] =	ssyncset.done $0x0  }
0x190: {  	s11 =	rddreg [dreg:$0xe];
	[sflag:s19] =	ssyncadd.s32 $0xFFFFC000  }
0x191: {  	[spmem:s2] =	stream.indirect.scatter.add.f32 [tilespmem:s16], [sflag:$0x4], $0x80, s11, s15, $0xb8;
	[tilespmem:$0x1D000] =	vst v63  }
0x192: {  	_ =	swait.ge [sflag:s20], $0x4000  }
0x193: {  	[sflag:s20] =	ssyncset.done $0x0  }
0x194: {  	s9 =	rddreg [dreg:$0xf];
	[sflag:s20] =	ssyncadd.s32 $0xFFFFC000  }
0x195: {  	[tilespmem:s16], [sflag:$0x2] =	stream.indirect.gather [hbm4b:s4+s15], $0x80, s9, s15, $0xb8;
	[tilespmem:$0x1D000] =	vst v63  }
0x196: {  	_ =	swait.ge [sflag:s17], $0x4000  }
0x197: {  	[sflag:s17] =	ssyncset.done $0x0  }
0x198: {  	s10 =	rddreg [dreg:$0x10];
	[sflag:s17] =	ssyncadd.s32 $0xFFFFC000  }
0x199: {  	[spmem:s2] =	stream.indirect.scatter.add.f32 [tilespmem:s12], [sflag:$0x3], $0x80, s10, s15, $0xb8;
	[tilespmem:$0x1D000] =	vst v63  }
0x19a: {  	_ =	swait.ge [sflag:s18], $0x4000  }
0x19b: {  	[sflag:s18] =	ssyncset.done $0x0  }
0x19c: {  	s11 =	rddreg [dreg:$0x11];
	[sflag:s18] =	ssyncadd.s32 $0xFFFFC000  }
0x19d: {  	[tilespmem:s12], [sflag:$0x1] =	stream.indirect.gather [hbm4b:s4+s15], $0x80, s11, s15, $0xb8;
	[tilespmem:$0x1D000] =	vst v63  }
0x19e: {  	_ =	swait.ge [sflag:s19], $0x4000  }
0x19f: {  	[sflag:s19] =	ssyncset.done $0x0  }
0x1a0: {  	s9 =	rddreg [dreg:$0x12];
	[sflag:s19] =	ssyncadd.s32 $0xFFFFC000  }
0x1a1: {  	[spmem:s2] =	stream.indirect.scatter.add.f32 [tilespmem:s16], [sflag:$0x4], $0x80, s9, s15, $0xb8;
	[tilespmem:$0x1D000] =	vst v63  }
0x1a2: {  	_ =	swait.ge [sflag:s20], $0x4000  }
0x1a3: {  	[sflag:s20] =	ssyncset.done $0x0  }
0x1a4: {  	[sflag:s20] =	ssyncadd.s32 $0xFFFFC000  }
0x1a5: {  	[tilespmem:s16], [sflag:$0x2] =	stream.indirect.gather [hbm4b:s4+s15], $0x80, s21, s15, $0xb8;
	[tilespmem:$0x1D000] =	vst v63  }
0x1a6: {  	_ =	swait.ge [sflag:s17], $0x4000  }
0x1a7: {  	[sflag:s17] =	ssyncset.done $0x0  }
0x1a8: {  	[sflag:s17] =	ssyncadd.s32 $0xFFFFC000  }
0x1a9: {  	[spmem:s2] =	stream.indirect.scatter.add.f32 [tilespmem:s12], [sflag:$0x3], $0x80, s22, s15, $0xb8;
	[tilespmem:$0x1D000] =	vst v63  }
0x1aa: {  	_ =	swait.ge [sflag:s18], $0x4000  }
0x1ab: {  	[sflag:s18] =	ssyncset.done $0x0  }
0x1ac: {  	[sflag:s18] =	ssyncadd.s32 $0xFFFFC000  }
0x1ad: {  	[tilespmem:s12], [sflag:$0x1] =	stream.indirect.gather [hbm4b:s4+s15], $0x80, s23, s15, $0xb8;
	[tilespmem:$0x1D000] =	vst v63  }
0x1ae: {  	_ =	swait.ge [sflag:s19], $0x4000  }
0x1af: {  	[sflag:s19] =	ssyncset.done $0x0  }
0x1b0: {  	[sflag:s19] =	ssyncadd.s32 $0xFFFFC000  }
0x1b1: {  	[spmem:s2] =	stream.indirect.scatter.add.f32 [tilespmem:s16], [sflag:$0x4], $0x80, s24, s15, $0xb8;
	[tilespmem:$0x1D000] =	vst v63  }
0x1b2: {  	_ =	swait.ge [sflag:s20], $0x4000  }
0x1b3: {  	[sflag:s20] =	ssyncset.done $0x0  }
0x1b4: {  	[sflag:s20] =	ssyncadd.s32 $0xFFFFC000  }
0x1b5: {  	[tilespmem:s16], [sflag:$0x2] =	stream.indirect.gather [hbm4b:s4+s15], $0x80, s25, s15, $0xb8;
	[tilespmem:$0x1D000] =	vst v63  }
0x1b6: {  	_ =	swait.ge [sflag:s17], $0x4000  }
0x1b7: {  	[sflag:s17] =	ssyncset.done $0x0  }
0x1b8: {  	[sflag:s17] =	ssyncadd.s32 $0xFFFFC000  }
0x1b9: {  	[spmem:s2] =	stream.indirect.scatter.add.f32 [tilespmem:s12], [sflag:$0x3], $0x80, s26, s15, $0xb8;
	[tilespmem:$0x1D000] =	vst v63  }
0x1ba: {  	_ =	swait.ge [sflag:s18], $0x4000  }
0x1bb: {  	[sflag:s18] =	ssyncset.done $0x0  }
0x1bc: {  	[sflag:s18] =	ssyncadd.s32 $0xFFFFC000  }
0x1bd: {  	[tilespmem:s12], [sflag:$0x1] =	stream.indirect.gather [hbm4b:s4+s15], $0x80, s28, s15, $0xb8;
	[tilespmem:$0x1D000] =	vst v63  }
0x1be: {  	_ =	swait.ge [sflag:s19], $0x4000  }
0x1bf: {  	[sflag:s19] =	ssyncset.done $0x0  }
0x1c0: {  	[sflag:s19] =	ssyncadd.s32 $0xFFFFC000  }
0x1c1: {  	[spmem:s2] =	stream.indirect.scatter.add.f32 [tilespmem:s16], [sflag:$0x4], $0x80, s29, s15, $0xb8;
	[tilespmem:$0x1D000] =	vst v63  }
0x1c2: {  	_ =	swait.ge [sflag:s20], $0x4000  }
0x1c3: {  	[sflag:s20] =	ssyncset.done $0x0  }
0x1c4: {  	[sflag:s20] =	ssyncadd.s32 $0xFFFFC000  }
0x1c5: {  	[tilespmem:s16], [sflag:$0x2] =	stream.indirect.gather [hbm4b:s4+s15], $0x80, s30, s15, $0xb8;
	[tilespmem:$0x1D000] =	vst v63  }
0x1c6: {  	_ =	swait.ge [sflag:s17], $0x4000  }
0x1c7: {  	[sflag:s17] =	ssyncset.done $0x0  }
0x1c8: {  	[sflag:s17] =	ssyncadd.s32 $0xFFFFC000  }
0x1c9: {  	[spmem:s2] =	stream.indirect.scatter.add.f32 [tilespmem:s12], [sflag:$0x3], $0x80, s31, s15, $0xb8;
	[tilespmem:$0x1D000] =	vst v63  }
0x1ca: {  	_ =	swait.ge [sflag:s18], $0x4000  }
0x1cb: {  	[sflag:s18] =	ssyncset.done $0x0  }
0x1cc: {  	[sflag:s18] =	ssyncadd.s32 $0xFFFFC000  }
0x1cd: {  	[tilespmem:s12], [sflag:$0x1] =	stream.indirect.gather [hbm4b:s4+s15], $0x80, s0, s15, $0xb8;
	[tilespmem:$0x1D000] =	vst v63  }
0x1ce: {  	_ =	swait.ge [sflag:s19], $0x4000  }
0x1cf: {  	[sflag:s19] =	ssyncset.done $0x0  }
0x1d0: {  	[sflag:s19] =	ssyncadd.s32 $0xFFFFC000  }
0x1d1: {  	[spmem:s2] =	stream.indirect.scatter.add.f32 [tilespmem:s16], [sflag:$0x4], $0x80, s1, s15, $0xb8;
	[tilespmem:$0x1D000] =	vst v63  }
0x1d2: {  	_ =	swait.ge [sflag:s20], $0x4000  }
0x1d3: {  	[sflag:s20] =	ssyncset.done $0x0  }
0x1d4: {  	[sflag:s20] =	ssyncadd.s32 $0xFFFFC000  }
0x1d5: {  	[tilespmem:s16], [sflag:$0x2] =	stream.indirect.gather [hbm4b:s4+s15], $0x80, s6, s15, $0xb8;
	[tilespmem:$0x1D000] =	vst v63  }
0x1d6: {  	_ =	swait.ge [sflag:s17], $0x4000  }
0x1d7: {  	[sflag:s17] =	ssyncset.done $0x0  }
0x1d8: {  	[sflag:s17] =	ssyncadd.s32 $0xFFFFC000  }
0x1d9: {  	[spmem:s2] =	stream.indirect.scatter.add.f32 [tilespmem:s12], [sflag:$0x3], $0x80, s7, s15, $0xb8;
	[tilespmem:$0x1D000] =	vst v63  }
0x1da: {  	_ =	swait.ge [sflag:s19], $0x4000  }
0x1db: {  	[sflag:s19] =	ssyncset.done $0x0  }
0x1dc: {  	[sflag:s19] =	ssyncadd.s32 $0xFFFFC000  }
0x1dd: {  	[spmem:s2] =	stream.indirect.scatter.add.f32 [tilespmem:s16], [sflag:$0x4], $0x80, s8, s15, $0xb8;
	[tilespmem:$0x1D000] =	vst v63  }
0x1de: {  	_ =	swait.ge [sflag:s18], $0x4000  }
0x1df: {  	[sflag:s18] =	ssyncset.done $0x0  }
0x1e0: {  	[sflag:s18] =	ssyncadd.s32 $0xFFFFC000  }
0x1e1: {  	_ =	swait.ge [sflag:s20], $0x4000  }
0x1e2: {  	[sflag:s20] =	ssyncset.done $0x0  }
0x1e3: {  	[sflag:s20] =	ssyncadd.s32 $0xFFFFC000  }
0x1e4: {  	s10 =	stileid.u32;
	[bflag:$0x0] =	sbarrier.arrive $0xFFFF  }
0x1e5: {  	s5 =	sshll.u32 s10, $0x6;
	s9 =	rddreg [dreg:$0x13]  }
0x1e6: {  	s5 =	sor.u32 $0x1C05, s5;
	s11 =	rddreg [dreg:$0x14];
	s9 =	sshrl.u32 s9, $0x3  }
0x1e7: {  	[hbm:s11], [sflag:s5] =	dma.local [spmem:s9], $0x2800  }
0x1e8: {  	_ =	swait.ge [sflag:s13], $0x2800  }
0x1e9: {  	s10 =	rddreg [dreg:$0x1a]  }
0x1ea: {  	s11 =	rddreg [dreg:$0x15];
	s9 =	sadd.s32 $0x1, s10  }
0x1eb: {  	p0 =	sne.s32 s9, s11  }
.Ltmp2:
0x1ec: {  	_ = 	snop;
	(pc) =	sbr.rel @p0 .LBB2_1-.Ltmp2, $3  }
0x1ed: {  	_ =	sdelay $0x1  }
0x1ee: {  	[sflag:s13] =	ssyncset.done $0x0  }
0x1ef: {  	[sflag:s13] =	ssyncadd.s32 $0xFFFFD800  }
0x1f0: {  	_ =	sfence.sel $0x180000  }
0x1f1: {  	[bflag:$0x0] =	sbarrier.arrive $0xFFFF  }
0x1f2: {  	_ =	strace $0x9000004A  }
0x1f3: {  	s0 =	stileid.u32;
	[bflag:$0x2] =	sbarrier.arrive $0xFFFF  }
0x1f4: {  	p0 =	sne.s32 s0, $0x0;
	s0 =	rddreg [dreg:$0x2]  }
0x1f5: {  	s0 =	sadd.s32 @!p0 $0x100000, s0  }
0x1f6: {  	[sflag:s0] =	ssyncadd.tile.s32 @!p0 $0x1;
	_ =	shalt  }
.Lfunc_end2:
_tile_overlayer_lowered:
.L_overlay_start_2:
0x1f7: {  	(tag) =	ssettag $0x2  }
0x1f8: {  	s0 =	rddreg [dreg:$0x0];
	s2 =	stileid.u32  }
0x1f9: {  	s1 =	rddreg [dreg:$0x1];
	p0 =	sne.s32 s2, $0x0  }
0x1fa: {  	s3 =	rddreg [dreg:$0x2];
	[bflag:$0x3] =	sbarrier.arrive $0xFFFF;
	s2 =	simm.s32 @!p0 $0x1C05  }
0x1fb: {  	[timem:s3], [sflag:s2] =	dma.local @!p0 [hbm:s0], s1  }
0x1fc: {  	s0 =	simm.s32 @!p0 $0x5  }
0x1fd: {  	_ =	swait.ge @!p0 [sflag:s0], s1  }
0x1fe: {  	s1 =	ssub.s32 @!p0 $0x0, s1;
	[sflag:s0] =	ssyncset.done @!p0 $0x0  }
0x1ff: {  	[sflag:s0] =	ssyncadd.s32 @!p0 s1  }
0x200: {  	[bflag:$0x3] =	sbarrier.arrive $0xFFFF  }
0x201: {  	_ =	shalt  }

// kernel: kernel.16.cloned.1.call-start
scs
__scs_entry_jumppad:
0x0: {  	(pc) =	sbr.rel $0x88, $3  }
0x1: {  	(tag) =	ssettag $0x0;
	lr =	simm.s32 $0x1  }
0x2: {  	[smem:$0x3F94] =	sst lr;
	_ =	strace $0xD0000000  }
0x3: {  	_ = 	snop  }
0x4: {  	_ = 	snop  }
0x5: {  	_ = 	snop  }
0x6: {  	_ = 	snop  }
0x7: {  	_ = 	snop  }
__scs_overlays_trampoline_lowered:
0x8: {  	[smem:$0x3FA3] =	sst s0  }
0x9: {  	[smem:$0x3FA4] =	sst s1  }
0xa: {  	[smem:$0x3FA5] =	sst s2  }
0xb: {  	[smem:$0x3FA6] =	sst s3  }
0xc: {  	[smem:$0x3FA7] =	sst s4  }
0xd: {  	[smem:$0x3FA8] =	sst s5  }
0xe: {  	[smem:$0x3FA9] =	sst s6  }
0xf: {  	[smem:$0x3FAA] =	sst s7  }
0x10: {  	[smem:$0x3FAB] =	sst s8  }
0x11: {  	[smem:$0x3FAC] =	sst s9;
	s0 =	simm.s32 @!p0 $0x0  }
0x12: {  	s1 =	sld [smem:$0x3F92];
	s0 =	simm.s32 @p0 $0x1  }
0x13: {  	[smem:$0x3FAD] =	sst s0;
	s0 =	simm.s32 @!p1 $0x0  }
0x14: {  	s2 =	sld [smem:$0x3F91];
	s0 =	simm.s32 @p1 $0x1  }
0x15: {  	[smem:$0x3FAE] =	sst s0;
	s0 =	simm.s32 @!p2 $0x0  }
0x16: {  	s3 =	sld [smem:$0x3FDB];
	s0 =	simm.s32 @p2 $0x1  }
0x17: {  	s4 =	simm.s32 $0x1BF5;
	[smem:$0x3FB0] =	sst s0  }
0x18: {  	s0 =	sld [smem:$0x3F93];
	_ =	swait.ge [sflag:s4], $0x0  }
0x19: {  	s7 =	sld [smem:$0x3F94]  }
0x1a: {  	s8 =	sadd.s32 $0xFFFFE003, lr  }
0x1b: {  	s9 =	sadd.s32 $0xFFFFFEF7, lr;
	s5 =	simm.s32 $0xFFFFFFFF;
	p2 =	slt.u32 s8, $0xFFFFF086  }
0x1c: {  	p1 =	slt.u32 s9, $0xF7A;
	s5 =	simm.s32 @!p2 $0x0  }
0x1d: {  	s5 =	simm.s32 @p1 $0x1;
	p0 =	seq.s32 s7, s2  }
0x1e: {  	s7 =	smul.u32 @!p0 $0xF7A, s2;
	p2 =	seq.s32 @!p0 s5, $0x0  }
0x1f: {  	s9 =	smul.u32 $0xF7A, s1;
	s8 =	simm.s32 @!p0 $0x1BF5;
	p2 =	por !p2, p0  }
0x20: {  	[sflag:s8] =	ssyncset.s32 @!p0 $0xFFFFF086;
	s6 =	sadd.s32 @!p0 s3, s7;
	s7 =	simm.s32 @!p0 $0x108  }
0x21: {  	s3 =	sadd.s32 s3, s9;
	s6 =	sadd.s32 @!p0 $0x88, s6;
	s7 =	simm.s32 @p2 $0x1082  }
0x22: {  	[simem:s7], [sflag:s8] =	dma.local @!p0 [hbm:s6], $0xF7A  }
0x23: {  	s9 =	sor.u32 $0xD0000000, s2;
	s6 =	simm.s32 $0x108;
	_ =	swait.ge @!p0 [sflag:s8], $0x0  }
0x24: {  	s3 =	sadd.s32 $0x88, s3;
	s6 =	simm.s32 @!p1 $0x1082;
	[sflag:s4] =	ssyncset.s32 $0xFFFFF086  }
0x25: {  	[simem:s6], [sflag:s4] =	dma.local [hbm:s3], $0xF7A  }
0x26: {  	[smem:$0x3F94] =	sst s1;
	(tag) =	ssettag s2;
	_ =	strace s9  }
0x27: {  	s1 =	sld [smem:$0x3FA4]  }
0x28: {  	s2 =	sld [smem:$0x3FA5]  }
0x29: {  	s4 =	sld [smem:$0x3FA7]  }
0x2a: {  	p0 =	seq.s32 s5, $0x0;
	s5 =	sld [smem:$0x3FA8]  }
0x2b: {  	s6 =	sld [smem:$0x3FA9]  }
0x2c: {  	s7 =	sld [smem:$0x3FAA]  }
0x2d: {  	s3 =	simm.s32 $0x108;
	s8 =	sld [smem:$0x3FAB]  }
0x2e: {  	s3 =	simm.s32 @!p0 $0x1082;
	s9 =	sld [smem:$0x3FAC]  }
0x2f: {  	lr =	sadd.s32 s0, s3;
	s0 =	sld [smem:$0x3FA3]  }
0x30: {  	s3 =	sld [smem:$0x3FA6]  }
0x31: {  	[smem:$0x3FAF] =	sst s10  }
0x32: {  	s10 =	sld [smem:$0x3FAD];
	_ =	sdelay $0x3  }
0x33: {  	p0 =	seq.s32 s10, $0x1;
	s10 =	sld [smem:$0x3FAF];
	_ =	sdelay $0x3  }
0x34: {  	[smem:$0x3FAF] =	sst s10  }
0x35: {  	s10 =	sld [smem:$0x3FAE];
	_ =	sdelay $0x3  }
0x36: {  	p1 =	seq.s32 s10, $0x1;
	s10 =	sld [smem:$0x3FAF];
	_ =	sdelay $0x3  }
0x37: {  	[smem:$0x3FAF] =	sst s10  }
0x38: {  	s10 =	sld [smem:$0x3FB0]  }
0x39: {  	_ = 	snop;
	(pc) =	sbr.ind lr, $3  }
0x3a: {  	_ = 	snop  }
0x3b: {  	_ = 	snop  }
0x3c: {  	p2 =	seq.s32 s10, $0x1;
	s10 =	sld [smem:$0x3FAF]  }
0x3d: {  	_ =	shalt  }
0x3e: {  	_ =	shalt  }
0x3f: {  	_ =	shalt  }
0x40: {  	_ =	shalt  }
0x41: {  	_ =	shalt  }
0x42: {  	_ =	shalt  }
0x43: {  	_ =	shalt  }
0x44: {  	_ =	shalt  }
0x45: {  	_ =	shalt  }
0x46: {  	_ =	shalt  }
0x47: {  	_ =	shalt  }
0x48: {  	_ =	shalt  }
0x49: {  	_ =	shalt  }
0x4a: {  	_ =	shalt  }
0x4b: {  	_ =	shalt  }
0x4c: {  	_ =	shalt  }
0x4d: {  	_ =	shalt  }
0x4e: {  	_ =	shalt  }
0x4f: {  	_ =	shalt  }
0x50: {  	_ =	shalt  }
0x51: {  	_ =	shalt  }
0x52: {  	_ =	shalt  }
0x53: {  	_ =	shalt  }
0x54: {  	_ =	shalt  }
0x55: {  	_ =	shalt  }
0x56: {  	_ =	shalt  }
0x57: {  	_ =	shalt  }
0x58: {  	_ =	shalt  }
0x59: {  	_ =	shalt  }
0x5a: {  	_ =	shalt  }
0x5b: {  	_ =	shalt  }
0x5c: {  	_ =	shalt  }
0x5d: {  	_ =	shalt  }
0x5e: {  	_ =	shalt  }
0x5f: {  	_ =	shalt  }
0x60: {  	_ =	shalt  }
0x61: {  	_ =	shalt  }
0x62: {  	_ =	shalt  }
0x63: {  	_ =	shalt  }
0x64: {  	_ =	shalt  }
0x65: {  	_ =	shalt  }
0x66: {  	_ =	shalt  }
0x67: {  	_ =	shalt  }
0x68: {  	_ =	shalt  }
0x69: {  	_ =	shalt  }
0x6a: {  	_ =	shalt  }
0x6b: {  	_ =	shalt  }
0x6c: {  	_ =	shalt  }
0x6d: {  	_ =	shalt  }
0x6e: {  	_ =	shalt  }
0x6f: {  	_ =	shalt  }
0x70: {  	_ =	shalt  }
0x71: {  	_ =	shalt  }
0x72: {  	_ =	shalt  }
0x73: {  	_ =	shalt  }
0x74: {  	_ =	shalt  }
0x75: {  	_ =	shalt  }
0x76: {  	_ =	shalt  }
0x77: {  	_ =	shalt  }
0x78: {  	_ =	shalt  }
0x79: {  	_ =	shalt  }
0x7a: {  	_ =	shalt  }
0x7b: {  	_ =	shalt  }
0x7c: {  	_ =	shalt  }
0x7d: {  	_ =	shalt  }
0x7e: {  	_ =	shalt  }
0x7f: {  	_ =	shalt  }
0x80: {  	_ =	shalt  }
0x81: {  	_ =	shalt  }
0x82: {  	_ =	shalt  }
0x83: {  	_ =	shalt  }
0x84: {  	_ =	shalt  }
0x85: {  	_ =	shalt  }
0x86: {  	_ =	shalt  }
0x87: {  	_ =	shalt  }
.Lfunc_end0:
.L_simem_size_0:
called_computation.2_lowered:
.L_overlay_start_0:
0x88: {  	s2 =	sld [smem:$0x3FD9]  }
0x89: {  	s3 =	sld [smem:$0x3FFE];
	_ =	sdelay $0x1  }
0x8a: {  	s1 =	srdreg.scid  }
0x8b: {  	s0 =	sand.u32 $0x1, s1  }
0x8c: {  	s16 =	sshll.u32 s0, $0xA;
	s2 =	sadd.s32 s3, s2  }
0x8d: {  	s2 =	sadd.s32 s2, s16  }
0x8e: {  	[smem:$0x3FBB] =	sst s2  }
0x8f: {  	_ = 	snop  }
0x90: {  	(tm) =	ssettm $0x1  }
0x91: {  	s17 =	sld [smem:$0x3FFB];
	_ =	sdelay $0x3  }
0x92: {  	_ =	strace s17  }
0x93: {  	s2 =	sld [smem:$0x3FFC];
	_ =	sdelay $0x3  }
0x94: {  	_ =	strace s2  }
0x95: {  	s2 =	sld [smem:$0x3FFD];
	_ =	sdelay $0x3  }
0x96: {  	_ =	strace s2  }
0x97: {  	_ =	strace $0x8FFFFFFF  }
0x98: {  	s18 =	sld [smem:$0x3FDB];
	_ =	sdelay $0x1  }
0x99: {  	s19 =	simm.s32 $_scs_section_size  }
0x9a: {  	s4 =	simm.s32 $_size__tile_overlayer_lowered;
	s5 =	simm.s32 $_tile_overlayer_lowered  }
0x9b: {  	s22 =	simm.s32 $0x1BFF;
	s21 =	sshll.u32 s5, $0x1;
	s2 =	sadd.s32 s19, s18  }
0x9c: {  	s6 =	simm.s32 $0x0;
	s20 =	sshll.u32 s4, $0x1;
	s4 =	sadd.s32 s21, s2  }
0x9d: {  	[timem:s6], [sflag:s22] =	dma.local [hbm:s4], s20  }
0x9e: {  	_ =	swait.ge [sflag:s22], s20  }
0x9f: {  	s3 =	ssub.s32 $0x0, s20;
	[sflag:s22] =	ssyncset.done $0x0  }
0xa0: {  	[sflag:s22] =	ssyncadd.s32 s3;
	_ =	sdelay $0x1  }
0xa1: {  	s23 =	simm.s32 $0x1B8B  }
0xa2: {  	_ =	swait.ge [sflag:s23], $0x1  }
0xa3: {  	[sflag:s23] =	ssyncset.done $0x0  }
0xa4: {  	s25 =	simm.s32 $0x1B8E;
	s24 =	sld [smem:$0x3FFE];
	[sflag:s23] =	ssyncadd.s32 $0xFFFFFFFF  }
0xa5: {  	s26 =	simm.s32 $execute0_lowered;
	[smem:$0x3FD2] =	sst s25  }
0xa6: {  	s4 =	sshll.u32 s26, $0x1;
	_ =	strace $0x8000004C;
	[dreg:$0x1] =	wrdreg $0xFFFFFFFF  }
0xa7: {  	s28 =	simm.s32 $_size_execute0_lowered;
	s2 =	sadd.s32 s2, s4;
	[dreg:$0x0] =	wrdreg $0x0  }
0xa8: {  	s4 =	sshll.u32 s28, $0x1;
	[dreg:$0x2] =	wrdreg s2  }
0xa9: {  	[dreg:$0x3] =	wrdreg s4  }
0xaa: {  	[dreg:$0x4] =	wrdreg $0xC0  }
0xab: {  	_ =	task [dreg:s6], $0x5FFFF  }
0xac: {  	[dreg:$0x1] =	wrdreg $0xFFFFFFFF  }
0xad: {  	[dreg:$0x0] =	wrdreg $0x60  }
0xae: {  	[dreg:$0x2] =	wrdreg s24  }
0xaf: {  	[dreg:$0x3] =	wrdreg $0x90000  }
0xb0: {  	[dreg:$0x4] =	wrdreg $0x9  }
0xb1: {  	_ =	task.clear_ibuf [dreg:s6], $0x5FFFF;
	_ =	strace $0x9000004C  }
0xb2: {  	s29 =	simm.s32 $0x9;
	_ =	strace $0x8000004E  }
0xb3: {  	_ =	swait.ge [sflag:s29], $0x1  }
0xb4: {  	[sflag:s29] =	ssyncadd.s32 $0xFFFFFFFF  }
0xb5: {  	_ =	strace $0x9000004E  }
0xb6: {  	_ =	sfence  }
0xb7: {  	s30 =	sld [smem:$0x0];
	_ =	sdelay $0x2  }
0xb8: {  	s31 =	sshll.u32 s1, $0xD;
	s1 =	sshrl.u32 s1, $0x2  }
0xb9: {  	s3 =	sand.u32 $0x4000, s31;
	s1 =	sadd.s32 s1, s30  }
0xba: {  	s0 =	sor.u32 s3, s0;
	s1 =	sshll.u32 s1, $0x11  }
0xbb: {  	s0 =	sor.u32 s1, s0  }
0xbc: {  	s0 =	sadd.s32 $0x8F2B, s0  }
0xbd: {  	[sflag:s0] =	ssyncadd.remote.s32 $0x1  }
0xbe: {  	_ =	sfence.sel $0xFFFF  }
0xbf: {  	[dreg:$0x0] =	wrdreg $0xFFFFFFFF;
	(pc) =	sbr.abs _section_cstart, $3  }
0xc0: {  	[dreg:$0x1] =	wrdreg $0xFFFFFFFF  }
0xc1: {  	_ =	task.clear_ibuf [dreg:s6], $0x2FFFF;
	_ =	strace $0x9FFFFFFF  }
0xc2: {  	(tm) =	ssettm $0x7FFFFFFF  }
0xc3: {  	_ =	shalt  }
tec
execute0_lowered:
.L_overlay_start_1:
0x0: {  	(tag) =	ssettag $0x1  }
0x1: {  	s0 =	rddreg [dreg:$0x0]  }
0x2: {  	s2 =	rddreg [dreg:$0x1];
	s9 =	stileid.u32  }
0x3: {  	s1 =	srdreg.scid;
	s3 =	simm.s32 $0x0;
	s5 =	smul.u32 $0xA00, s9  }
0x4: {  	s10 =	simm.s32 $0x880;
	s12 =	simm.s32 $0x180;
	s7 =	smul.u32 $0x2800, s9  }
0x5: {  	[smem:$0x7FF] =	sst s3;
	s25 =	smul.u32 $0x50000, s9;
	s9 =	simm.s32 $0x100  }
0x6: {  	s14 =	simm.s32 $0x900;
	_ =	strace $0x8000004D;
	[dreg:$0x5] =	wrdreg s9  }
0x7: {  	s16 =	simm.s32 $0x200;
	s18 =	simm.s32 $0x980;
	[dreg:$0x6] =	wrdreg s10  }
0x8: {  	s19 =	simm.s32 $0x280;
	s20 =	simm.s32 $0xA00;
	[dreg:$0x7] =	wrdreg s12  }
0x9: {  	s21 =	simm.s32 $0x300;
	s22 =	simm.s32 $0xA80;
	[dreg:$0x8] =	wrdreg s14  }
0xa: {  	s23 =	simm.s32 $0x380;
	s24 =	simm.s32 $0xB00;
	[dreg:$0x9] =	wrdreg s16  }
0xb: {  	s28 =	simm.s32 $0x600;
	s29 =	simm.s32 $0xD80;
	[dreg:$0xa] =	wrdreg s18  }
0xc: {  	s30 =	simm.s32 $0x680;
	s1 =	sand.u32 $0x1, s1;
	[dreg:$0xb] =	wrdreg s19  }
0xd: {  	s31 =	simm.s32 $0xE00;
	s6 =	smul.u32 $0x28000, s1;
	[dreg:$0xc] =	wrdreg s20  }
0xe: {  	s4 =	sadd.s32 $0x21A00, s0;
	s8 =	smul.u32 $0xA000, s1;
	[dreg:$0xd] =	wrdreg s21  }
0xf: {  	s1 =	ssub.s32 $0x2, s1;
	s12 =	simm.s32 $0x1000;
	[dreg:$0xe] =	wrdreg s22  }
0x10: {  	s14 =	simm.s32 $0x800;
	s16 =	simm.s32 $0x5000;
	[dreg:$0xf] =	wrdreg s23  }
0x11: {  	s18 =	simm.s32 $0x3;
	[dreg:$0x10] =	wrdreg s24;
	s19 =	simm.s32 $0x2  }
0x12: {  	s20 =	simm.s32 $0x4;
	s21 =	simm.s32 $0x480;
	s22 =	simm.s32 $0xC00  }
0x13: {  	s23 =	simm.s32 $0x500;
	s5 =	sadd.s32 s5, s0;
	s26 =	sshrl.u32 s1, $0x1  }
0x14: {  	s6 =	sadd.s32 s7, s6;
	s8 =	sadd.s32 s8, s5;
	s5 =	sadd.s32 $0x3000, s5  }
0x15: {  	s7 =	sshrl.u32 s25, $0x2;
	s25 =	simm.s32 $0x400;
	[dreg:$0x4] =	wrdreg s5  }
0x16: {  	s1 =	ssub.s32 s1, s26;
	s26 =	simm.s32 $0xB80;
	[dreg:$0x11] =	wrdreg s25  }
0x17: {  	s24 =	simm.s32 $0xC80;
	s8 =	sadd.s32 $0xDA00, s8;
	[dreg:$0x12] =	wrdreg s26  }
0x18: {  	s9 =	simm.s32 $0x0;
	s1 =	smax.u32 s1, $0x1;
	[dreg:$0x3] =	wrdreg s8  }
0x19: {  	s0 =	sadd.s32 s6, s0;
	s6 =	sadd.s32 s7, s2;
	[dreg:$0x15] =	wrdreg s1  }
0x1a: {  	s25 =	simm.s32 $0x580;
	s0 =	sadd.s32 $0x71A00, s0;
	[dreg:$0x13] =	wrdreg s6  }
0x1b: {  	s26 =	simm.s32 $0xD00;
	s11 =	sadd.s32 $0x4000, s6;
	[dreg:$0x14] =	wrdreg s0  }
0x1c: {  	s7 =	simm.s32 $0xF00;
	s13 =	sadd.s32 $0x8000, s6;
	[dreg:$0x16] =	wrdreg s11  }
0x1d: {  	s15 =	sadd.s32 $0xC000, s6;
	s17 =	sadd.s32 $0x10000, s6;
	[dreg:$0x17] =	wrdreg s13  }
0x1e: {  	s1 =	simm.s32 $0xE80;
	s6 =	simm.s32 $0x780;
	[dreg:$0x18] =	wrdreg s15  }
0x1f: {  	s8 =	simm.s32 $0xF80;
	[dreg:$0x19] =	wrdreg s17;
	s13 =	simm.s32 $0x5  }
0x20: {  	v0 =	vimm.f32 $0.0e+00;
	s15 =	simm.s32 $0x80;
	s17 =	simm.s32 $0x1;
	s0 =	simm.s32 $0x700  }
.LBB2_1:
0x21: {  	s10 =	simm.s32 $0x0;
	s11 =	simm.s32 $0x200  }
.LBB2_2:
0x22: {  	p0 =	sne.s32 s11, $0xFE00;
	[tilespmem:s10+$0x1070] =	vst v0  }
0x23: {  	[tilespmem:s10+$0x1000] =	vst v0  }
0x24: {  	[tilespmem:s10+$0x1010] =	vst v0  }
.Ltmp0:
0x25: {  	[tilespmem:s10+$0x1020] =	vst v0;
	(pc) =	sbr.rel @p0 .LBB2_2-.Ltmp0, $4  }
0x26: {  	[tilespmem:s10+$0x1030] =	vst v0  }
0x27: {  	[tilespmem:s10+$0x1040] =	vst v0  }
0x28: {  	[tilespmem:s10+$0x1050] =	vst v0  }
0x29: {  	[tilespmem:s10+$0x1060] =	vst v0;
	s10 =	sshra.s32 s11, $0x2;
	s11 =	sadd.s32 $0x200, s11  }
0x2a: {  	[tilespmem:s10+$0x1070] =	vst v0  }
0x2b: {  	[tilespmem:s10+$0x1000] =	vst v0  }
0x2c: {  	[tilespmem:s10+$0x1010] =	vst v0  }
0x2d: {  	[tilespmem:s10+$0x1020] =	vst v0  }
0x2e: {  	[tilespmem:s10+$0x1030] =	vst v0  }
0x2f: {  	[tilespmem:s10+$0x1040] =	vst v0  }
0x30: {  	[dreg:$0x1a] =	wrdreg s9;
	[tilespmem:s10+$0x1050] =	vst v0  }
0x31: {  	[tilespmem:s10+$0x1060] =	vst v0;
	s5 =	rddreg [dreg:$0x13]  }
0x32: {  	[spmem:s5] =	stream.linear.scatter [tilespmem:s12], [sflag:$0x5], $0x4000, $0x38;
	[tilespmem:$0x1D000] =	vst v63  }
0x33: {  	_ =	swait.ge [sflag:s13], $0x4000  }
0x34: {  	[sflag:s13] =	ssyncset.done $0x0  }
0x35: {  	s10 =	rddreg [dreg:$0x16];
	[sflag:s13] =	ssyncadd.s32 $0xFFFFC000  }
0x36: {  	[spmem:s10] =	stream.linear.scatter [tilespmem:s12], [sflag:$0x5], $0x4000, $0x38;
	[tilespmem:$0x1D000] =	vst v63  }
0x37: {  	_ =	swait.ge [sflag:s13], $0x4000  }
0x38: {  	[sflag:s13] =	ssyncset.done $0x0  }
0x39: {  	s11 =	rddreg [dreg:$0x17];
	[sflag:s13] =	ssyncadd.s32 $0xFFFFC000  }
0x3a: {  	[spmem:s11] =	stream.linear.scatter [tilespmem:s12], [sflag:$0x5], $0x4000, $0x38;
	[tilespmem:$0x1D000] =	vst v63  }
0x3b: {  	_ =	swait.ge [sflag:s13], $0x4000  }
0x3c: {  	[sflag:s13] =	ssyncset.done $0x0  }
0x3d: {  	s9 =	rddreg [dreg:$0x18];
	[sflag:s13] =	ssyncadd.s32 $0xFFFFC000  }
0x3e: {  	[spmem:s9] =	stream.linear.scatter [tilespmem:s12], [sflag:$0x5], $0x4000, $0x38;
	[tilespmem:$0x1D000] =	vst v63  }
0x3f: {  	_ =	swait.ge [sflag:s13], $0x4000  }
0x40: {  	[sflag:s13] =	ssyncset.done $0x0  }
0x41: {  	s10 =	rddreg [dreg:$0x19];
	[sflag:s13] =	ssyncadd.s32 $0xFFFFC000  }
0x42: {  	[spmem:s10] =	stream.linear.scatter [tilespmem:s12], [sflag:$0x5], $0x4000, $0x38;
	[tilespmem:$0x1D000] =	vst v63  }
0x43: {  	_ =	swait.ge [sflag:s13], $0x4000  }
0x44: {  	[sflag:s13] =	ssyncset.done $0x0  }
0x45: {  	[sflag:s13] =	ssyncadd.s32 $0xFFFFC000  }
0x46: {  	[bflag:$0x0] =	sbarrier.arrive $0xFFFF  }
0x47: {  	s11 =	rddreg [dreg:$0x3]  }
0x48: {  	s5 =	sadd.s32 $0x0, s11  }
0x49: {  	[tilespmem:s3], [sflag:$0x5] =	stream.linear.gather [hbm4b:s5+s3], $0x800, $0x38;
	[tilespmem:$0x1D000] =	vst v63  }
0x4a: {  	_ =	swait.ge [sflag:s13], $0x800  }
0x4b: {  	s9 =	rddreg [dreg:$0x4];
	[sflag:s13] =	ssyncset.done $0x0  }
0x4c: {  	[sflag:s13] =	ssyncadd.s32 $0xFFFFF800;
	s5 =	sadd.s32 $0x0, s9  }
0x4d: {  	[tilespmem:s14], [sflag:$0x5] =	stream.linear.gather [hbm4b:s5+s3], $0x800, $0x38;
	[tilespmem:$0x1D000] =	vst v63  }
0x4e: {  	_ =	swait.ge [sflag:s13], $0x800  }
0x4f: {  	[sflag:s13] =	ssyncset.done $0x0  }
0x50: {  	[sflag:s13] =	ssyncadd.s32 $0xFFFFF800  }
0x51: {  	[tilespmem:s12], [sflag:$0x1] =	stream.indirect.gather [hbm4b:s4+s15], $0x80, s3, s15, $0xb8;
	[tilespmem:$0x1D000] =	vst v63  }
0x52: {  	_ = 	snop  }
0x53: {  	[tilespmem:s16], [sflag:$0x2] =	stream.indirect.gather [hbm4b:s4+s15], $0x80, s15, s15, $0xb8;
	[tilespmem:$0x1D000] =	vst v63  }
0x54: {  	_ =	swait.ge [sflag:s17], $0x4000  }
0x55: {  	[sflag:s17] =	ssyncset.done $0x0  }
0x56: {  	[sflag:s17] =	ssyncadd.s32 $0xFFFFC000  }
0x57: {  	[spmem:s2] =	stream.indirect.scatter.add.f32 [tilespmem:s12], [sflag:$0x3], $0x80, s14, s15, $0xb8;
	[tilespmem:$0x1D000] =	vst v63  }
0x58: {  	_ =	swait.ge [sflag:s18], $0x4000  }
0x59: {  	[sflag:s18] =	ssyncset.done $0x0  }
0x5a: {  	s10 =	rddreg [dreg:$0x5];
	[sflag:s18] =	ssyncadd.s32 $0xFFFFC000  }
0x5b: {  	[tilespmem:s12], [sflag:$0x1] =	stream.indirect.gather [hbm4b:s4+s15], $0x80, s10, s15, $0xb8;
	[tilespmem:$0x1D000] =	vst v63  }
0x5c: {  	_ =	swait.ge [sflag:s19], $0x4000  }
0x5d: {  	[sflag:s19] =	ssyncset.done $0x0  }
0x5e: {  	s11 =	rddreg [dreg:$0x6];
	[sflag:s19] =	ssyncadd.s32 $0xFFFFC000  }
0x5f: {  	[spmem:s2] =	stream.indirect.scatter.add.f32 [tilespmem:s16], [sflag:$0x4], $0x80, s11, s15, $0xb8;
	[tilespmem:$0x1D000] =	vst v63  }
0x60: {  	_ =	swait.ge [sflag:s20], $0x4000  }
0x61: {  	[sflag:s20] =	ssyncset.done $0x0  }
0x62: {  	s9 =	rddreg [dreg:$0x7];
	[sflag:s20] =	ssyncadd.s32 $0xFFFFC000  }
0x63: {  	[tilespmem:s16], [sflag:$0x2] =	stream.indirect.gather [hbm4b:s4+s15], $0x80, s9, s15, $0xb8;
	[tilespmem:$0x1D000] =	vst v63  }
0x64: {  	_ =	swait.ge [sflag:s17], $0x4000  }
0x65: {  	[sflag:s17] =	ssyncset.done $0x0  }
0x66: {  	s10 =	rddreg [dreg:$0x8];
	[sflag:s17] =	ssyncadd.s32 $0xFFFFC000  }
0x67: {  	[spmem:s2] =	stream.indirect.scatter.add.f32 [tilespmem:s12], [sflag:$0x3], $0x80, s10, s15, $0xb8;
	[tilespmem:$0x1D000] =	vst v63  }
0x68: {  	_ =	swait.ge [sflag:s18], $0x4000  }
0x69: {  	[sflag:s18] =	ssyncset.done $0x0  }
0x6a: {  	s11 =	rddreg [dreg:$0x9];
	[sflag:s18] =	ssyncadd.s32 $0xFFFFC000  }
0x6b: {  	[tilespmem:s12], [sflag:$0x1] =	stream.indirect.gather [hbm4b:s4+s15], $0x80, s11, s15, $0xb8;
	[tilespmem:$0x1D000] =	vst v63  }
0x6c: {  	_ =	swait.ge [sflag:s19], $0x4000  }
0x6d: {  	[sflag:s19] =	ssyncset.done $0x0  }
0x6e: {  	s9 =	rddreg [dreg:$0xa];
	[sflag:s19] =	ssyncadd.s32 $0xFFFFC000  }
0x6f: {  	[spmem:s2] =	stream.indirect.scatter.add.f32 [tilespmem:s16], [sflag:$0x4], $0x80, s9, s15, $0xb8;
	[tilespmem:$0x1D000] =	vst v63  }
0x70: {  	_ =	swait.ge [sflag:s20], $0x4000  }
0x71: {  	[sflag:s20] =	ssyncset.done $0x0  }
0x72: {  	s10 =	rddreg [dreg:$0xb];
	[sflag:s20] =	ssyncadd.s32 $0xFFFFC000  }
0x73: {  	[tilespmem:s16], [sflag:$0x2] =	stream.indirect.gather [hbm4b:s4+s15], $0x80, s10, s15, $0xb8;
	[tilespmem:$0x1D000] =	vst v63  }
0x74: {  	_ =	swait.ge [sflag:s17], $0x4000  }
0x75: {  	[sflag:s17] =	ssyncset.done $0x0  }
0x76: {  	s11 =	rddreg [dreg:$0xc];
	[sflag:s17] =	ssyncadd.s32 $0xFFFFC000  }
0x77: {  	[spmem:s2] =	stream.indirect.scatter.add.f32 [tilespmem:s12], [sflag:$0x3], $0x80, s11, s15, $0xb8;
	[tilespmem:$0x1D000] =	vst v63  }
0x78: {  	_ =	swait.ge [sflag:s18], $0x4000  }
0x79: {  	[sflag:s18] =	ssyncset.done $0x0  }
0x7a: {  	s9 =	rddreg [dreg:$0xd];
	[sflag:s18] =	ssyncadd.s32 $0xFFFFC000  }
0x7b: {  	[tilespmem:s12], [sflag:$0x1] =	stream.indirect.gather [hbm4b:s4+s15], $0x80, s9, s15, $0xb8;
	[tilespmem:$0x1D000] =	vst v63  }
0x7c: {  	_ =	swait.ge [sflag:s19], $0x4000  }
0x7d: {  	[sflag:s19] =	ssyncset.done $0x0  }
0x7e: {  	s10 =	rddreg [dreg:$0xe];
	[sflag:s19] =	ssyncadd.s32 $0xFFFFC000  }
0x7f: {  	[spmem:s2] =	stream.indirect.scatter.add.f32 [tilespmem:s16], [sflag:$0x4], $0x80, s10, s15, $0xb8;
	[tilespmem:$0x1D000] =	vst v63  }
0x80: {  	_ =	swait.ge [sflag:s20], $0x4000  }
0x81: {  	[sflag:s20] =	ssyncset.done $0x0  }
0x82: {  	s11 =	rddreg [dreg:$0xf];
	[sflag:s20] =	ssyncadd.s32 $0xFFFFC000  }
0x83: {  	[tilespmem:s16], [sflag:$0x2] =	stream.indirect.gather [hbm4b:s4+s15], $0x80, s11, s15, $0xb8;
	[tilespmem:$0x1D000] =	vst v63  }
0x84: {  	_ =	swait.ge [sflag:s17], $0x4000  }
0x85: {  	[sflag:s17] =	ssyncset.done $0x0  }
0x86: {  	s9 =	rddreg [dreg:$0x10];
	[sflag:s17] =	ssyncadd.s32 $0xFFFFC000  }
0x87: {  	[spmem:s2] =	stream.indirect.scatter.add.f32 [tilespmem:s12], [sflag:$0x3], $0x80, s9, s15, $0xb8;
	[tilespmem:$0x1D000] =	vst v63  }
0x88: {  	_ =	swait.ge [sflag:s18], $0x4000  }
0x89: {  	[sflag:s18] =	ssyncset.done $0x0  }
0x8a: {  	s10 =	rddreg [dreg:$0x11];
	[sflag:s18] =	ssyncadd.s32 $0xFFFFC000  }
0x8b: {  	[tilespmem:s12], [sflag:$0x1] =	stream.indirect.gather [hbm4b:s4+s15], $0x80, s10, s15, $0xb8;
	[tilespmem:$0x1D000] =	vst v63  }
0x8c: {  	_ =	swait.ge [sflag:s19], $0x4000  }
0x8d: {  	[sflag:s19] =	ssyncset.done $0x0  }
0x8e: {  	s11 =	rddreg [dreg:$0x12];
	[sflag:s19] =	ssyncadd.s32 $0xFFFFC000  }
0x8f: {  	[spmem:s2] =	stream.indirect.scatter.add.f32 [tilespmem:s16], [sflag:$0x4], $0x80, s11, s15, $0xb8;
	[tilespmem:$0x1D000] =	vst v63  }
0x90: {  	_ =	swait.ge [sflag:s20], $0x4000  }
0x91: {  	[sflag:s20] =	ssyncset.done $0x0  }
0x92: {  	[sflag:s20] =	ssyncadd.s32 $0xFFFFC000  }
0x93: {  	[tilespmem:s16], [sflag:$0x2] =	stream.indirect.gather [hbm4b:s4+s15], $0x80, s21, s15, $0xb8;
	[tilespmem:$0x1D000] =	vst v63  }
0x94: {  	_ =	swait.ge [sflag:s17], $0x4000  }
0x95: {  	[sflag:s17] =	ssyncset.done $0x0  }
0x96: {  	[sflag:s17] =	ssyncadd.s32 $0xFFFFC000  }
0x97: {  	[spmem:s2] =	stream.indirect.scatter.add.f32 [tilespmem:s12], [sflag:$0x3], $0x80, s22, s15, $0xb8;
	[tilespmem:$0x1D000] =	vst v63  }
0x98: {  	_ =	swait.ge [sflag:s18], $0x4000  }
0x99: {  	[sflag:s18] =	ssyncset.done $0x0  }
0x9a: {  	[sflag:s18] =	ssyncadd.s32 $0xFFFFC000  }
0x9b: {  	[tilespmem:s12], [sflag:$0x1] =	stream.indirect.gather [hbm4b:s4+s15], $0x80, s23, s15, $0xb8;
	[tilespmem:$0x1D000] =	vst v63  }
0x9c: {  	_ =	swait.ge [sflag:s19], $0x4000  }
0x9d: {  	[sflag:s19] =	ssyncset.done $0x0  }
0x9e: {  	[sflag:s19] =	ssyncadd.s32 $0xFFFFC000  }
0x9f: {  	[spmem:s2] =	stream.indirect.scatter.add.f32 [tilespmem:s16], [sflag:$0x4], $0x80, s24, s15, $0xb8;
	[tilespmem:$0x1D000] =	vst v63  }
0xa0: {  	_ =	swait.ge [sflag:s20], $0x4000  }
0xa1: {  	[sflag:s20] =	ssyncset.done $0x0  }
0xa2: {  	[sflag:s20] =	ssyncadd.s32 $0xFFFFC000  }
0xa3: {  	[tilespmem:s16], [sflag:$0x2] =	stream.indirect.gather [hbm4b:s4+s15], $0x80, s25, s15, $0xb8;
	[tilespmem:$0x1D000] =	vst v63  }
0xa4: {  	_ =	swait.ge [sflag:s17], $0x4000  }
0xa5: {  	[sflag:s17] =	ssyncset.done $0x0  }
0xa6: {  	[sflag:s17] =	ssyncadd.s32 $0xFFFFC000  }
0xa7: {  	[spmem:s2] =	stream.indirect.scatter.add.f32 [tilespmem:s12], [sflag:$0x3], $0x80, s26, s15, $0xb8;
	[tilespmem:$0x1D000] =	vst v63  }
0xa8: {  	_ =	swait.ge [sflag:s18], $0x4000  }
0xa9: {  	[sflag:s18] =	ssyncset.done $0x0  }
0xaa: {  	[sflag:s18] =	ssyncadd.s32 $0xFFFFC000  }
0xab: {  	[tilespmem:s12], [sflag:$0x1] =	stream.indirect.gather [hbm4b:s4+s15], $0x80, s28, s15, $0xb8;
	[tilespmem:$0x1D000] =	vst v63  }
0xac: {  	_ =	swait.ge [sflag:s19], $0x4000  }
0xad: {  	[sflag:s19] =	ssyncset.done $0x0  }
0xae: {  	[sflag:s19] =	ssyncadd.s32 $0xFFFFC000  }
0xaf: {  	[spmem:s2] =	stream.indirect.scatter.add.f32 [tilespmem:s16], [sflag:$0x4], $0x80, s29, s15, $0xb8;
	[tilespmem:$0x1D000] =	vst v63  }
0xb0: {  	_ =	swait.ge [sflag:s20], $0x4000  }
0xb1: {  	[sflag:s20] =	ssyncset.done $0x0  }
0xb2: {  	[sflag:s20] =	ssyncadd.s32 $0xFFFFC000  }
0xb3: {  	[tilespmem:s16], [sflag:$0x2] =	stream.indirect.gather [hbm4b:s4+s15], $0x80, s30, s15, $0xb8;
	[tilespmem:$0x1D000] =	vst v63  }
0xb4: {  	_ =	swait.ge [sflag:s17], $0x4000  }
0xb5: {  	[sflag:s17] =	ssyncset.done $0x0  }
0xb6: {  	[sflag:s17] =	ssyncadd.s32 $0xFFFFC000  }
0xb7: {  	[spmem:s2] =	stream.indirect.scatter.add.f32 [tilespmem:s12], [sflag:$0x3], $0x80, s31, s15, $0xb8;
	[tilespmem:$0x1D000] =	vst v63  }
0xb8: {  	_ =	swait.ge [sflag:s18], $0x4000  }
0xb9: {  	[sflag:s18] =	ssyncset.done $0x0  }
0xba: {  	[sflag:s18] =	ssyncadd.s32 $0xFFFFC000  }
0xbb: {  	[tilespmem:s12], [sflag:$0x1] =	stream.indirect.gather [hbm4b:s4+s15], $0x80, s0, s15, $0xb8;
	[tilespmem:$0x1D000] =	vst v63  }
0xbc: {  	_ =	swait.ge [sflag:s19], $0x4000  }
0xbd: {  	[sflag:s19] =	ssyncset.done $0x0  }
0xbe: {  	[sflag:s19] =	ssyncadd.s32 $0xFFFFC000  }
0xbf: {  	[spmem:s2] =	stream.indirect.scatter.add.f32 [tilespmem:s16], [sflag:$0x4], $0x80, s1, s15, $0xb8;
	[tilespmem:$0x1D000] =	vst v63  }
0xc0: {  	_ =	swait.ge [sflag:s20], $0x4000  }
0xc1: {  	[sflag:s20] =	ssyncset.done $0x0  }
0xc2: {  	[sflag:s20] =	ssyncadd.s32 $0xFFFFC000  }
0xc3: {  	[tilespmem:s16], [sflag:$0x2] =	stream.indirect.gather [hbm4b:s4+s15], $0x80, s6, s15, $0xb8;
	[tilespmem:$0x1D000] =	vst v63  }
0xc4: {  	_ =	swait.ge [sflag:s17], $0x4000  }
0xc5: {  	[sflag:s17] =	ssyncset.done $0x0  }
0xc6: {  	[sflag:s17] =	ssyncadd.s32 $0xFFFFC000  }
0xc7: {  	[spmem:s2] =	stream.indirect.scatter.add.f32 [tilespmem:s12], [sflag:$0x3], $0x80, s7, s15, $0xb8;
	[tilespmem:$0x1D000] =	vst v63  }
0xc8: {  	_ =	swait.ge [sflag:s19], $0x4000  }
0xc9: {  	[sflag:s19] =	ssyncset.done $0x0  }
0xca: {  	[sflag:s19] =	ssyncadd.s32 $0xFFFFC000  }
0xcb: {  	[spmem:s2] =	stream.indirect.scatter.add.f32 [tilespmem:s16], [sflag:$0x4], $0x80, s8, s15, $0xb8;
	[tilespmem:$0x1D000] =	vst v63  }
0xcc: {  	_ =	swait.ge [sflag:s18], $0x4000  }
0xcd: {  	[sflag:s18] =	ssyncset.done $0x0  }
0xce: {  	[sflag:s18] =	ssyncadd.s32 $0xFFFFC000  }
0xcf: {  	s10 =	simm.s32 $0x100;
	_ =	swait.ge [sflag:s20], $0x4000  }
0xd0: {  	s11 =	simm.s32 $0x200;
	s5 =	rddreg [dreg:$0x3];
	[sflag:s20] =	ssyncset.done $0x0  }
.LBB2_4:
0xd1: {  	[sflag:s20] =	ssyncadd.s32 $0xFFFFC000;
	s5 =	sadd.s32 s10, s5  }
0xd2: {  	[tilespmem:s3], [sflag:$0x5] =	stream.linear.gather [hbm4b:s5+s3], $0x800, $0x38;
	[tilespmem:$0x1D000] =	vst v63  }
0xd3: {  	_ =	swait.ge [sflag:s13], $0x800  }
0xd4: {  	s5 =	rddreg [dreg:$0x4];
	[sflag:s13] =	ssyncset.done $0x0  }
0xd5: {  	[sflag:s13] =	ssyncadd.s32 $0xFFFFF800;
	s5 =	sadd.s32 s10, s5  }
0xd6: {  	[tilespmem:s14], [sflag:$0x5] =	stream.linear.gather [hbm4b:s5+s3], $0x800, $0x38;
	[tilespmem:$0x1D000] =	vst v63  }
0xd7: {  	_ =	swait.ge [sflag:s13], $0x800  }
0xd8: {  	[sflag:s13] =	ssyncset.done $0x0  }
0xd9: {  	[sflag:s13] =	ssyncadd.s32 $0xFFFFF800  }
0xda: {  	[tilespmem:s12], [sflag:$0x1] =	stream.indirect.gather [hbm4b:s4+s15], $0x80, s3, s15, $0xb8;
	[tilespmem:$0x1D000] =	vst v63  }
0xdb: {  	_ = 	snop  }
0xdc: {  	[tilespmem:s16], [sflag:$0x2] =	stream.indirect.gather [hbm4b:s4+s15], $0x80, s15, s15, $0xb8;
	[tilespmem:$0x1D000] =	vst v63  }
0xdd: {  	_ =	swait.ge [sflag:s17], $0x4000  }
0xde: {  	[sflag:s17] =	ssyncset.done $0x0  }
0xdf: {  	[sflag:s17] =	ssyncadd.s32 $0xFFFFC000  }
0xe0: {  	[spmem:s2] =	stream.indirect.scatter.add.f32 [tilespmem:s12], [sflag:$0x3], $0x80, s14, s15, $0xb8;
	[tilespmem:$0x1D000] =	vst v63  }
0xe1: {  	_ =	swait.ge [sflag:s18], $0x4000  }
0xe2: {  	s9 =	smov.u32 s11;
	[sflag:s18] =	ssyncset.done $0x0  }
0xe3: {  	s10 =	smov.u32 s9;
	s9 =	rddreg [dreg:$0x5];
	[sflag:s18] =	ssyncadd.s32 $0xFFFFC000  }
0xe4: {  	[tilespmem:s12], [sflag:$0x1] =	stream.indirect.gather [hbm4b:s4+s15], $0x80, s9, s15, $0xb8;
	[tilespmem:$0x1D000] =	vst v63  }
0xe5: {  	_ =	swait.ge [sflag:s19], $0x4000  }
0xe6: {  	[sflag:s19] =	ssyncset.done $0x0  }
0xe7: {  	s9 =	rddreg [dreg:$0x6];
	[sflag:s19] =	ssyncadd.s32 $0xFFFFC000  }
0xe8: {  	[spmem:s2] =	stream.indirect.scatter.add.f32 [tilespmem:s16], [sflag:$0x4], $0x80, s9, s15, $0xb8;
	[tilespmem:$0x1D000] =	vst v63  }
0xe9: {  	_ =	swait.ge [sflag:s20], $0x4000  }
0xea: {  	[sflag:s20] =	ssyncset.done $0x0  }
0xeb: {  	s9 =	rddreg [dreg:$0x7];
	[sflag:s20] =	ssyncadd.s32 $0xFFFFC000  }
0xec: {  	[tilespmem:s16], [sflag:$0x2] =	stream.indirect.gather [hbm4b:s4+s15], $0x80, s9, s15, $0xb8;
	[tilespmem:$0x1D000] =	vst v63  }
0xed: {  	_ =	swait.ge [sflag:s17], $0x4000  }
0xee: {  	[sflag:s17] =	ssyncset.done $0x0  }
0xef: {  	s9 =	rddreg [dreg:$0x8];
	[sflag:s17] =	ssyncadd.s32 $0xFFFFC000  }
0xf0: {  	[spmem:s2] =	stream.indirect.scatter.add.f32 [tilespmem:s12], [sflag:$0x3], $0x80, s9, s15, $0xb8;
	[tilespmem:$0x1D000] =	vst v63  }
0xf1: {  	_ =	swait.ge [sflag:s18], $0x4000  }
0xf2: {  	[sflag:s18] =	ssyncset.done $0x0  }
0xf3: {  	s9 =	rddreg [dreg:$0x9];
	[sflag:s18] =	ssyncadd.s32 $0xFFFFC000  }
0xf4: {  	[tilespmem:s12], [sflag:$0x1] =	stream.indirect.gather [hbm4b:s4+s15], $0x80, s9, s15, $0xb8;
	[tilespmem:$0x1D000] =	vst v63  }
0xf5: {  	_ =	swait.ge [sflag:s19], $0x4000  }
0xf6: {  	[sflag:s19] =	ssyncset.done $0x0  }
0xf7: {  	s9 =	rddreg [dreg:$0xa];
	[sflag:s19] =	ssyncadd.s32 $0xFFFFC000  }
0xf8: {  	[spmem:s2] =	stream.indirect.scatter.add.f32 [tilespmem:s16], [sflag:$0x4], $0x80, s9, s15, $0xb8;
	[tilespmem:$0x1D000] =	vst v63  }
0xf9: {  	_ =	swait.ge [sflag:s20], $0x4000  }
0xfa: {  	[sflag:s20] =	ssyncset.done $0x0  }
0xfb: {  	s9 =	rddreg [dreg:$0xb];
	[sflag:s20] =	ssyncadd.s32 $0xFFFFC000  }
0xfc: {  	[tilespmem:s16], [sflag:$0x2] =	stream.indirect.gather [hbm4b:s4+s15], $0x80, s9, s15, $0xb8;
	[tilespmem:$0x1D000] =	vst v63  }
0xfd: {  	_ =	swait.ge [sflag:s17], $0x4000  }
0xfe: {  	[sflag:s17] =	ssyncset.done $0x0  }
0xff: {  	s9 =	rddreg [dreg:$0xc];
	[sflag:s17] =	ssyncadd.s32 $0xFFFFC000  }
0x100: {  	[spmem:s2] =	stream.indirect.scatter.add.f32 [tilespmem:s12], [sflag:$0x3], $0x80, s9, s15, $0xb8;
	[tilespmem:$0x1D000] =	vst v63  }
0x101: {  	_ =	swait.ge [sflag:s18], $0x4000  }
0x102: {  	[sflag:s18] =	ssyncset.done $0x0  }
0x103: {  	s9 =	rddreg [dreg:$0xd];
	[sflag:s18] =	ssyncadd.s32 $0xFFFFC000  }
0x104: {  	[tilespmem:s12], [sflag:$0x1] =	stream.indirect.gather [hbm4b:s4+s15], $0x80, s9, s15, $0xb8;
	[tilespmem:$0x1D000] =	vst v63  }
0x105: {  	_ =	swait.ge [sflag:s19], $0x4000  }
0x106: {  	[sflag:s19] =	ssyncset.done $0x0  }
0x107: {  	s9 =	rddreg [dreg:$0xe];
	[sflag:s19] =	ssyncadd.s32 $0xFFFFC000  }
0x108: {  	[spmem:s2] =	stream.indirect.scatter.add.f32 [tilespmem:s16], [sflag:$0x4], $0x80, s9, s15, $0xb8;
	[tilespmem:$0x1D000] =	vst v63  }
0x109: {  	_ =	swait.ge [sflag:s20], $0x4000  }
0x10a: {  	[sflag:s20] =	ssyncset.done $0x0  }
0x10b: {  	s9 =	rddreg [dreg:$0xf];
	[sflag:s20] =	ssyncadd.s32 $0xFFFFC000  }
0x10c: {  	[tilespmem:s16], [sflag:$0x2] =	stream.indirect.gather [hbm4b:s4+s15], $0x80, s9, s15, $0xb8;
	[tilespmem:$0x1D000] =	vst v63  }
0x10d: {  	_ =	swait.ge [sflag:s17], $0x4000  }
0x10e: {  	[sflag:s17] =	ssyncset.done $0x0  }
0x10f: {  	s9 =	rddreg [dreg:$0x10];
	[sflag:s17] =	ssyncadd.s32 $0xFFFFC000  }
0x110: {  	[spmem:s2] =	stream.indirect.scatter.add.f32 [tilespmem:s12], [sflag:$0x3], $0x80, s9, s15, $0xb8;
	[tilespmem:$0x1D000] =	vst v63  }
0x111: {  	_ =	swait.ge [sflag:s18], $0x4000  }
0x112: {  	[sflag:s18] =	ssyncset.done $0x0  }
0x113: {  	s9 =	rddreg [dreg:$0x11];
	[sflag:s18] =	ssyncadd.s32 $0xFFFFC000  }
0x114: {  	[tilespmem:s12], [sflag:$0x1] =	stream.indirect.gather [hbm4b:s4+s15], $0x80, s9, s15, $0xb8;
	[tilespmem:$0x1D000] =	vst v63  }
0x115: {  	_ =	swait.ge [sflag:s19], $0x4000  }
0x116: {  	[sflag:s19] =	ssyncset.done $0x0  }
0x117: {  	s9 =	rddreg [dreg:$0x12];
	[sflag:s19] =	ssyncadd.s32 $0xFFFFC000  }
0x118: {  	[spmem:s2] =	stream.indirect.scatter.add.f32 [tilespmem:s16], [sflag:$0x4], $0x80, s9, s15, $0xb8;
	[tilespmem:$0x1D000] =	vst v63  }
0x119: {  	_ =	swait.ge [sflag:s20], $0x4000  }
0x11a: {  	[sflag:s20] =	ssyncset.done $0x0  }
0x11b: {  	[sflag:s20] =	ssyncadd.s32 $0xFFFFC000  }
0x11c: {  	[tilespmem:s16], [sflag:$0x2] =	stream.indirect.gather [hbm4b:s4+s15], $0x80, s21, s15, $0xb8;
	[tilespmem:$0x1D000] =	vst v63  }
0x11d: {  	_ =	swait.ge [sflag:s17], $0x4000  }
0x11e: {  	[sflag:s17] =	ssyncset.done $0x0  }
0x11f: {  	[sflag:s17] =	ssyncadd.s32 $0xFFFFC000  }
0x120: {  	[spmem:s2] =	stream.indirect.scatter.add.f32 [tilespmem:s12], [sflag:$0x3], $0x80, s22, s15, $0xb8;
	[tilespmem:$0x1D000] =	vst v63  }
0x121: {  	_ =	swait.ge [sflag:s18], $0x4000  }
0x122: {  	[sflag:s18] =	ssyncset.done $0x0  }
0x123: {  	[sflag:s18] =	ssyncadd.s32 $0xFFFFC000  }
0x124: {  	[tilespmem:s12], [sflag:$0x1] =	stream.indirect.gather [hbm4b:s4+s15], $0x80, s23, s15, $0xb8;
	[tilespmem:$0x1D000] =	vst v63  }
0x125: {  	_ =	swait.ge [sflag:s19], $0x4000  }
0x126: {  	[sflag:s19] =	ssyncset.done $0x0  }
0x127: {  	[sflag:s19] =	ssyncadd.s32 $0xFFFFC000  }
0x128: {  	[spmem:s2] =	stream.indirect.scatter.add.f32 [tilespmem:s16], [sflag:$0x4], $0x80, s24, s15, $0xb8;
	[tilespmem:$0x1D000] =	vst v63  }
0x129: {  	_ =	swait.ge [sflag:s20], $0x4000  }
0x12a: {  	[sflag:s20] =	ssyncset.done $0x0  }
0x12b: {  	[sflag:s20] =	ssyncadd.s32 $0xFFFFC000  }
0x12c: {  	[tilespmem:s16], [sflag:$0x2] =	stream.indirect.gather [hbm4b:s4+s15], $0x80, s25, s15, $0xb8;
	[tilespmem:$0x1D000] =	vst v63  }
0x12d: {  	_ =	swait.ge [sflag:s17], $0x4000  }
0x12e: {  	[sflag:s17] =	ssyncset.done $0x0  }
0x12f: {  	[sflag:s17] =	ssyncadd.s32 $0xFFFFC000  }
0x130: {  	[spmem:s2] =	stream.indirect.scatter.add.f32 [tilespmem:s12], [sflag:$0x3], $0x80, s26, s15, $0xb8;
	[tilespmem:$0x1D000] =	vst v63  }
0x131: {  	_ =	swait.ge [sflag:s18], $0x4000  }
0x132: {  	[sflag:s18] =	ssyncset.done $0x0  }
0x133: {  	[sflag:s18] =	ssyncadd.s32 $0xFFFFC000  }
0x134: {  	[tilespmem:s12], [sflag:$0x1] =	stream.indirect.gather [hbm4b:s4+s15], $0x80, s28, s15, $0xb8;
	[tilespmem:$0x1D000] =	vst v63  }
0x135: {  	_ =	swait.ge [sflag:s19], $0x4000  }
0x136: {  	[sflag:s19] =	ssyncset.done $0x0  }
0x137: {  	[sflag:s19] =	ssyncadd.s32 $0xFFFFC000  }
0x138: {  	[spmem:s2] =	stream.indirect.scatter.add.f32 [tilespmem:s16], [sflag:$0x4], $0x80, s29, s15, $0xb8;
	[tilespmem:$0x1D000] =	vst v63  }
0x139: {  	_ =	swait.ge [sflag:s20], $0x4000  }
0x13a: {  	[sflag:s20] =	ssyncset.done $0x0  }
0x13b: {  	[sflag:s20] =	ssyncadd.s32 $0xFFFFC000  }
0x13c: {  	[tilespmem:s16], [sflag:$0x2] =	stream.indirect.gather [hbm4b:s4+s15], $0x80, s30, s15, $0xb8;
	[tilespmem:$0x1D000] =	vst v63  }
0x13d: {  	_ =	swait.ge [sflag:s17], $0x4000  }
0x13e: {  	[sflag:s17] =	ssyncset.done $0x0  }
0x13f: {  	[sflag:s17] =	ssyncadd.s32 $0xFFFFC000  }
0x140: {  	[spmem:s2] =	stream.indirect.scatter.add.f32 [tilespmem:s12], [sflag:$0x3], $0x80, s31, s15, $0xb8;
	[tilespmem:$0x1D000] =	vst v63  }
0x141: {  	_ =	swait.ge [sflag:s18], $0x4000  }
0x142: {  	[sflag:s18] =	ssyncset.done $0x0  }
0x143: {  	[sflag:s18] =	ssyncadd.s32 $0xFFFFC000  }
0x144: {  	[tilespmem:s12], [sflag:$0x1] =	stream.indirect.gather [hbm4b:s4+s15], $0x80, s0, s15, $0xb8;
	[tilespmem:$0x1D000] =	vst v63  }
0x145: {  	_ =	swait.ge [sflag:s19], $0x4000  }
0x146: {  	[sflag:s19] =	ssyncset.done $0x0  }
0x147: {  	[sflag:s19] =	ssyncadd.s32 $0xFFFFC000  }
0x148: {  	[spmem:s2] =	stream.indirect.scatter.add.f32 [tilespmem:s16], [sflag:$0x4], $0x80, s1, s15, $0xb8;
	[tilespmem:$0x1D000] =	vst v63  }
0x149: {  	_ =	swait.ge [sflag:s20], $0x4000  }
0x14a: {  	[sflag:s20] =	ssyncset.done $0x0  }
0x14b: {  	[sflag:s20] =	ssyncadd.s32 $0xFFFFC000  }
0x14c: {  	[tilespmem:s16], [sflag:$0x2] =	stream.indirect.gather [hbm4b:s4+s15], $0x80, s6, s15, $0xb8;
	[tilespmem:$0x1D000] =	vst v63  }
0x14d: {  	_ =	swait.ge [sflag:s17], $0x4000  }
0x14e: {  	[sflag:s17] =	ssyncset.done $0x0  }
0x14f: {  	[sflag:s17] =	ssyncadd.s32 $0xFFFFC000  }
0x150: {  	[spmem:s2] =	stream.indirect.scatter.add.f32 [tilespmem:s12], [sflag:$0x3], $0x80, s7, s15, $0xb8;
	[tilespmem:$0x1D000] =	vst v63  }
0x151: {  	_ =	swait.ge [sflag:s19], $0x4000  }
0x152: {  	[sflag:s19] =	ssyncset.done $0x0  }
0x153: {  	p0 =	sne.s32 s11, $0x900;
	[sflag:s19] =	ssyncadd.s32 $0xFFFFC000  }
0x154: {  	[spmem:s2] =	stream.indirect.scatter.add.f32 [tilespmem:s16], [sflag:$0x4], $0x80, s8, s15, $0xb8;
	[tilespmem:$0x1D000] =	vst v63  }
.Ltmp1:
0x155: {  	_ =	swait.ge [sflag:s18], $0x4000;
	(pc) =	sbr.rel @p0 .LBB2_4-.Ltmp1, $4  }
0x156: {  	[sflag:s18] =	ssyncset.done $0x0  }
0x157: {  	[sflag:s18] =	ssyncadd.s32 $0xFFFFC000  }
0x158: {  	_ =	swait.ge [sflag:s20], $0x4000  }
0x159: {  	s11 =	sadd.s32 $0x100, s11;
	s5 =	rddreg [dreg:$0x3];
	[sflag:s20] =	ssyncset.done $0x0  }
0x15a: {  	[sflag:s20] =	ssyncadd.s32 $0xFFFFC000;
	s5 =	sadd.s32 s10, s5  }
0x15b: {  	[tilespmem:s3], [sflag:$0x5] =	stream.linear.gather [hbm4b:s5+s3], $0x800, $0x38;
	[tilespmem:$0x1D000] =	vst v63  }
0x15c: {  	_ =	swait.ge [sflag:s13], $0x800  }
0x15d: {  	s9 =	rddreg [dreg:$0x4];
	[sflag:s13] =	ssyncset.done $0x0  }
0x15e: {  	[sflag:s13] =	ssyncadd.s32 $0xFFFFF800;
	s5 =	sadd.s32 s10, s9  }
0x15f: {  	[tilespmem:s14], [sflag:$0x5] =	stream.linear.gather [hbm4b:s5+s3], $0x800, $0x38;
	[tilespmem:$0x1D000] =	vst v63  }
0x160: {  	_ =	swait.ge [sflag:s13], $0x800  }
0x161: {  	[sflag:s13] =	ssyncset.done $0x0  }
0x162: {  	[sflag:s13] =	ssyncadd.s32 $0xFFFFF800  }
0x163: {  	[tilespmem:s12], [sflag:$0x1] =	stream.indirect.gather [hbm4b:s4+s15], $0x80, s3, s15, $0xb8;
	[tilespmem:$0x1D000] =	vst v63  }
0x164: {  	_ = 	snop  }
0x165: {  	[tilespmem:s16], [sflag:$0x2] =	stream.indirect.gather [hbm4b:s4+s15], $0x80, s15, s15, $0xb8;
	[tilespmem:$0x1D000] =	vst v63  }
0x166: {  	_ =	swait.ge [sflag:s17], $0x4000  }
0x167: {  	[sflag:s17] =	ssyncset.done $0x0  }
0x168: {  	[sflag:s17] =	ssyncadd.s32 $0xFFFFC000  }
0x169: {  	[spmem:s2] =	stream.indirect.scatter.add.f32 [tilespmem:s12], [sflag:$0x3], $0x80, s14, s15, $0xb8;
	[tilespmem:$0x1D000] =	vst v63  }
0x16a: {  	_ =	swait.ge [sflag:s18], $0x4000  }
0x16b: {  	[sflag:s18] =	ssyncset.done $0x0  }
0x16c: {  	s11 =	rddreg [dreg:$0x5];
	[sflag:s18] =	ssyncadd.s32 $0xFFFFC000  }
0x16d: {  	[tilespmem:s12], [sflag:$0x1] =	stream.indirect.gather [hbm4b:s4+s15], $0x80, s11, s15, $0xb8;
	[tilespmem:$0x1D000] =	vst v63  }
0x16e: {  	_ =	swait.ge [sflag:s19], $0x4000  }
0x16f: {  	[sflag:s19] =	ssyncset.done $0x0  }
0x170: {  	s9 =	rddreg [dreg:$0x6];
	[sflag:s19] =	ssyncadd.s32 $0xFFFFC000  }
0x171: {  	[spmem:s2] =	stream.indirect.scatter.add.f32 [tilespmem:s16], [sflag:$0x4], $0x80, s9, s15, $0xb8;
	[tilespmem:$0x1D000] =	vst v63  }
0x172: {  	_ =	swait.ge [sflag:s20], $0x4000  }
0x173: {  	[sflag:s20] =	ssyncset.done $0x0  }
0x174: {  	s10 =	rddreg [dreg:$0x7];
	[sflag:s20] =	ssyncadd.s32 $0xFFFFC000  }
0x175: {  	[tilespmem:s16], [sflag:$0x2] =	stream.indirect.gather [hbm4b:s4+s15], $0x80, s10, s15, $0xb8;
	[tilespmem:$0x1D000] =	vst v63  }
0x176: {  	_ =	swait.ge [sflag:s17], $0x4000  }
0x177: {  	[sflag:s17] =	ssyncset.done $0x0  }
0x178: {  	s11 =	rddreg [dreg:$0x8];
	[sflag:s17] =	ssyncadd.s32 $0xFFFFC000  }
0x179: {  	[spmem:s2] =	stream.indirect.scatter.add.f32 [tilespmem:s12], [sflag:$0x3], $0x80, s11, s15, $0xb8;
	[tilespmem:$0x1D000] =	vst v63  }
0x17a: {  	_ =	swait.ge [sflag:s18], $0x4000  }
0x17b: {  	[sflag:s18] =	ssyncset.done $0x0  }
0x17c: {  	s9 =	rddreg [dreg:$0x9];
	[sflag:s18] =	ssyncadd.s32 $0xFFFFC000  }
0x17d: {  	[tilespmem:s12], [sflag:$0x1] =	stream.indirect.gather [hbm4b:s4+s15], $0x80, s9, s15, $0xb8;
	[tilespmem:$0x1D000] =	vst v63  }
0x17e: {  	_ =	swait.ge [sflag:s19], $0x4000  }
0x17f: {  	[sflag:s19] =	ssyncset.done $0x0  }
0x180: {  	s10 =	rddreg [dreg:$0xa];
	[sflag:s19] =	ssyncadd.s32 $0xFFFFC000  }
0x181: {  	[spmem:s2] =	stream.indirect.scatter.add.f32 [tilespmem:s16], [sflag:$0x4], $0x80, s10, s15, $0xb8;
	[tilespmem:$0x1D000] =	vst v63  }
0x182: {  	_ =	swait.ge [sflag:s20], $0x4000  }
0x183: {  	[sflag:s20] =	ssyncset.done $0x0  }
0x184: {  	s11 =	rddreg [dreg:$0xb];
	[sflag:s20] =	ssyncadd.s32 $0xFFFFC000  }
0x185: {  	[tilespmem:s16], [sflag:$0x2] =	stream.indirect.gather [hbm4b:s4+s15], $0x80, s11, s15, $0xb8;
	[tilespmem:$0x1D000] =	vst v63  }
0x186: {  	_ =	swait.ge [sflag:s17], $0x4000  }
0x187: {  	[sflag:s17] =	ssyncset.done $0x0  }
0x188: {  	s9 =	rddreg [dreg:$0xc];
	[sflag:s17] =	ssyncadd.s32 $0xFFFFC000  }
0x189: {  	[spmem:s2] =	stream.indirect.scatter.add.f32 [tilespmem:s12], [sflag:$0x3], $0x80, s9, s15, $0xb8;
	[tilespmem:$0x1D000] =	vst v63  }
0x18a: {  	_ =	swait.ge [sflag:s18], $0x4000  }
0x18b: {  	[sflag:s18] =	ssyncset.done $0x0  }
0x18c: {  	s10 =	rddreg [dreg:$0xd];
	[sflag:s18] =	ssyncadd.s32 $0xFFFFC000  }
0x18d: {  	[tilespmem:s12], [sflag:$0x1] =	stream.indirect.gather [hbm4b:s4+s15], $0x80, s10, s15, $0xb8;
	[tilespmem:$0x1D000] =	vst v63  }
0x18e: {  	_ =	swait.ge [sflag:s19], $0x4000  }
0x18f: {  	[sflag:s19] =	ssyncset.done $0x0  }
0x190: {  	s11 =	rddreg [dreg:$0xe];
	[sflag:s19] =	ssyncadd.s32 $0xFFFFC000  }
0x191: {  	[spmem:s2] =	stream.indirect.scatter.add.f32 [tilespmem:s16], [sflag:$0x4], $0x80, s11, s15, $0xb8;
	[tilespmem:$0x1D000] =	vst v63  }
0x192: {  	_ =	swait.ge [sflag:s20], $0x4000  }
0x193: {  	[sflag:s20] =	ssyncset.done $0x0  }
0x194: {  	s9 =	rddreg [dreg:$0xf];
	[sflag:s20] =	ssyncadd.s32 $0xFFFFC000  }
0x195: {  	[tilespmem:s16], [sflag:$0x2] =	stream.indirect.gather [hbm4b:s4+s15], $0x80, s9, s15, $0xb8;
	[tilespmem:$0x1D000] =	vst v63  }
0x196: {  	_ =	swait.ge [sflag:s17], $0x4000  }
0x197: {  	[sflag:s17] =	ssyncset.done $0x0  }
0x198: {  	s10 =	rddreg [dreg:$0x10];
	[sflag:s17] =	ssyncadd.s32 $0xFFFFC000  }
0x199: {  	[spmem:s2] =	stream.indirect.scatter.add.f32 [tilespmem:s12], [sflag:$0x3], $0x80, s10, s15, $0xb8;
	[tilespmem:$0x1D000] =	vst v63  }
0x19a: {  	_ =	swait.ge [sflag:s18], $0x4000  }
0x19b: {  	[sflag:s18] =	ssyncset.done $0x0  }
0x19c: {  	s11 =	rddreg [dreg:$0x11];
	[sflag:s18] =	ssyncadd.s32 $0xFFFFC000  }
0x19d: {  	[tilespmem:s12], [sflag:$0x1] =	stream.indirect.gather [hbm4b:s4+s15], $0x80, s11, s15, $0xb8;
	[tilespmem:$0x1D000] =	vst v63  }
0x19e: {  	_ =	swait.ge [sflag:s19], $0x4000  }
0x19f: {  	[sflag:s19] =	ssyncset.done $0x0  }
0x1a0: {  	s9 =	rddreg [dreg:$0x12];
	[sflag:s19] =	ssyncadd.s32 $0xFFFFC000  }
0x1a1: {  	[spmem:s2] =	stream.indirect.scatter.add.f32 [tilespmem:s16], [sflag:$0x4], $0x80, s9, s15, $0xb8;
	[tilespmem:$0x1D000] =	vst v63  }
0x1a2: {  	_ =	swait.ge [sflag:s20], $0x4000  }
0x1a3: {  	[sflag:s20] =	ssyncset.done $0x0  }
0x1a4: {  	[sflag:s20] =	ssyncadd.s32 $0xFFFFC000  }
0x1a5: {  	[tilespmem:s16], [sflag:$0x2] =	stream.indirect.gather [hbm4b:s4+s15], $0x80, s21, s15, $0xb8;
	[tilespmem:$0x1D000] =	vst v63  }
0x1a6: {  	_ =	swait.ge [sflag:s17], $0x4000  }
0x1a7: {  	[sflag:s17] =	ssyncset.done $0x0  }
0x1a8: {  	[sflag:s17] =	ssyncadd.s32 $0xFFFFC000  }
0x1a9: {  	[spmem:s2] =	stream.indirect.scatter.add.f32 [tilespmem:s12], [sflag:$0x3], $0x80, s22, s15, $0xb8;
	[tilespmem:$0x1D000] =	vst v63  }
0x1aa: {  	_ =	swait.ge [sflag:s18], $0x4000  }
0x1ab: {  	[sflag:s18] =	ssyncset.done $0x0  }
0x1ac: {  	[sflag:s18] =	ssyncadd.s32 $0xFFFFC000  }
0x1ad: {  	[tilespmem:s12], [sflag:$0x1] =	stream.indirect.gather [hbm4b:s4+s15], $0x80, s23, s15, $0xb8;
	[tilespmem:$0x1D000] =	vst v63  }
0x1ae: {  	_ =	swait.ge [sflag:s19], $0x4000  }
0x1af: {  	[sflag:s19] =	ssyncset.done $0x0  }
0x1b0: {  	[sflag:s19] =	ssyncadd.s32 $0xFFFFC000  }
0x1b1: {  	[spmem:s2] =	stream.indirect.scatter.add.f32 [tilespmem:s16], [sflag:$0x4], $0x80, s24, s15, $0xb8;
	[tilespmem:$0x1D000] =	vst v63  }
0x1b2: {  	_ =	swait.ge [sflag:s20], $0x4000  }
0x1b3: {  	[sflag:s20] =	ssyncset.done $0x0  }
0x1b4: {  	[sflag:s20] =	ssyncadd.s32 $0xFFFFC000  }
0x1b5: {  	[tilespmem:s16], [sflag:$0x2] =	stream.indirect.gather [hbm4b:s4+s15], $0x80, s25, s15, $0xb8;
	[tilespmem:$0x1D000] =	vst v63  }
0x1b6: {  	_ =	swait.ge [sflag:s17], $0x4000  }
0x1b7: {  	[sflag:s17] =	ssyncset.done $0x0  }
0x1b8: {  	[sflag:s17] =	ssyncadd.s32 $0xFFFFC000  }
0x1b9: {  	[spmem:s2] =	stream.indirect.scatter.add.f32 [tilespmem:s12], [sflag:$0x3], $0x80, s26, s15, $0xb8;
	[tilespmem:$0x1D000] =	vst v63  }
0x1ba: {  	_ =	swait.ge [sflag:s18], $0x4000  }
0x1bb: {  	[sflag:s18] =	ssyncset.done $0x0  }
0x1bc: {  	[sflag:s18] =	ssyncadd.s32 $0xFFFFC000  }
0x1bd: {  	[tilespmem:s12], [sflag:$0x1] =	stream.indirect.gather [hbm4b:s4+s15], $0x80, s28, s15, $0xb8;
	[tilespmem:$0x1D000] =	vst v63  }
0x1be: {  	_ =	swait.ge [sflag:s19], $0x4000  }
0x1bf: {  	[sflag:s19] =	ssyncset.done $0x0  }
0x1c0: {  	[sflag:s19] =	ssyncadd.s32 $0xFFFFC000  }
0x1c1: {  	[spmem:s2] =	stream.indirect.scatter.add.f32 [tilespmem:s16], [sflag:$0x4], $0x80, s29, s15, $0xb8;
	[tilespmem:$0x1D000] =	vst v63  }
0x1c2: {  	_ =	swait.ge [sflag:s20], $0x4000  }
0x1c3: {  	[sflag:s20] =	ssyncset.done $0x0  }
0x1c4: {  	[sflag:s20] =	ssyncadd.s32 $0xFFFFC000  }
0x1c5: {  	[tilespmem:s16], [sflag:$0x2] =	stream.indirect.gather [hbm4b:s4+s15], $0x80, s30, s15, $0xb8;
	[tilespmem:$0x1D000] =	vst v63  }
0x1c6: {  	_ =	swait.ge [sflag:s17], $0x4000  }
0x1c7: {  	[sflag:s17] =	ssyncset.done $0x0  }
0x1c8: {  	[sflag:s17] =	ssyncadd.s32 $0xFFFFC000  }
0x1c9: {  	[spmem:s2] =	stream.indirect.scatter.add.f32 [tilespmem:s12], [sflag:$0x3], $0x80, s31, s15, $0xb8;
	[tilespmem:$0x1D000] =	vst v63  }
0x1ca: {  	_ =	swait.ge [sflag:s18], $0x4000  }
0x1cb: {  	[sflag:s18] =	ssyncset.done $0x0  }
0x1cc: {  	[sflag:s18] =	ssyncadd.s32 $0xFFFFC000  }
0x1cd: {  	[tilespmem:s12], [sflag:$0x1] =	stream.indirect.gather [hbm4b:s4+s15], $0x80, s0, s15, $0xb8;
	[tilespmem:$0x1D000] =	vst v63  }
0x1ce: {  	_ =	swait.ge [sflag:s19], $0x4000  }
0x1cf: {  	[sflag:s19] =	ssyncset.done $0x0  }
0x1d0: {  	[sflag:s19] =	ssyncadd.s32 $0xFFFFC000  }
0x1d1: {  	[spmem:s2] =	stream.indirect.scatter.add.f32 [tilespmem:s16], [sflag:$0x4], $0x80, s1, s15, $0xb8;
	[tilespmem:$0x1D000] =	vst v63  }
0x1d2: {  	_ =	swait.ge [sflag:s20], $0x4000  }
0x1d3: {  	[sflag:s20] =	ssyncset.done $0x0  }
0x1d4: {  	[sflag:s20] =	ssyncadd.s32 $0xFFFFC000  }
0x1d5: {  	[tilespmem:s16], [sflag:$0x2] =	stream.indirect.gather [hbm4b:s4+s15], $0x80, s6, s15, $0xb8;
	[tilespmem:$0x1D000] =	vst v63  }
0x1d6: {  	_ =	swait.ge [sflag:s17], $0x4000  }
0x1d7: {  	[sflag:s17] =	ssyncset.done $0x0  }
0x1d8: {  	[sflag:s17] =	ssyncadd.s32 $0xFFFFC000  }
0x1d9: {  	[spmem:s2] =	stream.indirect.scatter.add.f32 [tilespmem:s12], [sflag:$0x3], $0x80, s7, s15, $0xb8;
	[tilespmem:$0x1D000] =	vst v63  }
0x1da: {  	_ =	swait.ge [sflag:s19], $0x4000  }
0x1db: {  	[sflag:s19] =	ssyncset.done $0x0  }
0x1dc: {  	[sflag:s19] =	ssyncadd.s32 $0xFFFFC000  }
0x1dd: {  	[spmem:s2] =	stream.indirect.scatter.add.f32 [tilespmem:s16], [sflag:$0x4], $0x80, s8, s15, $0xb8;
	[tilespmem:$0x1D000] =	vst v63  }
0x1de: {  	_ =	swait.ge [sflag:s18], $0x4000  }
0x1df: {  	[sflag:s18] =	ssyncset.done $0x0  }
0x1e0: {  	[sflag:s18] =	ssyncadd.s32 $0xFFFFC000  }
0x1e1: {  	_ =	swait.ge [sflag:s20], $0x4000  }
0x1e2: {  	[sflag:s20] =	ssyncset.done $0x0  }
0x1e3: {  	[sflag:s20] =	ssyncadd.s32 $0xFFFFC000  }
0x1e4: {  	s10 =	stileid.u32;
	[bflag:$0x0] =	sbarrier.arrive $0xFFFF  }
0x1e5: {  	s5 =	sshll.u32 s10, $0x6;
	s9 =	rddreg [dreg:$0x13]  }
0x1e6: {  	s5 =	sor.u32 $0x1C05, s5;
	s11 =	rddreg [dreg:$0x14];
	s9 =	sshrl.u32 s9, $0x3  }
0x1e7: {  	[hbm:s11], [sflag:s5] =	dma.local [spmem:s9], $0x2800  }
0x1e8: {  	_ =	swait.ge [sflag:s13], $0x2800  }
0x1e9: {  	s10 =	rddreg [dreg:$0x1a]  }
0x1ea: {  	s11 =	rddreg [dreg:$0x15];
	s9 =	sadd.s32 $0x1, s10  }
0x1eb: {  	p0 =	sne.s32 s9, s11  }
.Ltmp2:
0x1ec: {  	_ = 	snop;
	(pc) =	sbr.rel @p0 .LBB2_1-.Ltmp2, $3  }
0x1ed: {  	_ =	sdelay $0x1  }
0x1ee: {  	[sflag:s13] =	ssyncset.done $0x0  }
0x1ef: {  	[sflag:s13] =	ssyncadd.s32 $0xFFFFD800  }
0x1f0: {  	_ =	sfence.sel $0x180000  }
0x1f1: {  	[bflag:$0x0] =	sbarrier.arrive $0xFFFF  }
0x1f2: {  	_ =	strace $0x9000004D  }
0x1f3: {  	s0 =	stileid.u32;
	[bflag:$0x2] =	sbarrier.arrive $0xFFFF  }
0x1f4: {  	p0 =	sne.s32 s0, $0x0;
	s0 =	rddreg [dreg:$0x2]  }
0x1f5: {  	s0 =	sadd.s32 @!p0 $0x100000, s0  }
0x1f6: {  	[sflag:s0] =	ssyncadd.tile.s32 @!p0 $0x1;
	_ =	shalt  }
.Lfunc_end2:
_tile_overlayer_lowered:
.L_overlay_start_2:
0x1f7: {  	(tag) =	ssettag $0x2  }
0x1f8: {  	s0 =	rddreg [dreg:$0x0];
	s2 =	stileid.u32  }
0x1f9: {  	s1 =	rddreg [dreg:$0x1];
	p0 =	sne.s32 s2, $0x0  }
0x1fa: {  	s3 =	rddreg [dreg:$0x2];
	[bflag:$0x3] =	sbarrier.arrive $0xFFFF;
	s2 =	simm.s32 @!p0 $0x1C05  }
0x1fb: {  	[timem:s3], [sflag:s2] =	dma.local @!p0 [hbm:s0], s1  }
0x1fc: {  	s0 =	simm.s32 @!p0 $0x5  }
0x1fd: {  	_ =	swait.ge @!p0 [sflag:s0], s1  }
0x1fe: {  	s1 =	ssub.s32 @!p0 $0x0, s1;
	[sflag:s0] =	ssyncset.done @!p0 $0x0  }
0x1ff: {  	[sflag:s0] =	ssyncadd.s32 @!p0 s1  }
0x200: {  	[bflag:$0x3] =	sbarrier.arrive $0xFFFF  }
0x201: {  	_ =	shalt  }

// kernel: kernel.19.cloned.1.call-start
scs
__scs_entry_jumppad:
0x0: {  	(pc) =	sbr.rel $0x88, $3  }
0x1: {  	(tag) =	ssettag $0x0;
	lr =	simm.s32 $0x1  }
0x2: {  	[smem:$0x3F94] =	sst lr;
	_ =	strace $0xD0000000  }
0x3: {  	_ = 	snop  }
0x4: {  	_ = 	snop  }
0x5: {  	_ = 	snop  }
0x6: {  	_ = 	snop  }
0x7: {  	_ = 	snop  }
__scs_overlays_trampoline_lowered:
0x8: {  	[smem:$0x3FA3] =	sst s0  }
0x9: {  	[smem:$0x3FA4] =	sst s1  }
0xa: {  	[smem:$0x3FA5] =	sst s2  }
0xb: {  	[smem:$0x3FA6] =	sst s3  }
0xc: {  	[smem:$0x3FA7] =	sst s4  }
0xd: {  	[smem:$0x3FA8] =	sst s5  }
0xe: {  	[smem:$0x3FA9] =	sst s6  }
0xf: {  	[smem:$0x3FAA] =	sst s7  }
0x10: {  	[smem:$0x3FAB] =	sst s8  }
0x11: {  	[smem:$0x3FAC] =	sst s9;
	s0 =	simm.s32 @!p0 $0x0  }
0x12: {  	s1 =	sld [smem:$0x3F92];
	s0 =	simm.s32 @p0 $0x1  }
0x13: {  	[smem:$0x3FAD] =	sst s0;
	s0 =	simm.s32 @!p1 $0x0  }
0x14: {  	s2 =	sld [smem:$0x3F91];
	s0 =	simm.s32 @p1 $0x1  }
0x15: {  	[smem:$0x3FAE] =	sst s0;
	s0 =	simm.s32 @!p2 $0x0  }
0x16: {  	s3 =	sld [smem:$0x3FDB];
	s0 =	simm.s32 @p2 $0x1  }
0x17: {  	s4 =	simm.s32 $0x1BF5;
	[smem:$0x3FB0] =	sst s0  }
0x18: {  	s0 =	sld [smem:$0x3F93];
	_ =	swait.ge [sflag:s4], $0x0  }
0x19: {  	s7 =	sld [smem:$0x3F94]  }
0x1a: {  	s8 =	sadd.s32 $0xFFFFE003, lr  }
0x1b: {  	s9 =	sadd.s32 $0xFFFFFEF7, lr;
	s5 =	simm.s32 $0xFFFFFFFF;
	p2 =	slt.u32 s8, $0xFFFFF086  }
0x1c: {  	p1 =	slt.u32 s9, $0xF7A;
	s5 =	simm.s32 @!p2 $0x0  }
0x1d: {  	s5 =	simm.s32 @p1 $0x1;
	p0 =	seq.s32 s7, s2  }
0x1e: {  	s7 =	smul.u32 @!p0 $0xF7A, s2;
	p2 =	seq.s32 @!p0 s5, $0x0  }
0x1f: {  	s9 =	smul.u32 $0xF7A, s1;
	s8 =	simm.s32 @!p0 $0x1BF5;
	p2 =	por !p2, p0  }
0x20: {  	[sflag:s8] =	ssyncset.s32 @!p0 $0xFFFFF086;
	s6 =	sadd.s32 @!p0 s3, s7;
	s7 =	simm.s32 @!p0 $0x108  }
0x21: {  	s3 =	sadd.s32 s3, s9;
	s6 =	sadd.s32 @!p0 $0x88, s6;
	s7 =	simm.s32 @p2 $0x1082  }
0x22: {  	[simem:s7], [sflag:s8] =	dma.local @!p0 [hbm:s6], $0xF7A  }
0x23: {  	s9 =	sor.u32 $0xD0000000, s2;
	s6 =	simm.s32 $0x108;
	_ =	swait.ge @!p0 [sflag:s8], $0x0  }
0x24: {  	s3 =	sadd.s32 $0x88, s3;
	s6 =	simm.s32 @!p1 $0x1082;
	[sflag:s4] =	ssyncset.s32 $0xFFFFF086  }
0x25: {  	[simem:s6], [sflag:s4] =	dma.local [hbm:s3], $0xF7A  }
0x26: {  	[smem:$0x3F94] =	sst s1;
	(tag) =	ssettag s2;
	_ =	strace s9  }
0x27: {  	s1 =	sld [smem:$0x3FA4]  }
0x28: {  	s2 =	sld [smem:$0x3FA5]  }
0x29: {  	s4 =	sld [smem:$0x3FA7]  }
0x2a: {  	p0 =	seq.s32 s5, $0x0;
	s5 =	sld [smem:$0x3FA8]  }
0x2b: {  	s6 =	sld [smem:$0x3FA9]  }
0x2c: {  	s7 =	sld [smem:$0x3FAA]  }
0x2d: {  	s3 =	simm.s32 $0x108;
	s8 =	sld [smem:$0x3FAB]  }
0x2e: {  	s3 =	simm.s32 @!p0 $0x1082;
	s9 =	sld [smem:$0x3FAC]  }
0x2f: {  	lr =	sadd.s32 s0, s3;
	s0 =	sld [smem:$0x3FA3]  }
0x30: {  	s3 =	sld [smem:$0x3FA6]  }
0x31: {  	[smem:$0x3FAF] =	sst s10  }
0x32: {  	s10 =	sld [smem:$0x3FAD];
	_ =	sdelay $0x3  }
0x33: {  	p0 =	seq.s32 s10, $0x1;
	s10 =	sld [smem:$0x3FAF];
	_ =	sdelay $0x3  }
0x34: {  	[smem:$0x3FAF] =	sst s10  }
0x35: {  	s10 =	sld [smem:$0x3FAE];
	_ =	sdelay $0x3  }
0x36: {  	p1 =	seq.s32 s10, $0x1;
	s10 =	sld [smem:$0x3FAF];
	_ =	sdelay $0x3  }
0x37: {  	[smem:$0x3FAF] =	sst s10  }
0x38: {  	s10 =	sld [smem:$0x3FB0]  }
0x39: {  	_ = 	snop;
	(pc) =	sbr.ind lr, $3  }
0x3a: {  	_ = 	snop  }
0x3b: {  	_ = 	snop  }
0x3c: {  	p2 =	seq.s32 s10, $0x1;
	s10 =	sld [smem:$0x3FAF]  }
0x3d: {  	_ =	shalt  }
0x3e: {  	_ =	shalt  }
0x3f: {  	_ =	shalt  }
0x40: {  	_ =	shalt  }
0x41: {  	_ =	shalt  }
0x42: {  	_ =	shalt  }
0x43: {  	_ =	shalt  }
0x44: {  	_ =	shalt  }
0x45: {  	_ =	shalt  }
0x46: {  	_ =	shalt  }
0x47: {  	_ =	shalt  }
0x48: {  	_ =	shalt  }
0x49: {  	_ =	shalt  }
0x4a: {  	_ =	shalt  }
0x4b: {  	_ =	shalt  }
0x4c: {  	_ =	shalt  }
0x4d: {  	_ =	shalt  }
0x4e: {  	_ =	shalt  }
0x4f: {  	_ =	shalt  }
0x50: {  	_ =	shalt  }
0x51: {  	_ =	shalt  }
0x52: {  	_ =	shalt  }
0x53: {  	_ =	shalt  }
0x54: {  	_ =	shalt  }
0x55: {  	_ =	shalt  }
0x56: {  	_ =	shalt  }
0x57: {  	_ =	shalt  }
0x58: {  	_ =	shalt  }
0x59: {  	_ =	shalt  }
0x5a: {  	_ =	shalt  }
0x5b: {  	_ =	shalt  }
0x5c: {  	_ =	shalt  }
0x5d: {  	_ =	shalt  }
0x5e: {  	_ =	shalt  }
0x5f: {  	_ =	shalt  }
0x60: {  	_ =	shalt  }
0x61: {  	_ =	shalt  }
0x62: {  	_ =	shalt  }
0x63: {  	_ =	shalt  }
0x64: {  	_ =	shalt  }
0x65: {  	_ =	shalt  }
0x66: {  	_ =	shalt  }
0x67: {  	_ =	shalt  }
0x68: {  	_ =	shalt  }
0x69: {  	_ =	shalt  }
0x6a: {  	_ =	shalt  }
0x6b: {  	_ =	shalt  }
0x6c: {  	_ =	shalt  }
0x6d: {  	_ =	shalt  }
0x6e: {  	_ =	shalt  }
0x6f: {  	_ =	shalt  }
0x70: {  	_ =	shalt  }
0x71: {  	_ =	shalt  }
0x72: {  	_ =	shalt  }
0x73: {  	_ =	shalt  }
0x74: {  	_ =	shalt  }
0x75: {  	_ =	shalt  }
0x76: {  	_ =	shalt  }
0x77: {  	_ =	shalt  }
0x78: {  	_ =	shalt  }
0x79: {  	_ =	shalt  }
0x7a: {  	_ =	shalt  }
0x7b: {  	_ =	shalt  }
0x7c: {  	_ =	shalt  }
0x7d: {  	_ =	shalt  }
0x7e: {  	_ =	shalt  }
0x7f: {  	_ =	shalt  }
0x80: {  	_ =	shalt  }
0x81: {  	_ =	shalt  }
0x82: {  	_ =	shalt  }
0x83: {  	_ =	shalt  }
0x84: {  	_ =	shalt  }
0x85: {  	_ =	shalt  }
0x86: {  	_ =	shalt  }
0x87: {  	_ =	shalt  }
.Lfunc_end0:
.L_simem_size_0:
called_computation.3_lowered:
.L_overlay_start_0:
0x88: {  	s2 =	sld [smem:$0x3FD9]  }
0x89: {  	s3 =	sld [smem:$0x3FFE];
	_ =	sdelay $0x1  }
0x8a: {  	s1 =	srdreg.scid  }
0x8b: {  	s0 =	sand.u32 $0x1, s1  }
0x8c: {  	s16 =	sshll.u32 s0, $0xA;
	s2 =	sadd.s32 s3, s2  }
0x8d: {  	s2 =	sadd.s32 s2, s16  }
0x8e: {  	[smem:$0x3FBB] =	sst s2  }
0x8f: {  	_ = 	snop  }
0x90: {  	(tm) =	ssettm $0x1  }
0x91: {  	s17 =	sld [smem:$0x3FFB];
	_ =	sdelay $0x3  }
0x92: {  	_ =	strace s17  }
0x93: {  	s2 =	sld [smem:$0x3FFC];
	_ =	sdelay $0x3  }
0x94: {  	_ =	strace s2  }
0x95: {  	s2 =	sld [smem:$0x3FFD];
	_ =	sdelay $0x3  }
0x96: {  	_ =	strace s2  }
0x97: {  	_ =	strace $0x8FFFFFFF  }
0x98: {  	s18 =	sld [smem:$0x3FDB];
	_ =	sdelay $0x1  }
0x99: {  	s19 =	simm.s32 $_scs_section_size  }
0x9a: {  	s4 =	simm.s32 $_size__tile_overlayer_lowered;
	s5 =	simm.s32 $_tile_overlayer_lowered  }
0x9b: {  	s22 =	simm.s32 $0x1BFF;
	s21 =	sshll.u32 s5, $0x1;
	s2 =	sadd.s32 s19, s18  }
0x9c: {  	s6 =	simm.s32 $0x0;
	s20 =	sshll.u32 s4, $0x1;
	s4 =	sadd.s32 s21, s2  }
0x9d: {  	[timem:s6], [sflag:s22] =	dma.local [hbm:s4], s20  }
0x9e: {  	_ =	swait.ge [sflag:s22], s20  }
0x9f: {  	s3 =	ssub.s32 $0x0, s20;
	[sflag:s22] =	ssyncset.done $0x0  }
0xa0: {  	[sflag:s22] =	ssyncadd.s32 s3;
	_ =	sdelay $0x1  }
0xa1: {  	s23 =	simm.s32 $0x1B8B  }
0xa2: {  	_ =	swait.ge [sflag:s23], $0x1  }
0xa3: {  	[sflag:s23] =	ssyncset.done $0x0  }
0xa4: {  	s25 =	simm.s32 $0x1B8E;
	s24 =	sld [smem:$0x3FFE];
	[sflag:s23] =	ssyncadd.s32 $0xFFFFFFFF  }
0xa5: {  	s26 =	simm.s32 $execute0_lowered;
	[smem:$0x3FD2] =	sst s25  }
0xa6: {  	s4 =	sshll.u32 s26, $0x1;
	_ =	strace $0x8000004F;
	[dreg:$0x1] =	wrdreg $0xFFFFFFFF  }
0xa7: {  	s28 =	simm.s32 $_size_execute0_lowered;
	s2 =	sadd.s32 s2, s4;
	[dreg:$0x0] =	wrdreg $0x0  }
0xa8: {  	s4 =	sshll.u32 s28, $0x1;
	[dreg:$0x2] =	wrdreg s2  }
0xa9: {  	[dreg:$0x3] =	wrdreg s4  }
0xaa: {  	[dreg:$0x4] =	wrdreg $0xC0  }
0xab: {  	_ =	task [dreg:s6], $0x5FFFF  }
0xac: {  	[dreg:$0x1] =	wrdreg $0xFFFFFFFF  }
0xad: {  	[dreg:$0x0] =	wrdreg $0x60  }
0xae: {  	[dreg:$0x2] =	wrdreg s24  }
0xaf: {  	[dreg:$0x3] =	wrdreg $0x90000  }
0xb0: {  	[dreg:$0x4] =	wrdreg $0x9  }
0xb1: {  	_ =	task.clear_ibuf [dreg:s6], $0x5FFFF;
	_ =	strace $0x9000004F  }
0xb2: {  	s29 =	simm.s32 $0x9;
	_ =	strace $0x80000051  }
0xb3: {  	_ =	swait.ge [sflag:s29], $0x1  }
0xb4: {  	[sflag:s29] =	ssyncadd.s32 $0xFFFFFFFF  }
0xb5: {  	_ =	strace $0x90000051  }
0xb6: {  	_ =	sfence  }
0xb7: {  	s30 =	sld [smem:$0x0];
	_ =	sdelay $0x2  }
0xb8: {  	s31 =	sshll.u32 s1, $0xD;
	s1 =	sshrl.u32 s1, $0x2  }
0xb9: {  	s3 =	sand.u32 $0x4000, s31;
	s1 =	sadd.s32 s1, s30  }
0xba: {  	s0 =	sor.u32 s3, s0;
	s1 =	sshll.u32 s1, $0x11  }
0xbb: {  	s0 =	sor.u32 s1, s0  }
0xbc: {  	s0 =	sadd.s32 $0x8F2B, s0  }
0xbd: {  	[sflag:s0] =	ssyncadd.remote.s32 $0x1  }
0xbe: {  	_ =	sfence.sel $0xFFFF  }
0xbf: {  	[dreg:$0x0] =	wrdreg $0xFFFFFFFF;
	(pc) =	sbr.abs _section_cstart, $3  }
0xc0: {  	[dreg:$0x1] =	wrdreg $0xFFFFFFFF  }
0xc1: {  	_ =	task.clear_ibuf [dreg:s6], $0x2FFFF;
	_ =	strace $0x9FFFFFFF  }
0xc2: {  	(tm) =	ssettm $0x7FFFFFFF  }
0xc3: {  	_ =	shalt  }
tec
execute0_lowered:
.L_overlay_start_1:
0x0: {  	(tag) =	ssettag $0x1  }
0x1: {  	s0 =	rddreg [dreg:$0x0]  }
0x2: {  	s2 =	rddreg [dreg:$0x1];
	s9 =	stileid.u32  }
0x3: {  	s1 =	srdreg.scid;
	s3 =	simm.s32 $0x0;
	s5 =	smul.u32 $0xA00, s9  }
0x4: {  	s10 =	simm.s32 $0x880;
	s12 =	simm.s32 $0x180;
	s7 =	smul.u32 $0x2800, s9  }
0x5: {  	[smem:$0x7FF] =	sst s3;
	s25 =	smul.u32 $0x50000, s9;
	s9 =	simm.s32 $0x100  }
0x6: {  	s14 =	simm.s32 $0x900;
	_ =	strace $0x80000050;
	[dreg:$0x5] =	wrdreg s9  }
0x7: {  	s16 =	simm.s32 $0x200;
	s18 =	simm.s32 $0x980;
	[dreg:$0x6] =	wrdreg s10  }
0x8: {  	s19 =	simm.s32 $0x280;
	s20 =	simm.s32 $0xA00;
	[dreg:$0x7] =	wrdreg s12  }
0x9: {  	s21 =	simm.s32 $0x300;
	s22 =	simm.s32 $0xA80;
	[dreg:$0x8] =	wrdreg s14  }
0xa: {  	s23 =	simm.s32 $0x380;
	s24 =	simm.s32 $0xB00;
	[dreg:$0x9] =	wrdreg s16  }
0xb: {  	s28 =	simm.s32 $0x600;
	s29 =	simm.s32 $0xD80;
	[dreg:$0xa] =	wrdreg s18  }
0xc: {  	s30 =	simm.s32 $0x680;
	s1 =	sand.u32 $0x1, s1;
	[dreg:$0xb] =	wrdreg s19  }
0xd: {  	s31 =	simm.s32 $0xE00;
	s6 =	smul.u32 $0x28000, s1;
	[dreg:$0xc] =	wrdreg s20  }
0xe: {  	s4 =	sadd.s32 $0x21A00, s0;
	s8 =	smul.u32 $0xA000, s1;
	[dreg:$0xd] =	wrdreg s21  }
0xf: {  	s1 =	ssub.s32 $0x2, s1;
	s12 =	simm.s32 $0x1000;
	[dreg:$0xe] =	wrdreg s22  }
0x10: {  	s14 =	simm.s32 $0x800;
	s16 =	simm.s32 $0x5000;
	[dreg:$0xf] =	wrdreg s23  }
0x11: {  	s18 =	simm.s32 $0x3;
	[dreg:$0x10] =	wrdreg s24;
	s19 =	simm.s32 $0x2  }
0x12: {  	s20 =	simm.s32 $0x4;
	s21 =	simm.s32 $0x480;
	s22 =	simm.s32 $0xC00  }
0x13: {  	s23 =	simm.s32 $0x500;
	s5 =	sadd.s32 s5, s0;
	s26 =	sshrl.u32 s1, $0x1  }
0x14: {  	s6 =	sadd.s32 s7, s6;
	s8 =	sadd.s32 s8, s5;
	s5 =	sadd.s32 $0x3000, s5  }
0x15: {  	s7 =	sshrl.u32 s25, $0x2;
	s25 =	simm.s32 $0x400;
	[dreg:$0x4] =	wrdreg s5  }
0x16: {  	s1 =	ssub.s32 s1, s26;
	s26 =	simm.s32 $0xB80;
	[dreg:$0x11] =	wrdreg s25  }
0x17: {  	s24 =	simm.s32 $0xC80;
	s8 =	sadd.s32 $0xDA00, s8;
	[dreg:$0x12] =	wrdreg s26  }
0x18: {  	s9 =	simm.s32 $0x0;
	s1 =	smax.u32 s1, $0x1;
	[dreg:$0x3] =	wrdreg s8  }
0x19: {  	s0 =	sadd.s32 s6, s0;
	s6 =	sadd.s32 s7, s2;
	[dreg:$0x15] =	wrdreg s1  }
0x1a: {  	s25 =	simm.s32 $0x580;
	s0 =	sadd.s32 $0x71A00, s0;
	[dreg:$0x13] =	wrdreg s6  }
0x1b: {  	s26 =	simm.s32 $0xD00;
	s11 =	sadd.s32 $0x4000, s6;
	[dreg:$0x14] =	wrdreg s0  }
0x1c: {  	s7 =	simm.s32 $0xF00;
	s13 =	sadd.s32 $0x8000, s6;
	[dreg:$0x16] =	wrdreg s11  }
0x1d: {  	s15 =	sadd.s32 $0xC000, s6;
	s17 =	sadd.s32 $0x10000, s6;
	[dreg:$0x17] =	wrdreg s13  }
0x1e: {  	s1 =	simm.s32 $0xE80;
	s6 =	simm.s32 $0x780;
	[dreg:$0x18] =	wrdreg s15  }
0x1f: {  	s8 =	simm.s32 $0xF80;
	[dreg:$0x19] =	wrdreg s17;
	s13 =	simm.s32 $0x5  }
0x20: {  	v0 =	vimm.f32 $0.0e+00;
	s15 =	simm.s32 $0x80;
	s17 =	simm.s32 $0x1;
	s0 =	simm.s32 $0x700  }
.LBB2_1:
0x21: {  	s10 =	simm.s32 $0x0;
	s11 =	simm.s32 $0x200  }
.LBB2_2:
0x22: {  	p0 =	sne.s32 s11, $0xFE00;
	[tilespmem:s10+$0x1070] =	vst v0  }
0x23: {  	[tilespmem:s10+$0x1000] =	vst v0  }
0x24: {  	[tilespmem:s10+$0x1010] =	vst v0  }
.Ltmp0:
0x25: {  	[tilespmem:s10+$0x1020] =	vst v0;
	(pc) =	sbr.rel @p0 .LBB2_2-.Ltmp0, $4  }
0x26: {  	[tilespmem:s10+$0x1030] =	vst v0  }
0x27: {  	[tilespmem:s10+$0x1040] =	vst v0  }
0x28: {  	[tilespmem:s10+$0x1050] =	vst v0  }
0x29: {  	[tilespmem:s10+$0x1060] =	vst v0;
	s10 =	sshra.s32 s11, $0x2;
	s11 =	sadd.s32 $0x200, s11  }
0x2a: {  	[tilespmem:s10+$0x1070] =	vst v0  }
0x2b: {  	[tilespmem:s10+$0x1000] =	vst v0  }
0x2c: {  	[tilespmem:s10+$0x1010] =	vst v0  }
0x2d: {  	[tilespmem:s10+$0x1020] =	vst v0  }
0x2e: {  	[tilespmem:s10+$0x1030] =	vst v0  }
0x2f: {  	[tilespmem:s10+$0x1040] =	vst v0  }
0x30: {  	[dreg:$0x1a] =	wrdreg s9;
	[tilespmem:s10+$0x1050] =	vst v0  }
0x31: {  	[tilespmem:s10+$0x1060] =	vst v0;
	s5 =	rddreg [dreg:$0x13]  }
0x32: {  	[spmem:s5] =	stream.linear.scatter [tilespmem:s12], [sflag:$0x5], $0x4000, $0x38;
	[tilespmem:$0x1D000] =	vst v63  }
0x33: {  	_ =	swait.ge [sflag:s13], $0x4000  }
0x34: {  	[sflag:s13] =	ssyncset.done $0x0  }
0x35: {  	s10 =	rddreg [dreg:$0x16];
	[sflag:s13] =	ssyncadd.s32 $0xFFFFC000  }
0x36: {  	[spmem:s10] =	stream.linear.scatter [tilespmem:s12], [sflag:$0x5], $0x4000, $0x38;
	[tilespmem:$0x1D000] =	vst v63  }
0x37: {  	_ =	swait.ge [sflag:s13], $0x4000  }
0x38: {  	[sflag:s13] =	ssyncset.done $0x0  }
0x39: {  	s11 =	rddreg [dreg:$0x17];
	[sflag:s13] =	ssyncadd.s32 $0xFFFFC000  }
0x3a: {  	[spmem:s11] =	stream.linear.scatter [tilespmem:s12], [sflag:$0x5], $0x4000, $0x38;
	[tilespmem:$0x1D000] =	vst v63  }
0x3b: {  	_ =	swait.ge [sflag:s13], $0x4000  }
0x3c: {  	[sflag:s13] =	ssyncset.done $0x0  }
0x3d: {  	s9 =	rddreg [dreg:$0x18];
	[sflag:s13] =	ssyncadd.s32 $0xFFFFC000  }
0x3e: {  	[spmem:s9] =	stream.linear.scatter [tilespmem:s12], [sflag:$0x5], $0x4000, $0x38;
	[tilespmem:$0x1D000] =	vst v63  }
0x3f: {  	_ =	swait.ge [sflag:s13], $0x4000  }
0x40: {  	[sflag:s13] =	ssyncset.done $0x0  }
0x41: {  	s10 =	rddreg [dreg:$0x19];
	[sflag:s13] =	ssyncadd.s32 $0xFFFFC000  }
0x42: {  	[spmem:s10] =	stream.linear.scatter [tilespmem:s12], [sflag:$0x5], $0x4000, $0x38;
	[tilespmem:$0x1D000] =	vst v63  }
0x43: {  	_ =	swait.ge [sflag:s13], $0x4000  }
0x44: {  	[sflag:s13] =	ssyncset.done $0x0  }
0x45: {  	[sflag:s13] =	ssyncadd.s32 $0xFFFFC000  }
0x46: {  	[bflag:$0x0] =	sbarrier.arrive $0xFFFF  }
0x47: {  	s11 =	rddreg [dreg:$0x3]  }
0x48: {  	s5 =	sadd.s32 $0x0, s11  }
0x49: {  	[tilespmem:s3], [sflag:$0x5] =	stream.linear.gather [hbm4b:s5+s3], $0x800, $0x38;
	[tilespmem:$0x1D000] =	vst v63  }
0x4a: {  	_ =	swait.ge [sflag:s13], $0x800  }
0x4b: {  	s9 =	rddreg [dreg:$0x4];
	[sflag:s13] =	ssyncset.done $0x0  }
0x4c: {  	[sflag:s13] =	ssyncadd.s32 $0xFFFFF800;
	s5 =	sadd.s32 $0x0, s9  }
0x4d: {  	[tilespmem:s14], [sflag:$0x5] =	stream.linear.gather [hbm4b:s5+s3], $0x800, $0x38;
	[tilespmem:$0x1D000] =	vst v63  }
0x4e: {  	_ =	swait.ge [sflag:s13], $0x800  }
0x4f: {  	[sflag:s13] =	ssyncset.done $0x0  }
0x50: {  	[sflag:s13] =	ssyncadd.s32 $0xFFFFF800  }
0x51: {  	[tilespmem:s12], [sflag:$0x1] =	stream.indirect.gather [hbm4b:s4+s15], $0x80, s3, s15, $0xb8;
	[tilespmem:$0x1D000] =	vst v63  }
0x52: {  	_ = 	snop  }
0x53: {  	[tilespmem:s16], [sflag:$0x2] =	stream.indirect.gather [hbm4b:s4+s15], $0x80, s15, s15, $0xb8;
	[tilespmem:$0x1D000] =	vst v63  }
0x54: {  	_ =	swait.ge [sflag:s17], $0x4000  }
0x55: {  	[sflag:s17] =	ssyncset.done $0x0  }
0x56: {  	[sflag:s17] =	ssyncadd.s32 $0xFFFFC000  }
0x57: {  	[spmem:s2] =	stream.indirect.scatter.add.f32 [tilespmem:s12], [sflag:$0x3], $0x80, s14, s15, $0xb8;
	[tilespmem:$0x1D000] =	vst v63  }
0x58: {  	_ =	swait.ge [sflag:s18], $0x4000  }
0x59: {  	[sflag:s18] =	ssyncset.done $0x0  }
0x5a: {  	s10 =	rddreg [dreg:$0x5];
	[sflag:s18] =	ssyncadd.s32 $0xFFFFC000  }
0x5b: {  	[tilespmem:s12], [sflag:$0x1] =	stream.indirect.gather [hbm4b:s4+s15], $0x80, s10, s15, $0xb8;
	[tilespmem:$0x1D000] =	vst v63  }
0x5c: {  	_ =	swait.ge [sflag:s19], $0x4000  }
0x5d: {  	[sflag:s19] =	ssyncset.done $0x0  }
0x5e: {  	s11 =	rddreg [dreg:$0x6];
	[sflag:s19] =	ssyncadd.s32 $0xFFFFC000  }
0x5f: {  	[spmem:s2] =	stream.indirect.scatter.add.f32 [tilespmem:s16], [sflag:$0x4], $0x80, s11, s15, $0xb8;
	[tilespmem:$0x1D000] =	vst v63  }
0x60: {  	_ =	swait.ge [sflag:s20], $0x4000  }
0x61: {  	[sflag:s20] =	ssyncset.done $0x0  }
0x62: {  	s9 =	rddreg [dreg:$0x7];
	[sflag:s20] =	ssyncadd.s32 $0xFFFFC000  }
0x63: {  	[tilespmem:s16], [sflag:$0x2] =	stream.indirect.gather [hbm4b:s4+s15], $0x80, s9, s15, $0xb8;
	[tilespmem:$0x1D000] =	vst v63  }
0x64: {  	_ =	swait.ge [sflag:s17], $0x4000  }
0x65: {  	[sflag:s17] =	ssyncset.done $0x0  }
0x66: {  	s10 =	rddreg [dreg:$0x8];
	[sflag:s17] =	ssyncadd.s32 $0xFFFFC000  }
0x67: {  	[spmem:s2] =	stream.indirect.scatter.add.f32 [tilespmem:s12], [sflag:$0x3], $0x80, s10, s15, $0xb8;
	[tilespmem:$0x1D000] =	vst v63  }
0x68: {  	_ =	swait.ge [sflag:s18], $0x4000  }
0x69: {  	[sflag:s18] =	ssyncset.done $0x0  }
0x6a: {  	s11 =	rddreg [dreg:$0x9];
	[sflag:s18] =	ssyncadd.s32 $0xFFFFC000  }
0x6b: {  	[tilespmem:s12], [sflag:$0x1] =	stream.indirect.gather [hbm4b:s4+s15], $0x80, s11, s15, $0xb8;
	[tilespmem:$0x1D000] =	vst v63  }
0x6c: {  	_ =	swait.ge [sflag:s19], $0x4000  }
0x6d: {  	[sflag:s19] =	ssyncset.done $0x0  }
0x6e: {  	s9 =	rddreg [dreg:$0xa];
	[sflag:s19] =	ssyncadd.s32 $0xFFFFC000  }
0x6f: {  	[spmem:s2] =	stream.indirect.scatter.add.f32 [tilespmem:s16], [sflag:$0x4], $0x80, s9, s15, $0xb8;
	[tilespmem:$0x1D000] =	vst v63  }
0x70: {  	_ =	swait.ge [sflag:s20], $0x4000  }
0x71: {  	[sflag:s20] =	ssyncset.done $0x0  }
0x72: {  	s10 =	rddreg [dreg:$0xb];
	[sflag:s20] =	ssyncadd.s32 $0xFFFFC000  }
0x73: {  	[tilespmem:s16], [sflag:$0x2] =	stream.indirect.gather [hbm4b:s4+s15], $0x80, s10, s15, $0xb8;
	[tilespmem:$0x1D000] =	vst v63  }
0x74: {  	_ =	swait.ge [sflag:s17], $0x4000  }
0x75: {  	[sflag:s17] =	ssyncset.done $0x0  }
0x76: {  	s11 =	rddreg [dreg:$0xc];
	[sflag:s17] =	ssyncadd.s32 $0xFFFFC000  }
0x77: {  	[spmem:s2] =	stream.indirect.scatter.add.f32 [tilespmem:s12], [sflag:$0x3], $0x80, s11, s15, $0xb8;
	[tilespmem:$0x1D000] =	vst v63  }
0x78: {  	_ =	swait.ge [sflag:s18], $0x4000  }
0x79: {  	[sflag:s18] =	ssyncset.done $0x0  }
0x7a: {  	s9 =	rddreg [dreg:$0xd];
	[sflag:s18] =	ssyncadd.s32 $0xFFFFC000  }
0x7b: {  	[tilespmem:s12], [sflag:$0x1] =	stream.indirect.gather [hbm4b:s4+s15], $0x80, s9, s15, $0xb8;
	[tilespmem:$0x1D000] =	vst v63  }
0x7c: {  	_ =	swait.ge [sflag:s19], $0x4000  }
0x7d: {  	[sflag:s19] =	ssyncset.done $0x0  }
0x7e: {  	s10 =	rddreg [dreg:$0xe];
	[sflag:s19] =	ssyncadd.s32 $0xFFFFC000  }
0x7f: {  	[spmem:s2] =	stream.indirect.scatter.add.f32 [tilespmem:s16], [sflag:$0x4], $0x80, s10, s15, $0xb8;
	[tilespmem:$0x1D000] =	vst v63  }
0x80: {  	_ =	swait.ge [sflag:s20], $0x4000  }
0x81: {  	[sflag:s20] =	ssyncset.done $0x0  }
0x82: {  	s11 =	rddreg [dreg:$0xf];
	[sflag:s20] =	ssyncadd.s32 $0xFFFFC000  }
0x83: {  	[tilespmem:s16], [sflag:$0x2] =	stream.indirect.gather [hbm4b:s4+s15], $0x80, s11, s15, $0xb8;
	[tilespmem:$0x1D000] =	vst v63  }
0x84: {  	_ =	swait.ge [sflag:s17], $0x4000  }
0x85: {  	[sflag:s17] =	ssyncset.done $0x0  }
0x86: {  	s9 =	rddreg [dreg:$0x10];
	[sflag:s17] =	ssyncadd.s32 $0xFFFFC000  }
0x87: {  	[spmem:s2] =	stream.indirect.scatter.add.f32 [tilespmem:s12], [sflag:$0x3], $0x80, s9, s15, $0xb8;
	[tilespmem:$0x1D000] =	vst v63  }
0x88: {  	_ =	swait.ge [sflag:s18], $0x4000  }
0x89: {  	[sflag:s18] =	ssyncset.done $0x0  }
0x8a: {  	s10 =	rddreg [dreg:$0x11];
	[sflag:s18] =	ssyncadd.s32 $0xFFFFC000  }
0x8b: {  	[tilespmem:s12], [sflag:$0x1] =	stream.indirect.gather [hbm4b:s4+s15], $0x80, s10, s15, $0xb8;
	[tilespmem:$0x1D000] =	vst v63  }
0x8c: {  	_ =	swait.ge [sflag:s19], $0x4000  }
0x8d: {  	[sflag:s19] =	ssyncset.done $0x0  }
0x8e: {  	s11 =	rddreg [dreg:$0x12];
	[sflag:s19] =	ssyncadd.s32 $0xFFFFC000  }
0x8f: {  	[spmem:s2] =	stream.indirect.scatter.add.f32 [tilespmem:s16], [sflag:$0x4], $0x80, s11, s15, $0xb8;
	[tilespmem:$0x1D000] =	vst v63  }
0x90: {  	_ =	swait.ge [sflag:s20], $0x4000  }
0x91: {  	[sflag:s20] =	ssyncset.done $0x0  }
0x92: {  	[sflag:s20] =	ssyncadd.s32 $0xFFFFC000  }
0x93: {  	[tilespmem:s16], [sflag:$0x2] =	stream.indirect.gather [hbm4b:s4+s15], $0x80, s21, s15, $0xb8;
	[tilespmem:$0x1D000] =	vst v63  }
0x94: {  	_ =	swait.ge [sflag:s17], $0x4000  }
0x95: {  	[sflag:s17] =	ssyncset.done $0x0  }
0x96: {  	[sflag:s17] =	ssyncadd.s32 $0xFFFFC000  }
0x97: {  	[spmem:s2] =	stream.indirect.scatter.add.f32 [tilespmem:s12], [sflag:$0x3], $0x80, s22, s15, $0xb8;
	[tilespmem:$0x1D000] =	vst v63  }
0x98: {  	_ =	swait.ge [sflag:s18], $0x4000  }
0x99: {  	[sflag:s18] =	ssyncset.done $0x0  }
0x9a: {  	[sflag:s18] =	ssyncadd.s32 $0xFFFFC000  }
0x9b: {  	[tilespmem:s12], [sflag:$0x1] =	stream.indirect.gather [hbm4b:s4+s15], $0x80, s23, s15, $0xb8;
	[tilespmem:$0x1D000] =	vst v63  }
0x9c: {  	_ =	swait.ge [sflag:s19], $0x4000  }
0x9d: {  	[sflag:s19] =	ssyncset.done $0x0  }
0x9e: {  	[sflag:s19] =	ssyncadd.s32 $0xFFFFC000  }
0x9f: {  	[spmem:s2] =	stream.indirect.scatter.add.f32 [tilespmem:s16], [sflag:$0x4], $0x80, s24, s15, $0xb8;
	[tilespmem:$0x1D000] =	vst v63  }
0xa0: {  	_ =	swait.ge [sflag:s20], $0x4000  }
0xa1: {  	[sflag:s20] =	ssyncset.done $0x0  }
0xa2: {  	[sflag:s20] =	ssyncadd.s32 $0xFFFFC000  }
0xa3: {  	[tilespmem:s16], [sflag:$0x2] =	stream.indirect.gather [hbm4b:s4+s15], $0x80, s25, s15, $0xb8;
	[tilespmem:$0x1D000] =	vst v63  }
0xa4: {  	_ =	swait.ge [sflag:s17], $0x4000  }
0xa5: {  	[sflag:s17] =	ssyncset.done $0x0  }
0xa6: {  	[sflag:s17] =	ssyncadd.s32 $0xFFFFC000  }
0xa7: {  	[spmem:s2] =	stream.indirect.scatter.add.f32 [tilespmem:s12], [sflag:$0x3], $0x80, s26, s15, $0xb8;
	[tilespmem:$0x1D000] =	vst v63  }
0xa8: {  	_ =	swait.ge [sflag:s18], $0x4000  }
0xa9: {  	[sflag:s18] =	ssyncset.done $0x0  }
0xaa: {  	[sflag:s18] =	ssyncadd.s32 $0xFFFFC000  }
0xab: {  	[tilespmem:s12], [sflag:$0x1] =	stream.indirect.gather [hbm4b:s4+s15], $0x80, s28, s15, $0xb8;
	[tilespmem:$0x1D000] =	vst v63  }
0xac: {  	_ =	swait.ge [sflag:s19], $0x4000  }
0xad: {  	[sflag:s19] =	ssyncset.done $0x0  }
0xae: {  	[sflag:s19] =	ssyncadd.s32 $0xFFFFC000  }
0xaf: {  	[spmem:s2] =	stream.indirect.scatter.add.f32 [tilespmem:s16], [sflag:$0x4], $0x80, s29, s15, $0xb8;
	[tilespmem:$0x1D000] =	vst v63  }
0xb0: {  	_ =	swait.ge [sflag:s20], $0x4000  }
0xb1: {  	[sflag:s20] =	ssyncset.done $0x0  }
0xb2: {  	[sflag:s20] =	ssyncadd.s32 $0xFFFFC000  }
0xb3: {  	[tilespmem:s16], [sflag:$0x2] =	stream.indirect.gather [hbm4b:s4+s15], $0x80, s30, s15, $0xb8;
	[tilespmem:$0x1D000] =	vst v63  }
0xb4: {  	_ =	swait.ge [sflag:s17], $0x4000  }
0xb5: {  	[sflag:s17] =	ssyncset.done $0x0  }
0xb6: {  	[sflag:s17] =	ssyncadd.s32 $0xFFFFC000  }
0xb7: {  	[spmem:s2] =	stream.indirect.scatter.add.f32 [tilespmem:s12], [sflag:$0x3], $0x80, s31, s15, $0xb8;
	[tilespmem:$0x1D000] =	vst v63  }
0xb8: {  	_ =	swait.ge [sflag:s18], $0x4000  }
0xb9: {  	[sflag:s18] =	ssyncset.done $0x0  }
0xba: {  	[sflag:s18] =	ssyncadd.s32 $0xFFFFC000  }
0xbb: {  	[tilespmem:s12], [sflag:$0x1] =	stream.indirect.gather [hbm4b:s4+s15], $0x80, s0, s15, $0xb8;
	[tilespmem:$0x1D000] =	vst v63  }
0xbc: {  	_ =	swait.ge [sflag:s19], $0x4000  }
0xbd: {  	[sflag:s19] =	ssyncset.done $0x0  }
0xbe: {  	[sflag:s19] =	ssyncadd.s32 $0xFFFFC000  }
0xbf: {  	[spmem:s2] =	stream.indirect.scatter.add.f32 [tilespmem:s16], [sflag:$0x4], $0x80, s1, s15, $0xb8;
	[tilespmem:$0x1D000] =	vst v63  }
0xc0: {  	_ =	swait.ge [sflag:s20], $0x4000  }
0xc1: {  	[sflag:s20] =	ssyncset.done $0x0  }
0xc2: {  	[sflag:s20] =	ssyncadd.s32 $0xFFFFC000  }
0xc3: {  	[tilespmem:s16], [sflag:$0x2] =	stream.indirect.gather [hbm4b:s4+s15], $0x80, s6, s15, $0xb8;
	[tilespmem:$0x1D000] =	vst v63  }
0xc4: {  	_ =	swait.ge [sflag:s17], $0x4000  }
0xc5: {  	[sflag:s17] =	ssyncset.done $0x0  }
0xc6: {  	[sflag:s17] =	ssyncadd.s32 $0xFFFFC000  }
0xc7: {  	[spmem:s2] =	stream.indirect.scatter.add.f32 [tilespmem:s12], [sflag:$0x3], $0x80, s7, s15, $0xb8;
	[tilespmem:$0x1D000] =	vst v63  }
0xc8: {  	_ =	swait.ge [sflag:s19], $0x4000  }
0xc9: {  	[sflag:s19] =	ssyncset.done $0x0  }
0xca: {  	[sflag:s19] =	ssyncadd.s32 $0xFFFFC000  }
0xcb: {  	[spmem:s2] =	stream.indirect.scatter.add.f32 [tilespmem:s16], [sflag:$0x4], $0x80, s8, s15, $0xb8;
	[tilespmem:$0x1D000] =	vst v63  }
0xcc: {  	_ =	swait.ge [sflag:s18], $0x4000  }
0xcd: {  	[sflag:s18] =	ssyncset.done $0x0  }
0xce: {  	[sflag:s18] =	ssyncadd.s32 $0xFFFFC000  }
0xcf: {  	s10 =	simm.s32 $0x100;
	_ =	swait.ge [sflag:s20], $0x4000  }
0xd0: {  	s11 =	simm.s32 $0x200;
	s5 =	rddreg [dreg:$0x3];
	[sflag:s20] =	ssyncset.done $0x0  }
.LBB2_4:
0xd1: {  	[sflag:s20] =	ssyncadd.s32 $0xFFFFC000;
	s5 =	sadd.s32 s10, s5  }
0xd2: {  	[tilespmem:s3], [sflag:$0x5] =	stream.linear.gather [hbm4b:s5+s3], $0x800, $0x38;
	[tilespmem:$0x1D000] =	vst v63  }
0xd3: {  	_ =	swait.ge [sflag:s13], $0x800  }
0xd4: {  	s5 =	rddreg [dreg:$0x4];
	[sflag:s13] =	ssyncset.done $0x0  }
0xd5: {  	[sflag:s13] =	ssyncadd.s32 $0xFFFFF800;
	s5 =	sadd.s32 s10, s5  }
0xd6: {  	[tilespmem:s14], [sflag:$0x5] =	stream.linear.gather [hbm4b:s5+s3], $0x800, $0x38;
	[tilespmem:$0x1D000] =	vst v63  }
0xd7: {  	_ =	swait.ge [sflag:s13], $0x800  }
0xd8: {  	[sflag:s13] =	ssyncset.done $0x0  }
0xd9: {  	[sflag:s13] =	ssyncadd.s32 $0xFFFFF800  }
0xda: {  	[tilespmem:s12], [sflag:$0x1] =	stream.indirect.gather [hbm4b:s4+s15], $0x80, s3, s15, $0xb8;
	[tilespmem:$0x1D000] =	vst v63  }
0xdb: {  	_ = 	snop  }
0xdc: {  	[tilespmem:s16], [sflag:$0x2] =	stream.indirect.gather [hbm4b:s4+s15], $0x80, s15, s15, $0xb8;
	[tilespmem:$0x1D000] =	vst v63  }
0xdd: {  	_ =	swait.ge [sflag:s17], $0x4000  }
0xde: {  	[sflag:s17] =	ssyncset.done $0x0  }
0xdf: {  	[sflag:s17] =	ssyncadd.s32 $0xFFFFC000  }
0xe0: {  	[spmem:s2] =	stream.indirect.scatter.add.f32 [tilespmem:s12], [sflag:$0x3], $0x80, s14, s15, $0xb8;
	[tilespmem:$0x1D000] =	vst v63  }
0xe1: {  	_ =	swait.ge [sflag:s18], $0x4000  }
0xe2: {  	s9 =	smov.u32 s11;
	[sflag:s18] =	ssyncset.done $0x0  }
0xe3: {  	s10 =	smov.u32 s9;
	s9 =	rddreg [dreg:$0x5];
	[sflag:s18] =	ssyncadd.s32 $0xFFFFC000  }
0xe4: {  	[tilespmem:s12], [sflag:$0x1] =	stream.indirect.gather [hbm4b:s4+s15], $0x80, s9, s15, $0xb8;
	[tilespmem:$0x1D000] =	vst v63  }
0xe5: {  	_ =	swait.ge [sflag:s19], $0x4000  }
0xe6: {  	[sflag:s19] =	ssyncset.done $0x0  }
0xe7: {  	s9 =	rddreg [dreg:$0x6];
	[sflag:s19] =	ssyncadd.s32 $0xFFFFC000  }
0xe8: {  	[spmem:s2] =	stream.indirect.scatter.add.f32 [tilespmem:s16], [sflag:$0x4], $0x80, s9, s15, $0xb8;
	[tilespmem:$0x1D000] =	vst v63  }
0xe9: {  	_ =	swait.ge [sflag:s20], $0x4000  }
0xea: {  	[sflag:s20] =	ssyncset.done $0x0  }
0xeb: {  	s9 =	rddreg [dreg:$0x7];
	[sflag:s20] =	ssyncadd.s32 $0xFFFFC000  }
0xec: {  	[tilespmem:s16], [sflag:$0x2] =	stream.indirect.gather [hbm4b:s4+s15], $0x80, s9, s15, $0xb8;
	[tilespmem:$0x1D000] =	vst v63  }
0xed: {  	_ =	swait.ge [sflag:s17], $0x4000  }
0xee: {  	[sflag:s17] =	ssyncset.done $0x0  }
0xef: {  	s9 =	rddreg [dreg:$0x8];
	[sflag:s17] =	ssyncadd.s32 $0xFFFFC000  }
0xf0: {  	[spmem:s2] =	stream.indirect.scatter.add.f32 [tilespmem:s12], [sflag:$0x3], $0x80, s9, s15, $0xb8;
	[tilespmem:$0x1D000] =	vst v63  }
0xf1: {  	_ =	swait.ge [sflag:s18], $0x4000  }
0xf2: {  	[sflag:s18] =	ssyncset.done $0x0  }
0xf3: {  	s9 =	rddreg [dreg:$0x9];
	[sflag:s18] =	ssyncadd.s32 $0xFFFFC000  }
0xf4: {  	[tilespmem:s12], [sflag:$0x1] =	stream.indirect.gather [hbm4b:s4+s15], $0x80, s9, s15, $0xb8;
	[tilespmem:$0x1D000] =	vst v63  }
0xf5: {  	_ =	swait.ge [sflag:s19], $0x4000  }
0xf6: {  	[sflag:s19] =	ssyncset.done $0x0  }
0xf7: {  	s9 =	rddreg [dreg:$0xa];
	[sflag:s19] =	ssyncadd.s32 $0xFFFFC000  }
0xf8: {  	[spmem:s2] =	stream.indirect.scatter.add.f32 [tilespmem:s16], [sflag:$0x4], $0x80, s9, s15, $0xb8;
	[tilespmem:$0x1D000] =	vst v63  }
0xf9: {  	_ =	swait.ge [sflag:s20], $0x4000  }
0xfa: {  	[sflag:s20] =	ssyncset.done $0x0  }
0xfb: {  	s9 =	rddreg [dreg:$0xb];
	[sflag:s20] =	ssyncadd.s32 $0xFFFFC000  }
0xfc: {  	[tilespmem:s16], [sflag:$0x2] =	stream.indirect.gather [hbm4b:s4+s15], $0x80, s9, s15, $0xb8;
	[tilespmem:$0x1D000] =	vst v63  }
0xfd: {  	_ =	swait.ge [sflag:s17], $0x4000  }
0xfe: {  	[sflag:s17] =	ssyncset.done $0x0  }
0xff: {  	s9 =	rddreg [dreg:$0xc];
	[sflag:s17] =	ssyncadd.s32 $0xFFFFC000  }
0x100: {  	[spmem:s2] =	stream.indirect.scatter.add.f32 [tilespmem:s12], [sflag:$0x3], $0x80, s9, s15, $0xb8;
	[tilespmem:$0x1D000] =	vst v63  }
0x101: {  	_ =	swait.ge [sflag:s18], $0x4000  }
0x102: {  	[sflag:s18] =	ssyncset.done $0x0  }
0x103: {  	s9 =	rddreg [dreg:$0xd];
	[sflag:s18] =	ssyncadd.s32 $0xFFFFC000  }
0x104: {  	[tilespmem:s12], [sflag:$0x1] =	stream.indirect.gather [hbm4b:s4+s15], $0x80, s9, s15, $0xb8;
	[tilespmem:$0x1D000] =	vst v63  }
0x105: {  	_ =	swait.ge [sflag:s19], $0x4000  }
0x106: {  	[sflag:s19] =	ssyncset.done $0x0  }
0x107: {  	s9 =	rddreg [dreg:$0xe];
	[sflag:s19] =	ssyncadd.s32 $0xFFFFC000  }
0x108: {  	[spmem:s2] =	stream.indirect.scatter.add.f32 [tilespmem:s16], [sflag:$0x4], $0x80, s9, s15, $0xb8;
	[tilespmem:$0x1D000] =	vst v63  }
0x109: {  	_ =	swait.ge [sflag:s20], $0x4000  }
0x10a: {  	[sflag:s20] =	ssyncset.done $0x0  }
0x10b: {  	s9 =	rddreg [dreg:$0xf];
	[sflag:s20] =	ssyncadd.s32 $0xFFFFC000  }
0x10c: {  	[tilespmem:s16], [sflag:$0x2] =	stream.indirect.gather [hbm4b:s4+s15], $0x80, s9, s15, $0xb8;
	[tilespmem:$0x1D000] =	vst v63  }
0x10d: {  	_ =	swait.ge [sflag:s17], $0x4000  }
0x10e: {  	[sflag:s17] =	ssyncset.done $0x0  }
0x10f: {  	s9 =	rddreg [dreg:$0x10];
	[sflag:s17] =	ssyncadd.s32 $0xFFFFC000  }
0x110: {  	[spmem:s2] =	stream.indirect.scatter.add.f32 [tilespmem:s12], [sflag:$0x3], $0x80, s9, s15, $0xb8;
	[tilespmem:$0x1D000] =	vst v63  }
0x111: {  	_ =	swait.ge [sflag:s18], $0x4000  }
0x112: {  	[sflag:s18] =	ssyncset.done $0x0  }
0x113: {  	s9 =	rddreg [dreg:$0x11];
	[sflag:s18] =	ssyncadd.s32 $0xFFFFC000  }
0x114: {  	[tilespmem:s12], [sflag:$0x1] =	stream.indirect.gather [hbm4b:s4+s15], $0x80, s9, s15, $0xb8;
	[tilespmem:$0x1D000] =	vst v63  }
0x115: {  	_ =	swait.ge [sflag:s19], $0x4000  }
0x116: {  	[sflag:s19] =	ssyncset.done $0x0  }
0x117: {  	s9 =	rddreg [dreg:$0x12];
	[sflag:s19] =	ssyncadd.s32 $0xFFFFC000  }
0x118: {  	[spmem:s2] =	stream.indirect.scatter.add.f32 [tilespmem:s16], [sflag:$0x4], $0x80, s9, s15, $0xb8;
	[tilespmem:$0x1D000] =	vst v63  }
0x119: {  	_ =	swait.ge [sflag:s20], $0x4000  }
0x11a: {  	[sflag:s20] =	ssyncset.done $0x0  }
0x11b: {  	[sflag:s20] =	ssyncadd.s32 $0xFFFFC000  }
0x11c: {  	[tilespmem:s16], [sflag:$0x2] =	stream.indirect.gather [hbm4b:s4+s15], $0x80, s21, s15, $0xb8;
	[tilespmem:$0x1D000] =	vst v63  }
0x11d: {  	_ =	swait.ge [sflag:s17], $0x4000  }
0x11e: {  	[sflag:s17] =	ssyncset.done $0x0  }
0x11f: {  	[sflag:s17] =	ssyncadd.s32 $0xFFFFC000  }
0x120: {  	[spmem:s2] =	stream.indirect.scatter.add.f32 [tilespmem:s12], [sflag:$0x3], $0x80, s22, s15, $0xb8;
	[tilespmem:$0x1D000] =	vst v63  }
0x121: {  	_ =	swait.ge [sflag:s18], $0x4000  }
0x122: {  	[sflag:s18] =	ssyncset.done $0x0  }
0x123: {  	[sflag:s18] =	ssyncadd.s32 $0xFFFFC000  }
0x124: {  	[tilespmem:s12], [sflag:$0x1] =	stream.indirect.gather [hbm4b:s4+s15], $0x80, s23, s15, $0xb8;
	[tilespmem:$0x1D000] =	vst v63  }
0x125: {  	_ =	swait.ge [sflag:s19], $0x4000  }
0x126: {  	[sflag:s19] =	ssyncset.done $0x0  }
0x127: {  	[sflag:s19] =	ssyncadd.s32 $0xFFFFC000  }
0x128: {  	[spmem:s2] =	stream.indirect.scatter.add.f32 [tilespmem:s16], [sflag:$0x4], $0x80, s24, s15, $0xb8;
	[tilespmem:$0x1D000] =	vst v63  }
0x129: {  	_ =	swait.ge [sflag:s20], $0x4000  }
0x12a: {  	[sflag:s20] =	ssyncset.done $0x0  }
0x12b: {  	[sflag:s20] =	ssyncadd.s32 $0xFFFFC000  }
0x12c: {  	[tilespmem:s16], [sflag:$0x2] =	stream.indirect.gather [hbm4b:s4+s15], $0x80, s25, s15, $0xb8;
	[tilespmem:$0x1D000] =	vst v63  }
0x12d: {  	_ =	swait.ge [sflag:s17], $0x4000  }
0x12e: {  	[sflag:s17] =	ssyncset.done $0x0  }
0x12f: {  	[sflag:s17] =	ssyncadd.s32 $0xFFFFC000  }
0x130: {  	[spmem:s2] =	stream.indirect.scatter.add.f32 [tilespmem:s12], [sflag:$0x3], $0x80, s26, s15, $0xb8;
	[tilespmem:$0x1D000] =	vst v63  }
0x131: {  	_ =	swait.ge [sflag:s18], $0x4000  }
0x132: {  	[sflag:s18] =	ssyncset.done $0x0  }
0x133: {  	[sflag:s18] =	ssyncadd.s32 $0xFFFFC000  }
0x134: {  	[tilespmem:s12], [sflag:$0x1] =	stream.indirect.gather [hbm4b:s4+s15], $0x80, s28, s15, $0xb8;
	[tilespmem:$0x1D000] =	vst v63  }
0x135: {  	_ =	swait.ge [sflag:s19], $0x4000  }
0x136: {  	[sflag:s19] =	ssyncset.done $0x0  }
0x137: {  	[sflag:s19] =	ssyncadd.s32 $0xFFFFC000  }
0x138: {  	[spmem:s2] =	stream.indirect.scatter.add.f32 [tilespmem:s16], [sflag:$0x4], $0x80, s29, s15, $0xb8;
	[tilespmem:$0x1D000] =	vst v63  }
0x139: {  	_ =	swait.ge [sflag:s20], $0x4000  }
0x13a: {  	[sflag:s20] =	ssyncset.done $0x0  }
0x13b: {  	[sflag:s20] =	ssyncadd.s32 $0xFFFFC000  }
0x13c: {  	[tilespmem:s16], [sflag:$0x2] =	stream.indirect.gather [hbm4b:s4+s15], $0x80, s30, s15, $0xb8;
	[tilespmem:$0x1D000] =	vst v63  }
0x13d: {  	_ =	swait.ge [sflag:s17], $0x4000  }
0x13e: {  	[sflag:s17] =	ssyncset.done $0x0  }
0x13f: {  	[sflag:s17] =	ssyncadd.s32 $0xFFFFC000  }
0x140: {  	[spmem:s2] =	stream.indirect.scatter.add.f32 [tilespmem:s12], [sflag:$0x3], $0x80, s31, s15, $0xb8;
	[tilespmem:$0x1D000] =	vst v63  }
0x141: {  	_ =	swait.ge [sflag:s18], $0x4000  }
0x142: {  	[sflag:s18] =	ssyncset.done $0x0  }
0x143: {  	[sflag:s18] =	ssyncadd.s32 $0xFFFFC000  }
0x144: {  	[tilespmem:s12], [sflag:$0x1] =	stream.indirect.gather [hbm4b:s4+s15], $0x80, s0, s15, $0xb8;
	[tilespmem:$0x1D000] =	vst v63  }
0x145: {  	_ =	swait.ge [sflag:s19], $0x4000  }
0x146: {  	[sflag:s19] =	ssyncset.done $0x0  }
0x147: {  	[sflag:s19] =	ssyncadd.s32 $0xFFFFC000  }
0x148: {  	[spmem:s2] =	stream.indirect.scatter.add.f32 [tilespmem:s16], [sflag:$0x4], $0x80, s1, s15, $0xb8;
	[tilespmem:$0x1D000] =	vst v63  }
0x149: {  	_ =	swait.ge [sflag:s20], $0x4000  }
0x14a: {  	[sflag:s20] =	ssyncset.done $0x0  }
0x14b: {  	[sflag:s20] =	ssyncadd.s32 $0xFFFFC000  }
0x14c: {  	[tilespmem:s16], [sflag:$0x2] =	stream.indirect.gather [hbm4b:s4+s15], $0x80, s6, s15, $0xb8;
	[tilespmem:$0x1D000] =	vst v63  }
0x14d: {  	_ =	swait.ge [sflag:s17], $0x4000  }
0x14e: {  	[sflag:s17] =	ssyncset.done $0x0  }
0x14f: {  	[sflag:s17] =	ssyncadd.s32 $0xFFFFC000  }
0x150: {  	[spmem:s2] =	stream.indirect.scatter.add.f32 [tilespmem:s12], [sflag:$0x3], $0x80, s7, s15, $0xb8;
	[tilespmem:$0x1D000] =	vst v63  }
0x151: {  	_ =	swait.ge [sflag:s19], $0x4000  }
0x152: {  	[sflag:s19] =	ssyncset.done $0x0  }
0x153: {  	p0 =	sne.s32 s11, $0x900;
	[sflag:s19] =	ssyncadd.s32 $0xFFFFC000  }
0x154: {  	[spmem:s2] =	stream.indirect.scatter.add.f32 [tilespmem:s16], [sflag:$0x4], $0x80, s8, s15, $0xb8;
	[tilespmem:$0x1D000] =	vst v63  }
.Ltmp1:
0x155: {  	_ =	swait.ge [sflag:s18], $0x4000;
	(pc) =	sbr.rel @p0 .LBB2_4-.Ltmp1, $4  }
0x156: {  	[sflag:s18] =	ssyncset.done $0x0  }
0x157: {  	[sflag:s18] =	ssyncadd.s32 $0xFFFFC000  }
0x158: {  	_ =	swait.ge [sflag:s20], $0x4000  }
0x159: {  	s11 =	sadd.s32 $0x100, s11;
	s5 =	rddreg [dreg:$0x3];
	[sflag:s20] =	ssyncset.done $0x0  }
0x15a: {  	[sflag:s20] =	ssyncadd.s32 $0xFFFFC000;
	s5 =	sadd.s32 s10, s5  }
0x15b: {  	[tilespmem:s3], [sflag:$0x5] =	stream.linear.gather [hbm4b:s5+s3], $0x800, $0x38;
	[tilespmem:$0x1D000] =	vst v63  }
0x15c: {  	_ =	swait.ge [sflag:s13], $0x800  }
0x15d: {  	s9 =	rddreg [dreg:$0x4];
	[sflag:s13] =	ssyncset.done $0x0  }
0x15e: {  	[sflag:s13] =	ssyncadd.s32 $0xFFFFF800;
	s5 =	sadd.s32 s10, s9  }
0x15f: {  	[tilespmem:s14], [sflag:$0x5] =	stream.linear.gather [hbm4b:s5+s3], $0x800, $0x38;
	[tilespmem:$0x1D000] =	vst v63  }
0x160: {  	_ =	swait.ge [sflag:s13], $0x800  }
0x161: {  	[sflag:s13] =	ssyncset.done $0x0  }
0x162: {  	[sflag:s13] =	ssyncadd.s32 $0xFFFFF800  }
0x163: {  	[tilespmem:s12], [sflag:$0x1] =	stream.indirect.gather [hbm4b:s4+s15], $0x80, s3, s15, $0xb8;
	[tilespmem:$0x1D000] =	vst v63  }
0x164: {  	_ = 	snop  }
0x165: {  	[tilespmem:s16], [sflag:$0x2] =	stream.indirect.gather [hbm4b:s4+s15], $0x80, s15, s15, $0xb8;
	[tilespmem:$0x1D000] =	vst v63  }
0x166: {  	_ =	swait.ge [sflag:s17], $0x4000  }
0x167: {  	[sflag:s17] =	ssyncset.done $0x0  }
0x168: {  	[sflag:s17] =	ssyncadd.s32 $0xFFFFC000  }
0x169: {  	[spmem:s2] =	stream.indirect.scatter.add.f32 [tilespmem:s12], [sflag:$0x3], $0x80, s14, s15, $0xb8;
	[tilespmem:$0x1D000] =	vst v63  }
0x16a: {  	_ =	swait.ge [sflag:s18], $0x4000  }
0x16b: {  	[sflag:s18] =	ssyncset.done $0x0  }
0x16c: {  	s11 =	rddreg [dreg:$0x5];
	[sflag:s18] =	ssyncadd.s32 $0xFFFFC000  }
0x16d: {  	[tilespmem:s12], [sflag:$0x1] =	stream.indirect.gather [hbm4b:s4+s15], $0x80, s11, s15, $0xb8;
	[tilespmem:$0x1D000] =	vst v63  }
0x16e: {  	_ =	swait.ge [sflag:s19], $0x4000  }
0x16f: {  	[sflag:s19] =	ssyncset.done $0x0  }
0x170: {  	s9 =	rddreg [dreg:$0x6];
	[sflag:s19] =	ssyncadd.s32 $0xFFFFC000  }
0x171: {  	[spmem:s2] =	stream.indirect.scatter.add.f32 [tilespmem:s16], [sflag:$0x4], $0x80, s9, s15, $0xb8;
	[tilespmem:$0x1D000] =	vst v63  }
0x172: {  	_ =	swait.ge [sflag:s20], $0x4000  }
0x173: {  	[sflag:s20] =	ssyncset.done $0x0  }
0x174: {  	s10 =	rddreg [dreg:$0x7];
	[sflag:s20] =	ssyncadd.s32 $0xFFFFC000  }
0x175: {  	[tilespmem:s16], [sflag:$0x2] =	stream.indirect.gather [hbm4b:s4+s15], $0x80, s10, s15, $0xb8;
	[tilespmem:$0x1D000] =	vst v63  }
0x176: {  	_ =	swait.ge [sflag:s17], $0x4000  }
0x177: {  	[sflag:s17] =	ssyncset.done $0x0  }
0x178: {  	s11 =	rddreg [dreg:$0x8];
	[sflag:s17] =	ssyncadd.s32 $0xFFFFC000  }
0x179: {  	[spmem:s2] =	stream.indirect.scatter.add.f32 [tilespmem:s12], [sflag:$0x3], $0x80, s11, s15, $0xb8;
	[tilespmem:$0x1D000] =	vst v63  }
0x17a: {  	_ =	swait.ge [sflag:s18], $0x4000  }
0x17b: {  	[sflag:s18] =	ssyncset.done $0x0  }
0x17c: {  	s9 =	rddreg [dreg:$0x9];
	[sflag:s18] =	ssyncadd.s32 $0xFFFFC000  }
0x17d: {  	[tilespmem:s12], [sflag:$0x1] =	stream.indirect.gather [hbm4b:s4+s15], $0x80, s9, s15, $0xb8;
	[tilespmem:$0x1D000] =	vst v63  }
0x17e: {  	_ =	swait.ge [sflag:s19], $0x4000  }
0x17f: {  	[sflag:s19] =	ssyncset.done $0x0  }
0x180: {  	s10 =	rddreg [dreg:$0xa];
	[sflag:s19] =	ssyncadd.s32 $0xFFFFC000  }
0x181: {  	[spmem:s2] =	stream.indirect.scatter.add.f32 [tilespmem:s16], [sflag:$0x4], $0x80, s10, s15, $0xb8;
	[tilespmem:$0x1D000] =	vst v63  }
0x182: {  	_ =	swait.ge [sflag:s20], $0x4000  }
0x183: {  	[sflag:s20] =	ssyncset.done $0x0  }
0x184: {  	s11 =	rddreg [dreg:$0xb];
	[sflag:s20] =	ssyncadd.s32 $0xFFFFC000  }
0x185: {  	[tilespmem:s16], [sflag:$0x2] =	stream.indirect.gather [hbm4b:s4+s15], $0x80, s11, s15, $0xb8;
	[tilespmem:$0x1D000] =	vst v63  }
0x186: {  	_ =	swait.ge [sflag:s17], $0x4000  }
0x187: {  	[sflag:s17] =	ssyncset.done $0x0  }
0x188: {  	s9 =	rddreg [dreg:$0xc];
	[sflag:s17] =	ssyncadd.s32 $0xFFFFC000  }
0x189: {  	[spmem:s2] =	stream.indirect.scatter.add.f32 [tilespmem:s12], [sflag:$0x3], $0x80, s9, s15, $0xb8;
	[tilespmem:$0x1D000] =	vst v63  }
0x18a: {  	_ =	swait.ge [sflag:s18], $0x4000  }
0x18b: {  	[sflag:s18] =	ssyncset.done $0x0  }
0x18c: {  	s10 =	rddreg [dreg:$0xd];
	[sflag:s18] =	ssyncadd.s32 $0xFFFFC000  }
0x18d: {  	[tilespmem:s12], [sflag:$0x1] =	stream.indirect.gather [hbm4b:s4+s15], $0x80, s10, s15, $0xb8;
	[tilespmem:$0x1D000] =	vst v63  }
0x18e: {  	_ =	swait.ge [sflag:s19], $0x4000  }
0x18f: {  	[sflag:s19] =	ssyncset.done $0x0  }
0x190: {  	s11 =	rddreg [dreg:$0xe];
	[sflag:s19] =	ssyncadd.s32 $0xFFFFC000  }
0x191: {  	[spmem:s2] =	stream.indirect.scatter.add.f32 [tilespmem:s16], [sflag:$0x4], $0x80, s11, s15, $0xb8;
	[tilespmem:$0x1D000] =	vst v63  }
0x192: {  	_ =	swait.ge [sflag:s20], $0x4000  }
0x193: {  	[sflag:s20] =	ssyncset.done $0x0  }
0x194: {  	s9 =	rddreg [dreg:$0xf];
	[sflag:s20] =	ssyncadd.s32 $0xFFFFC000  }
0x195: {  	[tilespmem:s16], [sflag:$0x2] =	stream.indirect.gather [hbm4b:s4+s15], $0x80, s9, s15, $0xb8;
	[tilespmem:$0x1D000] =	vst v63  }
0x196: {  	_ =	swait.ge [sflag:s17], $0x4000  }
0x197: {  	[sflag:s17] =	ssyncset.done $0x0  }
0x198: {  	s10 =	rddreg [dreg:$0x10];
	[sflag:s17] =	ssyncadd.s32 $0xFFFFC000  }
0x199: {  	[spmem:s2] =	stream.indirect.scatter.add.f32 [tilespmem:s12], [sflag:$0x3], $0x80, s10, s15, $0xb8;
	[tilespmem:$0x1D000] =	vst v63  }
0x19a: {  	_ =	swait.ge [sflag:s18], $0x4000  }
0x19b: {  	[sflag:s18] =	ssyncset.done $0x0  }
0x19c: {  	s11 =	rddreg [dreg:$0x11];
	[sflag:s18] =	ssyncadd.s32 $0xFFFFC000  }
0x19d: {  	[tilespmem:s12], [sflag:$0x1] =	stream.indirect.gather [hbm4b:s4+s15], $0x80, s11, s15, $0xb8;
	[tilespmem:$0x1D000] =	vst v63  }
0x19e: {  	_ =	swait.ge [sflag:s19], $0x4000  }
0x19f: {  	[sflag:s19] =	ssyncset.done $0x0  }
0x1a0: {  	s9 =	rddreg [dreg:$0x12];
	[sflag:s19] =	ssyncadd.s32 $0xFFFFC000  }
0x1a1: {  	[spmem:s2] =	stream.indirect.scatter.add.f32 [tilespmem:s16], [sflag:$0x4], $0x80, s9, s15, $0xb8;
	[tilespmem:$0x1D000] =	vst v63  }
0x1a2: {  	_ =	swait.ge [sflag:s20], $0x4000  }
0x1a3: {  	[sflag:s20] =	ssyncset.done $0x0  }
0x1a4: {  	[sflag:s20] =	ssyncadd.s32 $0xFFFFC000  }
0x1a5: {  	[tilespmem:s16], [sflag:$0x2] =	stream.indirect.gather [hbm4b:s4+s15], $0x80, s21, s15, $0xb8;
	[tilespmem:$0x1D000] =	vst v63  }
0x1a6: {  	_ =	swait.ge [sflag:s17], $0x4000  }
0x1a7: {  	[sflag:s17] =	ssyncset.done $0x0  }
0x1a8: {  	[sflag:s17] =	ssyncadd.s32 $0xFFFFC000  }
0x1a9: {  	[spmem:s2] =	stream.indirect.scatter.add.f32 [tilespmem:s12], [sflag:$0x3], $0x80, s22, s15, $0xb8;
	[tilespmem:$0x1D000] =	vst v63  }
0x1aa: {  	_ =	swait.ge [sflag:s18], $0x4000  }
0x1ab: {  	[sflag:s18] =	ssyncset.done $0x0  }
0x1ac: {  	[sflag:s18] =	ssyncadd.s32 $0xFFFFC000  }
0x1ad: {  	[tilespmem:s12], [sflag:$0x1] =	stream.indirect.gather [hbm4b:s4+s15], $0x80, s23, s15, $0xb8;
	[tilespmem:$0x1D000] =	vst v63  }
0x1ae: {  	_ =	swait.ge [sflag:s19], $0x4000  }
0x1af: {  	[sflag:s19] =	ssyncset.done $0x0  }
0x1b0: {  	[sflag:s19] =	ssyncadd.s32 $0xFFFFC000  }
0x1b1: {  	[spmem:s2] =	stream.indirect.scatter.add.f32 [tilespmem:s16], [sflag:$0x4], $0x80, s24, s15, $0xb8;
	[tilespmem:$0x1D000] =	vst v63  }
0x1b2: {  	_ =	swait.ge [sflag:s20], $0x4000  }
0x1b3: {  	[sflag:s20] =	ssyncset.done $0x0  }
0x1b4: {  	[sflag:s20] =	ssyncadd.s32 $0xFFFFC000  }
0x1b5: {  	[tilespmem:s16], [sflag:$0x2] =	stream.indirect.gather [hbm4b:s4+s15], $0x80, s25, s15, $0xb8;
	[tilespmem:$0x1D000] =	vst v63  }
0x1b6: {  	_ =	swait.ge [sflag:s17], $0x4000  }
0x1b7: {  	[sflag:s17] =	ssyncset.done $0x0  }
0x1b8: {  	[sflag:s17] =	ssyncadd.s32 $0xFFFFC000  }
0x1b9: {  	[spmem:s2] =	stream.indirect.scatter.add.f32 [tilespmem:s12], [sflag:$0x3], $0x80, s26, s15, $0xb8;
	[tilespmem:$0x1D000] =	vst v63  }
0x1ba: {  	_ =	swait.ge [sflag:s18], $0x4000  }
0x1bb: {  	[sflag:s18] =	ssyncset.done $0x0  }
0x1bc: {  	[sflag:s18] =	ssyncadd.s32 $0xFFFFC000  }
0x1bd: {  	[tilespmem:s12], [sflag:$0x1] =	stream.indirect.gather [hbm4b:s4+s15], $0x80, s28, s15, $0xb8;
	[tilespmem:$0x1D000] =	vst v63  }
0x1be: {  	_ =	swait.ge [sflag:s19], $0x4000  }
0x1bf: {  	[sflag:s19] =	ssyncset.done $0x0  }
0x1c0: {  	[sflag:s19] =	ssyncadd.s32 $0xFFFFC000  }
0x1c1: {  	[spmem:s2] =	stream.indirect.scatter.add.f32 [tilespmem:s16], [sflag:$0x4], $0x80, s29, s15, $0xb8;
	[tilespmem:$0x1D000] =	vst v63  }
0x1c2: {  	_ =	swait.ge [sflag:s20], $0x4000  }
0x1c3: {  	[sflag:s20] =	ssyncset.done $0x0  }
0x1c4: {  	[sflag:s20] =	ssyncadd.s32 $0xFFFFC000  }
0x1c5: {  	[tilespmem:s16], [sflag:$0x2] =	stream.indirect.gather [hbm4b:s4+s15], $0x80, s30, s15, $0xb8;
	[tilespmem:$0x1D000] =	vst v63  }
0x1c6: {  	_ =	swait.ge [sflag:s17], $0x4000  }
0x1c7: {  	[sflag:s17] =	ssyncset.done $0x0  }
0x1c8: {  	[sflag:s17] =	ssyncadd.s32 $0xFFFFC000  }
0x1c9: {  	[spmem:s2] =	stream.indirect.scatter.add.f32 [tilespmem:s12], [sflag:$0x3], $0x80, s31, s15, $0xb8;
	[tilespmem:$0x1D000] =	vst v63  }
0x1ca: {  	_ =	swait.ge [sflag:s18], $0x4000  }
0x1cb: {  	[sflag:s18] =	ssyncset.done $0x0  }
0x1cc: {  	[sflag:s18] =	ssyncadd.s32 $0xFFFFC000  }
0x1cd: {  	[tilespmem:s12], [sflag:$0x1] =	stream.indirect.gather [hbm4b:s4+s15], $0x80, s0, s15, $0xb8;
	[tilespmem:$0x1D000] =	vst v63  }
0x1ce: {  	_ =	swait.ge [sflag:s19], $0x4000  }
0x1cf: {  	[sflag:s19] =	ssyncset.done $0x0  }
0x1d0: {  	[sflag:s19] =	ssyncadd.s32 $0xFFFFC000  }
0x1d1: {  	[spmem:s2] =	stream.indirect.scatter.add.f32 [tilespmem:s16], [sflag:$0x4], $0x80, s1, s15, $0xb8;
	[tilespmem:$0x1D000] =	vst v63  }
0x1d2: {  	_ =	swait.ge [sflag:s20], $0x4000  }
0x1d3: {  	[sflag:s20] =	ssyncset.done $0x0  }
0x1d4: {  	[sflag:s20] =	ssyncadd.s32 $0xFFFFC000  }
0x1d5: {  	[tilespmem:s16], [sflag:$0x2] =	stream.indirect.gather [hbm4b:s4+s15], $0x80, s6, s15, $0xb8;
	[tilespmem:$0x1D000] =	vst v63  }
0x1d6: {  	_ =	swait.ge [sflag:s17], $0x4000  }
0x1d7: {  	[sflag:s17] =	ssyncset.done $0x0  }
0x1d8: {  	[sflag:s17] =	ssyncadd.s32 $0xFFFFC000  }
0x1d9: {  	[spmem:s2] =	stream.indirect.scatter.add.f32 [tilespmem:s12], [sflag:$0x3], $0x80, s7, s15, $0xb8;
	[tilespmem:$0x1D000] =	vst v63  }
0x1da: {  	_ =	swait.ge [sflag:s19], $0x4000  }
0x1db: {  	[sflag:s19] =	ssyncset.done $0x0  }
0x1dc: {  	[sflag:s19] =	ssyncadd.s32 $0xFFFFC000  }
0x1dd: {  	[spmem:s2] =	stream.indirect.scatter.add.f32 [tilespmem:s16], [sflag:$0x4], $0x80, s8, s15, $0xb8;
	[tilespmem:$0x1D000] =	vst v63  }
0x1de: {  	_ =	swait.ge [sflag:s18], $0x4000  }
0x1df: {  	[sflag:s18] =	ssyncset.done $0x0  }
0x1e0: {  	[sflag:s18] =	ssyncadd.s32 $0xFFFFC000  }
0x1e1: {  	_ =	swait.ge [sflag:s20], $0x4000  }
0x1e2: {  	[sflag:s20] =	ssyncset.done $0x0  }
0x1e3: {  	[sflag:s20] =	ssyncadd.s32 $0xFFFFC000  }
0x1e4: {  	s10 =	stileid.u32;
	[bflag:$0x0] =	sbarrier.arrive $0xFFFF  }
0x1e5: {  	s5 =	sshll.u32 s10, $0x6;
	s9 =	rddreg [dreg:$0x13]  }
0x1e6: {  	s5 =	sor.u32 $0x1C05, s5;
	s11 =	rddreg [dreg:$0x14];
	s9 =	sshrl.u32 s9, $0x3  }
0x1e7: {  	[hbm:s11], [sflag:s5] =	dma.local [spmem:s9], $0x2800  }
0x1e8: {  	_ =	swait.ge [sflag:s13], $0x2800  }
0x1e9: {  	s10 =	rddreg [dreg:$0x1a]  }
0x1ea: {  	s11 =	rddreg [dreg:$0x15];
	s9 =	sadd.s32 $0x1, s10  }
0x1eb: {  	p0 =	sne.s32 s9, s11  }
.Ltmp2:
0x1ec: {  	_ = 	snop;
	(pc) =	sbr.rel @p0 .LBB2_1-.Ltmp2, $3  }
0x1ed: {  	_ =	sdelay $0x1  }
0x1ee: {  	[sflag:s13] =	ssyncset.done $0x0  }
0x1ef: {  	[sflag:s13] =	ssyncadd.s32 $0xFFFFD800  }
0x1f0: {  	_ =	sfence.sel $0x180000  }
0x1f1: {  	[bflag:$0x0] =	sbarrier.arrive $0xFFFF  }
0x1f2: {  	_ =	strace $0x90000050  }
0x1f3: {  	s0 =	stileid.u32;
	[bflag:$0x2] =	sbarrier.arrive $0xFFFF  }
0x1f4: {  	p0 =	sne.s32 s0, $0x0;
	s0 =	rddreg [dreg:$0x2]  }
0x1f5: {  	s0 =	sadd.s32 @!p0 $0x100000, s0  }
0x1f6: {  	[sflag:s0] =	ssyncadd.tile.s32 @!p0 $0x1;
	_ =	shalt  }
.Lfunc_end2:
_tile_overlayer_lowered:
.L_overlay_start_2:
0x1f7: {  	(tag) =	ssettag $0x2  }
0x1f8: {  	s0 =	rddreg [dreg:$0x0];
	s2 =	stileid.u32  }
0x1f9: {  	s1 =	rddreg [dreg:$0x1];
	p0 =	sne.s32 s2, $0x0  }
0x1fa: {  	s3 =	rddreg [dreg:$0x2];
	[bflag:$0x3] =	sbarrier.arrive $0xFFFF;
	s2 =	simm.s32 @!p0 $0x1C05  }
0x1fb: {  	[timem:s3], [sflag:s2] =	dma.local @!p0 [hbm:s0], s1  }
0x1fc: {  	s0 =	simm.s32 @!p0 $0x5  }
0x1fd: {  	_ =	swait.ge @!p0 [sflag:s0], s1  }
0x1fe: {  	s1 =	ssub.s32 @!p0 $0x0, s1;
	[sflag:s0] =	ssyncset.done @!p0 $0x0  }
0x1ff: {  	[sflag:s0] =	ssyncadd.s32 @!p0 s1  }
0x200: {  	[bflag:$0x3] =	sbarrier.arrive $0xFFFF  }
0x201: {  	_ =	shalt  }

</sc_bundles>
